<compile_context>
chip_gen: v7x
topology: tpu7x:2x2x1
jax: 0.10.2.dev20260603
libtpu: 0.0.44.dev20260713+nightly
codegen_flags: <defaults>
</compile_context>

<pallas_src>
import functools
import jax
import jax.numpy as jnp
import numpy as np
from jax import lax
from jax.experimental import pallas as pl
from jax.experimental.pallas import tpu as pltpu
from jax.experimental.pallas import tpu_sc as plsc

N = 10000
E = 160000
G = 64
D = 640
H = 8
L = 6
DH = D // H

_NC, _NS = 2, 16
_TILES = _NC * _NS
_NB = 32
_NPAD = 10240
_NU = 2 * _NPAD
_BPT = _NU // (_TILES * _NB)
_NBLK = _NU // _NB
_EU = 2 * E
_EPAD = 320064
_MROWS = _EPAD // 16
_RPPAD = 664
_G2 = 2 * G
_MB = 512
_GRID = _NU // _MB

_ORIGIN_NP = np.empty(D, np.int32)
for _h in range(H):
    for _j in range(DH):
        _lane = _h if _j % 2 == 0 else 15 - _h
        _ORIGIN_NP[(_j // 2) * 16 + _lane] = _h * DH + _j
_HEADEQ_NP = np.zeros((D, 16), np.float32)
for _tc in range(D):
    _hh = _ORIGIN_NP[_tc] // DH
    for _l in range(16):
        if (_l if _l < 8 else 15 - _l) == _hh:
            _HEADEQ_NP[_tc, _l] = 1.0

_PREC = jax.lax.Precision.HIGHEST



def _proj_kernel(flag_ref, agg_ref, rin_ref, w_ref,
                 q_ref, k_ref, v_ref, r_ref, qwe_ref):
    h = agg_ref[:] + rin_ref[:]
    act = jnp.where(flag_ref[0] > 0, jnp.maximum(h, 0.0), h)
    out = lax.dot_general(act, w_ref[:], (((1,), (0,)), ((), ())),
                          preferred_element_type=jnp.float32,
                          precision=_PREC)
    q_ref[:] = out[:, 0:D]
    k_ref[:] = out[:, D:2 * D]
    v_ref[:] = out[:, 2 * D:3 * D]
    r_ref[:] = out[:, 3 * D:4 * D]
    qwe_ref[:] = out[:, 4 * D:4 * D + 16]


_proj = pl.pallas_call(
    _proj_kernel, grid=(_GRID,),
    in_specs=[
        pl.BlockSpec(memory_space=pltpu.SMEM),
        pl.BlockSpec((_MB, D), lambda i: (i, 0)),
        pl.BlockSpec((_MB, D), lambda i: (i, 0)),
        pl.BlockSpec((D, 4 * D + 16), lambda i: (0, 0)),
    ],
    out_specs=[
        pl.BlockSpec((_MB, D), lambda i: (i, 0)),
        pl.BlockSpec((_MB, D), lambda i: (i, 0)),
        pl.BlockSpec((_MB, D), lambda i: (i, 0)),
        pl.BlockSpec((_MB, D), lambda i: (i, 0)),
        pl.BlockSpec((_MB, 16), lambda i: (i, 0)),
    ],
    out_shape=[
        jax.ShapeDtypeStruct((_NU, D), jnp.float32),
        jax.ShapeDtypeStruct((_NU, D), jnp.float32),
        jax.ShapeDtypeStruct((_NU, D), jnp.float32),
        jax.ShapeDtypeStruct((_NU, D), jnp.float32),
        jax.ShapeDtypeStruct((_NU, 16), jnp.float32),
    ])



def _sc_edge_body(q_hbm, k_hbm, v_hbm, qwe_hbm, meta_hbm, eam_hbm, rp_hbm,
                  wet_hbm, out_hbm,
                  meta_v, eam_v, idx_s, krows, vrows, q_blk, qwe_blk, agg_blk,
                  acc, wet_v, rp_v, semA, semB):
    wid = lax.axis_index("s") * _NC + lax.axis_index("c")
    pltpu.sync_copy(wet_hbm, wet_v)
    pltpu.sync_copy(rp_hbm, rp_v)

    zero16 = jnp.zeros((16,), jnp.float32)
    neg16 = jnp.full((16,), -1e30, jnp.float32)
    one16 = jnp.ones((16,), jnp.float32)

    def zacc(j5, _):
        for u in range(8):
            acc[j5 * 8 + u, :] = zero16
        return 0
    lax.fori_loop(0, 5, zacc, 0)

    def flush_into(prow, den, ae):
        inv = 1.0 / den
        wae = ae * inv

        def fj(j5, _):
            for u in range(8):
                jj = j5 * 8 + u
                agg_blk[prow, pl.ds(jj * 16, 16)] = (
                    acc[jj, :] * inv + wae * wet_v[jj, :])
                acc[jj, :] = zero16
            return 0
        lax.fori_loop(0, 5, fj, 0)

    def block_body(b, _):
        bid = wid * _BPT + b
        nb0 = bid * _NB

        def zrow(r, _):
            def zc(j5, _):
                for u in range(8):
                    agg_blk[r, pl.ds((j5 * 8 + u) * 16, 16)] = zero16
                return 0
            lax.fori_loop(0, 5, zc, 0)
            return 0
        lax.fori_loop(0, _NB, zrow, 0)

        pltpu.sync_copy(q_hbm.at[pl.ds(nb0, _NB)], q_blk)
        pltpu.sync_copy(qwe_hbm.at[pl.ds(nb0, _NB)], qwe_blk)
        e_lo = rp_v[pl.ds(bid, 16)][0]
        e_hi = rp_v[pl.ds(bid + 1, 16)][0]
        c0 = (e_lo // 16) * 16
        nch = (e_hi - c0 + 15) // 16

        def chunk_body(ci, carry):
            cbase = c0 + ci * 16
            cm = pltpu.async_copy(meta_hbm.at[pl.ds(cbase // 16, 1)],
                                  meta_v, semA)
            ce = pltpu.async_copy(eam_hbm.at[pl.ds(cbase // 16, 1)],
                                  eam_v, semB)
            cm.wait()
            ce.wait()
            idx_s[:] = meta_v[0, pl.ds(0, 16)]
            ck = pltpu.async_copy(k_hbm.at[idx_s], krows, semA)
            cv = pltpu.async_copy(v_hbm.at[idx_s], vrows, semB)
            ck.wait()
            cv.wait()

            def edge_body(i, c):
                m, den, ae, prev = c
                n_i = meta_v[0, pl.ds(16 + i, 16)][0]
                ea_i = eam_v[0, pl.ds(i, 16)][0]
                e_abs = cbase + i
                active = jnp.logical_and(e_abs >= e_lo, e_abs < e_hi)
                is_new = jnp.logical_and(active, n_i != prev)

                def do_flush(_):
                    flush_into(prev - nb0, den, ae)
                    return 0

                lax.cond(jnp.logical_and(is_new, prev >= 0), do_flush,
                         lambda _: 0, 0)

                m_eff = jnp.where(is_new, neg16, m)
                den_eff = jnp.where(is_new, zero16, den)
                ae_eff = jnp.where(is_new, zero16, ae)
                nrow = jnp.clip(n_i - nb0, 0, _NB - 1)

                s = zero16
                for jj in range(40):
                    s = s + (q_blk[nrow, pl.ds(jj * 16, 16)]
                             * krows[i, pl.ds(jj * 16, 16)])
                s = s + lax.rev(s, (0,))
                score = s + ea_i * qwe_blk[nrow, :]
                m2 = jnp.maximum(m_eff, score)
                corr = jnp.where(active, jnp.exp(m_eff - m2), one16)
                p = jnp.where(active, jnp.exp(score - m2), zero16)
                den2 = den_eff * corr + p
                ae2 = ae_eff * corr + p * ea_i
                m_next = jnp.where(active, m2, m)

                for jj in range(40):
                    acc[jj, :] = (acc[jj, :] * corr
                                  + p * vrows[i, pl.ds(jj * 16, 16)])
                prev2 = jnp.where(active, n_i, prev)
                return (m_next, den2, ae2, prev2)

            return lax.fori_loop(0, 16, edge_body, carry)

        init = (neg16, zero16, zero16, jnp.int32(-1))
        m, den, ae, prev = lax.fori_loop(0, nch, chunk_body, init)

        def last_flush(_):
            flush_into(prev - nb0, den, ae)
            return 0
        lax.cond(prev >= 0, last_flush, lambda _: 0, 0)
        pltpu.sync_copy(agg_blk, out_hbm.at[pl.ds(nb0, _NB)])
        return 0

    lax.fori_loop(0, _BPT, block_body, 0)


_sc_edge = functools.partial(
    pl.kernel,
    out_type=jax.ShapeDtypeStruct((_NU, D), jnp.float32),
    mesh=plsc.VectorSubcoreMesh(core_axis_name="c", subcore_axis_name="s"),
    scratch_types=[
        pltpu.VMEM((1, 48), jnp.int32),
        pltpu.VMEM((1, 32), jnp.float32),
        pltpu.VMEM((16,), jnp.int32),
        pltpu.VMEM((16, D), jnp.float32),
        pltpu.VMEM((16, D), jnp.float32),
        pltpu.VMEM((_NB, D), jnp.float32),
        pltpu.VMEM((_NB, 16), jnp.float32),
        pltpu.VMEM((_NB, D), jnp.float32),
        pltpu.VMEM((40, 16), jnp.float32),
        pltpu.VMEM((40, 16), jnp.float32),
        pltpu.VMEM((_RPPAD,), jnp.int32),
        pltpu.SemaphoreType.DMA,
        pltpu.SemaphoreType.DMA,
    ],
)(_sc_edge_body)



def _pool_kernel(agg_ref, r_ref, oh_ref, out_ref):
    @pl.when(pl.program_id(0) == 0)
    def _():
        out_ref[:] = jnp.zeros_like(out_ref)
    h = agg_ref[:] + r_ref[:]
    out_ref[:] += lax.dot_general(oh_ref[:], h, (((1,), (0,)), ((), ())),
                                  preferred_element_type=jnp.float32,
                                  precision=_PREC)


_pool = pl.pallas_call(
    _pool_kernel, grid=(_GRID,),
    in_specs=[
        pl.BlockSpec((_MB, D), lambda i: (i, 0)),
        pl.BlockSpec((_MB, D), lambda i: (i, 0)),
        pl.BlockSpec((_G2, _MB), lambda i: (0, i)),
    ],
    out_specs=pl.BlockSpec((_G2, D), lambda i: (0, 0)),
    out_shape=jax.ShapeDtypeStruct((_G2, D), jnp.float32))


def _head_kernel(p_ref, lng_ref, lnb_ref, lw_ref, lb_ref, out_ref):
    pooled = p_ref[:]
    mu = pooled.mean(-1, keepdims=True)
    var = ((pooled - mu) ** 2).mean(-1, keepdims=True)
    z = ((pooled - mu) / jnp.sqrt(var + 1e-5) * lng_ref[:][None, :]
         + lnb_ref[:][None, :])
    emb = jnp.maximum(
        lax.dot_general(z, lw_ref[:], (((1,), (0,)), ((), ())),
                        preferred_element_type=jnp.float32,
                        precision=_PREC) + lb_ref[:][None, :], 0.0)
    emb_i = emb[:G]
    emb_j = emb[G:]
    dot = (emb_i * emb_j).sum(-1)
    ni = jnp.maximum(jnp.sqrt((emb_i * emb_i).sum(-1)), 1e-8)
    nj = jnp.maximum(jnp.sqrt((emb_j * emb_j).sum(-1)), 1e-8)
    out_ref[:] = dot / (ni * nj)


_head = pl.pallas_call(
    _head_kernel,
    out_shape=jax.ShapeDtypeStruct((G,), jnp.float32))



def _prep_edges(edge_index, edge_attr, node_off, edge_off):
    src = edge_index[0].astype(jnp.int32)
    dst = edge_index[1].astype(jnp.int32)
    order = jnp.argsort(dst)
    srcs = src[order] + node_off
    dsts = dst[order]
    eas = edge_attr[order]
    rp = jnp.searchsorted(dsts, jnp.arange(_NPAD // _NB + 1) * _NB,
                          side='left').astype(jnp.int32) + edge_off
    return srcs, dsts + node_off, eas, rp


def _prep_weights(Wq, Wk, Wv, Wr, We, origin, headeq):
    scale = np.float32(1.0 / np.sqrt(DH))
    wq_t = Wq[:, origin] * scale
    wk_t = Wk[:, origin]
    wv_t = Wv[:, origin]
    wr_t = Wr[:, origin]
    we_col = We[0][origin]
    wemask = we_col[:, None] * headeq
    wqwe = wq_t @ wemask
    wcat = jnp.concatenate([wq_t, wk_t, wv_t, wr_t, wqwe], axis=1)
    wet = we_col.reshape(40, 16)
    return wcat, wet


@jax.jit
def kernel(x_i, edge_index_i, edge_attr_i, batch_i, x_j, edge_index_j,
           edge_attr_j, batch_j, Wq0, Wk0, Wv0, Wr0, We0, WqR, WkR, WvR, WrR,
           WeR, ln_g, ln_b, lin_W, lin_b):
    origin = jnp.asarray(_ORIGIN_NP)
    headeq = jnp.asarray(_HEADEQ_NP)

    w0q = jnp.zeros((D, D), jnp.float32).at[:8].set(Wq0)
    w0k = jnp.zeros((D, D), jnp.float32).at[:8].set(Wk0)
    w0v = jnp.zeros((D, D), jnp.float32).at[:8].set(Wv0)
    w0r = jnp.zeros((D, D), jnp.float32).at[:8].set(Wr0)
    wcats = []
    wets = []
    wcat0, wet0 = _prep_weights(w0q, w0k, w0v, w0r, We0, origin, headeq)
    wcats.append(wcat0)
    wets.append(wet0)
    for l in range(L - 1):
        wc, wt = _prep_weights(WqR[l][origin, :], WkR[l][origin, :],
                               WvR[l][origin, :], WrR[l][origin, :],
                               WeR[l], origin, headeq)
        wcats.append(wc)
        wets.append(wt)
    wcats = jnp.stack(wcats)
    wets = jnp.stack(wets)
    flags = jnp.array([[0]] + [[1]] * (L - 1), jnp.int32)

    si, di, ei, rpi = _prep_edges(edge_index_i, edge_attr_i, 0, 0)
    sj, dj_, ej, rpj = _prep_edges(edge_index_j, edge_attr_j, _NPAD, E)
    srcs_u = jnp.concatenate([si, sj])
    dsts_u = jnp.concatenate([di, dj_])
    eas_u = jnp.concatenate([ei, ej])
    srcs_p = jnp.pad(srcs_u, (0, _EPAD - _EU))
    dsts_p = jnp.pad(dsts_u, (0, _EPAD - _EU))
    eas_p = jnp.pad(eas_u, (0, _EPAD - _EU))
    meta = jnp.concatenate([
        srcs_p.reshape(_MROWS, 16),
        dsts_p.reshape(_MROWS, 16),
        jnp.zeros((_MROWS, 16), jnp.int32)], axis=1)
    eam = jnp.concatenate([
        eas_p.reshape(_MROWS, 16),
        jnp.zeros((_MROWS, 16), jnp.float32)], axis=1)
    rp = jnp.concatenate([rpi[:-1], rpj])
    rp = jnp.pad(rp, (0, _RPPAD - (_NBLK + 1)))

    def one_hot(batch, off):
        b = jnp.pad(batch.astype(jnp.int32), (0, _NPAD - N),
                    constant_values=_G2 + 1)
        gids = jnp.arange(_G2, dtype=jnp.int32)
        return (gids[:, None] == (b[None, :] + off)).astype(jnp.float32)

    oh = jnp.concatenate([one_hot(batch_i, 0), one_hot(batch_j, G)], axis=1)

    act0 = jnp.zeros((_NU, D), jnp.float32)
    act0 = act0.at[:N, :8].set(x_i[:, 3:11])
    act0 = act0.at[_NPAD:_NPAD + N, :8].set(x_j[:, 3:11])
    r0 = jnp.zeros((_NU, D), jnp.float32)

    def step(carry, xs):
        agg, r = carry
        wcat, wet, flag = xs
        q, k, v, r_new, qwe = _proj(flag, agg, r, wcat)
        agg_new = _sc_edge(q, k, v, qwe, meta, eam, rp, wet)
        return (agg_new, r_new), 0

    (agg, r), _ = lax.scan(step, (act0, r0), (wcats, wets, flags))

    pooled = _pool(agg, r, oh)
    lng_t = ln_g[origin]
    lnb_t = ln_b[origin]
    lw_t = lin_W[origin, :]
    return _head(pooled, lng_t, lnb_t, lw_t, lin_b)

# --- scband reference (transcript-rebuilt; emitter-appended) ---
"""Pipeline reference for scband-transformer-graph-embedding-cosine-65489661329858 (READ-ONLY COPY).

The authoritative reference and input builder live on the scoring server;
editing this copy changes nothing except your own understanding.
"""

import jax, jax.numpy as jnp
import numpy as np

N = 10000
E = 160000
G = 64
D = 640
H = 8
L = 6
NODE_DIM = 8


def _glorot(key, shape):
    fan_in = shape[-2]
    return jax.random.normal(key, shape, dtype=jnp.float32) / np.sqrt(fan_in)


def setup_inputs(seed: int = 0):
    key = jax.random.key(seed)
    ks = jax.random.split(key, 32)
    inp = {}
    inp['x_i'] = jax.random.normal(ks[0], (N, 16), dtype=jnp.float32)
    inp['edge_index_i'] = jax.random.randint(ks[1], (2, E), 0, N)
    inp['edge_attr_i'] = jax.random.normal(ks[2], (E,), dtype=jnp.float32)
    inp['batch_i'] = jnp.sort(jax.random.randint(ks[3], (N,), 0, G))
    inp['x_j'] = jax.random.normal(ks[4], (N, 16), dtype=jnp.float32)
    inp['edge_index_j'] = jax.random.randint(ks[5], (2, E), 0, N)
    inp['edge_attr_j'] = jax.random.normal(ks[6], (E,), dtype=jnp.float32)
    inp['batch_j'] = jnp.sort(jax.random.randint(ks[7], (N,), 0, G))
    inp['Wq0'] = _glorot(ks[8], (NODE_DIM, D))
    inp['Wk0'] = _glorot(ks[9], (NODE_DIM, D))
    inp['Wv0'] = _glorot(ks[10], (NODE_DIM, D))
    inp['Wr0'] = _glorot(ks[11], (NODE_DIM, D))
    inp['We0'] = _glorot(ks[12], (1, D))
    inp['WqR'] = _glorot(ks[13], (L - 1, D, D))
    inp['WkR'] = _glorot(ks[14], (L - 1, D, D))
    inp['WvR'] = _glorot(ks[15], (L - 1, D, D))
    inp['WrR'] = _glorot(ks[16], (L - 1, D, D))
    inp['WeR'] = _glorot(ks[17], (L - 1, 1, D))
    inp['ln_g'] = jnp.ones((D,), dtype=jnp.float32)
    inp['ln_b'] = jnp.zeros((D,), dtype=jnp.float32)
    inp['lin_W'] = _glorot(ks[18], (D, D))
    inp['lin_b'] = jnp.zeros((D,), dtype=jnp.float32)
    return inp


def _transformer_conv(x, src, dst, ea, Wq, Wk, Wv, Wr, We):
    n = x.shape[0]
    dh = D // H
    q = (x @ Wq).reshape(n, H, dh)
    k = (x @ Wk).reshape(n, H, dh)
    v = (x @ Wv).reshape(n, H, dh)
    e = (ea @ We).reshape(-1, H, dh)
    ke = k[src] + e
    ve = v[src] + e
    score = (q[dst] * ke).sum(-1) / np.sqrt(dh).astype(np.float32)
    smax = jax.ops.segment_max(score, dst, num_segments=n)
    smax = jax.lax.stop_gradient(jnp.where(jnp.isfinite(smax), smax, 0.0))
    ex = jnp.exp(score - smax[dst])
    den = jax.ops.segment_sum(ex, dst, num_segments=n)
    alpha = ex / (den[dst] + 1e-16)
    agg = jax.ops.segment_sum(ve * alpha[:, :, None], dst, num_segments=n)
    return agg.reshape(n, D) + x @ Wr


def _graph_embed(x, edge_index, edge_attr, batch, params):
    (Wq0, Wk0, Wv0, Wr0, We0, WqR, WkR, WvR, WrR, WeR, ln_g, ln_b, lin_W, lin_b) = params
    src = edge_index[0]
    dst = edge_index[1]
    ea = edge_attr[:, None]
    h = x[:, 3:11]
    h = _transformer_conv(h, src, dst, ea, Wq0, Wk0, Wv0, Wr0, We0)
    h = jax.nn.relu(h)
    for l in range(L - 1):
        h = _transformer_conv(h, src, dst, ea, WqR[l], WkR[l], WvR[l], WrR[l], WeR[l])
        if l < L - 2:
            h = jax.nn.relu(h)
    pooled = jax.ops.segment_sum(h, batch, num_segments=G)
    mu = pooled.mean(-1, keepdims=True)
    var = ((pooled - mu) ** 2).mean(-1, keepdims=True)
    z = (pooled - mu) / jnp.sqrt(var + 1e-5) * ln_g + ln_b
    return jax.nn.relu(z @ lin_W + lin_b)


def reference(x_i, edge_index_i, edge_attr_i, batch_i, x_j, edge_index_j, edge_attr_j, batch_j, Wq0, Wk0, Wv0, Wr0, We0, WqR, WkR, WvR, WrR, WeR, ln_g, ln_b, lin_W, lin_b):
    params = (Wq0, Wk0, Wv0, Wr0, We0, WqR, WkR, WvR, WrR, WeR, ln_g, ln_b, lin_W, lin_b)
    emb_i = _graph_embed(x_i, edge_index_i, edge_attr_i, batch_i, params)
    emb_j = _graph_embed(x_j, edge_index_j, edge_attr_j, batch_j, params)
    dot = (emb_i * emb_j).sum(-1)
    ni = jnp.maximum(jnp.sqrt((emb_i * emb_i).sum(-1)), 1e-8)
    nj = jnp.maximum(jnp.sqrt((emb_j * emb_j).sum(-1)), 1e-8)
    return dot / (ni * nj)

if __name__ == "__main__":
    import jax
    _d = setup_inputs()
    print(jax.jit(kernel)(*tuple(_d.values())))

</pallas_src>

<mosaic_0001>
#map = affine_map<(d0, d1) -> (0, 0)>
#map1 = affine_map<(d0, d1) -> (0)>
module attributes {stable_mosaic.version = 14 : i64} {
  func.func @_sc_edge_body(%arg0: i32, %arg1: i32, %arg2: memref<20480x640xf32, #tpu.memory_space<hbm>>, %arg3: memref<20480x640xf32, #tpu.memory_space<hbm>>, %arg4: memref<20480x640xf32, #tpu.memory_space<hbm>>, %arg5: memref<20480x16xf32, #tpu.memory_space<hbm>>, %arg6: memref<20004x48xi32, #tpu.memory_space<hbm>>, %arg7: memref<20004x32xf32, #tpu.memory_space<hbm>>, %arg8: memref<664xi32, #tpu.memory_space<hbm>>, %arg9: memref<40x16xf32, #tpu.memory_space<hbm>>, %arg10: memref<20480x640xf32, #tpu.memory_space<hbm>>, %arg11: memref<1x48xi32, #tpu.memory_space<vmem>>, %arg12: memref<1x32xf32, #tpu.memory_space<vmem>>, %arg13: memref<16xi32, #tpu.memory_space<vmem>>, %arg14: memref<16x640xf32, #tpu.memory_space<vmem>>, %arg15: memref<16x640xf32, #tpu.memory_space<vmem>>, %arg16: memref<32x640xf32, #tpu.memory_space<vmem>>, %arg17: memref<32x16xf32, #tpu.memory_space<vmem>>, %arg18: memref<32x640xf32, #tpu.memory_space<vmem>>, %arg19: memref<40x16xf32, #tpu.memory_space<vmem>>, %arg20: memref<40x16xf32, #tpu.memory_space<vmem>>, %arg21: memref<664xi32, #tpu.memory_space<vmem>>, %arg22: memref<!tpu.dma_semaphore, #tpu.memory_space<semaphore_mem>>, %arg23: memref<!tpu.dma_semaphore, #tpu.memory_space<semaphore_mem>>) attributes {dimension_semantics = [#tpu.dimension_semantics<core_parallel>, #tpu.dimension_semantics<subcore_parallel>], iteration_bounds = array<i64: 2, 16>, scalar_prefetch = 0 : i64, scratch_operands = 13 : i64, tpu.core_type = #tpu.core_type<sc_vector_subcore>, window_params = [{transform_indices = #map}, {transform_indices = #map}, {transform_indices = #map}, {transform_indices = #map}, {transform_indices = #map}, {transform_indices = #map}, {transform_indices = #map1}, {transform_indices = #map}, {transform_indices = #map}]} {
    %mul3A = arith.constant 2 : i32
    %mul3A_0 = arith.muli %arg1, %mul3A : i32
    %add3A = arith.addi %mul3A_0, %arg0 : i32
    "tpu.region"() ({
      %run_scoped3A = tpu.sem_alloc : memref<!tpu.dma_semaphore, #tpu.memory_space<semaphore_mem>>
      tpu.enqueue_dma source(%arg9 : memref<40x16xf32, #tpu.memory_space<hbm>>) target(%arg20 : memref<40x16xf32, #tpu.memory_space<vmem>>) target_semaphore(%run_scoped3A : memref<!tpu.dma_semaphore, #tpu.memory_space<semaphore_mem>>)
      tpu.wait_dma2 semaphore(%run_scoped3A : memref<!tpu.dma_semaphore, #tpu.memory_space<semaphore_mem>>) src(%arg9 : memref<40x16xf32, #tpu.memory_space<hbm>>) dst(%arg20 : memref<40x16xf32, #tpu.memory_space<vmem>>)
      tpu.yield
    }) : () -> ()
    "tpu.region"() ({
      %run_scoped3A = tpu.sem_alloc : memref<!tpu.dma_semaphore, #tpu.memory_space<semaphore_mem>>
      tpu.enqueue_dma source(%arg8 : memref<664xi32, #tpu.memory_space<hbm>>) target(%arg21 : memref<664xi32, #tpu.memory_space<vmem>>) target_semaphore(%run_scoped3A : memref<!tpu.dma_semaphore, #tpu.memory_space<semaphore_mem>>)
      tpu.wait_dma2 semaphore(%run_scoped3A : memref<!tpu.dma_semaphore, #tpu.memory_space<semaphore_mem>>) src(%arg8 : memref<664xi32, #tpu.memory_space<hbm>>) dst(%arg21 : memref<664xi32, #tpu.memory_space<vmem>>)
      tpu.yield
    }) : () -> ()
    %broadcast_in_dim3A = arith.constant 0.000000e+00 : f32
    %broadcast_in_dim3A_1 = vector.broadcast %broadcast_in_dim3A : f32 to vector<16xf32>
    %broadcast_in_dim3A_2 = arith.constant -1.000000e+30 : f32
    %broadcast_in_dim3A_3 = vector.broadcast %broadcast_in_dim3A_2 : f32 to vector<16xf32>
    %broadcast_in_dim3A_4 = arith.constant 1.000000e+00 : f32
    %broadcast_in_dim3A_5 = vector.broadcast %broadcast_in_dim3A_4 : f32 to vector<16xf32>
    %scan3A = arith.constant 0 : i32
    %scan3A_6 = arith.constant 0 : i32
    %scan3A_7 = arith.constant 5 : i32
    %scan3A_8 = arith.addi %scan3A_6, %scan3A_7 : i32
    %scan3A_9 = arith.constant 1 : i32
    %scan3A_10 = scf.for %scan3A_19 = %scan3A_6 to %scan3A_8 step %scan3A_9 iter_args(%scan3A_20 = %scan3A) -> (i32)  : i32 {
      %mul3A_21 = arith.constant 8 : i32
      %mul3A_22 = arith.muli %scan3A_19, %mul3A_21 : i32
      %add3A_23 = arith.constant 0 : i32
      %add3A_24 = arith.addi %mul3A_22, %add3A_23 : i32
      %swap3A = arith.index_cast %add3A_24 : i32 to index
      %swap3A_25 = arith.constant 0 : index
      %swap3A_26 = tpu.vector_load %arg19[%swap3A, %swap3A_25] {strides = array<i32>} : memref<40x16xf32, #tpu.memory_space<vmem>>, vector<1x16xf32>,
      %swap3A_27 = vector.shape_cast %swap3A_26 : vector<1x16xf32> to vector<16xf32>
      %swap3A_28 = vector.shape_cast %broadcast_in_dim3A_1 : vector<16xf32> to vector<1x16xf32>
      tpu.vector_store %arg19[%swap3A, %swap3A_25], %swap3A_28 {strides = array<i32>} : memref<40x16xf32, #tpu.memory_space<vmem>>, vector<1x16xf32>,
      %mul3A_29 = arith.constant 8 : i32
      %mul3A_30 = arith.muli %scan3A_19, %mul3A_29 : i32
      %add3A_31 = arith.constant 1 : i32
      %add3A_32 = arith.addi %mul3A_30, %add3A_31 : i32
      %swap3A_33 = arith.index_cast %add3A_32 : i32 to index
      %swap3A_34 = arith.constant 0 : index
      %swap3A_35 = tpu.vector_load %arg19[%swap3A_33, %swap3A_34] {strides = array<i32>} : memref<40x16xf32, #tpu.memory_space<vmem>>, vector<1x16xf32>,
      %swap3A_36 = vector.shape_cast %swap3A_35 : vector<1x16xf32> to vector<16xf32>
      %swap3A_37 = vector.shape_cast %broadcast_in_dim3A_1 : vector<16xf32> to vector<1x16xf32>
      tpu.vector_store %arg19[%swap3A_33, %swap3A_34], %swap3A_37 {strides = array<i32>} : memref<40x16xf32, #tpu.memory_space<vmem>>, vector<1x16xf32>,
      %mul3A_38 = arith.constant 8 : i32
      %mul3A_39 = arith.muli %scan3A_19, %mul3A_38 : i32
      %add3A_40 = arith.constant 2 : i32
      %add3A_41 = arith.addi %mul3A_39, %add3A_40 : i32
      %swap3A_42 = arith.index_cast %add3A_41 : i32 to index
      %swap3A_43 = arith.constant 0 : index
      %swap3A_44 = tpu.vector_load %arg19[%swap3A_42, %swap3A_43] {strides = array<i32>} : memref<40x16xf32, #tpu.memory_space<vmem>>, vector<1x16xf32>,
      %swap3A_45 = vector.shape_cast %swap3A_44 : vector<1x16xf32> to vector<16xf32>
      %swap3A_46 = vector.shape_cast %broadcast_in_dim3A_1 : vector<16xf32> to vector<1x16xf32>
      tpu.vector_store %arg19[%swap3A_42, %swap3A_43], %swap3A_46 {strides = array<i32>} : memref<40x16xf32, #tpu.memory_space<vmem>>, vector<1x16xf32>,
      %mul3A_47 = arith.constant 8 : i32
      %mul3A_48 = arith.muli %scan3A_19, %mul3A_47 : i32
      %add3A_49 = arith.constant 3 : i32
      %add3A_50 = arith.addi %mul3A_48, %add3A_49 : i32
      %swap3A_51 = arith.index_cast %add3A_50 : i32 to index
      %swap3A_52 = arith.constant 0 : index
      %swap3A_53 = tpu.vector_load %arg19[%swap3A_51, %swap3A_52] {strides = array<i32>} : memref<40x16xf32, #tpu.memory_space<vmem>>, vector<1x16xf32>,
      %swap3A_54 = vector.shape_cast %swap3A_53 : vector<1x16xf32> to vector<16xf32>
      %swap3A_55 = vector.shape_cast %broadcast_in_dim3A_1 : vector<16xf32> to vector<1x16xf32>
      tpu.vector_store %arg19[%swap3A_51, %swap3A_52], %swap3A_55 {strides = array<i32>} : memref<40x16xf32, #tpu.memory_space<vmem>>, vector<1x16xf32>,
      %mul3A_56 = arith.constant 8 : i32
      %mul3A_57 = arith.muli %scan3A_19, %mul3A_56 : i32
      %add3A_58 = arith.constant 4 : i32
      %add3A_59 = arith.addi %mul3A_57, %add3A_58 : i32
      %swap3A_60 = arith.index_cast %add3A_59 : i32 to index
      %swap3A_61 = arith.constant 0 : index
      %swap3A_62 = tpu.vector_load %arg19[%swap3A_60, %swap3A_61] {strides = array<i32>} : memref<40x16xf32, #tpu.memory_space<vmem>>, vector<1x16xf32>,
      %swap3A_63 = vector.shape_cast %swap3A_62 : vector<1x16xf32> to vector<16xf32>
      %swap3A_64 = vector.shape_cast %broadcast_in_dim3A_1 : vector<16xf32> to vector<1x16xf32>
      tpu.vector_store %arg19[%swap3A_60, %swap3A_61], %swap3A_64 {strides = array<i32>} : memref<40x16xf32, #tpu.memory_space<vmem>>, vector<1x16xf32>,
      %mul3A_65 = arith.constant 8 : i32
      %mul3A_66 = arith.muli %scan3A_19, %mul3A_65 : i32
      %add3A_67 = arith.constant 5 : i32
      %add3A_68 = arith.addi %mul3A_66, %add3A_67 : i32
      %swap3A_69 = arith.index_cast %add3A_68 : i32 to index
      %swap3A_70 = arith.constant 0 : index
      %swap3A_71 = tpu.vector_load %arg19[%swap3A_69, %swap3A_70] {strides = array<i32>} : memref<40x16xf32, #tpu.memory_space<vmem>>, vector<1x16xf32>,
      %swap3A_72 = vector.shape_cast %swap3A_71 : vector<1x16xf32> to vector<16xf32>
      %swap3A_73 = vector.shape_cast %broadcast_in_dim3A_1 : vector<16xf32> to vector<1x16xf32>
      tpu.vector_store %arg19[%swap3A_69, %swap3A_70], %swap3A_73 {strides = array<i32>} : memref<40x16xf32, #tpu.memory_space<vmem>>, vector<1x16xf32>,
      %mul3A_74 = arith.constant 8 : i32
      %mul3A_75 = arith.muli %scan3A_19, %mul3A_74 : i32
      %add3A_76 = arith.constant 6 : i32
      %add3A_77 = arith.addi %mul3A_75, %add3A_76 : i32
      %swap3A_78 = arith.index_cast %add3A_77 : i32 to index
      %swap3A_79 = arith.constant 0 : index
      %swap3A_80 = tpu.vector_load %arg19[%swap3A_78, %swap3A_79] {strides = array<i32>} : memref<40x16xf32, #tpu.memory_space<vmem>>, vector<1x16xf32>,
      %swap3A_81 = vector.shape_cast %swap3A_80 : vector<1x16xf32> to vector<16xf32>
      %swap3A_82 = vector.shape_cast %broadcast_in_dim3A_1 : vector<16xf32> to vector<1x16xf32>
      tpu.vector_store %arg19[%swap3A_78, %swap3A_79], %swap3A_82 {strides = array<i32>} : memref<40x16xf32, #tpu.memory_space<vmem>>, vector<1x16xf32>,
      %mul3A_83 = arith.constant 8 : i32
      %mul3A_84 = arith.muli %scan3A_19, %mul3A_83 : i32
      %add3A_85 = arith.constant 7 : i32
      %add3A_86 = arith.addi %mul3A_84, %add3A_85 : i32
      %swap3A_87 = arith.index_cast %add3A_86 : i32 to index
      %swap3A_88 = arith.constant 0 : index
      %swap3A_89 = tpu.vector_load %arg19[%swap3A_87, %swap3A_88] {strides = array<i32>} : memref<40x16xf32, #tpu.memory_space<vmem>>, vector<1x16xf32>,
      %swap3A_90 = vector.shape_cast %swap3A_89 : vector<1x16xf32> to vector<16xf32>
      %swap3A_91 = vector.shape_cast %broadcast_in_dim3A_1 : vector<16xf32> to vector<1x16xf32>
      tpu.vector_store %arg19[%swap3A_87, %swap3A_88], %swap3A_91 {strides = array<i32>} : memref<40x16xf32, #tpu.memory_space<vmem>>, vector<1x16xf32>,
      %scan3A_92 = arith.constant 0 : i32
      scf.yield %scan3A_92 : i32
    }
    %scan3A_11 = arith.constant 5 : i32
    %scan3A_12 = arith.constant 0 : i32
    %scan3A_13 = arith.constant 0 : i32
    %scan3A_14 = arith.constant 20 : i32
    %scan3A_15 = arith.addi %scan3A_13, %scan3A_14 : i32
    %scan3A_16 = arith.constant 1 : i32
    %scan3A_17 = scf.for %scan3A_19 = %scan3A_13 to %scan3A_15 step %scan3A_16 iter_args(%scan3A_20 = %scan3A_12) -> (i32)  : i32 {
      %mul3A_21 = arith.constant 20 : i32
      %mul3A_22 = arith.muli %add3A, %mul3A_21 : i32
      %add3A_23 = arith.addi %mul3A_22, %scan3A_19 : i32
      %mul3A_24 = arith.constant 32 : i32
      %mul3A_25 = arith.muli %add3A_23, %mul3A_24 : i32
      %scan3A_26 = arith.constant 0 : i32
      %scan3A_27 = arith.constant 0 : i32
      %scan3A_28 = arith.constant 32 : i32
      %scan3A_29 = arith.addi %scan3A_27, %scan3A_28 : i32
      %scan3A_30 = arith.constant 1 : i32
      %scan3A_31 = scf.for %scan3A_103 = %scan3A_27 to %scan3A_29 step %scan3A_30 iter_args(%scan3A_104 = %scan3A_26) -> (i32)  : i32 {
        %scan3A_105 = arith.constant 0 : i32
        %scan3A_106 = arith.constant 0 : i32
        %scan3A_107 = arith.constant 5 : i32
        %scan3A_108 = arith.addi %scan3A_106, %scan3A_107 : i32
        %scan3A_109 = arith.constant 1 : i32
        %scan3A_110 = scf.for %scan3A_113 = %scan3A_106 to %scan3A_108 step %scan3A_109 iter_args(%scan3A_114 = %scan3A_105) -> (i32)  : i32 {
          %mul3A_115 = arith.constant 8 : i32
          %mul3A_116 = arith.muli %scan3A_113, %mul3A_115 : i32
          %add3A_117 = arith.constant 0 : i32
          %add3A_118 = arith.addi %mul3A_116, %add3A_117 : i32
          %mul3A_119 = arith.constant 16 : i32
          %mul3A_120 = arith.muli %add3A_118, %mul3A_119 : i32
          %swap3A = arith.index_cast %scan3A_103 : i32 to index
          %swap3A_121 = arith.index_cast %mul3A_120 : i32 to index
          %swap3A_122 = tpu.vector_load %arg18[%swap3A, %swap3A_121] {strides = array<i32>} : memref<32x640xf32, #tpu.memory_space<vmem>>, vector<1x16xf32>,
          %swap3A_123 = vector.shape_cast %swap3A_122 : vector<1x16xf32> to vector<16xf32>
          %swap3A_124 = vector.shape_cast %broadcast_in_dim3A_1 : vector<16xf32> to vector<1x16xf32>
          tpu.vector_store %arg18[%swap3A, %swap3A_121], %swap3A_124 {strides = array<i32>} : memref<32x640xf32, #tpu.memory_space<vmem>>, vector<1x16xf32>,
          %mul3A_125 = arith.constant 8 : i32
          %mul3A_126 = arith.muli %scan3A_113, %mul3A_125 : i32
          %add3A_127 = arith.constant 1 : i32
          %add3A_128 = arith.addi %mul3A_126, %add3A_127 : i32
          %mul3A_129 = arith.constant 16 : i32
          %mul3A_130 = arith.muli %add3A_128, %mul3A_129 : i32
          %swap3A_131 = arith.index_cast %scan3A_103 : i32 to index
          %swap3A_132 = arith.index_cast %mul3A_130 : i32 to index
          %swap3A_133 = tpu.vector_load %arg18[%swap3A_131, %swap3A_132] {strides = array<i32>} : memref<32x640xf32, #tpu.memory_space<vmem>>, vector<1x16xf32>,
          %swap3A_134 = vector.shape_cast %swap3A_133 : vector<1x16xf32> to vector<16xf32>
          %swap3A_135 = vector.shape_cast %broadcast_in_dim3A_1 : vector<16xf32> to vector<1x16xf32>
          tpu.vector_store %arg18[%swap3A_131, %swap3A_132], %swap3A_135 {strides = array<i32>} : memref<32x640xf32, #tpu.memory_space<vmem>>, vector<1x16xf32>,
          %mul3A_136 = arith.constant 8 : i32
          %mul3A_137 = arith.muli %scan3A_113, %mul3A_136 : i32
          %add3A_138 = arith.constant 2 : i32
          %add3A_139 = arith.addi %mul3A_137, %add3A_138 : i32
          %mul3A_140 = arith.constant 16 : i32
          %mul3A_141 = arith.muli %add3A_139, %mul3A_140 : i32
          %swap3A_142 = arith.index_cast %scan3A_103 : i32 to index
          %swap3A_143 = arith.index_cast %mul3A_141 : i32 to index
          %swap3A_144 = tpu.vector_load %arg18[%swap3A_142, %swap3A_143] {strides = array<i32>} : memref<32x640xf32, #tpu.memory_space<vmem>>, vector<1x16xf32>,
          %swap3A_145 = vector.shape_cast %swap3A_144 : vector<1x16xf32> to vector<16xf32>
          %swap3A_146 = vector.shape_cast %broadcast_in_dim3A_1 : vector<16xf32> to vector<1x16xf32>
          tpu.vector_store %arg18[%swap3A_142, %swap3A_143], %swap3A_146 {strides = array<i32>} : memref<32x640xf32, #tpu.memory_space<vmem>>, vector<1x16xf32>,
          %mul3A_147 = arith.constant 8 : i32
          %mul3A_148 = arith.muli %scan3A_113, %mul3A_147 : i32
          %add3A_149 = arith.constant 3 : i32
          %add3A_150 = arith.addi %mul3A_148, %add3A_149 : i32
          %mul3A_151 = arith.constant 16 : i32
          %mul3A_152 = arith.muli %add3A_150, %mul3A_151 : i32
          %swap3A_153 = arith.index_cast %scan3A_103 : i32 to index
          %swap3A_154 = arith.index_cast %mul3A_152 : i32 to index
          %swap3A_155 = tpu.vector_load %arg18[%swap3A_153, %swap3A_154] {strides = array<i32>} : memref<32x640xf32, #tpu.memory_space<vmem>>, vector<1x16xf32>,
          %swap3A_156 = vector.shape_cast %swap3A_155 : vector<1x16xf32> to vector<16xf32>
          %swap3A_157 = vector.shape_cast %broadcast_in_dim3A_1 : vector<16xf32> to vector<1x16xf32>
          tpu.vector_store %arg18[%swap3A_153, %swap3A_154], %swap3A_157 {strides = array<i32>} : memref<32x640xf32, #tpu.memory_space<vmem>>, vector<1x16xf32>,
          %mul3A_158 = arith.constant 8 : i32
          %mul3A_159 = arith.muli %scan3A_113, %mul3A_158 : i32
          %add3A_160 = arith.constant 4 : i32
          %add3A_161 = arith.addi %mul3A_159, %add3A_160 : i32
          %mul3A_162 = arith.constant 16 : i32
          %mul3A_163 = arith.muli %add3A_161, %mul3A_162 : i32
          %swap3A_164 = arith.index_cast %scan3A_103 : i32 to index
          %swap3A_165 = arith.index_cast %mul3A_163 : i32 to index
          %swap3A_166 = tpu.vector_load %arg18[%swap3A_164, %swap3A_165] {strides = array<i32>} : memref<32x640xf32, #tpu.memory_space<vmem>>, vector<1x16xf32>,
          %swap3A_167 = vector.shape_cast %swap3A_166 : vector<1x16xf32> to vector<16xf32>
          %swap3A_168 = vector.shape_cast %broadcast_in_dim3A_1 : vector<16xf32> to vector<1x16xf32>
          tpu.vector_store %arg18[%swap3A_164, %swap3A_165], %swap3A_168 {strides = array<i32>} : memref<32x640xf32, #tpu.memory_space<vmem>>, vector<1x16xf32>,
          %mul3A_169 = arith.constant 8 : i32
          %mul3A_170 = arith.muli %scan3A_113, %mul3A_169 : i32
          %add3A_171 = arith.constant 5 : i32
          %add3A_172 = arith.addi %mul3A_170, %add3A_171 : i32
          %mul3A_173 = arith.constant 16 : i32
          %mul3A_174 = arith.muli %add3A_172, %mul3A_173 : i32
          %swap3A_175 = arith.index_cast %scan3A_103 : i32 to index
          %swap3A_176 = arith.index_cast %mul3A_174 : i32 to index
          %swap3A_177 = tpu.vector_load %arg18[%swap3A_175, %swap3A_176] {strides = array<i32>} : memref<32x640xf32, #tpu.memory_space<vmem>>, vector<1x16xf32>,
          %swap3A_178 = vector.shape_cast %swap3A_177 : vector<1x16xf32> to vector<16xf32>
          %swap3A_179 = vector.shape_cast %broadcast_in_dim3A_1 : vector<16xf32> to vector<1x16xf32>
          tpu.vector_store %arg18[%swap3A_175, %swap3A_176], %swap3A_179 {strides = array<i32>} : memref<32x640xf32, #tpu.memory_space<vmem>>, vector<1x16xf32>,
          %mul3A_180 = arith.constant 8 : i32
          %mul3A_181 = arith.muli %scan3A_113, %mul3A_180 : i32
          %add3A_182 = arith.constant 6 : i32
          %add3A_183 = arith.addi %mul3A_181, %add3A_182 : i32
          %mul3A_184 = arith.constant 16 : i32
          %mul3A_185 = arith.muli %add3A_183, %mul3A_184 : i32
          %swap3A_186 = arith.index_cast %scan3A_103 : i32 to index
          %swap3A_187 = arith.index_cast %mul3A_185 : i32 to index
          %swap3A_188 = tpu.vector_load %arg18[%swap3A_186, %swap3A_187] {strides = array<i32>} : memref<32x640xf32, #tpu.memory_space<vmem>>, vector<1x16xf32>,
          %swap3A_189 = vector.shape_cast %swap3A_188 : vector<1x16xf32> to vector<16xf32>
          %swap3A_190 = vector.shape_cast %broadcast_in_dim3A_1 : vector<16xf32> to vector<1x16xf32>
          tpu.vector_store %arg18[%swap3A_186, %swap3A_187], %swap3A_190 {strides = array<i32>} : memref<32x640xf32, #tpu.memory_space<vmem>>, vector<1x16xf32>,
          %mul3A_191 = arith.constant 8 : i32
          %mul3A_192 = arith.muli %scan3A_113, %mul3A_191 : i32
          %add3A_193 = arith.constant 7 : i32
          %add3A_194 = arith.addi %mul3A_192, %add3A_193 : i32
          %mul3A_195 = arith.constant 16 : i32
          %mul3A_196 = arith.muli %add3A_194, %mul3A_195 : i32
          %swap3A_197 = arith.index_cast %scan3A_103 : i32 to index
          %swap3A_198 = arith.index_cast %mul3A_196 : i32 to index
          %swap3A_199 = tpu.vector_load %arg18[%swap3A_197, %swap3A_198] {strides = array<i32>} : memref<32x640xf32, #tpu.memory_space<vmem>>, vector<1x16xf32>,
          %swap3A_200 = vector.shape_cast %swap3A_199 : vector<1x16xf32> to vector<16xf32>
          %swap3A_201 = vector.shape_cast %broadcast_in_dim3A_1 : vector<16xf32> to vector<1x16xf32>
          tpu.vector_store %arg18[%swap3A_197, %swap3A_198], %swap3A_201 {strides = array<i32>} : memref<32x640xf32, #tpu.memory_space<vmem>>, vector<1x16xf32>,
          %scan3A_202 = arith.constant 0 : i32
          scf.yield %scan3A_202 : i32
        }
        %scan3A_111 = arith.constant 5 : i32
        %scan3A_112 = arith.constant 0 : i32
        scf.yield %scan3A_112 : i32
      }
      %scan3A_32 = arith.constant 32 : i32
      "tpu.region"() ({
        %run_scoped3A = tpu.sem_alloc : memref<!tpu.dma_semaphore, #tpu.memory_space<semaphore_mem>>
        %dma_start3A = arith.constant 0 : i32
        %dma_start3A_103 = tpu.memref_slice %arg2[%mul3A_25, %dma_start3A] : memref<20480x640xf32, #tpu.memory_space<hbm>> -> memref<32x640xf32, #tpu.memory_space<hbm>>
        %dma_start3A_104 = arith.constant 0 : i32
        %dma_start3A_105 = tpu.memref_slice %arg2[%mul3A_25, %dma_start3A_104] : memref<20480x640xf32, #tpu.memory_space<hbm>> -> memref<32x640xf32, #tpu.memory_space<hbm>>
        tpu.enqueue_dma source(%dma_start3A_105 : memref<32x640xf32, #tpu.memory_space<hbm>>) target(%arg16 : memref<32x640xf32, #tpu.memory_space<vmem>>) target_semaphore(%run_scoped3A : memref<!tpu.dma_semaphore, #tpu.memory_space<semaphore_mem>>)
        %dma_wait3A = arith.constant 0 : i32
        %dma_wait3A_106 = tpu.memref_slice %arg2[%mul3A_25, %dma_wait3A] : memref<20480x640xf32, #tpu.memory_space<hbm>> -> memref<32x640xf32, #tpu.memory_space<hbm>>
        %dma_wait3A_107 = arith.constant 0 : i32
        %dma_wait3A_108 = tpu.memref_slice %arg2[%mul3A_25, %dma_wait3A_107] : memref<20480x640xf32, #tpu.memory_space<hbm>> -> memref<32x640xf32, #tpu.memory_space<hbm>>
        tpu.wait_dma2 semaphore(%run_scoped3A : memref<!tpu.dma_semaphore, #tpu.memory_space<semaphore_mem>>) src(%dma_wait3A_108 : memref<32x640xf32, #tpu.memory_space<hbm>>) dst(%arg16 : memref<32x640xf32, #tpu.memory_space<vmem>>)
        tpu.yield
      }) : () -> ()
      "tpu.region"() ({
        %run_scoped3A = tpu.sem_alloc : memref<!tpu.dma_semaphore, #tpu.memory_space<semaphore_mem>>
        %dma_start3A = arith.constant 0 : i32
        %dma_start3A_103 = tpu.memref_slice %arg5[%mul3A_25, %dma_start3A] : memref<20480x16xf32, #tpu.memory_space<hbm>> -> memref<32x16xf32, #tpu.memory_space<hbm>>
        %dma_start3A_104 = arith.constant 0 : i32
        %dma_start3A_105 = tpu.memref_slice %arg5[%mul3A_25, %dma_start3A_104] : memref<20480x16xf32, #tpu.memory_space<hbm>> -> memref<32x16xf32, #tpu.memory_space<hbm>>
        tpu.enqueue_dma source(%dma_start3A_105 : memref<32x16xf32, #tpu.memory_space<hbm>>) target(%arg17 : memref<32x16xf32, #tpu.memory_space<vmem>>) target_semaphore(%run_scoped3A : memref<!tpu.dma_semaphore, #tpu.memory_space<semaphore_mem>>)
        %dma_wait3A = arith.constant 0 : i32
        %dma_wait3A_106 = tpu.memref_slice %arg5[%mul3A_25, %dma_wait3A] : memref<20480x16xf32, #tpu.memory_space<hbm>> -> memref<32x16xf32, #tpu.memory_space<hbm>>
        %dma_wait3A_107 = arith.constant 0 : i32
        %dma_wait3A_108 = tpu.memref_slice %arg5[%mul3A_25, %dma_wait3A_107] : memref<20480x16xf32, #tpu.memory_space<hbm>> -> memref<32x16xf32, #tpu.memory_space<hbm>>
        tpu.wait_dma2 semaphore(%run_scoped3A : memref<!tpu.dma_semaphore, #tpu.memory_space<semaphore_mem>>) src(%dma_wait3A_108 : memref<32x16xf32, #tpu.memory_space<hbm>>) dst(%arg17 : memref<32x16xf32, #tpu.memory_space<vmem>>)
        tpu.yield
      }) : () -> ()
      %get3A = arith.index_cast %add3A_23 : i32 to index
      %get3A_33 = tpu.vector_load %arg21[%get3A] {strides = array<i32>} : memref<664xi32, #tpu.memory_space<vmem>>, vector<16xi32>,
      %get3A_34 = vector.shape_cast %get3A_33 : vector<16xi32> to vector<16xi32>
      %slice3A = vector.extract_strided_slice %get3A_34 {offsets = [0], sizes = [1], strides = [1]} : vector<16xi32> to vector<1xi32>
      %squeeze3A = vector.extract %slice3A[0] : i32 from vector<1xi32>
      %add3A_35 = arith.constant 1 : i32
      %add3A_36 = arith.addi %add3A_23, %add3A_35 : i32
      %get3A_37 = arith.index_cast %add3A_36 : i32 to index
      %get3A_38 = tpu.vector_load %arg21[%get3A_37] {strides = array<i32>} : memref<664xi32, #tpu.memory_space<vmem>>, vector<16xi32>,
      %get3A_39 = vector.shape_cast %get3A_38 : vector<16xi32> to vector<16xi32>
      %slice3A_40 = vector.extract_strided_slice %get3A_39 {offsets = [0], sizes = [1], strides = [1]} : vector<16xi32> to vector<1xi32>
      %squeeze3A_41 = vector.extract %slice3A_40[0] : i32 from vector<1xi32>
      %jit3A = arith.constant 16 : i32
      %div3A = arith.divsi %squeeze3A, %jit3A : i32
      %sign3A = arith.constant 0 : i32
      %sign3A_42 = arith.cmpi sgt, %squeeze3A, %sign3A : i32
      %sign3A_43 = arith.extui %sign3A_42 : i1 to i32
      %sign3A_44 = arith.constant 0 : i32
      %sign3A_45 = arith.cmpi slt, %squeeze3A, %sign3A_44 : i32
      %sign3A_46 = arith.extui %sign3A_45 : i1 to i32
      %sign3A_47 = arith.subi %sign3A_43, %sign3A_46 : i32
      %sign3A_48 = arith.constant 0 : i32
      %sign3A_49 = arith.cmpi sgt, %jit3A, %sign3A_48 : i32
      %sign3A_50 = arith.extui %sign3A_49 : i1 to i32
      %sign3A_51 = arith.constant 0 : i32
      %sign3A_52 = arith.cmpi slt, %jit3A, %sign3A_51 : i32
      %sign3A_53 = arith.extui %sign3A_52 : i1 to i32
      %sign3A_54 = arith.subi %sign3A_50, %sign3A_53 : i32
      %ne3A = arith.cmpi ne, %sign3A_47, %sign3A_54 : i32
      %rem3A = arith.remsi %squeeze3A, %jit3A : i32
      %ne3A_55 = arith.constant 0 : i32
      %ne3A_56 = arith.cmpi ne, %rem3A, %ne3A_55 : i32
      %and3A = arith.andi %ne3A, %ne3A_56 : i1
      %sub3A = arith.constant 1 : i32
      %sub3A_57 = arith.subi %div3A, %sub3A : i32
      %select_n3A = arith.select %and3A, %sub3A_57, %div3A : i32
      %mul3A_58 = arith.constant 16 : i32
      %mul3A_59 = arith.muli %select_n3A, %mul3A_58 : i32
      %sub3A_60 = arith.subi %squeeze3A_41, %mul3A_59 : i32
      %add3A_61 = arith.constant 15 : i32
      %add3A_62 = arith.addi %sub3A_60, %add3A_61 : i32
      %jit3A_63 = arith.constant 16 : i32
      %div3A_64 = arith.divsi %add3A_62, %jit3A_63 : i32
      %sign3A_65 = arith.constant 0 : i32
      %sign3A_66 = arith.cmpi sgt, %add3A_62, %sign3A_65 : i32
      %sign3A_67 = arith.extui %sign3A_66 : i1 to i32
      %sign3A_68 = arith.constant 0 : i32
      %sign3A_69 = arith.cmpi slt, %add3A_62, %sign3A_68 : i32
      %sign3A_70 = arith.extui %sign3A_69 : i1 to i32
      %sign3A_71 = arith.subi %sign3A_67, %sign3A_70 : i32
      %sign3A_72 = arith.constant 0 : i32
      %sign3A_73 = arith.cmpi sgt, %jit3A_63, %sign3A_72 : i32
      %sign3A_74 = arith.extui %sign3A_73 : i1 to i32
      %sign3A_75 = arith.constant 0 : i32
      %sign3A_76 = arith.cmpi slt, %jit3A_63, %sign3A_75 : i32
      %sign3A_77 = arith.extui %sign3A_76 : i1 to i32
      %sign3A_78 = arith.subi %sign3A_74, %sign3A_77 : i32
      %ne3A_79 = arith.cmpi ne, %sign3A_71, %sign3A_78 : i32
      %rem3A_80 = arith.remsi %add3A_62, %jit3A_63 : i32
      %ne3A_81 = arith.constant 0 : i32
      %ne3A_82 = arith.cmpi ne, %rem3A_80, %ne3A_81 : i32
      %and3A_83 = arith.andi %ne3A_79, %ne3A_82 : i1
      %sub3A_84 = arith.constant 1 : i32
      %sub3A_85 = arith.subi %div3A_64, %sub3A_84 : i32
      %select_n3A_86 = arith.select %and3A_83, %sub3A_85, %div3A_64 : i32
      %while3A = arith.constant 0 : i32
      %while3A_87 = arith.constant -1 : i32
      %while3A_88 = arith.subi %select_n3A_86, %while3A : i32
      %while3A_89 = arith.addi %while3A, %while3A_88 : i32
      %while3A_90 = arith.constant 1 : i32
      %while3A_91 = arith.divsi %while3A_88, %while3A_90 : i32
      %while3A_92 = arith.muli %while3A_91, %while3A_90 : i32
      %while3A_93 = arith.addi %while3A, %while3A_92 : i32
      %while3A_94 = arith.constant 1 : i32
      %while3A_95:4 = scf.for %while3A_103 = %while3A to %while3A_93 step %while3A_94 iter_args(%while3A_104 = %broadcast_in_dim3A_3, %while3A_105 = %broadcast_in_dim3A_1, %while3A_106 = %broadcast_in_dim3A_1, %while3A_107 = %while3A_87) -> (vector<16xf32>, vector<16xf32>, vector<16xf32>, i32)  : i32 {
        %mul3A_108 = arith.constant 16 : i32
        %mul3A_109 = arith.muli %while3A_103, %mul3A_108 : i32
        %add3A_110 = arith.addi %mul3A_59, %mul3A_109 : i32
        %jit3A_111 = arith.constant 16 : i32
        %div3A_112 = arith.divsi %add3A_110, %jit3A_111 : i32
        %sign3A_113 = arith.constant 0 : i32
        %sign3A_114 = arith.cmpi sgt, %add3A_110, %sign3A_113 : i32
        %sign3A_115 = arith.extui %sign3A_114 : i1 to i32
        %sign3A_116 = arith.constant 0 : i32
        %sign3A_117 = arith.cmpi slt, %add3A_110, %sign3A_116 : i32
        %sign3A_118 = arith.extui %sign3A_117 : i1 to i32
        %sign3A_119 = arith.subi %sign3A_115, %sign3A_118 : i32
        %sign3A_120 = arith.constant 0 : i32
        %sign3A_121 = arith.cmpi sgt, %jit3A_111, %sign3A_120 : i32
        %sign3A_122 = arith.extui %sign3A_121 : i1 to i32
        %sign3A_123 = arith.constant 0 : i32
        %sign3A_124 = arith.cmpi slt, %jit3A_111, %sign3A_123 : i32
        %sign3A_125 = arith.extui %sign3A_124 : i1 to i32
        %sign3A_126 = arith.subi %sign3A_122, %sign3A_125 : i32
        %ne3A_127 = arith.cmpi ne, %sign3A_119, %sign3A_126 : i32
        %rem3A_128 = arith.remsi %add3A_110, %jit3A_111 : i32
        %ne3A_129 = arith.constant 0 : i32
        %ne3A_130 = arith.cmpi ne, %rem3A_128, %ne3A_129 : i32
        %and3A_131 = arith.andi %ne3A_127, %ne3A_130 : i1
        %sub3A_132 = arith.constant 1 : i32
        %sub3A_133 = arith.subi %div3A_112, %sub3A_132 : i32
        %select_n3A_134 = arith.select %and3A_131, %sub3A_133, %div3A_112 : i32
        %dma_start3A = arith.constant 0 : i32
        %dma_start3A_135 = tpu.memref_slice %arg6[%select_n3A_134, %dma_start3A] : memref<20004x48xi32, #tpu.memory_space<hbm>> -> memref<1x48xi32, #tpu.memory_space<hbm>>
        %dma_start3A_136 = arith.constant 0 : i32
        %dma_start3A_137 = tpu.memref_slice %arg6[%select_n3A_134, %dma_start3A_136] : memref<20004x48xi32, #tpu.memory_space<hbm>> -> memref<1x48xi32, #tpu.memory_space<hbm>>
        tpu.enqueue_dma source(%dma_start3A_137 : memref<1x48xi32, #tpu.memory_space<hbm>>) target(%arg11 : memref<1x48xi32, #tpu.memory_space<vmem>>) target_semaphore(%arg22 : memref<!tpu.dma_semaphore, #tpu.memory_space<semaphore_mem>>)
        %jit3A_138 = arith.constant 16 : i32
        %div3A_139 = arith.divsi %add3A_110, %jit3A_138 : i32
        %sign3A_140 = arith.constant 0 : i32
        %sign3A_141 = arith.cmpi sgt, %add3A_110, %sign3A_140 : i32
        %sign3A_142 = arith.extui %sign3A_141 : i1 to i32
        %sign3A_143 = arith.constant 0 : i32
        %sign3A_144 = arith.cmpi slt, %add3A_110, %sign3A_143 : i32
        %sign3A_145 = arith.extui %sign3A_144 : i1 to i32
        %sign3A_146 = arith.subi %sign3A_142, %sign3A_145 : i32
        %sign3A_147 = arith.constant 0 : i32
        %sign3A_148 = arith.cmpi sgt, %jit3A_138, %sign3A_147 : i32
        %sign3A_149 = arith.extui %sign3A_148 : i1 to i32
        %sign3A_150 = arith.constant 0 : i32
        %sign3A_151 = arith.cmpi slt, %jit3A_138, %sign3A_150 : i32
        %sign3A_152 = arith.extui %sign3A_151 : i1 to i32
        %sign3A_153 = arith.subi %sign3A_149, %sign3A_152 : i32
        %ne3A_154 = arith.cmpi ne, %sign3A_146, %sign3A_153 : i32
        %rem3A_155 = arith.remsi %add3A_110, %jit3A_138 : i32
        %ne3A_156 = arith.constant 0 : i32
        %ne3A_157 = arith.cmpi ne, %rem3A_155, %ne3A_156 : i32
        %and3A_158 = arith.andi %ne3A_154, %ne3A_157 : i1
        %sub3A_159 = arith.constant 1 : i32
        %sub3A_160 = arith.subi %div3A_139, %sub3A_159 : i32
        %select_n3A_161 = arith.select %and3A_158, %sub3A_160, %div3A_139 : i32
        %dma_start3A_162 = arith.constant 0 : i32
        %dma_start3A_163 = tpu.memref_slice %arg7[%select_n3A_161, %dma_start3A_162] : memref<20004x32xf32, #tpu.memory_space<hbm>> -> memref<1x32xf32, #tpu.memory_space<hbm>>
        %dma_start3A_164 = arith.constant 0 : i32
        %dma_start3A_165 = tpu.memref_slice %arg7[%select_n3A_161, %dma_start3A_164] : memref<20004x32xf32, #tpu.memory_space<hbm>> -> memref<1x32xf32, #tpu.memory_space<hbm>>
        tpu.enqueue_dma source(%dma_start3A_165 : memref<1x32xf32, #tpu.memory_space<hbm>>) target(%arg12 : memref<1x32xf32, #tpu.memory_space<vmem>>) target_semaphore(%arg23 : memref<!tpu.dma_semaphore, #tpu.memory_space<semaphore_mem>>)
        %dma_wait3A = arith.constant 0 : i32
        %dma_wait3A_166 = tpu.memref_slice %arg6[%select_n3A_134, %dma_wait3A] : memref<20004x48xi32, #tpu.memory_space<hbm>> -> memref<1x48xi32, #tpu.memory_space<hbm>>
        %dma_wait3A_167 = arith.constant 0 : i32
        %dma_wait3A_168 = tpu.memref_slice %arg6[%select_n3A_134, %dma_wait3A_167] : memref<20004x48xi32, #tpu.memory_space<hbm>> -> memref<1x48xi32, #tpu.memory_space<hbm>>
        tpu.wait_dma2 semaphore(%arg22 : memref<!tpu.dma_semaphore, #tpu.memory_space<semaphore_mem>>) src(%dma_wait3A_168 : memref<1x48xi32, #tpu.memory_space<hbm>>) dst(%arg11 : memref<1x48xi32, #tpu.memory_space<vmem>>)
        %dma_wait3A_169 = arith.constant 0 : i32
        %dma_wait3A_170 = tpu.memref_slice %arg7[%select_n3A_161, %dma_wait3A_169] : memref<20004x32xf32, #tpu.memory_space<hbm>> -> memref<1x32xf32, #tpu.memory_space<hbm>>
        %dma_wait3A_171 = arith.constant 0 : i32
        %dma_wait3A_172 = tpu.memref_slice %arg7[%select_n3A_161, %dma_wait3A_171] : memref<20004x32xf32, #tpu.memory_space<hbm>> -> memref<1x32xf32, #tpu.memory_space<hbm>>
        tpu.wait_dma2 semaphore(%arg23 : memref<!tpu.dma_semaphore, #tpu.memory_space<semaphore_mem>>) src(%dma_wait3A_172 : memref<1x32xf32, #tpu.memory_space<hbm>>) dst(%arg12 : memref<1x32xf32, #tpu.memory_space<vmem>>)
        %get3A_173 = arith.constant 0 : i32
        %get3A_174 = arith.index_cast %get3A_173 : i32 to index
        %get3A_175 = arith.constant 0 : index
        %get3A_176 = tpu.vector_load %arg11[%get3A_174, %get3A_175] {strides = array<i32>} : memref<1x48xi32, #tpu.memory_space<vmem>>, vector<1x16xi32>,
        %get3A_177 = vector.shape_cast %get3A_176 : vector<1x16xi32> to vector<16xi32>
        %swap3A = arith.constant 0 : index
        %swap3A_178 = tpu.vector_load %arg13[%swap3A] {strides = array<i32>} : memref<16xi32, #tpu.memory_space<vmem>>, vector<16xi32>,
        %swap3A_179 = vector.shape_cast %swap3A_178 : vector<16xi32> to vector<16xi32>
        %swap3A_180 = vector.shape_cast %get3A_177 : vector<16xi32> to vector<16xi32>
        tpu.vector_store %arg13[%swap3A], %swap3A_180 {strides = array<i32>} : memref<16xi32, #tpu.memory_space<vmem>>, vector<16xi32>,
        %dma_start3A_181 = arith.constant 0 : i32
        %dma_start3A_182 = arith.constant 0 : i32
        %dma_start3A_183 = tpu.memref_slice %arg3[%dma_start3A_181, %dma_start3A_182] : memref<20480x640xf32, #tpu.memory_space<hbm>> -> memref<20480x640xf32, #tpu.memory_space<hbm>>
        tpu.enqueue_indirect_dma source(%dma_start3A_183 : memref<20480x640xf32, #tpu.memory_space<hbm>>) target(%arg14 : memref<16x640xf32, #tpu.memory_space<vmem>>) offsets(%arg13 : memref<16xi32, #tpu.memory_space<vmem>>) semaphore(%arg22 : memref<!tpu.dma_semaphore, #tpu.memory_space<semaphore_mem>>)
        %dma_start3A_184 = arith.constant 0 : i32
        %dma_start3A_185 = arith.constant 0 : i32
        %dma_start3A_186 = tpu.memref_slice %arg4[%dma_start3A_184, %dma_start3A_185] : memref<20480x640xf32, #tpu.memory_space<hbm>> -> memref<20480x640xf32, #tpu.memory_space<hbm>>
        tpu.enqueue_indirect_dma source(%dma_start3A_186 : memref<20480x640xf32, #tpu.memory_space<hbm>>) target(%arg15 : memref<16x640xf32, #tpu.memory_space<vmem>>) offsets(%arg13 : memref<16xi32, #tpu.memory_space<vmem>>) semaphore(%arg23 : memref<!tpu.dma_semaphore, #tpu.memory_space<semaphore_mem>>)
        %dma_wait3A_187 = arith.constant 0 : i32
        %dma_wait3A_188 = arith.constant 0 : i32
        %dma_wait3A_189 = tpu.memref_slice %arg3[%dma_wait3A_187, %dma_wait3A_188] : memref<20480x640xf32, #tpu.memory_space<hbm>> -> memref<20480x640xf32, #tpu.memory_space<hbm>>
        tpu.wait_indirect_dma semaphore(%arg22 : memref<!tpu.dma_semaphore, #tpu.memory_space<semaphore_mem>>) src(%dma_wait3A_189 : memref<20480x640xf32, #tpu.memory_space<hbm>>) dst(%arg14 : memref<16x640xf32, #tpu.memory_space<vmem>>)
        %dma_wait3A_190 = arith.constant 0 : i32
        %dma_wait3A_191 = arith.constant 0 : i32
        %dma_wait3A_192 = tpu.memref_slice %arg4[%dma_wait3A_190, %dma_wait3A_191] : memref<20480x640xf32, #tpu.memory_space<hbm>> -> memref<20480x640xf32, #tpu.memory_space<hbm>>
        tpu.wait_indirect_dma semaphore(%arg23 : memref<!tpu.dma_semaphore, #tpu.memory_space<semaphore_mem>>) src(%dma_wait3A_192 : memref<20480x640xf32, #tpu.memory_space<hbm>>) dst(%arg15 : memref<16x640xf32, #tpu.memory_space<vmem>>)
        %scan3A_193 = arith.constant 0 : i32
        %scan3A_194 = arith.constant 16 : i32
        %scan3A_195 = arith.addi %scan3A_193, %scan3A_194 : i32
        %scan3A_196 = arith.constant 1 : i32
        %scan3A_197:4 = scf.for %scan3A_199 = %scan3A_193 to %scan3A_195 step %scan3A_196 iter_args(%scan3A_200 = %while3A_104, %scan3A_201 = %while3A_105, %scan3A_202 = %while3A_106, %scan3A_203 = %while3A_107) -> (vector<16xf32>, vector<16xf32>, vector<16xf32>, i32)  : i32 {
          %add3A_204 = arith.constant 16 : i32
          %add3A_205 = arith.addi %add3A_204, %scan3A_199 : i32
          %get3A_206 = arith.constant 0 : i32
          %get3A_207 = arith.index_cast %get3A_206 : i32 to index
          %get3A_208 = arith.index_cast %add3A_205 : i32 to index
          %get3A_209 = tpu.vector_load %arg11[%get3A_207, %get3A_208] {strides = array<i32>} : memref<1x48xi32, #tpu.memory_space<vmem>>, vector<1x16xi32>,
          %get3A_210 = vector.shape_cast %get3A_209 : vector<1x16xi32> to vector<16xi32>
          %slice3A_211 = vector.extract_strided_slice %get3A_210 {offsets = [0], sizes = [1], strides = [1]} : vector<16xi32> to vector<1xi32>
          %squeeze3A_212 = vector.extract %slice3A_211[0] : i32 from vector<1xi32>
          %get3A_213 = arith.constant 0 : i32
          %get3A_214 = arith.index_cast %get3A_213 : i32 to index
          %get3A_215 = arith.index_cast %scan3A_199 : i32 to index
          %get3A_216 = tpu.vector_load %arg12[%get3A_214, %get3A_215] {strides = array<i32>} : memref<1x32xf32, #tpu.memory_space<vmem>>, vector<1x16xf32>,
          %get3A_217 = vector.shape_cast %get3A_216 : vector<1x16xf32> to vector<16xf32>
          %slice3A_218 = vector.extract_strided_slice %get3A_217 {offsets = [0], sizes = [1], strides = [1]} : vector<16xf32> to vector<1xf32>
          %squeeze3A_219 = vector.extract %slice3A_218[0] : f32 from vector<1xf32>
          %add3A_220 = arith.addi %add3A_110, %scan3A_199 : i32
          %ge3A_221 = arith.cmpi sge, %add3A_220, %squeeze3A : i32
          %lt3A = arith.cmpi slt, %add3A_220, %squeeze3A_41 : i32
          %and3A_222 = arith.andi %ge3A_221, %lt3A : i1
          %ne3A_223 = arith.cmpi ne, %squeeze3A_212, %scan3A_203 : i32
          %and3A_224 = arith.andi %and3A_222, %ne3A_223 : i1
          %ge3A_225 = arith.constant 0 : i32
          %ge3A_226 = arith.cmpi sge, %scan3A_203, %ge3A_225 : i32
          %and3A_227 = arith.andi %and3A_224, %ge3A_226 : i1
          %convert_element_type3A_228 = arith.extui %and3A_227 : i1 to i32
          %cond3A_229 = arith.constant 0 : i32
          %cond3A_230 = arith.constant 0 : i32
          %cond3A_231 = arith.cmpi ne, %convert_element_type3A_228, %cond3A_230 : i32
          %cond3A_232 = scf.if %cond3A_231 -> (i32) {
            %sub3A_1385 = arith.subi %scan3A_203, %mul3A_25 : i32
            %div3A_1386 = arith.constant 1.000000e+00 : f32
            %div3A_1387 = vector.broadcast %div3A_1386 : f32 to vector<16xf32>
            %div3A_1388 = arith.divf %div3A_1387, %scan3A_201 : vector<16xf32>
            %mul3A_1389 = arith.mulf %scan3A_202, %div3A_1388 : vector<16xf32>
            %scan3A_1390 = arith.constant 0 : i32
            %scan3A_1391 = arith.constant 0 : i32
            %scan3A_1392 = arith.constant 5 : i32
            %scan3A_1393 = arith.addi %scan3A_1391, %scan3A_1392 : i32
            %scan3A_1394 = arith.constant 1 : i32
            %scan3A_1395 = scf.for %scan3A_1398 = %scan3A_1391 to %scan3A_1393 step %scan3A_1394 iter_args(%scan3A_1399 = %scan3A_1390) -> (i32)  : i32 {
              %mul3A_1400 = arith.constant 8 : i32
              %mul3A_1401 = arith.muli %scan3A_1398, %mul3A_1400 : i32
              %add3A_1402 = arith.constant 0 : i32
              %add3A_1403 = arith.addi %mul3A_1401, %add3A_1402 : i32
              %get3A_1404 = arith.index_cast %add3A_1403 : i32 to index
              %get3A_1405 = arith.constant 0 : index
              %get3A_1406 = tpu.vector_load %arg19[%get3A_1404, %get3A_1405] {strides = array<i32>} : memref<40x16xf32, #tpu.memory_space<vmem>>, vector<1x16xf32>,
              %get3A_1407 = vector.shape_cast %get3A_1406 : vector<1x16xf32> to vector<16xf32>
              %mul3A_1408 = arith.mulf %get3A_1407, %div3A_1388 : vector<16xf32>
              %get3A_1409 = arith.index_cast %add3A_1403 : i32 to index
              %get3A_1410 = arith.constant 0 : index
              %get3A_1411 = tpu.vector_load %arg20[%get3A_1409, %get3A_1410] {strides = array<i32>} : memref<40x16xf32, #tpu.memory_space<vmem>>, vector<1x16xf32>,
              %get3A_1412 = vector.shape_cast %get3A_1411 : vector<1x16xf32> to vector<16xf32>
              %mul3A_1413 = arith.mulf %mul3A_1389, %get3A_1412 : vector<16xf32>
              %add3A_1414 = arith.addf %mul3A_1408, %mul3A_1413 : vector<16xf32>
              %mul3A_1415 = arith.constant 16 : i32
              %mul3A_1416 = arith.muli %add3A_1403, %mul3A_1415 : i32
              %swap3A_1417 = arith.index_cast %sub3A_1385 : i32 to index
              %swap3A_1418 = arith.index_cast %mul3A_1416 : i32 to index
              %swap3A_1419 = tpu.vector_load %arg18[%swap3A_1417, %swap3A_1418] {strides = array<i32>} : memref<32x640xf32, #tpu.memory_space<vmem>>, vector<1x16xf32>,
              %swap3A_1420 = vector.shape_cast %swap3A_1419 : vector<1x16xf32> to vector<16xf32>
              %swap3A_1421 = vector.shape_cast %add3A_1414 : vector<16xf32> to vector<1x16xf32>
              tpu.vector_store %arg18[%swap3A_1417, %swap3A_1418], %swap3A_1421 {strides = array<i32>} : memref<32x640xf32, #tpu.memory_space<vmem>>, vector<1x16xf32>,
              %swap3A_1422 = arith.index_cast %add3A_1403 : i32 to index
              %swap3A_1423 = arith.constant 0 : index
              %swap3A_1424 = tpu.vector_load %arg19[%swap3A_1422, %swap3A_1423] {strides = array<i32>} : memref<40x16xf32, #tpu.memory_space<vmem>>, vector<1x16xf32>,
              %swap3A_1425 = vector.shape_cast %swap3A_1424 : vector<1x16xf32> to vector<16xf32>
              %swap3A_1426 = vector.shape_cast %broadcast_in_dim3A_1 : vector<16xf32> to vector<1x16xf32>
              tpu.vector_store %arg19[%swap3A_1422, %swap3A_1423], %swap3A_1426 {strides = array<i32>} : memref<40x16xf32, #tpu.memory_space<vmem>>, vector<1x16xf32>,
              %mul3A_1427 = arith.constant 8 : i32
              %mul3A_1428 = arith.muli %scan3A_1398, %mul3A_1427 : i32
              %add3A_1429 = arith.constant 1 : i32
              %add3A_1430 = arith.addi %mul3A_1428, %add3A_1429 : i32
              %get3A_1431 = arith.index_cast %add3A_1430 : i32 to index
              %get3A_1432 = arith.constant 0 : index
              %get3A_1433 = tpu.vector_load %arg19[%get3A_1431, %get3A_1432] {strides = array<i32>} : memref<40x16xf32, #tpu.memory_space<vmem>>, vector<1x16xf32>,
              %get3A_1434 = vector.shape_cast %get3A_1433 : vector<1x16xf32> to vector<16xf32>
              %mul3A_1435 = arith.mulf %get3A_1434, %div3A_1388 : vector<16xf32>
              %get3A_1436 = arith.index_cast %add3A_1430 : i32 to index
              %get3A_1437 = arith.constant 0 : index
              %get3A_1438 = tpu.vector_load %arg20[%get3A_1436, %get3A_1437] {strides = array<i32>} : memref<40x16xf32, #tpu.memory_space<vmem>>, vector<1x16xf32>,
              %get3A_1439 = vector.shape_cast %get3A_1438 : vector<1x16xf32> to vector<16xf32>
              %mul3A_1440 = arith.mulf %mul3A_1389, %get3A_1439 : vector<16xf32>
              %add3A_1441 = arith.addf %mul3A_1435, %mul3A_1440 : vector<16xf32>
              %mul3A_1442 = arith.constant 16 : i32
              %mul3A_1443 = arith.muli %add3A_1430, %mul3A_1442 : i32
              %swap3A_1444 = arith.index_cast %sub3A_1385 : i32 to index
              %swap3A_1445 = arith.index_cast %mul3A_1443 : i32 to index
              %swap3A_1446 = tpu.vector_load %arg18[%swap3A_1444, %swap3A_1445] {strides = array<i32>} : memref<32x640xf32, #tpu.memory_space<vmem>>, vector<1x16xf32>,
              %swap3A_1447 = vector.shape_cast %swap3A_1446 : vector<1x16xf32> to vector<16xf32>
              %swap3A_1448 = vector.shape_cast %add3A_1441 : vector<16xf32> to vector<1x16xf32>
              tpu.vector_store %arg18[%swap3A_1444, %swap3A_1445], %swap3A_1448 {strides = array<i32>} : memref<32x640xf32, #tpu.memory_space<vmem>>, vector<1x16xf32>,
              %swap3A_1449 = arith.index_cast %add3A_1430 : i32 to index
              %swap3A_1450 = arith.constant 0 : index
              %swap3A_1451 = tpu.vector_load %arg19[%swap3A_1449, %swap3A_1450] {strides = array<i32>} : memref<40x16xf32, #tpu.memory_space<vmem>>, vector<1x16xf32>,
              %swap3A_1452 = vector.shape_cast %swap3A_1451 : vector<1x16xf32> to vector<16xf32>
              %swap3A_1453 = vector.shape_cast %broadcast_in_dim3A_1 : vector<16xf32> to vector<1x16xf32>
              tpu.vector_store %arg19[%swap3A_1449, %swap3A_1450], %swap3A_1453 {strides = array<i32>} : memref<40x16xf32, #tpu.memory_space<vmem>>, vector<1x16xf32>,
              %mul3A_1454 = arith.constant 8 : i32
              %mul3A_1455 = arith.muli %scan3A_1398, %mul3A_1454 : i32
              %add3A_1456 = arith.constant 2 : i32
              %add3A_1457 = arith.addi %mul3A_1455, %add3A_1456 : i32
              %get3A_1458 = arith.index_cast %add3A_1457 : i32 to index
              %get3A_1459 = arith.constant 0 : index
              %get3A_1460 = tpu.vector_load %arg19[%get3A_1458, %get3A_1459] {strides = array<i32>} : memref<40x16xf32, #tpu.memory_space<vmem>>, vector<1x16xf32>,
              %get3A_1461 = vector.shape_cast %get3A_1460 : vector<1x16xf32> to vector<16xf32>
              %mul3A_1462 = arith.mulf %get3A_1461, %div3A_1388 : vector<16xf32>
              %get3A_1463 = arith.index_cast %add3A_1457 : i32 to index
              %get3A_1464 = arith.constant 0 : index
              %get3A_1465 = tpu.vector_load %arg20[%get3A_1463, %get3A_1464] {strides = array<i32>} : memref<40x16xf32, #tpu.memory_space<vmem>>, vector<1x16xf32>,
              %get3A_1466 = vector.shape_cast %get3A_1465 : vector<1x16xf32> to vector<16xf32>
              %mul3A_1467 = arith.mulf %mul3A_1389, %get3A_1466 : vector<16xf32>
              %add3A_1468 = arith.addf %mul3A_1462, %mul3A_1467 : vector<16xf32>
              %mul3A_1469 = arith.constant 16 : i32
              %mul3A_1470 = arith.muli %add3A_1457, %mul3A_1469 : i32
              %swap3A_1471 = arith.index_cast %sub3A_1385 : i32 to index
              %swap3A_1472 = arith.index_cast %mul3A_1470 : i32 to index
              %swap3A_1473 = tpu.vector_load %arg18[%swap3A_1471, %swap3A_1472] {strides = array<i32>} : memref<32x640xf32, #tpu.memory_space<vmem>>, vector<1x16xf32>,
              %swap3A_1474 = vector.shape_cast %swap3A_1473 : vector<1x16xf32> to vector<16xf32>
              %swap3A_1475 = vector.shape_cast %add3A_1468 : vector<16xf32> to vector<1x16xf32>
              tpu.vector_store %arg18[%swap3A_1471, %swap3A_1472], %swap3A_1475 {strides = array<i32>} : memref<32x640xf32, #tpu.memory_space<vmem>>, vector<1x16xf32>,
              %swap3A_1476 = arith.index_cast %add3A_1457 : i32 to index
              %swap3A_1477 = arith.constant 0 : index
              %swap3A_1478 = tpu.vector_load %arg19[%swap3A_1476, %swap3A_1477] {strides = array<i32>} : memref<40x16xf32, #tpu.memory_space<vmem>>, vector<1x16xf32>,
              %swap3A_1479 = vector.shape_cast %swap3A_1478 : vector<1x16xf32> to vector<16xf32>
              %swap3A_1480 = vector.shape_cast %broadcast_in_dim3A_1 : vector<16xf32> to vector<1x16xf32>
              tpu.vector_store %arg19[%swap3A_1476, %swap3A_1477], %swap3A_1480 {strides = array<i32>} : memref<40x16xf32, #tpu.memory_space<vmem>>, vector<1x16xf32>,
              %mul3A_1481 = arith.constant 8 : i32
              %mul3A_1482 = arith.muli %scan3A_1398, %mul3A_1481 : i32
              %add3A_1483 = arith.constant 3 : i32
              %add3A_1484 = arith.addi %mul3A_1482, %add3A_1483 : i32
              %get3A_1485 = arith.index_cast %add3A_1484 : i32 to index
              %get3A_1486 = arith.constant 0 : index
              %get3A_1487 = tpu.vector_load %arg19[%get3A_1485, %get3A_1486] {strides = array<i32>} : memref<40x16xf32, #tpu.memory_space<vmem>>, vector<1x16xf32>,
              %get3A_1488 = vector.shape_cast %get3A_1487 : vector<1x16xf32> to vector<16xf32>
              %mul3A_1489 = arith.mulf %get3A_1488, %div3A_1388 : vector<16xf32>
              %get3A_1490 = arith.index_cast %add3A_1484 : i32 to index
              %get3A_1491 = arith.constant 0 : index
              %get3A_1492 = tpu.vector_load %arg20[%get3A_1490, %get3A_1491] {strides = array<i32>} : memref<40x16xf32, #tpu.memory_space<vmem>>, vector<1x16xf32>,
              %get3A_1493 = vector.shape_cast %get3A_1492 : vector<1x16xf32> to vector<16xf32>
              %mul3A_1494 = arith.mulf %mul3A_1389, %get3A_1493 : vector<16xf32>
              %add3A_1495 = arith.addf %mul3A_1489, %mul3A_1494 : vector<16xf32>
              %mul3A_1496 = arith.constant 16 : i32
              %mul3A_1497 = arith.muli %add3A_1484, %mul3A_1496 : i32
              %swap3A_1498 = arith.index_cast %sub3A_1385 : i32 to index
              %swap3A_1499 = arith.index_cast %mul3A_1497 : i32 to index
              %swap3A_1500 = tpu.vector_load %arg18[%swap3A_1498, %swap3A_1499] {strides = array<i32>} : memref<32x640xf32, #tpu.memory_space<vmem>>, vector<1x16xf32>,
              %swap3A_1501 = vector.shape_cast %swap3A_1500 : vector<1x16xf32> to vector<16xf32>
              %swap3A_1502 = vector.shape_cast %add3A_1495 : vector<16xf32> to vector<1x16xf32>
              tpu.vector_store %arg18[%swap3A_1498, %swap3A_1499], %swap3A_1502 {strides = array<i32>} : memref<32x640xf32, #tpu.memory_space<vmem>>, vector<1x16xf32>,
              %swap3A_1503 = arith.index_cast %add3A_1484 : i32 to index
              %swap3A_1504 = arith.constant 0 : index
              %swap3A_1505 = tpu.vector_load %arg19[%swap3A_1503, %swap3A_1504] {strides = array<i32>} : memref<40x16xf32, #tpu.memory_space<vmem>>, vector<1x16xf32>,
              %swap3A_1506 = vector.shape_cast %swap3A_1505 : vector<1x16xf32> to vector<16xf32>
              %swap3A_1507 = vector.shape_cast %broadcast_in_dim3A_1 : vector<16xf32> to vector<1x16xf32>
              tpu.vector_store %arg19[%swap3A_1503, %swap3A_1504], %swap3A_1507 {strides = array<i32>} : memref<40x16xf32, #tpu.memory_space<vmem>>, vector<1x16xf32>,
              %mul3A_1508 = arith.constant 8 : i32
              %mul3A_1509 = arith.muli %scan3A_1398, %mul3A_1508 : i32
              %add3A_1510 = arith.constant 4 : i32
              %add3A_1511 = arith.addi %mul3A_1509, %add3A_1510 : i32
              %get3A_1512 = arith.index_cast %add3A_1511 : i32 to index
              %get3A_1513 = arith.constant 0 : index
              %get3A_1514 = tpu.vector_load %arg19[%get3A_1512, %get3A_1513] {strides = array<i32>} : memref<40x16xf32, #tpu.memory_space<vmem>>, vector<1x16xf32>,
              %get3A_1515 = vector.shape_cast %get3A_1514 : vector<1x16xf32> to vector<16xf32>
              %mul3A_1516 = arith.mulf %get3A_1515, %div3A_1388 : vector<16xf32>
              %get3A_1517 = arith.index_cast %add3A_1511 : i32 to index
              %get3A_1518 = arith.constant 0 : index
              %get3A_1519 = tpu.vector_load %arg20[%get3A_1517, %get3A_1518] {strides = array<i32>} : memref<40x16xf32, #tpu.memory_space<vmem>>, vector<1x16xf32>,
              %get3A_1520 = vector.shape_cast %get3A_1519 : vector<1x16xf32> to vector<16xf32>
              %mul3A_1521 = arith.mulf %mul3A_1389, %get3A_1520 : vector<16xf32>
              %add3A_1522 = arith.addf %mul3A_1516, %mul3A_1521 : vector<16xf32>
              %mul3A_1523 = arith.constant 16 : i32
              %mul3A_1524 = arith.muli %add3A_1511, %mul3A_1523 : i32
              %swap3A_1525 = arith.index_cast %sub3A_1385 : i32 to index
              %swap3A_1526 = arith.index_cast %mul3A_1524 : i32 to index
              %swap3A_1527 = tpu.vector_load %arg18[%swap3A_1525, %swap3A_1526] {strides = array<i32>} : memref<32x640xf32, #tpu.memory_space<vmem>>, vector<1x16xf32>,
              %swap3A_1528 = vector.shape_cast %swap3A_1527 : vector<1x16xf32> to vector<16xf32>
              %swap3A_1529 = vector.shape_cast %add3A_1522 : vector<16xf32> to vector<1x16xf32>
              tpu.vector_store %arg18[%swap3A_1525, %swap3A_1526], %swap3A_1529 {strides = array<i32>} : memref<32x640xf32, #tpu.memory_space<vmem>>, vector<1x16xf32>,
              %swap3A_1530 = arith.index_cast %add3A_1511 : i32 to index
              %swap3A_1531 = arith.constant 0 : index
              %swap3A_1532 = tpu.vector_load %arg19[%swap3A_1530, %swap3A_1531] {strides = array<i32>} : memref<40x16xf32, #tpu.memory_space<vmem>>, vector<1x16xf32>,
              %swap3A_1533 = vector.shape_cast %swap3A_1532 : vector<1x16xf32> to vector<16xf32>
              %swap3A_1534 = vector.shape_cast %broadcast_in_dim3A_1 : vector<16xf32> to vector<1x16xf32>
              tpu.vector_store %arg19[%swap3A_1530, %swap3A_1531], %swap3A_1534 {strides = array<i32>} : memref<40x16xf32, #tpu.memory_space<vmem>>, vector<1x16xf32>,
              %mul3A_1535 = arith.constant 8 : i32
              %mul3A_1536 = arith.muli %scan3A_1398, %mul3A_1535 : i32
              %add3A_1537 = arith.constant 5 : i32
              %add3A_1538 = arith.addi %mul3A_1536, %add3A_1537 : i32
              %get3A_1539 = arith.index_cast %add3A_1538 : i32 to index
              %get3A_1540 = arith.constant 0 : index
              %get3A_1541 = tpu.vector_load %arg19[%get3A_1539, %get3A_1540] {strides = array<i32>} : memref<40x16xf32, #tpu.memory_space<vmem>>, vector<1x16xf32>,
              %get3A_1542 = vector.shape_cast %get3A_1541 : vector<1x16xf32> to vector<16xf32>
              %mul3A_1543 = arith.mulf %get3A_1542, %div3A_1388 : vector<16xf32>
              %get3A_1544 = arith.index_cast %add3A_1538 : i32 to index
              %get3A_1545 = arith.constant 0 : index
              %get3A_1546 = tpu.vector_load %arg20[%get3A_1544, %get3A_1545] {strides = array<i32>} : memref<40x16xf32, #tpu.memory_space<vmem>>, vector<1x16xf32>,
              %get3A_1547 = vector.shape_cast %get3A_1546 : vector<1x16xf32> to vector<16xf32>
              %mul3A_1548 = arith.mulf %mul3A_1389, %get3A_1547 : vector<16xf32>
              %add3A_1549 = arith.addf %mul3A_1543, %mul3A_1548 : vector<16xf32>
              %mul3A_1550 = arith.constant 16 : i32
              %mul3A_1551 = arith.muli %add3A_1538, %mul3A_1550 : i32
              %swap3A_1552 = arith.index_cast %sub3A_1385 : i32 to index
              %swap3A_1553 = arith.index_cast %mul3A_1551 : i32 to index
              %swap3A_1554 = tpu.vector_load %arg18[%swap3A_1552, %swap3A_1553] {strides = array<i32>} : memref<32x640xf32, #tpu.memory_space<vmem>>, vector<1x16xf32>,
              %swap3A_1555 = vector.shape_cast %swap3A_1554 : vector<1x16xf32> to vector<16xf32>
              %swap3A_1556 = vector.shape_cast %add3A_1549 : vector<16xf32> to vector<1x16xf32>
              tpu.vector_store %arg18[%swap3A_1552, %swap3A_1553], %swap3A_1556 {strides = array<i32>} : memref<32x640xf32, #tpu.memory_space<vmem>>, vector<1x16xf32>,
              %swap3A_1557 = arith.index_cast %add3A_1538 : i32 to index
              %swap3A_1558 = arith.constant 0 : index
              %swap3A_1559 = tpu.vector_load %arg19[%swap3A_1557, %swap3A_1558] {strides = array<i32>} : memref<40x16xf32, #tpu.memory_space<vmem>>, vector<1x16xf32>,
              %swap3A_1560 = vector.shape_cast %swap3A_1559 : vector<1x16xf32> to vector<16xf32>
              %swap3A_1561 = vector.shape_cast %broadcast_in_dim3A_1 : vector<16xf32> to vector<1x16xf32>
              tpu.vector_store %arg19[%swap3A_1557, %swap3A_1558], %swap3A_1561 {strides = array<i32>} : memref<40x16xf32, #tpu.memory_space<vmem>>, vector<1x16xf32>,
              %mul3A_1562 = arith.constant 8 : i32
              %mul3A_1563 = arith.muli %scan3A_1398, %mul3A_1562 : i32
              %add3A_1564 = arith.constant 6 : i32
              %add3A_1565 = arith.addi %mul3A_1563, %add3A_1564 : i32
              %get3A_1566 = arith.index_cast %add3A_1565 : i32 to index
              %get3A_1567 = arith.constant 0 : index
              %get3A_1568 = tpu.vector_load %arg19[%get3A_1566, %get3A_1567] {strides = array<i32>} : memref<40x16xf32, #tpu.memory_space<vmem>>, vector<1x16xf32>,
              %get3A_1569 = vector.shape_cast %get3A_1568 : vector<1x16xf32> to vector<16xf32>
              %mul3A_1570 = arith.mulf %get3A_1569, %div3A_1388 : vector<16xf32>
              %get3A_1571 = arith.index_cast %add3A_1565 : i32 to index
              %get3A_1572 = arith.constant 0 : index
              %get3A_1573 = tpu.vector_load %arg20[%get3A_1571, %get3A_1572] {strides = array<i32>} : memref<40x16xf32, #tpu.memory_space<vmem>>, vector<1x16xf32>,
              %get3A_1574 = vector.shape_cast %get3A_1573 : vector<1x16xf32> to vector<16xf32>
              %mul3A_1575 = arith.mulf %mul3A_1389, %get3A_1574 : vector<16xf32>
              %add3A_1576 = arith.addf %mul3A_1570, %mul3A_1575 : vector<16xf32>
              %mul3A_1577 = arith.constant 16 : i32
              %mul3A_1578 = arith.muli %add3A_1565, %mul3A_1577 : i32
              %swap3A_1579 = arith.index_cast %sub3A_1385 : i32 to index
              %swap3A_1580 = arith.index_cast %mul3A_1578 : i32 to index
              %swap3A_1581 = tpu.vector_load %arg18[%swap3A_1579, %swap3A_1580] {strides = array<i32>} : memref<32x640xf32, #tpu.memory_space<vmem>>, vector<1x16xf32>,
              %swap3A_1582 = vector.shape_cast %swap3A_1581 : vector<1x16xf32> to vector<16xf32>
              %swap3A_1583 = vector.shape_cast %add3A_1576 : vector<16xf32> to vector<1x16xf32>
              tpu.vector_store %arg18[%swap3A_1579, %swap3A_1580], %swap3A_1583 {strides = array<i32>} : memref<32x640xf32, #tpu.memory_space<vmem>>, vector<1x16xf32>,
              %swap3A_1584 = arith.index_cast %add3A_1565 : i32 to index
              %swap3A_1585 = arith.constant 0 : index
              %swap3A_1586 = tpu.vector_load %arg19[%swap3A_1584, %swap3A_1585] {strides = array<i32>} : memref<40x16xf32, #tpu.memory_space<vmem>>, vector<1x16xf32>,
              %swap3A_1587 = vector.shape_cast %swap3A_1586 : vector<1x16xf32> to vector<16xf32>
              %swap3A_1588 = vector.shape_cast %broadcast_in_dim3A_1 : vector<16xf32> to vector<1x16xf32>
              tpu.vector_store %arg19[%swap3A_1584, %swap3A_1585], %swap3A_1588 {strides = array<i32>} : memref<40x16xf32, #tpu.memory_space<vmem>>, vector<1x16xf32>,
              %mul3A_1589 = arith.constant 8 : i32
              %mul3A_1590 = arith.muli %scan3A_1398, %mul3A_1589 : i32
              %add3A_1591 = arith.constant 7 : i32
              %add3A_1592 = arith.addi %mul3A_1590, %add3A_1591 : i32
              %get3A_1593 = arith.index_cast %add3A_1592 : i32 to index
              %get3A_1594 = arith.constant 0 : index
              %get3A_1595 = tpu.vector_load %arg19[%get3A_1593, %get3A_1594] {strides = array<i32>} : memref<40x16xf32, #tpu.memory_space<vmem>>, vector<1x16xf32>,
              %get3A_1596 = vector.shape_cast %get3A_1595 : vector<1x16xf32> to vector<16xf32>
              %mul3A_1597 = arith.mulf %get3A_1596, %div3A_1388 : vector<16xf32>
              %get3A_1598 = arith.index_cast %add3A_1592 : i32 to index
              %get3A_1599 = arith.constant 0 : index
              %get3A_1600 = tpu.vector_load %arg20[%get3A_1598, %get3A_1599] {strides = array<i32>} : memref<40x16xf32, #tpu.memory_space<vmem>>, vector<1x16xf32>,
              %get3A_1601 = vector.shape_cast %get3A_1600 : vector<1x16xf32> to vector<16xf32>
              %mul3A_1602 = arith.mulf %mul3A_1389, %get3A_1601 : vector<16xf32>
              %add3A_1603 = arith.addf %mul3A_1597, %mul3A_1602 : vector<16xf32>
              %mul3A_1604 = arith.constant 16 : i32
              %mul3A_1605 = arith.muli %add3A_1592, %mul3A_1604 : i32
              %swap3A_1606 = arith.index_cast %sub3A_1385 : i32 to index
              %swap3A_1607 = arith.index_cast %mul3A_1605 : i32 to index
              %swap3A_1608 = tpu.vector_load %arg18[%swap3A_1606, %swap3A_1607] {strides = array<i32>} : memref<32x640xf32, #tpu.memory_space<vmem>>, vector<1x16xf32>,
              %swap3A_1609 = vector.shape_cast %swap3A_1608 : vector<1x16xf32> to vector<16xf32>
              %swap3A_1610 = vector.shape_cast %add3A_1603 : vector<16xf32> to vector<1x16xf32>
              tpu.vector_store %arg18[%swap3A_1606, %swap3A_1607], %swap3A_1610 {strides = array<i32>} : memref<32x640xf32, #tpu.memory_space<vmem>>, vector<1x16xf32>,
              %swap3A_1611 = arith.index_cast %add3A_1592 : i32 to index
              %swap3A_1612 = arith.constant 0 : index
              %swap3A_1613 = tpu.vector_load %arg19[%swap3A_1611, %swap3A_1612] {strides = array<i32>} : memref<40x16xf32, #tpu.memory_space<vmem>>, vector<1x16xf32>,
              %swap3A_1614 = vector.shape_cast %swap3A_1613 : vector<1x16xf32> to vector<16xf32>
              %swap3A_1615 = vector.shape_cast %broadcast_in_dim3A_1 : vector<16xf32> to vector<1x16xf32>
              tpu.vector_store %arg19[%swap3A_1611, %swap3A_1612], %swap3A_1615 {strides = array<i32>} : memref<40x16xf32, #tpu.memory_space<vmem>>, vector<1x16xf32>,
              %scan3A_1616 = arith.constant 0 : i32
              scf.yield %scan3A_1616 : i32
            }
            %scan3A_1396 = arith.constant 5 : i32
            %cond3A_1397 = arith.constant 0 : i32
            scf.yield %cond3A_1397 : i32
          } else {
            %cond3A_1385 = arith.constant 0 : i32
            scf.yield %cond3A_1385 : i32
          }
          %select_n3A_233 = arith.select %and3A_224, %broadcast_in_dim3A_3, %scan3A_200 : vector<16xf32>
          %select_n3A_234 = arith.select %and3A_224, %broadcast_in_dim3A_1, %scan3A_201 : vector<16xf32>
          %select_n3A_235 = arith.select %and3A_224, %broadcast_in_dim3A_1, %scan3A_202 : vector<16xf32>
          %sub3A_236 = arith.subi %squeeze3A_212, %mul3A_25 : i32
          %jit3A_237 = arith.constant 0 : i32
          %jit3A_238 = arith.constant 31 : i32
          %max3A = arith.maxsi %jit3A_237, %sub3A_236 : i32
          %min3A = arith.minsi %jit3A_238, %max3A : i32
          %get3A_239 = arith.index_cast %min3A : i32 to index
          %get3A_240 = arith.constant 0 : index
          %get3A_241 = tpu.vector_load %arg16[%get3A_239, %get3A_240] {strides = array<i32>} : memref<32x640xf32, #tpu.memory_space<vmem>>, vector<1x16xf32>,
          %get3A_242 = vector.shape_cast %get3A_241 : vector<1x16xf32> to vector<16xf32>
          %get3A_243 = arith.index_cast %scan3A_199 : i32 to index
          %get3A_244 = arith.constant 0 : index
          %get3A_245 = tpu.vector_load %arg14[%get3A_243, %get3A_244] {strides = array<i32>} : memref<16x640xf32, #tpu.memory_space<vmem>>, vector<1x16xf32>,
          %get3A_246 = vector.shape_cast %get3A_245 : vector<1x16xf32> to vector<16xf32>
          %mul3A_247 = arith.mulf %get3A_242, %get3A_246 : vector<16xf32>
          %add3A_248 = arith.addf %broadcast_in_dim3A_1, %mul3A_247 : vector<16xf32>
          %get3A_249 = arith.index_cast %min3A : i32 to index
          %get3A_250 = arith.constant 16 : index
          %get3A_251 = tpu.vector_load %arg16[%get3A_249, %get3A_250] {strides = array<i32>} : memref<32x640xf32, #tpu.memory_space<vmem>>, vector<1x16xf32>,
          %get3A_252 = vector.shape_cast %get3A_251 : vector<1x16xf32> to vector<16xf32>
          %get3A_253 = arith.index_cast %scan3A_199 : i32 to index
          %get3A_254 = arith.constant 16 : index
          %get3A_255 = tpu.vector_load %arg14[%get3A_253, %get3A_254] {strides = array<i32>} : memref<16x640xf32, #tpu.memory_space<vmem>>, vector<1x16xf32>,
          %get3A_256 = vector.shape_cast %get3A_255 : vector<1x16xf32> to vector<16xf32>
          %mul3A_257 = arith.mulf %get3A_252, %get3A_256 : vector<16xf32>
          %add3A_258 = arith.addf %add3A_248, %mul3A_257 : vector<16xf32>
          %get3A_259 = arith.index_cast %min3A : i32 to index
          %get3A_260 = arith.constant 32 : index
          %get3A_261 = tpu.vector_load %arg16[%get3A_259, %get3A_260] {strides = array<i32>} : memref<32x640xf32, #tpu.memory_space<vmem>>, vector<1x16xf32>,
          %get3A_262 = vector.shape_cast %get3A_261 : vector<1x16xf32> to vector<16xf32>
          %get3A_263 = arith.index_cast %scan3A_199 : i32 to index
          %get3A_264 = arith.constant 32 : index
          %get3A_265 = tpu.vector_load %arg14[%get3A_263, %get3A_264] {strides = array<i32>} : memref<16x640xf32, #tpu.memory_space<vmem>>, vector<1x16xf32>,
          %get3A_266 = vector.shape_cast %get3A_265 : vector<1x16xf32> to vector<16xf32>
          %mul3A_267 = arith.mulf %get3A_262, %get3A_266 : vector<16xf32>
          %add3A_268 = arith.addf %add3A_258, %mul3A_267 : vector<16xf32>
          %get3A_269 = arith.index_cast %min3A : i32 to index
          %get3A_270 = arith.constant 48 : index
          %get3A_271 = tpu.vector_load %arg16[%get3A_269, %get3A_270] {strides = array<i32>} : memref<32x640xf32, #tpu.memory_space<vmem>>, vector<1x16xf32>,
          %get3A_272 = vector.shape_cast %get3A_271 : vector<1x16xf32> to vector<16xf32>
          %get3A_273 = arith.index_cast %scan3A_199 : i32 to index
          %get3A_274 = arith.constant 48 : index
          %get3A_275 = tpu.vector_load %arg14[%get3A_273, %get3A_274] {strides = array<i32>} : memref<16x640xf32, #tpu.memory_space<vmem>>, vector<1x16xf32>,
          %get3A_276 = vector.shape_cast %get3A_275 : vector<1x16xf32> to vector<16xf32>
          %mul3A_277 = arith.mulf %get3A_272, %get3A_276 : vector<16xf32>
          %add3A_278 = arith.addf %add3A_268, %mul3A_277 : vector<16xf32>
          %get3A_279 = arith.index_cast %min3A : i32 to index
          %get3A_280 = arith.constant 64 : index
          %get3A_281 = tpu.vector_load %arg16[%get3A_279, %get3A_280] {strides = array<i32>} : memref<32x640xf32, #tpu.memory_space<vmem>>, vector<1x16xf32>,
          %get3A_282 = vector.shape_cast %get3A_281 : vector<1x16xf32> to vector<16xf32>
          %get3A_283 = arith.index_cast %scan3A_199 : i32 to index
          %get3A_284 = arith.constant 64 : index
          %get3A_285 = tpu.vector_load %arg14[%get3A_283, %get3A_284] {strides = array<i32>} : memref<16x640xf32, #tpu.memory_space<vmem>>, vector<1x16xf32>,
          %get3A_286 = vector.shape_cast %get3A_285 : vector<1x16xf32> to vector<16xf32>
          %mul3A_287 = arith.mulf %get3A_282, %get3A_286 : vector<16xf32>
          %add3A_288 = arith.addf %add3A_278, %mul3A_287 : vector<16xf32>
          %get3A_289 = arith.index_cast %min3A : i32 to index
          %get3A_290 = arith.constant 80 : index
          %get3A_291 = tpu.vector_load %arg16[%get3A_289, %get3A_290] {strides = array<i32>} : memref<32x640xf32, #tpu.memory_space<vmem>>, vector<1x16xf32>,
          %get3A_292 = vector.shape_cast %get3A_291 : vector<1x16xf32> to vector<16xf32>
          %get3A_293 = arith.index_cast %scan3A_199 : i32 to index
          %get3A_294 = arith.constant 80 : index
          %get3A_295 = tpu.vector_load %arg14[%get3A_293, %get3A_294] {strides = array<i32>} : memref<16x640xf32, #tpu.memory_space<vmem>>, vector<1x16xf32>,
          %get3A_296 = vector.shape_cast %get3A_295 : vector<1x16xf32> to vector<16xf32>
          %mul3A_297 = arith.mulf %get3A_292, %get3A_296 : vector<16xf32>
          %add3A_298 = arith.addf %add3A_288, %mul3A_297 : vector<16xf32>
          %get3A_299 = arith.index_cast %min3A : i32 to index
          %get3A_300 = arith.constant 96 : index
          %get3A_301 = tpu.vector_load %arg16[%get3A_299, %get3A_300] {strides = array<i32>} : memref<32x640xf32, #tpu.memory_space<vmem>>, vector<1x16xf32>,
          %get3A_302 = vector.shape_cast %get3A_301 : vector<1x16xf32> to vector<16xf32>
          %get3A_303 = arith.index_cast %scan3A_199 : i32 to index
          %get3A_304 = arith.constant 96 : index
          %get3A_305 = tpu.vector_load %arg14[%get3A_303, %get3A_304] {strides = array<i32>} : memref<16x640xf32, #tpu.memory_space<vmem>>, vector<1x16xf32>,
          %get3A_306 = vector.shape_cast %get3A_305 : vector<1x16xf32> to vector<16xf32>
          %mul3A_307 = arith.mulf %get3A_302, %get3A_306 : vector<16xf32>
          %add3A_308 = arith.addf %add3A_298, %mul3A_307 : vector<16xf32>
          %get3A_309 = arith.index_cast %min3A : i32 to index
          %get3A_310 = arith.constant 112 : index
          %get3A_311 = tpu.vector_load %arg16[%get3A_309, %get3A_310] {strides = array<i32>} : memref<32x640xf32, #tpu.memory_space<vmem>>, vector<1x16xf32>,
          %get3A_312 = vector.shape_cast %get3A_311 : vector<1x16xf32> to vector<16xf32>
          %get3A_313 = arith.index_cast %scan3A_199 : i32 to index
          %get3A_314 = arith.constant 112 : index
          %get3A_315 = tpu.vector_load %arg14[%get3A_313, %get3A_314] {strides = array<i32>} : memref<16x640xf32, #tpu.memory_space<vmem>>, vector<1x16xf32>,
          %get3A_316 = vector.shape_cast %get3A_315 : vector<1x16xf32> to vector<16xf32>
          %mul3A_317 = arith.mulf %get3A_312, %get3A_316 : vector<16xf32>
          %add3A_318 = arith.addf %add3A_308, %mul3A_317 : vector<16xf32>
          %get3A_319 = arith.index_cast %min3A : i32 to index
          %get3A_320 = arith.constant 128 : index
          %get3A_321 = tpu.vector_load %arg16[%get3A_319, %get3A_320] {strides = array<i32>} : memref<32x640xf32, #tpu.memory_space<vmem>>, vector<1x16xf32>,
          %get3A_322 = vector.shape_cast %get3A_321 : vector<1x16xf32> to vector<16xf32>
          %get3A_323 = arith.index_cast %scan3A_199 : i32 to index
          %get3A_324 = arith.constant 128 : index
          %get3A_325 = tpu.vector_load %arg14[%get3A_323, %get3A_324] {strides = array<i32>} : memref<16x640xf32, #tpu.memory_space<vmem>>, vector<1x16xf32>,
          %get3A_326 = vector.shape_cast %get3A_325 : vector<1x16xf32> to vector<16xf32>
          %mul3A_327 = arith.mulf %get3A_322, %get3A_326 : vector<16xf32>
          %add3A_328 = arith.addf %add3A_318, %mul3A_327 : vector<16xf32>
          %get3A_329 = arith.index_cast %min3A : i32 to index
          %get3A_330 = arith.constant 144 : index
          %get3A_331 = tpu.vector_load %arg16[%get3A_329, %get3A_330] {strides = array<i32>} : memref<32x640xf32, #tpu.memory_space<vmem>>, vector<1x16xf32>,
          %get3A_332 = vector.shape_cast %get3A_331 : vector<1x16xf32> to vector<16xf32>
          %get3A_333 = arith.index_cast %scan3A_199 : i32 to index
          %get3A_334 = arith.constant 144 : index
          %get3A_335 = tpu.vector_load %arg14[%get3A_333, %get3A_334] {strides = array<i32>} : memref<16x640xf32, #tpu.memory_space<vmem>>, vector<1x16xf32>,
          %get3A_336 = vector.shape_cast %get3A_335 : vector<1x16xf32> to vector<16xf32>
          %mul3A_337 = arith.mulf %get3A_332, %get3A_336 : vector<16xf32>
          %add3A_338 = arith.addf %add3A_328, %mul3A_337 : vector<16xf32>
          %get3A_339 = arith.index_cast %min3A : i32 to index
          %get3A_340 = arith.constant 160 : index
          %get3A_341 = tpu.vector_load %arg16[%get3A_339, %get3A_340] {strides = array<i32>} : memref<32x640xf32, #tpu.memory_space<vmem>>, vector<1x16xf32>,
          %get3A_342 = vector.shape_cast %get3A_341 : vector<1x16xf32> to vector<16xf32>
          %get3A_343 = arith.index_cast %scan3A_199 : i32 to index
          %get3A_344 = arith.constant 160 : index
          %get3A_345 = tpu.vector_load %arg14[%get3A_343, %get3A_344] {strides = array<i32>} : memref<16x640xf32, #tpu.memory_space<vmem>>, vector<1x16xf32>,
          %get3A_346 = vector.shape_cast %get3A_345 : vector<1x16xf32> to vector<16xf32>
          %mul3A_347 = arith.mulf %get3A_342, %get3A_346 : vector<16xf32>
          %add3A_348 = arith.addf %add3A_338, %mul3A_347 : vector<16xf32>
          %get3A_349 = arith.index_cast %min3A : i32 to index
          %get3A_350 = arith.constant 176 : index
          %get3A_351 = tpu.vector_load %arg16[%get3A_349, %get3A_350] {strides = array<i32>} : memref<32x640xf32, #tpu.memory_space<vmem>>, vector<1x16xf32>,
          %get3A_352 = vector.shape_cast %get3A_351 : vector<1x16xf32> to vector<16xf32>
          %get3A_353 = arith.index_cast %scan3A_199 : i32 to index
          %get3A_354 = arith.constant 176 : index
          %get3A_355 = tpu.vector_load %arg14[%get3A_353, %get3A_354] {strides = array<i32>} : memref<16x640xf32, #tpu.memory_space<vmem>>, vector<1x16xf32>,
          %get3A_356 = vector.shape_cast %get3A_355 : vector<1x16xf32> to vector<16xf32>
          %mul3A_357 = arith.mulf %get3A_352, %get3A_356 : vector<16xf32>
          %add3A_358 = arith.addf %add3A_348, %mul3A_357 : vector<16xf32>
          %get3A_359 = arith.index_cast %min3A : i32 to index
          %get3A_360 = arith.constant 192 : index
          %get3A_361 = tpu.vector_load %arg16[%get3A_359, %get3A_360] {strides = array<i32>} : memref<32x640xf32, #tpu.memory_space<vmem>>, vector<1x16xf32>,
          %get3A_362 = vector.shape_cast %get3A_361 : vector<1x16xf32> to vector<16xf32>
          %get3A_363 = arith.index_cast %scan3A_199 : i32 to index
          %get3A_364 = arith.constant 192 : index
          %get3A_365 = tpu.vector_load %arg14[%get3A_363, %get3A_364] {strides = array<i32>} : memref<16x640xf32, #tpu.memory_space<vmem>>, vector<1x16xf32>,
          %get3A_366 = vector.shape_cast %get3A_365 : vector<1x16xf32> to vector<16xf32>
          %mul3A_367 = arith.mulf %get3A_362, %get3A_366 : vector<16xf32>
          %add3A_368 = arith.addf %add3A_358, %mul3A_367 : vector<16xf32>
          %get3A_369 = arith.index_cast %min3A : i32 to index
          %get3A_370 = arith.constant 208 : index
          %get3A_371 = tpu.vector_load %arg16[%get3A_369, %get3A_370] {strides = array<i32>} : memref<32x640xf32, #tpu.memory_space<vmem>>, vector<1x16xf32>,
          %get3A_372 = vector.shape_cast %get3A_371 : vector<1x16xf32> to vector<16xf32>
          %get3A_373 = arith.index_cast %scan3A_199 : i32 to index
          %get3A_374 = arith.constant 208 : index
          %get3A_375 = tpu.vector_load %arg14[%get3A_373, %get3A_374] {strides = array<i32>} : memref<16x640xf32, #tpu.memory_space<vmem>>, vector<1x16xf32>,
          %get3A_376 = vector.shape_cast %get3A_375 : vector<1x16xf32> to vector<16xf32>
          %mul3A_377 = arith.mulf %get3A_372, %get3A_376 : vector<16xf32>
          %add3A_378 = arith.addf %add3A_368, %mul3A_377 : vector<16xf32>
          %get3A_379 = arith.index_cast %min3A : i32 to index
          %get3A_380 = arith.constant 224 : index
          %get3A_381 = tpu.vector_load %arg16[%get3A_379, %get3A_380] {strides = array<i32>} : memref<32x640xf32, #tpu.memory_space<vmem>>, vector<1x16xf32>,
          %get3A_382 = vector.shape_cast %get3A_381 : vector<1x16xf32> to vector<16xf32>
          %get3A_383 = arith.index_cast %scan3A_199 : i32 to index
          %get3A_384 = arith.constant 224 : index
          %get3A_385 = tpu.vector_load %arg14[%get3A_383, %get3A_384] {strides = array<i32>} : memref<16x640xf32, #tpu.memory_space<vmem>>, vector<1x16xf32>,
          %get3A_386 = vector.shape_cast %get3A_385 : vector<1x16xf32> to vector<16xf32>
          %mul3A_387 = arith.mulf %get3A_382, %get3A_386 : vector<16xf32>
          %add3A_388 = arith.addf %add3A_378, %mul3A_387 : vector<16xf32>
          %get3A_389 = arith.index_cast %min3A : i32 to index
          %get3A_390 = arith.constant 240 : index
          %get3A_391 = tpu.vector_load %arg16[%get3A_389, %get3A_390] {strides = array<i32>} : memref<32x640xf32, #tpu.memory_space<vmem>>, vector<1x16xf32>,
          %get3A_392 = vector.shape_cast %get3A_391 : vector<1x16xf32> to vector<16xf32>
          %get3A_393 = arith.index_cast %scan3A_199 : i32 to index
          %get3A_394 = arith.constant 240 : index
          %get3A_395 = tpu.vector_load %arg14[%get3A_393, %get3A_394] {strides = array<i32>} : memref<16x640xf32, #tpu.memory_space<vmem>>, vector<1x16xf32>,
          %get3A_396 = vector.shape_cast %get3A_395 : vector<1x16xf32> to vector<16xf32>
          %mul3A_397 = arith.mulf %get3A_392, %get3A_396 : vector<16xf32>
          %add3A_398 = arith.addf %add3A_388, %mul3A_397 : vector<16xf32>
          %get3A_399 = arith.index_cast %min3A : i32 to index
          %get3A_400 = arith.constant 256 : index
          %get3A_401 = tpu.vector_load %arg16[%get3A_399, %get3A_400] {strides = array<i32>} : memref<32x640xf32, #tpu.memory_space<vmem>>, vector<1x16xf32>,
          %get3A_402 = vector.shape_cast %get3A_401 : vector<1x16xf32> to vector<16xf32>
          %get3A_403 = arith.index_cast %scan3A_199 : i32 to index
          %get3A_404 = arith.constant 256 : index
          %get3A_405 = tpu.vector_load %arg14[%get3A_403, %get3A_404] {strides = array<i32>} : memref<16x640xf32, #tpu.memory_space<vmem>>, vector<1x16xf32>,
          %get3A_406 = vector.shape_cast %get3A_405 : vector<1x16xf32> to vector<16xf32>
          %mul3A_407 = arith.mulf %get3A_402, %get3A_406 : vector<16xf32>
          %add3A_408 = arith.addf %add3A_398, %mul3A_407 : vector<16xf32>
          %get3A_409 = arith.index_cast %min3A : i32 to index
          %get3A_410 = arith.constant 272 : index
          %get3A_411 = tpu.vector_load %arg16[%get3A_409, %get3A_410] {strides = array<i32>} : memref<32x640xf32, #tpu.memory_space<vmem>>, vector<1x16xf32>,
          %get3A_412 = vector.shape_cast %get3A_411 : vector<1x16xf32> to vector<16xf32>
          %get3A_413 = arith.index_cast %scan3A_199 : i32 to index
          %get3A_414 = arith.constant 272 : index
          %get3A_415 = tpu.vector_load %arg14[%get3A_413, %get3A_414] {strides = array<i32>} : memref<16x640xf32, #tpu.memory_space<vmem>>, vector<1x16xf32>,
          %get3A_416 = vector.shape_cast %get3A_415 : vector<1x16xf32> to vector<16xf32>
          %mul3A_417 = arith.mulf %get3A_412, %get3A_416 : vector<16xf32>
          %add3A_418 = arith.addf %add3A_408, %mul3A_417 : vector<16xf32>
          %get3A_419 = arith.index_cast %min3A : i32 to index
          %get3A_420 = arith.constant 288 : index
          %get3A_421 = tpu.vector_load %arg16[%get3A_419, %get3A_420] {strides = array<i32>} : memref<32x640xf32, #tpu.memory_space<vmem>>, vector<1x16xf32>,
          %get3A_422 = vector.shape_cast %get3A_421 : vector<1x16xf32> to vector<16xf32>
          %get3A_423 = arith.index_cast %scan3A_199 : i32 to index
          %get3A_424 = arith.constant 288 : index
          %get3A_425 = tpu.vector_load %arg14[%get3A_423, %get3A_424] {strides = array<i32>} : memref<16x640xf32, #tpu.memory_space<vmem>>, vector<1x16xf32>,
          %get3A_426 = vector.shape_cast %get3A_425 : vector<1x16xf32> to vector<16xf32>
          %mul3A_427 = arith.mulf %get3A_422, %get3A_426 : vector<16xf32>
          %add3A_428 = arith.addf %add3A_418, %mul3A_427 : vector<16xf32>
          %get3A_429 = arith.index_cast %min3A : i32 to index
          %get3A_430 = arith.constant 304 : index
          %get3A_431 = tpu.vector_load %arg16[%get3A_429, %get3A_430] {strides = array<i32>} : memref<32x640xf32, #tpu.memory_space<vmem>>, vector<1x16xf32>,
          %get3A_432 = vector.shape_cast %get3A_431 : vector<1x16xf32> to vector<16xf32>
          %get3A_433 = arith.index_cast %scan3A_199 : i32 to index
          %get3A_434 = arith.constant 304 : index
          %get3A_435 = tpu.vector_load %arg14[%get3A_433, %get3A_434] {strides = array<i32>} : memref<16x640xf32, #tpu.memory_space<vmem>>, vector<1x16xf32>,
          %get3A_436 = vector.shape_cast %get3A_435 : vector<1x16xf32> to vector<16xf32>
          %mul3A_437 = arith.mulf %get3A_432, %get3A_436 : vector<16xf32>
          %add3A_438 = arith.addf %add3A_428, %mul3A_437 : vector<16xf32>
          %get3A_439 = arith.index_cast %min3A : i32 to index
          %get3A_440 = arith.constant 320 : index
          %get3A_441 = tpu.vector_load %arg16[%get3A_439, %get3A_440] {strides = array<i32>} : memref<32x640xf32, #tpu.memory_space<vmem>>, vector<1x16xf32>,
          %get3A_442 = vector.shape_cast %get3A_441 : vector<1x16xf32> to vector<16xf32>
          %get3A_443 = arith.index_cast %scan3A_199 : i32 to index
          %get3A_444 = arith.constant 320 : index
          %get3A_445 = tpu.vector_load %arg14[%get3A_443, %get3A_444] {strides = array<i32>} : memref<16x640xf32, #tpu.memory_space<vmem>>, vector<1x16xf32>,
          %get3A_446 = vector.shape_cast %get3A_445 : vector<1x16xf32> to vector<16xf32>
          %mul3A_447 = arith.mulf %get3A_442, %get3A_446 : vector<16xf32>
          %add3A_448 = arith.addf %add3A_438, %mul3A_447 : vector<16xf32>
          %get3A_449 = arith.index_cast %min3A : i32 to index
          %get3A_450 = arith.constant 336 : index
          %get3A_451 = tpu.vector_load %arg16[%get3A_449, %get3A_450] {strides = array<i32>} : memref<32x640xf32, #tpu.memory_space<vmem>>, vector<1x16xf32>,
          %get3A_452 = vector.shape_cast %get3A_451 : vector<1x16xf32> to vector<16xf32>
          %get3A_453 = arith.index_cast %scan3A_199 : i32 to index
          %get3A_454 = arith.constant 336 : index
          %get3A_455 = tpu.vector_load %arg14[%get3A_453, %get3A_454] {strides = array<i32>} : memref<16x640xf32, #tpu.memory_space<vmem>>, vector<1x16xf32>,
          %get3A_456 = vector.shape_cast %get3A_455 : vector<1x16xf32> to vector<16xf32>
          %mul3A_457 = arith.mulf %get3A_452, %get3A_456 : vector<16xf32>
          %add3A_458 = arith.addf %add3A_448, %mul3A_457 : vector<16xf32>
          %get3A_459 = arith.index_cast %min3A : i32 to index
          %get3A_460 = arith.constant 352 : index
          %get3A_461 = tpu.vector_load %arg16[%get3A_459, %get3A_460] {strides = array<i32>} : memref<32x640xf32, #tpu.memory_space<vmem>>, vector<1x16xf32>,
          %get3A_462 = vector.shape_cast %get3A_461 : vector<1x16xf32> to vector<16xf32>
          %get3A_463 = arith.index_cast %scan3A_199 : i32 to index
          %get3A_464 = arith.constant 352 : index
          %get3A_465 = tpu.vector_load %arg14[%get3A_463, %get3A_464] {strides = array<i32>} : memref<16x640xf32, #tpu.memory_space<vmem>>, vector<1x16xf32>,
          %get3A_466 = vector.shape_cast %get3A_465 : vector<1x16xf32> to vector<16xf32>
          %mul3A_467 = arith.mulf %get3A_462, %get3A_466 : vector<16xf32>
          %add3A_468 = arith.addf %add3A_458, %mul3A_467 : vector<16xf32>
          %get3A_469 = arith.index_cast %min3A : i32 to index
          %get3A_470 = arith.constant 368 : index
          %get3A_471 = tpu.vector_load %arg16[%get3A_469, %get3A_470] {strides = array<i32>} : memref<32x640xf32, #tpu.memory_space<vmem>>, vector<1x16xf32>,
          %get3A_472 = vector.shape_cast %get3A_471 : vector<1x16xf32> to vector<16xf32>
          %get3A_473 = arith.index_cast %scan3A_199 : i32 to index
          %get3A_474 = arith.constant 368 : index
          %get3A_475 = tpu.vector_load %arg14[%get3A_473, %get3A_474] {strides = array<i32>} : memref<16x640xf32, #tpu.memory_space<vmem>>, vector<1x16xf32>,
          %get3A_476 = vector.shape_cast %get3A_475 : vector<1x16xf32> to vector<16xf32>
          %mul3A_477 = arith.mulf %get3A_472, %get3A_476 : vector<16xf32>
          %add3A_478 = arith.addf %add3A_468, %mul3A_477 : vector<16xf32>
          %get3A_479 = arith.index_cast %min3A : i32 to index
          %get3A_480 = arith.constant 384 : index
          %get3A_481 = tpu.vector_load %arg16[%get3A_479, %get3A_480] {strides = array<i32>} : memref<32x640xf32, #tpu.memory_space<vmem>>, vector<1x16xf32>,
          %get3A_482 = vector.shape_cast %get3A_481 : vector<1x16xf32> to vector<16xf32>
          %get3A_483 = arith.index_cast %scan3A_199 : i32 to index
          %get3A_484 = arith.constant 384 : index
          %get3A_485 = tpu.vector_load %arg14[%get3A_483, %get3A_484] {strides = array<i32>} : memref<16x640xf32, #tpu.memory_space<vmem>>, vector<1x16xf32>,
          %get3A_486 = vector.shape_cast %get3A_485 : vector<1x16xf32> to vector<16xf32>
          %mul3A_487 = arith.mulf %get3A_482, %get3A_486 : vector<16xf32>
          %add3A_488 = arith.addf %add3A_478, %mul3A_487 : vector<16xf32>
          %get3A_489 = arith.index_cast %min3A : i32 to index
          %get3A_490 = arith.constant 400 : index
          %get3A_491 = tpu.vector_load %arg16[%get3A_489, %get3A_490] {strides = array<i32>} : memref<32x640xf32, #tpu.memory_space<vmem>>, vector<1x16xf32>,
          %get3A_492 = vector.shape_cast %get3A_491 : vector<1x16xf32> to vector<16xf32>
          %get3A_493 = arith.index_cast %scan3A_199 : i32 to index
          %get3A_494 = arith.constant 400 : index
          %get3A_495 = tpu.vector_load %arg14[%get3A_493, %get3A_494] {strides = array<i32>} : memref<16x640xf32, #tpu.memory_space<vmem>>, vector<1x16xf32>,
          %get3A_496 = vector.shape_cast %get3A_495 : vector<1x16xf32> to vector<16xf32>
          %mul3A_497 = arith.mulf %get3A_492, %get3A_496 : vector<16xf32>
          %add3A_498 = arith.addf %add3A_488, %mul3A_497 : vector<16xf32>
          %get3A_499 = arith.index_cast %min3A : i32 to index
          %get3A_500 = arith.constant 416 : index
          %get3A_501 = tpu.vector_load %arg16[%get3A_499, %get3A_500] {strides = array<i32>} : memref<32x640xf32, #tpu.memory_space<vmem>>, vector<1x16xf32>,
          %get3A_502 = vector.shape_cast %get3A_501 : vector<1x16xf32> to vector<16xf32>
          %get3A_503 = arith.index_cast %scan3A_199 : i32 to index
          %get3A_504 = arith.constant 416 : index
          %get3A_505 = tpu.vector_load %arg14[%get3A_503, %get3A_504] {strides = array<i32>} : memref<16x640xf32, #tpu.memory_space<vmem>>, vector<1x16xf32>,
          %get3A_506 = vector.shape_cast %get3A_505 : vector<1x16xf32> to vector<16xf32>
          %mul3A_507 = arith.mulf %get3A_502, %get3A_506 : vector<16xf32>
          %add3A_508 = arith.addf %add3A_498, %mul3A_507 : vector<16xf32>
          %get3A_509 = arith.index_cast %min3A : i32 to index
          %get3A_510 = arith.constant 432 : index
          %get3A_511 = tpu.vector_load %arg16[%get3A_509, %get3A_510] {strides = array<i32>} : memref<32x640xf32, #tpu.memory_space<vmem>>, vector<1x16xf32>,
          %get3A_512 = vector.shape_cast %get3A_511 : vector<1x16xf32> to vector<16xf32>
          %get3A_513 = arith.index_cast %scan3A_199 : i32 to index
          %get3A_514 = arith.constant 432 : index
          %get3A_515 = tpu.vector_load %arg14[%get3A_513, %get3A_514] {strides = array<i32>} : memref<16x640xf32, #tpu.memory_space<vmem>>, vector<1x16xf32>,
          %get3A_516 = vector.shape_cast %get3A_515 : vector<1x16xf32> to vector<16xf32>
          %mul3A_517 = arith.mulf %get3A_512, %get3A_516 : vector<16xf32>
          %add3A_518 = arith.addf %add3A_508, %mul3A_517 : vector<16xf32>
          %get3A_519 = arith.index_cast %min3A : i32 to index
          %get3A_520 = arith.constant 448 : index
          %get3A_521 = tpu.vector_load %arg16[%get3A_519, %get3A_520] {strides = array<i32>} : memref<32x640xf32, #tpu.memory_space<vmem>>, vector<1x16xf32>,
          %get3A_522 = vector.shape_cast %get3A_521 : vector<1x16xf32> to vector<16xf32>
          %get3A_523 = arith.index_cast %scan3A_199 : i32 to index
          %get3A_524 = arith.constant 448 : index
          %get3A_525 = tpu.vector_load %arg14[%get3A_523, %get3A_524] {strides = array<i32>} : memref<16x640xf32, #tpu.memory_space<vmem>>, vector<1x16xf32>,
          %get3A_526 = vector.shape_cast %get3A_525 : vector<1x16xf32> to vector<16xf32>
          %mul3A_527 = arith.mulf %get3A_522, %get3A_526 : vector<16xf32>
          %add3A_528 = arith.addf %add3A_518, %mul3A_527 : vector<16xf32>
          %get3A_529 = arith.index_cast %min3A : i32 to index
          %get3A_530 = arith.constant 464 : index
          %get3A_531 = tpu.vector_load %arg16[%get3A_529, %get3A_530] {strides = array<i32>} : memref<32x640xf32, #tpu.memory_space<vmem>>, vector<1x16xf32>,
          %get3A_532 = vector.shape_cast %get3A_531 : vector<1x16xf32> to vector<16xf32>
          %get3A_533 = arith.index_cast %scan3A_199 : i32 to index
          %get3A_534 = arith.constant 464 : index
          %get3A_535 = tpu.vector_load %arg14[%get3A_533, %get3A_534] {strides = array<i32>} : memref<16x640xf32, #tpu.memory_space<vmem>>, vector<1x16xf32>,
          %get3A_536 = vector.shape_cast %get3A_535 : vector<1x16xf32> to vector<16xf32>
          %mul3A_537 = arith.mulf %get3A_532, %get3A_536 : vector<16xf32>
          %add3A_538 = arith.addf %add3A_528, %mul3A_537 : vector<16xf32>
          %get3A_539 = arith.index_cast %min3A : i32 to index
          %get3A_540 = arith.constant 480 : index
          %get3A_541 = tpu.vector_load %arg16[%get3A_539, %get3A_540] {strides = array<i32>} : memref<32x640xf32, #tpu.memory_space<vmem>>, vector<1x16xf32>,
          %get3A_542 = vector.shape_cast %get3A_541 : vector<1x16xf32> to vector<16xf32>
          %get3A_543 = arith.index_cast %scan3A_199 : i32 to index
          %get3A_544 = arith.constant 480 : index
          %get3A_545 = tpu.vector_load %arg14[%get3A_543, %get3A_544] {strides = array<i32>} : memref<16x640xf32, #tpu.memory_space<vmem>>, vector<1x16xf32>,
          %get3A_546 = vector.shape_cast %get3A_545 : vector<1x16xf32> to vector<16xf32>
          %mul3A_547 = arith.mulf %get3A_542, %get3A_546 : vector<16xf32>
          %add3A_548 = arith.addf %add3A_538, %mul3A_547 : vector<16xf32>
          %get3A_549 = arith.index_cast %min3A : i32 to index
          %get3A_550 = arith.constant 496 : index
          %get3A_551 = tpu.vector_load %arg16[%get3A_549, %get3A_550] {strides = array<i32>} : memref<32x640xf32, #tpu.memory_space<vmem>>, vector<1x16xf32>,
          %get3A_552 = vector.shape_cast %get3A_551 : vector<1x16xf32> to vector<16xf32>
          %get3A_553 = arith.index_cast %scan3A_199 : i32 to index
          %get3A_554 = arith.constant 496 : index
          %get3A_555 = tpu.vector_load %arg14[%get3A_553, %get3A_554] {strides = array<i32>} : memref<16x640xf32, #tpu.memory_space<vmem>>, vector<1x16xf32>,
          %get3A_556 = vector.shape_cast %get3A_555 : vector<1x16xf32> to vector<16xf32>
          %mul3A_557 = arith.mulf %get3A_552, %get3A_556 : vector<16xf32>
          %add3A_558 = arith.addf %add3A_548, %mul3A_557 : vector<16xf32>
          %get3A_559 = arith.index_cast %min3A : i32 to index
          %get3A_560 = arith.constant 512 : index
          %get3A_561 = tpu.vector_load %arg16[%get3A_559, %get3A_560] {strides = array<i32>} : memref<32x640xf32, #tpu.memory_space<vmem>>, vector<1x16xf32>,
          %get3A_562 = vector.shape_cast %get3A_561 : vector<1x16xf32> to vector<16xf32>
          %get3A_563 = arith.index_cast %scan3A_199 : i32 to index
          %get3A_564 = arith.constant 512 : index
          %get3A_565 = tpu.vector_load %arg14[%get3A_563, %get3A_564] {strides = array<i32>} : memref<16x640xf32, #tpu.memory_space<vmem>>, vector<1x16xf32>,
          %get3A_566 = vector.shape_cast %get3A_565 : vector<1x16xf32> to vector<16xf32>
          %mul3A_567 = arith.mulf %get3A_562, %get3A_566 : vector<16xf32>
          %add3A_568 = arith.addf %add3A_558, %mul3A_567 : vector<16xf32>
          %get3A_569 = arith.index_cast %min3A : i32 to index
          %get3A_570 = arith.constant 528 : index
          %get3A_571 = tpu.vector_load %arg16[%get3A_569, %get3A_570] {strides = array<i32>} : memref<32x640xf32, #tpu.memory_space<vmem>>, vector<1x16xf32>,
          %get3A_572 = vector.shape_cast %get3A_571 : vector<1x16xf32> to vector<16xf32>
          %get3A_573 = arith.index_cast %scan3A_199 : i32 to index
          %get3A_574 = arith.constant 528 : index
          %get3A_575 = tpu.vector_load %arg14[%get3A_573, %get3A_574] {strides = array<i32>} : memref<16x640xf32, #tpu.memory_space<vmem>>, vector<1x16xf32>,
          %get3A_576 = vector.shape_cast %get3A_575 : vector<1x16xf32> to vector<16xf32>
          %mul3A_577 = arith.mulf %get3A_572, %get3A_576 : vector<16xf32>
          %add3A_578 = arith.addf %add3A_568, %mul3A_577 : vector<16xf32>
          %get3A_579 = arith.index_cast %min3A : i32 to index
          %get3A_580 = arith.constant 544 : index
          %get3A_581 = tpu.vector_load %arg16[%get3A_579, %get3A_580] {strides = array<i32>} : memref<32x640xf32, #tpu.memory_space<vmem>>, vector<1x16xf32>,
          %get3A_582 = vector.shape_cast %get3A_581 : vector<1x16xf32> to vector<16xf32>
          %get3A_583 = arith.index_cast %scan3A_199 : i32 to index
          %get3A_584 = arith.constant 544 : index
          %get3A_585 = tpu.vector_load %arg14[%get3A_583, %get3A_584] {strides = array<i32>} : memref<16x640xf32, #tpu.memory_space<vmem>>, vector<1x16xf32>,
          %get3A_586 = vector.shape_cast %get3A_585 : vector<1x16xf32> to vector<16xf32>
          %mul3A_587 = arith.mulf %get3A_582, %get3A_586 : vector<16xf32>
          %add3A_588 = arith.addf %add3A_578, %mul3A_587 : vector<16xf32>
          %get3A_589 = arith.index_cast %min3A : i32 to index
          %get3A_590 = arith.constant 560 : index
          %get3A_591 = tpu.vector_load %arg16[%get3A_589, %get3A_590] {strides = array<i32>} : memref<32x640xf32, #tpu.memory_space<vmem>>, vector<1x16xf32>,
          %get3A_592 = vector.shape_cast %get3A_591 : vector<1x16xf32> to vector<16xf32>
          %get3A_593 = arith.index_cast %scan3A_199 : i32 to index
          %get3A_594 = arith.constant 560 : index
          %get3A_595 = tpu.vector_load %arg14[%get3A_593, %get3A_594] {strides = array<i32>} : memref<16x640xf32, #tpu.memory_space<vmem>>, vector<1x16xf32>,
          %get3A_596 = vector.shape_cast %get3A_595 : vector<1x16xf32> to vector<16xf32>
          %mul3A_597 = arith.mulf %get3A_592, %get3A_596 : vector<16xf32>
          %add3A_598 = arith.addf %add3A_588, %mul3A_597 : vector<16xf32>
          %get3A_599 = arith.index_cast %min3A : i32 to index
          %get3A_600 = arith.constant 576 : index
          %get3A_601 = tpu.vector_load %arg16[%get3A_599, %get3A_600] {strides = array<i32>} : memref<32x640xf32, #tpu.memory_space<vmem>>, vector<1x16xf32>,
          %get3A_602 = vector.shape_cast %get3A_601 : vector<1x16xf32> to vector<16xf32>
          %get3A_603 = arith.index_cast %scan3A_199 : i32 to index
          %get3A_604 = arith.constant 576 : index
          %get3A_605 = tpu.vector_load %arg14[%get3A_603, %get3A_604] {strides = array<i32>} : memref<16x640xf32, #tpu.memory_space<vmem>>, vector<1x16xf32>,
          %get3A_606 = vector.shape_cast %get3A_605 : vector<1x16xf32> to vector<16xf32>
          %mul3A_607 = arith.mulf %get3A_602, %get3A_606 : vector<16xf32>
          %add3A_608 = arith.addf %add3A_598, %mul3A_607 : vector<16xf32>
          %get3A_609 = arith.index_cast %min3A : i32 to index
          %get3A_610 = arith.constant 592 : index
          %get3A_611 = tpu.vector_load %arg16[%get3A_609, %get3A_610] {strides = array<i32>} : memref<32x640xf32, #tpu.memory_space<vmem>>, vector<1x16xf32>,
          %get3A_612 = vector.shape_cast %get3A_611 : vector<1x16xf32> to vector<16xf32>
          %get3A_613 = arith.index_cast %scan3A_199 : i32 to index
          %get3A_614 = arith.constant 592 : index
          %get3A_615 = tpu.vector_load %arg14[%get3A_613, %get3A_614] {strides = array<i32>} : memref<16x640xf32, #tpu.memory_space<vmem>>, vector<1x16xf32>,
          %get3A_616 = vector.shape_cast %get3A_615 : vector<1x16xf32> to vector<16xf32>
          %mul3A_617 = arith.mulf %get3A_612, %get3A_616 : vector<16xf32>
          %add3A_618 = arith.addf %add3A_608, %mul3A_617 : vector<16xf32>
          %get3A_619 = arith.index_cast %min3A : i32 to index
          %get3A_620 = arith.constant 608 : index
          %get3A_621 = tpu.vector_load %arg16[%get3A_619, %get3A_620] {strides = array<i32>} : memref<32x640xf32, #tpu.memory_space<vmem>>, vector<1x16xf32>,
          %get3A_622 = vector.shape_cast %get3A_621 : vector<1x16xf32> to vector<16xf32>
          %get3A_623 = arith.index_cast %scan3A_199 : i32 to index
          %get3A_624 = arith.constant 608 : index
          %get3A_625 = tpu.vector_load %arg14[%get3A_623, %get3A_624] {strides = array<i32>} : memref<16x640xf32, #tpu.memory_space<vmem>>, vector<1x16xf32>,
          %get3A_626 = vector.shape_cast %get3A_625 : vector<1x16xf32> to vector<16xf32>
          %mul3A_627 = arith.mulf %get3A_622, %get3A_626 : vector<16xf32>
          %add3A_628 = arith.addf %add3A_618, %mul3A_627 : vector<16xf32>
          %get3A_629 = arith.index_cast %min3A : i32 to index
          %get3A_630 = arith.constant 624 : index
          %get3A_631 = tpu.vector_load %arg16[%get3A_629, %get3A_630] {strides = array<i32>} : memref<32x640xf32, #tpu.memory_space<vmem>>, vector<1x16xf32>,
          %get3A_632 = vector.shape_cast %get3A_631 : vector<1x16xf32> to vector<16xf32>
          %get3A_633 = arith.index_cast %scan3A_199 : i32 to index
          %get3A_634 = arith.constant 624 : index
          %get3A_635 = tpu.vector_load %arg14[%get3A_633, %get3A_634] {strides = array<i32>} : memref<16x640xf32, #tpu.memory_space<vmem>>, vector<1x16xf32>,
          %get3A_636 = vector.shape_cast %get3A_635 : vector<1x16xf32> to vector<16xf32>
          %mul3A_637 = arith.mulf %get3A_632, %get3A_636 : vector<16xf32>
          %add3A_638 = arith.addf %add3A_628, %mul3A_637 : vector<16xf32>
          %rev3A = arith.constant 15 : i32
          %rev3A_639 = vector.broadcast %rev3A : i32 to vector<16xi32>
          %rev3A_640 = tpu.iota {dimensions = array<i32: 0>} : vector<16xi32>
          %rev3A_641 = arith.subi %rev3A_639, %rev3A_640 : vector<16xi32>
          %rev3A_642 = tpu.dynamic_gather %add3A_638[%rev3A_641] in [0] : vector<16xf32>, vector<16xi32> -> vector<16xf32>
          %add3A_643 = arith.addf %add3A_638, %rev3A_642 : vector<16xf32>
          %get3A_644 = arith.index_cast %min3A : i32 to index
          %get3A_645 = arith.constant 0 : index
          %get3A_646 = tpu.vector_load %arg17[%get3A_644, %get3A_645] {strides = array<i32>} : memref<32x16xf32, #tpu.memory_space<vmem>>, vector<1x16xf32>,
          %get3A_647 = vector.shape_cast %get3A_646 : vector<1x16xf32> to vector<16xf32>
          %mul3A_648 = vector.broadcast %squeeze3A_219 : f32 to vector<16xf32>
          %mul3A_649 = arith.mulf %mul3A_648, %get3A_647 : vector<16xf32>
          %add3A_650 = arith.addf %add3A_643, %mul3A_649 : vector<16xf32>
          %max3A_651 = arith.maximumf %select_n3A_233, %add3A_650 : vector<16xf32>
          %sub3A_652 = arith.subf %select_n3A_233, %max3A_651 : vector<16xf32>
          %exp3A = math.exp %sub3A_652 : vector<16xf32>
          %select_n3A_653 = arith.select %and3A_222, %exp3A, %broadcast_in_dim3A_5 : vector<16xf32>
          %sub3A_654 = arith.subf %add3A_650, %max3A_651 : vector<16xf32>
          %exp3A_655 = math.exp %sub3A_654 : vector<16xf32>
          %select_n3A_656 = arith.select %and3A_222, %exp3A_655, %broadcast_in_dim3A_1 : vector<16xf32>
          %mul3A_657 = arith.mulf %select_n3A_234, %select_n3A_653 : vector<16xf32>
          %add3A_658 = arith.addf %mul3A_657, %select_n3A_656 : vector<16xf32>
          %mul3A_659 = arith.mulf %select_n3A_235, %select_n3A_653 : vector<16xf32>
          %mul3A_660 = vector.broadcast %squeeze3A_219 : f32 to vector<16xf32>
          %mul3A_661 = arith.mulf %select_n3A_656, %mul3A_660 : vector<16xf32>
          %add3A_662 = arith.addf %mul3A_659, %mul3A_661 : vector<16xf32>
          %select_n3A_663 = arith.select %and3A_222, %max3A_651, %scan3A_200 : vector<16xf32>
          %get3A_664 = arith.constant 0 : i32
          %get3A_665 = arith.index_cast %get3A_664 : i32 to index
          %get3A_666 = arith.constant 0 : index
          %get3A_667 = tpu.vector_load %arg19[%get3A_665, %get3A_666] {strides = array<i32>} : memref<40x16xf32, #tpu.memory_space<vmem>>, vector<1x16xf32>,
          %get3A_668 = vector.shape_cast %get3A_667 : vector<1x16xf32> to vector<16xf32>
          %mul3A_669 = arith.mulf %get3A_668, %select_n3A_653 : vector<16xf32>
          %get3A_670 = arith.index_cast %scan3A_199 : i32 to index
          %get3A_671 = arith.constant 0 : index
          %get3A_672 = tpu.vector_load %arg15[%get3A_670, %get3A_671] {strides = array<i32>} : memref<16x640xf32, #tpu.memory_space<vmem>>, vector<1x16xf32>,
          %get3A_673 = vector.shape_cast %get3A_672 : vector<1x16xf32> to vector<16xf32>
          %mul3A_674 = arith.mulf %select_n3A_656, %get3A_673 : vector<16xf32>
          %add3A_675 = arith.addf %mul3A_669, %mul3A_674 : vector<16xf32>
          %swap3A_676 = arith.constant 0 : i32
          %swap3A_677 = arith.index_cast %swap3A_676 : i32 to index
          %swap3A_678 = arith.constant 0 : index
          %swap3A_679 = tpu.vector_load %arg19[%swap3A_677, %swap3A_678] {strides = array<i32>} : memref<40x16xf32, #tpu.memory_space<vmem>>, vector<1x16xf32>,
          %swap3A_680 = vector.shape_cast %swap3A_679 : vector<1x16xf32> to vector<16xf32>
          %swap3A_681 = vector.shape_cast %add3A_675 : vector<16xf32> to vector<1x16xf32>
          tpu.vector_store %arg19[%swap3A_677, %swap3A_678], %swap3A_681 {strides = array<i32>} : memref<40x16xf32, #tpu.memory_space<vmem>>, vector<1x16xf32>,
          %get3A_682 = arith.constant 1 : i32
          %get3A_683 = arith.index_cast %get3A_682 : i32 to index
          %get3A_684 = arith.constant 0 : index
          %get3A_685 = tpu.vector_load %arg19[%get3A_683, %get3A_684] {strides = array<i32>} : memref<40x16xf32, #tpu.memory_space<vmem>>, vector<1x16xf32>,
          %get3A_686 = vector.shape_cast %get3A_685 : vector<1x16xf32> to vector<16xf32>
          %mul3A_687 = arith.mulf %get3A_686, %select_n3A_653 : vector<16xf32>
          %get3A_688 = arith.index_cast %scan3A_199 : i32 to index
          %get3A_689 = arith.constant 16 : index
          %get3A_690 = tpu.vector_load %arg15[%get3A_688, %get3A_689] {strides = array<i32>} : memref<16x640xf32, #tpu.memory_space<vmem>>, vector<1x16xf32>,
          %get3A_691 = vector.shape_cast %get3A_690 : vector<1x16xf32> to vector<16xf32>
          %mul3A_692 = arith.mulf %select_n3A_656, %get3A_691 : vector<16xf32>
          %add3A_693 = arith.addf %mul3A_687, %mul3A_692 : vector<16xf32>
          %swap3A_694 = arith.constant 1 : i32
          %swap3A_695 = arith.index_cast %swap3A_694 : i32 to index
          %swap3A_696 = arith.constant 0 : index
          %swap3A_697 = tpu.vector_load %arg19[%swap3A_695, %swap3A_696] {strides = array<i32>} : memref<40x16xf32, #tpu.memory_space<vmem>>, vector<1x16xf32>,
          %swap3A_698 = vector.shape_cast %swap3A_697 : vector<1x16xf32> to vector<16xf32>
          %swap3A_699 = vector.shape_cast %add3A_693 : vector<16xf32> to vector<1x16xf32>
          tpu.vector_store %arg19[%swap3A_695, %swap3A_696], %swap3A_699 {strides = array<i32>} : memref<40x16xf32, #tpu.memory_space<vmem>>, vector<1x16xf32>,
          %get3A_700 = arith.constant 2 : i32
          %get3A_701 = arith.index_cast %get3A_700 : i32 to index
          %get3A_702 = arith.constant 0 : index
          %get3A_703 = tpu.vector_load %arg19[%get3A_701, %get3A_702] {strides = array<i32>} : memref<40x16xf32, #tpu.memory_space<vmem>>, vector<1x16xf32>,
          %get3A_704 = vector.shape_cast %get3A_703 : vector<1x16xf32> to vector<16xf32>
          %mul3A_705 = arith.mulf %get3A_704, %select_n3A_653 : vector<16xf32>
          %get3A_706 = arith.index_cast %scan3A_199 : i32 to index
          %get3A_707 = arith.constant 32 : index
          %get3A_708 = tpu.vector_load %arg15[%get3A_706, %get3A_707] {strides = array<i32>} : memref<16x640xf32, #tpu.memory_space<vmem>>, vector<1x16xf32>,
          %get3A_709 = vector.shape_cast %get3A_708 : vector<1x16xf32> to vector<16xf32>
          %mul3A_710 = arith.mulf %select_n3A_656, %get3A_709 : vector<16xf32>
          %add3A_711 = arith.addf %mul3A_705, %mul3A_710 : vector<16xf32>
          %swap3A_712 = arith.constant 2 : i32
          %swap3A_713 = arith.index_cast %swap3A_712 : i32 to index
          %swap3A_714 = arith.constant 0 : index
          %swap3A_715 = tpu.vector_load %arg19[%swap3A_713, %swap3A_714] {strides = array<i32>} : memref<40x16xf32, #tpu.memory_space<vmem>>, vector<1x16xf32>,
          %swap3A_716 = vector.shape_cast %swap3A_715 : vector<1x16xf32> to vector<16xf32>
          %swap3A_717 = vector.shape_cast %add3A_711 : vector<16xf32> to vector<1x16xf32>
          tpu.vector_store %arg19[%swap3A_713, %swap3A_714], %swap3A_717 {strides = array<i32>} : memref<40x16xf32, #tpu.memory_space<vmem>>, vector<1x16xf32>,
          %get3A_718 = arith.constant 3 : i32
          %get3A_719 = arith.index_cast %get3A_718 : i32 to index
          %get3A_720 = arith.constant 0 : index
          %get3A_721 = tpu.vector_load %arg19[%get3A_719, %get3A_720] {strides = array<i32>} : memref<40x16xf32, #tpu.memory_space<vmem>>, vector<1x16xf32>,
          %get3A_722 = vector.shape_cast %get3A_721 : vector<1x16xf32> to vector<16xf32>
          %mul3A_723 = arith.mulf %get3A_722, %select_n3A_653 : vector<16xf32>
          %get3A_724 = arith.index_cast %scan3A_199 : i32 to index
          %get3A_725 = arith.constant 48 : index
          %get3A_726 = tpu.vector_load %arg15[%get3A_724, %get3A_725] {strides = array<i32>} : memref<16x640xf32, #tpu.memory_space<vmem>>, vector<1x16xf32>,
          %get3A_727 = vector.shape_cast %get3A_726 : vector<1x16xf32> to vector<16xf32>
          %mul3A_728 = arith.mulf %select_n3A_656, %get3A_727 : vector<16xf32>
          %add3A_729 = arith.addf %mul3A_723, %mul3A_728 : vector<16xf32>
          %swap3A_730 = arith.constant 3 : i32
          %swap3A_731 = arith.index_cast %swap3A_730 : i32 to index
          %swap3A_732 = arith.constant 0 : index
          %swap3A_733 = tpu.vector_load %arg19[%swap3A_731, %swap3A_732] {strides = array<i32>} : memref<40x16xf32, #tpu.memory_space<vmem>>, vector<1x16xf32>,
          %swap3A_734 = vector.shape_cast %swap3A_733 : vector<1x16xf32> to vector<16xf32>
          %swap3A_735 = vector.shape_cast %add3A_729 : vector<16xf32> to vector<1x16xf32>
          tpu.vector_store %arg19[%swap3A_731, %swap3A_732], %swap3A_735 {strides = array<i32>} : memref<40x16xf32, #tpu.memory_space<vmem>>, vector<1x16xf32>,
          %get3A_736 = arith.constant 4 : i32
          %get3A_737 = arith.index_cast %get3A_736 : i32 to index
          %get3A_738 = arith.constant 0 : index
          %get3A_739 = tpu.vector_load %arg19[%get3A_737, %get3A_738] {strides = array<i32>} : memref<40x16xf32, #tpu.memory_space<vmem>>, vector<1x16xf32>,
          %get3A_740 = vector.shape_cast %get3A_739 : vector<1x16xf32> to vector<16xf32>
          %mul3A_741 = arith.mulf %get3A_740, %select_n3A_653 : vector<16xf32>
          %get3A_742 = arith.index_cast %scan3A_199 : i32 to index
          %get3A_743 = arith.constant 64 : index
          %get3A_744 = tpu.vector_load %arg15[%get3A_742, %get3A_743] {strides = array<i32>} : memref<16x640xf32, #tpu.memory_space<vmem>>, vector<1x16xf32>,
          %get3A_745 = vector.shape_cast %get3A_744 : vector<1x16xf32> to vector<16xf32>
          %mul3A_746 = arith.mulf %select_n3A_656, %get3A_745 : vector<16xf32>
          %add3A_747 = arith.addf %mul3A_741, %mul3A_746 : vector<16xf32>
          %swap3A_748 = arith.constant 4 : i32
          %swap3A_749 = arith.index_cast %swap3A_748 : i32 to index
          %swap3A_750 = arith.constant 0 : index
          %swap3A_751 = tpu.vector_load %arg19[%swap3A_749, %swap3A_750] {strides = array<i32>} : memref<40x16xf32, #tpu.memory_space<vmem>>, vector<1x16xf32>,
          %swap3A_752 = vector.shape_cast %swap3A_751 : vector<1x16xf32> to vector<16xf32>
          %swap3A_753 = vector.shape_cast %add3A_747 : vector<16xf32> to vector<1x16xf32>
          tpu.vector_store %arg19[%swap3A_749, %swap3A_750], %swap3A_753 {strides = array<i32>} : memref<40x16xf32, #tpu.memory_space<vmem>>, vector<1x16xf32>,
          %get3A_754 = arith.constant 5 : i32
          %get3A_755 = arith.index_cast %get3A_754 : i32 to index
          %get3A_756 = arith.constant 0 : index
          %get3A_757 = tpu.vector_load %arg19[%get3A_755, %get3A_756] {strides = array<i32>} : memref<40x16xf32, #tpu.memory_space<vmem>>, vector<1x16xf32>,
          %get3A_758 = vector.shape_cast %get3A_757 : vector<1x16xf32> to vector<16xf32>
          %mul3A_759 = arith.mulf %get3A_758, %select_n3A_653 : vector<16xf32>
          %get3A_760 = arith.index_cast %scan3A_199 : i32 to index
          %get3A_761 = arith.constant 80 : index
          %get3A_762 = tpu.vector_load %arg15[%get3A_760, %get3A_761] {strides = array<i32>} : memref<16x640xf32, #tpu.memory_space<vmem>>, vector<1x16xf32>,
          %get3A_763 = vector.shape_cast %get3A_762 : vector<1x16xf32> to vector<16xf32>
          %mul3A_764 = arith.mulf %select_n3A_656, %get3A_763 : vector<16xf32>
          %add3A_765 = arith.addf %mul3A_759, %mul3A_764 : vector<16xf32>
          %swap3A_766 = arith.constant 5 : i32
          %swap3A_767 = arith.index_cast %swap3A_766 : i32 to index
          %swap3A_768 = arith.constant 0 : index
          %swap3A_769 = tpu.vector_load %arg19[%swap3A_767, %swap3A_768] {strides = array<i32>} : memref<40x16xf32, #tpu.memory_space<vmem>>, vector<1x16xf32>,
          %swap3A_770 = vector.shape_cast %swap3A_769 : vector<1x16xf32> to vector<16xf32>
          %swap3A_771 = vector.shape_cast %add3A_765 : vector<16xf32> to vector<1x16xf32>
          tpu.vector_store %arg19[%swap3A_767, %swap3A_768], %swap3A_771 {strides = array<i32>} : memref<40x16xf32, #tpu.memory_space<vmem>>, vector<1x16xf32>,
          %get3A_772 = arith.constant 6 : i32
          %get3A_773 = arith.index_cast %get3A_772 : i32 to index
          %get3A_774 = arith.constant 0 : index
          %get3A_775 = tpu.vector_load %arg19[%get3A_773, %get3A_774] {strides = array<i32>} : memref<40x16xf32, #tpu.memory_space<vmem>>, vector<1x16xf32>,
          %get3A_776 = vector.shape_cast %get3A_775 : vector<1x16xf32> to vector<16xf32>
          %mul3A_777 = arith.mulf %get3A_776, %select_n3A_653 : vector<16xf32>
          %get3A_778 = arith.index_cast %scan3A_199 : i32 to index
          %get3A_779 = arith.constant 96 : index
          %get3A_780 = tpu.vector_load %arg15[%get3A_778, %get3A_779] {strides = array<i32>} : memref<16x640xf32, #tpu.memory_space<vmem>>, vector<1x16xf32>,
          %get3A_781 = vector.shape_cast %get3A_780 : vector<1x16xf32> to vector<16xf32>
          %mul3A_782 = arith.mulf %select_n3A_656, %get3A_781 : vector<16xf32>
          %add3A_783 = arith.addf %mul3A_777, %mul3A_782 : vector<16xf32>
          %swap3A_784 = arith.constant 6 : i32
          %swap3A_785 = arith.index_cast %swap3A_784 : i32 to index
          %swap3A_786 = arith.constant 0 : index
          %swap3A_787 = tpu.vector_load %arg19[%swap3A_785, %swap3A_786] {strides = array<i32>} : memref<40x16xf32, #tpu.memory_space<vmem>>, vector<1x16xf32>,
          %swap3A_788 = vector.shape_cast %swap3A_787 : vector<1x16xf32> to vector<16xf32>
          %swap3A_789 = vector.shape_cast %add3A_783 : vector<16xf32> to vector<1x16xf32>
          tpu.vector_store %arg19[%swap3A_785, %swap3A_786], %swap3A_789 {strides = array<i32>} : memref<40x16xf32, #tpu.memory_space<vmem>>, vector<1x16xf32>,
          %get3A_790 = arith.constant 7 : i32
          %get3A_791 = arith.index_cast %get3A_790 : i32 to index
          %get3A_792 = arith.constant 0 : index
          %get3A_793 = tpu.vector_load %arg19[%get3A_791, %get3A_792] {strides = array<i32>} : memref<40x16xf32, #tpu.memory_space<vmem>>, vector<1x16xf32>,
          %get3A_794 = vector.shape_cast %get3A_793 : vector<1x16xf32> to vector<16xf32>
          %mul3A_795 = arith.mulf %get3A_794, %select_n3A_653 : vector<16xf32>
          %get3A_796 = arith.index_cast %scan3A_199 : i32 to index
          %get3A_797 = arith.constant 112 : index
          %get3A_798 = tpu.vector_load %arg15[%get3A_796, %get3A_797] {strides = array<i32>} : memref<16x640xf32, #tpu.memory_space<vmem>>, vector<1x16xf32>,
          %get3A_799 = vector.shape_cast %get3A_798 : vector<1x16xf32> to vector<16xf32>
          %mul3A_800 = arith.mulf %select_n3A_656, %get3A_799 : vector<16xf32>
          %add3A_801 = arith.addf %mul3A_795, %mul3A_800 : vector<16xf32>
          %swap3A_802 = arith.constant 7 : i32
          %swap3A_803 = arith.index_cast %swap3A_802 : i32 to index
          %swap3A_804 = arith.constant 0 : index
          %swap3A_805 = tpu.vector_load %arg19[%swap3A_803, %swap3A_804] {strides = array<i32>} : memref<40x16xf32, #tpu.memory_space<vmem>>, vector<1x16xf32>,
          %swap3A_806 = vector.shape_cast %swap3A_805 : vector<1x16xf32> to vector<16xf32>
          %swap3A_807 = vector.shape_cast %add3A_801 : vector<16xf32> to vector<1x16xf32>
          tpu.vector_store %arg19[%swap3A_803, %swap3A_804], %swap3A_807 {strides = array<i32>} : memref<40x16xf32, #tpu.memory_space<vmem>>, vector<1x16xf32>,
          %get3A_808 = arith.constant 8 : i32
          %get3A_809 = arith.index_cast %get3A_808 : i32 to index
          %get3A_810 = arith.constant 0 : index
          %get3A_811 = tpu.vector_load %arg19[%get3A_809, %get3A_810] {strides = array<i32>} : memref<40x16xf32, #tpu.memory_space<vmem>>, vector<1x16xf32>,
          %get3A_812 = vector.shape_cast %get3A_811 : vector<1x16xf32> to vector<16xf32>
          %mul3A_813 = arith.mulf %get3A_812, %select_n3A_653 : vector<16xf32>
          %get3A_814 = arith.index_cast %scan3A_199 : i32 to index
          %get3A_815 = arith.constant 128 : index
          %get3A_816 = tpu.vector_load %arg15[%get3A_814, %get3A_815] {strides = array<i32>} : memref<16x640xf32, #tpu.memory_space<vmem>>, vector<1x16xf32>,
          %get3A_817 = vector.shape_cast %get3A_816 : vector<1x16xf32> to vector<16xf32>
          %mul3A_818 = arith.mulf %select_n3A_656, %get3A_817 : vector<16xf32>
          %add3A_819 = arith.addf %mul3A_813, %mul3A_818 : vector<16xf32>
          %swap3A_820 = arith.constant 8 : i32
          %swap3A_821 = arith.index_cast %swap3A_820 : i32 to index
          %swap3A_822 = arith.constant 0 : index
          %swap3A_823 = tpu.vector_load %arg19[%swap3A_821, %swap3A_822] {strides = array<i32>} : memref<40x16xf32, #tpu.memory_space<vmem>>, vector<1x16xf32>,
          %swap3A_824 = vector.shape_cast %swap3A_823 : vector<1x16xf32> to vector<16xf32>
          %swap3A_825 = vector.shape_cast %add3A_819 : vector<16xf32> to vector<1x16xf32>
          tpu.vector_store %arg19[%swap3A_821, %swap3A_822], %swap3A_825 {strides = array<i32>} : memref<40x16xf32, #tpu.memory_space<vmem>>, vector<1x16xf32>,
          %get3A_826 = arith.constant 9 : i32
          %get3A_827 = arith.index_cast %get3A_826 : i32 to index
          %get3A_828 = arith.constant 0 : index
          %get3A_829 = tpu.vector_load %arg19[%get3A_827, %get3A_828] {strides = array<i32>} : memref<40x16xf32, #tpu.memory_space<vmem>>, vector<1x16xf32>,
          %get3A_830 = vector.shape_cast %get3A_829 : vector<1x16xf32> to vector<16xf32>
          %mul3A_831 = arith.mulf %get3A_830, %select_n3A_653 : vector<16xf32>
          %get3A_832 = arith.index_cast %scan3A_199 : i32 to index
          %get3A_833 = arith.constant 144 : index
          %get3A_834 = tpu.vector_load %arg15[%get3A_832, %get3A_833] {strides = array<i32>} : memref<16x640xf32, #tpu.memory_space<vmem>>, vector<1x16xf32>,
          %get3A_835 = vector.shape_cast %get3A_834 : vector<1x16xf32> to vector<16xf32>
          %mul3A_836 = arith.mulf %select_n3A_656, %get3A_835 : vector<16xf32>
          %add3A_837 = arith.addf %mul3A_831, %mul3A_836 : vector<16xf32>
          %swap3A_838 = arith.constant 9 : i32
          %swap3A_839 = arith.index_cast %swap3A_838 : i32 to index
          %swap3A_840 = arith.constant 0 : index
          %swap3A_841 = tpu.vector_load %arg19[%swap3A_839, %swap3A_840] {strides = array<i32>} : memref<40x16xf32, #tpu.memory_space<vmem>>, vector<1x16xf32>,
          %swap3A_842 = vector.shape_cast %swap3A_841 : vector<1x16xf32> to vector<16xf32>
          %swap3A_843 = vector.shape_cast %add3A_837 : vector<16xf32> to vector<1x16xf32>
          tpu.vector_store %arg19[%swap3A_839, %swap3A_840], %swap3A_843 {strides = array<i32>} : memref<40x16xf32, #tpu.memory_space<vmem>>, vector<1x16xf32>,
          %get3A_844 = arith.constant 10 : i32
          %get3A_845 = arith.index_cast %get3A_844 : i32 to index
          %get3A_846 = arith.constant 0 : index
          %get3A_847 = tpu.vector_load %arg19[%get3A_845, %get3A_846] {strides = array<i32>} : memref<40x16xf32, #tpu.memory_space<vmem>>, vector<1x16xf32>,
          %get3A_848 = vector.shape_cast %get3A_847 : vector<1x16xf32> to vector<16xf32>
          %mul3A_849 = arith.mulf %get3A_848, %select_n3A_653 : vector<16xf32>
          %get3A_850 = arith.index_cast %scan3A_199 : i32 to index
          %get3A_851 = arith.constant 160 : index
          %get3A_852 = tpu.vector_load %arg15[%get3A_850, %get3A_851] {strides = array<i32>} : memref<16x640xf32, #tpu.memory_space<vmem>>, vector<1x16xf32>,
          %get3A_853 = vector.shape_cast %get3A_852 : vector<1x16xf32> to vector<16xf32>
          %mul3A_854 = arith.mulf %select_n3A_656, %get3A_853 : vector<16xf32>
          %add3A_855 = arith.addf %mul3A_849, %mul3A_854 : vector<16xf32>
          %swap3A_856 = arith.constant 10 : i32
          %swap3A_857 = arith.index_cast %swap3A_856 : i32 to index
          %swap3A_858 = arith.constant 0 : index
          %swap3A_859 = tpu.vector_load %arg19[%swap3A_857, %swap3A_858] {strides = array<i32>} : memref<40x16xf32, #tpu.memory_space<vmem>>, vector<1x16xf32>,
          %swap3A_860 = vector.shape_cast %swap3A_859 : vector<1x16xf32> to vector<16xf32>
          %swap3A_861 = vector.shape_cast %add3A_855 : vector<16xf32> to vector<1x16xf32>
          tpu.vector_store %arg19[%swap3A_857, %swap3A_858], %swap3A_861 {strides = array<i32>} : memref<40x16xf32, #tpu.memory_space<vmem>>, vector<1x16xf32>,
          %get3A_862 = arith.constant 11 : i32
          %get3A_863 = arith.index_cast %get3A_862 : i32 to index
          %get3A_864 = arith.constant 0 : index
          %get3A_865 = tpu.vector_load %arg19[%get3A_863, %get3A_864] {strides = array<i32>} : memref<40x16xf32, #tpu.memory_space<vmem>>, vector<1x16xf32>,
          %get3A_866 = vector.shape_cast %get3A_865 : vector<1x16xf32> to vector<16xf32>
          %mul3A_867 = arith.mulf %get3A_866, %select_n3A_653 : vector<16xf32>
          %get3A_868 = arith.index_cast %scan3A_199 : i32 to index
          %get3A_869 = arith.constant 176 : index
          %get3A_870 = tpu.vector_load %arg15[%get3A_868, %get3A_869] {strides = array<i32>} : memref<16x640xf32, #tpu.memory_space<vmem>>, vector<1x16xf32>,
          %get3A_871 = vector.shape_cast %get3A_870 : vector<1x16xf32> to vector<16xf32>
          %mul3A_872 = arith.mulf %select_n3A_656, %get3A_871 : vector<16xf32>
          %add3A_873 = arith.addf %mul3A_867, %mul3A_872 : vector<16xf32>
          %swap3A_874 = arith.constant 11 : i32
          %swap3A_875 = arith.index_cast %swap3A_874 : i32 to index
          %swap3A_876 = arith.constant 0 : index
          %swap3A_877 = tpu.vector_load %arg19[%swap3A_875, %swap3A_876] {strides = array<i32>} : memref<40x16xf32, #tpu.memory_space<vmem>>, vector<1x16xf32>,
          %swap3A_878 = vector.shape_cast %swap3A_877 : vector<1x16xf32> to vector<16xf32>
          %swap3A_879 = vector.shape_cast %add3A_873 : vector<16xf32> to vector<1x16xf32>
          tpu.vector_store %arg19[%swap3A_875, %swap3A_876], %swap3A_879 {strides = array<i32>} : memref<40x16xf32, #tpu.memory_space<vmem>>, vector<1x16xf32>,
          %get3A_880 = arith.constant 12 : i32
          %get3A_881 = arith.index_cast %get3A_880 : i32 to index
          %get3A_882 = arith.constant 0 : index
          %get3A_883 = tpu.vector_load %arg19[%get3A_881, %get3A_882] {strides = array<i32>} : memref<40x16xf32, #tpu.memory_space<vmem>>, vector<1x16xf32>,
          %get3A_884 = vector.shape_cast %get3A_883 : vector<1x16xf32> to vector<16xf32>
          %mul3A_885 = arith.mulf %get3A_884, %select_n3A_653 : vector<16xf32>
          %get3A_886 = arith.index_cast %scan3A_199 : i32 to index
          %get3A_887 = arith.constant 192 : index
          %get3A_888 = tpu.vector_load %arg15[%get3A_886, %get3A_887] {strides = array<i32>} : memref<16x640xf32, #tpu.memory_space<vmem>>, vector<1x16xf32>,
          %get3A_889 = vector.shape_cast %get3A_888 : vector<1x16xf32> to vector<16xf32>
          %mul3A_890 = arith.mulf %select_n3A_656, %get3A_889 : vector<16xf32>
          %add3A_891 = arith.addf %mul3A_885, %mul3A_890 : vector<16xf32>
          %swap3A_892 = arith.constant 12 : i32
          %swap3A_893 = arith.index_cast %swap3A_892 : i32 to index
          %swap3A_894 = arith.constant 0 : index
          %swap3A_895 = tpu.vector_load %arg19[%swap3A_893, %swap3A_894] {strides = array<i32>} : memref<40x16xf32, #tpu.memory_space<vmem>>, vector<1x16xf32>,
          %swap3A_896 = vector.shape_cast %swap3A_895 : vector<1x16xf32> to vector<16xf32>
          %swap3A_897 = vector.shape_cast %add3A_891 : vector<16xf32> to vector<1x16xf32>
          tpu.vector_store %arg19[%swap3A_893, %swap3A_894], %swap3A_897 {strides = array<i32>} : memref<40x16xf32, #tpu.memory_space<vmem>>, vector<1x16xf32>,
          %get3A_898 = arith.constant 13 : i32
          %get3A_899 = arith.index_cast %get3A_898 : i32 to index
          %get3A_900 = arith.constant 0 : index
          %get3A_901 = tpu.vector_load %arg19[%get3A_899, %get3A_900] {strides = array<i32>} : memref<40x16xf32, #tpu.memory_space<vmem>>, vector<1x16xf32>,
          %get3A_902 = vector.shape_cast %get3A_901 : vector<1x16xf32> to vector<16xf32>
          %mul3A_903 = arith.mulf %get3A_902, %select_n3A_653 : vector<16xf32>
          %get3A_904 = arith.index_cast %scan3A_199 : i32 to index
          %get3A_905 = arith.constant 208 : index
          %get3A_906 = tpu.vector_load %arg15[%get3A_904, %get3A_905] {strides = array<i32>} : memref<16x640xf32, #tpu.memory_space<vmem>>, vector<1x16xf32>,
          %get3A_907 = vector.shape_cast %get3A_906 : vector<1x16xf32> to vector<16xf32>
          %mul3A_908 = arith.mulf %select_n3A_656, %get3A_907 : vector<16xf32>
          %add3A_909 = arith.addf %mul3A_903, %mul3A_908 : vector<16xf32>
          %swap3A_910 = arith.constant 13 : i32
          %swap3A_911 = arith.index_cast %swap3A_910 : i32 to index
          %swap3A_912 = arith.constant 0 : index
          %swap3A_913 = tpu.vector_load %arg19[%swap3A_911, %swap3A_912] {strides = array<i32>} : memref<40x16xf32, #tpu.memory_space<vmem>>, vector<1x16xf32>,
          %swap3A_914 = vector.shape_cast %swap3A_913 : vector<1x16xf32> to vector<16xf32>
          %swap3A_915 = vector.shape_cast %add3A_909 : vector<16xf32> to vector<1x16xf32>
          tpu.vector_store %arg19[%swap3A_911, %swap3A_912], %swap3A_915 {strides = array<i32>} : memref<40x16xf32, #tpu.memory_space<vmem>>, vector<1x16xf32>,
          %get3A_916 = arith.constant 14 : i32
          %get3A_917 = arith.index_cast %get3A_916 : i32 to index
          %get3A_918 = arith.constant 0 : index
          %get3A_919 = tpu.vector_load %arg19[%get3A_917, %get3A_918] {strides = array<i32>} : memref<40x16xf32, #tpu.memory_space<vmem>>, vector<1x16xf32>,
          %get3A_920 = vector.shape_cast %get3A_919 : vector<1x16xf32> to vector<16xf32>
          %mul3A_921 = arith.mulf %get3A_920, %select_n3A_653 : vector<16xf32>
          %get3A_922 = arith.index_cast %scan3A_199 : i32 to index
          %get3A_923 = arith.constant 224 : index
          %get3A_924 = tpu.vector_load %arg15[%get3A_922, %get3A_923] {strides = array<i32>} : memref<16x640xf32, #tpu.memory_space<vmem>>, vector<1x16xf32>,
          %get3A_925 = vector.shape_cast %get3A_924 : vector<1x16xf32> to vector<16xf32>
          %mul3A_926 = arith.mulf %select_n3A_656, %get3A_925 : vector<16xf32>
          %add3A_927 = arith.addf %mul3A_921, %mul3A_926 : vector<16xf32>
          %swap3A_928 = arith.constant 14 : i32
          %swap3A_929 = arith.index_cast %swap3A_928 : i32 to index
          %swap3A_930 = arith.constant 0 : index
          %swap3A_931 = tpu.vector_load %arg19[%swap3A_929, %swap3A_930] {strides = array<i32>} : memref<40x16xf32, #tpu.memory_space<vmem>>, vector<1x16xf32>,
          %swap3A_932 = vector.shape_cast %swap3A_931 : vector<1x16xf32> to vector<16xf32>
          %swap3A_933 = vector.shape_cast %add3A_927 : vector<16xf32> to vector<1x16xf32>
          tpu.vector_store %arg19[%swap3A_929, %swap3A_930], %swap3A_933 {strides = array<i32>} : memref<40x16xf32, #tpu.memory_space<vmem>>, vector<1x16xf32>,
          %get3A_934 = arith.constant 15 : i32
          %get3A_935 = arith.index_cast %get3A_934 : i32 to index
          %get3A_936 = arith.constant 0 : index
          %get3A_937 = tpu.vector_load %arg19[%get3A_935, %get3A_936] {strides = array<i32>} : memref<40x16xf32, #tpu.memory_space<vmem>>, vector<1x16xf32>,
          %get3A_938 = vector.shape_cast %get3A_937 : vector<1x16xf32> to vector<16xf32>
          %mul3A_939 = arith.mulf %get3A_938, %select_n3A_653 : vector<16xf32>
          %get3A_940 = arith.index_cast %scan3A_199 : i32 to index
          %get3A_941 = arith.constant 240 : index
          %get3A_942 = tpu.vector_load %arg15[%get3A_940, %get3A_941] {strides = array<i32>} : memref<16x640xf32, #tpu.memory_space<vmem>>, vector<1x16xf32>,
          %get3A_943 = vector.shape_cast %get3A_942 : vector<1x16xf32> to vector<16xf32>
          %mul3A_944 = arith.mulf %select_n3A_656, %get3A_943 : vector<16xf32>
          %add3A_945 = arith.addf %mul3A_939, %mul3A_944 : vector<16xf32>
          %swap3A_946 = arith.constant 15 : i32
          %swap3A_947 = arith.index_cast %swap3A_946 : i32 to index
          %swap3A_948 = arith.constant 0 : index
          %swap3A_949 = tpu.vector_load %arg19[%swap3A_947, %swap3A_948] {strides = array<i32>} : memref<40x16xf32, #tpu.memory_space<vmem>>, vector<1x16xf32>,
          %swap3A_950 = vector.shape_cast %swap3A_949 : vector<1x16xf32> to vector<16xf32>
          %swap3A_951 = vector.shape_cast %add3A_945 : vector<16xf32> to vector<1x16xf32>
          tpu.vector_store %arg19[%swap3A_947, %swap3A_948], %swap3A_951 {strides = array<i32>} : memref<40x16xf32, #tpu.memory_space<vmem>>, vector<1x16xf32>,
          %get3A_952 = arith.constant 16 : i32
          %get3A_953 = arith.index_cast %get3A_952 : i32 to index
          %get3A_954 = arith.constant 0 : index
          %get3A_955 = tpu.vector_load %arg19[%get3A_953, %get3A_954] {strides = array<i32>} : memref<40x16xf32, #tpu.memory_space<vmem>>, vector<1x16xf32>,
          %get3A_956 = vector.shape_cast %get3A_955 : vector<1x16xf32> to vector<16xf32>
          %mul3A_957 = arith.mulf %get3A_956, %select_n3A_653 : vector<16xf32>
          %get3A_958 = arith.index_cast %scan3A_199 : i32 to index
          %get3A_959 = arith.constant 256 : index
          %get3A_960 = tpu.vector_load %arg15[%get3A_958, %get3A_959] {strides = array<i32>} : memref<16x640xf32, #tpu.memory_space<vmem>>, vector<1x16xf32>,
          %get3A_961 = vector.shape_cast %get3A_960 : vector<1x16xf32> to vector<16xf32>
          %mul3A_962 = arith.mulf %select_n3A_656, %get3A_961 : vector<16xf32>
          %add3A_963 = arith.addf %mul3A_957, %mul3A_962 : vector<16xf32>
          %swap3A_964 = arith.constant 16 : i32
          %swap3A_965 = arith.index_cast %swap3A_964 : i32 to index
          %swap3A_966 = arith.constant 0 : index
          %swap3A_967 = tpu.vector_load %arg19[%swap3A_965, %swap3A_966] {strides = array<i32>} : memref<40x16xf32, #tpu.memory_space<vmem>>, vector<1x16xf32>,
          %swap3A_968 = vector.shape_cast %swap3A_967 : vector<1x16xf32> to vector<16xf32>
          %swap3A_969 = vector.shape_cast %add3A_963 : vector<16xf32> to vector<1x16xf32>
          tpu.vector_store %arg19[%swap3A_965, %swap3A_966], %swap3A_969 {strides = array<i32>} : memref<40x16xf32, #tpu.memory_space<vmem>>, vector<1x16xf32>,
          %get3A_970 = arith.constant 17 : i32
          %get3A_971 = arith.index_cast %get3A_970 : i32 to index
          %get3A_972 = arith.constant 0 : index
          %get3A_973 = tpu.vector_load %arg19[%get3A_971, %get3A_972] {strides = array<i32>} : memref<40x16xf32, #tpu.memory_space<vmem>>, vector<1x16xf32>,
          %get3A_974 = vector.shape_cast %get3A_973 : vector<1x16xf32> to vector<16xf32>
          %mul3A_975 = arith.mulf %get3A_974, %select_n3A_653 : vector<16xf32>
          %get3A_976 = arith.index_cast %scan3A_199 : i32 to index
          %get3A_977 = arith.constant 272 : index
          %get3A_978 = tpu.vector_load %arg15[%get3A_976, %get3A_977] {strides = array<i32>} : memref<16x640xf32, #tpu.memory_space<vmem>>, vector<1x16xf32>,
          %get3A_979 = vector.shape_cast %get3A_978 : vector<1x16xf32> to vector<16xf32>
          %mul3A_980 = arith.mulf %select_n3A_656, %get3A_979 : vector<16xf32>
          %add3A_981 = arith.addf %mul3A_975, %mul3A_980 : vector<16xf32>
          %swap3A_982 = arith.constant 17 : i32
          %swap3A_983 = arith.index_cast %swap3A_982 : i32 to index
          %swap3A_984 = arith.constant 0 : index
          %swap3A_985 = tpu.vector_load %arg19[%swap3A_983, %swap3A_984] {strides = array<i32>} : memref<40x16xf32, #tpu.memory_space<vmem>>, vector<1x16xf32>,
          %swap3A_986 = vector.shape_cast %swap3A_985 : vector<1x16xf32> to vector<16xf32>
          %swap3A_987 = vector.shape_cast %add3A_981 : vector<16xf32> to vector<1x16xf32>
          tpu.vector_store %arg19[%swap3A_983, %swap3A_984], %swap3A_987 {strides = array<i32>} : memref<40x16xf32, #tpu.memory_space<vmem>>, vector<1x16xf32>,
          %get3A_988 = arith.constant 18 : i32
          %get3A_989 = arith.index_cast %get3A_988 : i32 to index
          %get3A_990 = arith.constant 0 : index
          %get3A_991 = tpu.vector_load %arg19[%get3A_989, %get3A_990] {strides = array<i32>} : memref<40x16xf32, #tpu.memory_space<vmem>>, vector<1x16xf32>,
          %get3A_992 = vector.shape_cast %get3A_991 : vector<1x16xf32> to vector<16xf32>
          %mul3A_993 = arith.mulf %get3A_992, %select_n3A_653 : vector<16xf32>
          %get3A_994 = arith.index_cast %scan3A_199 : i32 to index
          %get3A_995 = arith.constant 288 : index
          %get3A_996 = tpu.vector_load %arg15[%get3A_994, %get3A_995] {strides = array<i32>} : memref<16x640xf32, #tpu.memory_space<vmem>>, vector<1x16xf32>,
          %get3A_997 = vector.shape_cast %get3A_996 : vector<1x16xf32> to vector<16xf32>
          %mul3A_998 = arith.mulf %select_n3A_656, %get3A_997 : vector<16xf32>
          %add3A_999 = arith.addf %mul3A_993, %mul3A_998 : vector<16xf32>
          %swap3A_1000 = arith.constant 18 : i32
          %swap3A_1001 = arith.index_cast %swap3A_1000 : i32 to index
          %swap3A_1002 = arith.constant 0 : index
          %swap3A_1003 = tpu.vector_load %arg19[%swap3A_1001, %swap3A_1002] {strides = array<i32>} : memref<40x16xf32, #tpu.memory_space<vmem>>, vector<1x16xf32>,
          %swap3A_1004 = vector.shape_cast %swap3A_1003 : vector<1x16xf32> to vector<16xf32>
          %swap3A_1005 = vector.shape_cast %add3A_999 : vector<16xf32> to vector<1x16xf32>
          tpu.vector_store %arg19[%swap3A_1001, %swap3A_1002], %swap3A_1005 {strides = array<i32>} : memref<40x16xf32, #tpu.memory_space<vmem>>, vector<1x16xf32>,
          %get3A_1006 = arith.constant 19 : i32
          %get3A_1007 = arith.index_cast %get3A_1006 : i32 to index
          %get3A_1008 = arith.constant 0 : index
          %get3A_1009 = tpu.vector_load %arg19[%get3A_1007, %get3A_1008] {strides = array<i32>} : memref<40x16xf32, #tpu.memory_space<vmem>>, vector<1x16xf32>,
          %get3A_1010 = vector.shape_cast %get3A_1009 : vector<1x16xf32> to vector<16xf32>
          %mul3A_1011 = arith.mulf %get3A_1010, %select_n3A_653 : vector<16xf32>
          %get3A_1012 = arith.index_cast %scan3A_199 : i32 to index
          %get3A_1013 = arith.constant 304 : index
          %get3A_1014 = tpu.vector_load %arg15[%get3A_1012, %get3A_1013] {strides = array<i32>} : memref<16x640xf32, #tpu.memory_space<vmem>>, vector<1x16xf32>,
          %get3A_1015 = vector.shape_cast %get3A_1014 : vector<1x16xf32> to vector<16xf32>
          %mul3A_1016 = arith.mulf %select_n3A_656, %get3A_1015 : vector<16xf32>
          %add3A_1017 = arith.addf %mul3A_1011, %mul3A_1016 : vector<16xf32>
          %swap3A_1018 = arith.constant 19 : i32
          %swap3A_1019 = arith.index_cast %swap3A_1018 : i32 to index
          %swap3A_1020 = arith.constant 0 : index
          %swap3A_1021 = tpu.vector_load %arg19[%swap3A_1019, %swap3A_1020] {strides = array<i32>} : memref<40x16xf32, #tpu.memory_space<vmem>>, vector<1x16xf32>,
          %swap3A_1022 = vector.shape_cast %swap3A_1021 : vector<1x16xf32> to vector<16xf32>
          %swap3A_1023 = vector.shape_cast %add3A_1017 : vector<16xf32> to vector<1x16xf32>
          tpu.vector_store %arg19[%swap3A_1019, %swap3A_1020], %swap3A_1023 {strides = array<i32>} : memref<40x16xf32, #tpu.memory_space<vmem>>, vector<1x16xf32>,
          %get3A_1024 = arith.constant 20 : i32
          %get3A_1025 = arith.index_cast %get3A_1024 : i32 to index
          %get3A_1026 = arith.constant 0 : index
          %get3A_1027 = tpu.vector_load %arg19[%get3A_1025, %get3A_1026] {strides = array<i32>} : memref<40x16xf32, #tpu.memory_space<vmem>>, vector<1x16xf32>,
          %get3A_1028 = vector.shape_cast %get3A_1027 : vector<1x16xf32> to vector<16xf32>
          %mul3A_1029 = arith.mulf %get3A_1028, %select_n3A_653 : vector<16xf32>
          %get3A_1030 = arith.index_cast %scan3A_199 : i32 to index
          %get3A_1031 = arith.constant 320 : index
          %get3A_1032 = tpu.vector_load %arg15[%get3A_1030, %get3A_1031] {strides = array<i32>} : memref<16x640xf32, #tpu.memory_space<vmem>>, vector<1x16xf32>,
          %get3A_1033 = vector.shape_cast %get3A_1032 : vector<1x16xf32> to vector<16xf32>
          %mul3A_1034 = arith.mulf %select_n3A_656, %get3A_1033 : vector<16xf32>
          %add3A_1035 = arith.addf %mul3A_1029, %mul3A_1034 : vector<16xf32>
          %swap3A_1036 = arith.constant 20 : i32
          %swap3A_1037 = arith.index_cast %swap3A_1036 : i32 to index
          %swap3A_1038 = arith.constant 0 : index
          %swap3A_1039 = tpu.vector_load %arg19[%swap3A_1037, %swap3A_1038] {strides = array<i32>} : memref<40x16xf32, #tpu.memory_space<vmem>>, vector<1x16xf32>,
          %swap3A_1040 = vector.shape_cast %swap3A_1039 : vector<1x16xf32> to vector<16xf32>
          %swap3A_1041 = vector.shape_cast %add3A_1035 : vector<16xf32> to vector<1x16xf32>
          tpu.vector_store %arg19[%swap3A_1037, %swap3A_1038], %swap3A_1041 {strides = array<i32>} : memref<40x16xf32, #tpu.memory_space<vmem>>, vector<1x16xf32>,
          %get3A_1042 = arith.constant 21 : i32
          %get3A_1043 = arith.index_cast %get3A_1042 : i32 to index
          %get3A_1044 = arith.constant 0 : index
          %get3A_1045 = tpu.vector_load %arg19[%get3A_1043, %get3A_1044] {strides = array<i32>} : memref<40x16xf32, #tpu.memory_space<vmem>>, vector<1x16xf32>,
          %get3A_1046 = vector.shape_cast %get3A_1045 : vector<1x16xf32> to vector<16xf32>
          %mul3A_1047 = arith.mulf %get3A_1046, %select_n3A_653 : vector<16xf32>
          %get3A_1048 = arith.index_cast %scan3A_199 : i32 to index
          %get3A_1049 = arith.constant 336 : index
          %get3A_1050 = tpu.vector_load %arg15[%get3A_1048, %get3A_1049] {strides = array<i32>} : memref<16x640xf32, #tpu.memory_space<vmem>>, vector<1x16xf32>,
          %get3A_1051 = vector.shape_cast %get3A_1050 : vector<1x16xf32> to vector<16xf32>
          %mul3A_1052 = arith.mulf %select_n3A_656, %get3A_1051 : vector<16xf32>
          %add3A_1053 = arith.addf %mul3A_1047, %mul3A_1052 : vector<16xf32>
          %swap3A_1054 = arith.constant 21 : i32
          %swap3A_1055 = arith.index_cast %swap3A_1054 : i32 to index
          %swap3A_1056 = arith.constant 0 : index
          %swap3A_1057 = tpu.vector_load %arg19[%swap3A_1055, %swap3A_1056] {strides = array<i32>} : memref<40x16xf32, #tpu.memory_space<vmem>>, vector<1x16xf32>,
          %swap3A_1058 = vector.shape_cast %swap3A_1057 : vector<1x16xf32> to vector<16xf32>
          %swap3A_1059 = vector.shape_cast %add3A_1053 : vector<16xf32> to vector<1x16xf32>
          tpu.vector_store %arg19[%swap3A_1055, %swap3A_1056], %swap3A_1059 {strides = array<i32>} : memref<40x16xf32, #tpu.memory_space<vmem>>, vector<1x16xf32>,
          %get3A_1060 = arith.constant 22 : i32
          %get3A_1061 = arith.index_cast %get3A_1060 : i32 to index
          %get3A_1062 = arith.constant 0 : index
          %get3A_1063 = tpu.vector_load %arg19[%get3A_1061, %get3A_1062] {strides = array<i32>} : memref<40x16xf32, #tpu.memory_space<vmem>>, vector<1x16xf32>,
          %get3A_1064 = vector.shape_cast %get3A_1063 : vector<1x16xf32> to vector<16xf32>
          %mul3A_1065 = arith.mulf %get3A_1064, %select_n3A_653 : vector<16xf32>
          %get3A_1066 = arith.index_cast %scan3A_199 : i32 to index
          %get3A_1067 = arith.constant 352 : index
          %get3A_1068 = tpu.vector_load %arg15[%get3A_1066, %get3A_1067] {strides = array<i32>} : memref<16x640xf32, #tpu.memory_space<vmem>>, vector<1x16xf32>,
          %get3A_1069 = vector.shape_cast %get3A_1068 : vector<1x16xf32> to vector<16xf32>
          %mul3A_1070 = arith.mulf %select_n3A_656, %get3A_1069 : vector<16xf32>
          %add3A_1071 = arith.addf %mul3A_1065, %mul3A_1070 : vector<16xf32>
          %swap3A_1072 = arith.constant 22 : i32
          %swap3A_1073 = arith.index_cast %swap3A_1072 : i32 to index
          %swap3A_1074 = arith.constant 0 : index
          %swap3A_1075 = tpu.vector_load %arg19[%swap3A_1073, %swap3A_1074] {strides = array<i32>} : memref<40x16xf32, #tpu.memory_space<vmem>>, vector<1x16xf32>,
          %swap3A_1076 = vector.shape_cast %swap3A_1075 : vector<1x16xf32> to vector<16xf32>
          %swap3A_1077 = vector.shape_cast %add3A_1071 : vector<16xf32> to vector<1x16xf32>
          tpu.vector_store %arg19[%swap3A_1073, %swap3A_1074], %swap3A_1077 {strides = array<i32>} : memref<40x16xf32, #tpu.memory_space<vmem>>, vector<1x16xf32>,
          %get3A_1078 = arith.constant 23 : i32
          %get3A_1079 = arith.index_cast %get3A_1078 : i32 to index
          %get3A_1080 = arith.constant 0 : index
          %get3A_1081 = tpu.vector_load %arg19[%get3A_1079, %get3A_1080] {strides = array<i32>} : memref<40x16xf32, #tpu.memory_space<vmem>>, vector<1x16xf32>,
          %get3A_1082 = vector.shape_cast %get3A_1081 : vector<1x16xf32> to vector<16xf32>
          %mul3A_1083 = arith.mulf %get3A_1082, %select_n3A_653 : vector<16xf32>
          %get3A_1084 = arith.index_cast %scan3A_199 : i32 to index
          %get3A_1085 = arith.constant 368 : index
          %get3A_1086 = tpu.vector_load %arg15[%get3A_1084, %get3A_1085] {strides = array<i32>} : memref<16x640xf32, #tpu.memory_space<vmem>>, vector<1x16xf32>,
          %get3A_1087 = vector.shape_cast %get3A_1086 : vector<1x16xf32> to vector<16xf32>
          %mul3A_1088 = arith.mulf %select_n3A_656, %get3A_1087 : vector<16xf32>
          %add3A_1089 = arith.addf %mul3A_1083, %mul3A_1088 : vector<16xf32>
          %swap3A_1090 = arith.constant 23 : i32
          %swap3A_1091 = arith.index_cast %swap3A_1090 : i32 to index
          %swap3A_1092 = arith.constant 0 : index
          %swap3A_1093 = tpu.vector_load %arg19[%swap3A_1091, %swap3A_1092] {strides = array<i32>} : memref<40x16xf32, #tpu.memory_space<vmem>>, vector<1x16xf32>,
          %swap3A_1094 = vector.shape_cast %swap3A_1093 : vector<1x16xf32> to vector<16xf32>
          %swap3A_1095 = vector.shape_cast %add3A_1089 : vector<16xf32> to vector<1x16xf32>
          tpu.vector_store %arg19[%swap3A_1091, %swap3A_1092], %swap3A_1095 {strides = array<i32>} : memref<40x16xf32, #tpu.memory_space<vmem>>, vector<1x16xf32>,
          %get3A_1096 = arith.constant 24 : i32
          %get3A_1097 = arith.index_cast %get3A_1096 : i32 to index
          %get3A_1098 = arith.constant 0 : index
          %get3A_1099 = tpu.vector_load %arg19[%get3A_1097, %get3A_1098] {strides = array<i32>} : memref<40x16xf32, #tpu.memory_space<vmem>>, vector<1x16xf32>,
          %get3A_1100 = vector.shape_cast %get3A_1099 : vector<1x16xf32> to vector<16xf32>
          %mul3A_1101 = arith.mulf %get3A_1100, %select_n3A_653 : vector<16xf32>
          %get3A_1102 = arith.index_cast %scan3A_199 : i32 to index
          %get3A_1103 = arith.constant 384 : index
          %get3A_1104 = tpu.vector_load %arg15[%get3A_1102, %get3A_1103] {strides = array<i32>} : memref<16x640xf32, #tpu.memory_space<vmem>>, vector<1x16xf32>,
          %get3A_1105 = vector.shape_cast %get3A_1104 : vector<1x16xf32> to vector<16xf32>
          %mul3A_1106 = arith.mulf %select_n3A_656, %get3A_1105 : vector<16xf32>
          %add3A_1107 = arith.addf %mul3A_1101, %mul3A_1106 : vector<16xf32>
          %swap3A_1108 = arith.constant 24 : i32
          %swap3A_1109 = arith.index_cast %swap3A_1108 : i32 to index
          %swap3A_1110 = arith.constant 0 : index
          %swap3A_1111 = tpu.vector_load %arg19[%swap3A_1109, %swap3A_1110] {strides = array<i32>} : memref<40x16xf32, #tpu.memory_space<vmem>>, vector<1x16xf32>,
          %swap3A_1112 = vector.shape_cast %swap3A_1111 : vector<1x16xf32> to vector<16xf32>
          %swap3A_1113 = vector.shape_cast %add3A_1107 : vector<16xf32> to vector<1x16xf32>
          tpu.vector_store %arg19[%swap3A_1109, %swap3A_1110], %swap3A_1113 {strides = array<i32>} : memref<40x16xf32, #tpu.memory_space<vmem>>, vector<1x16xf32>,
          %get3A_1114 = arith.constant 25 : i32
          %get3A_1115 = arith.index_cast %get3A_1114 : i32 to index
          %get3A_1116 = arith.constant 0 : index
          %get3A_1117 = tpu.vector_load %arg19[%get3A_1115, %get3A_1116] {strides = array<i32>} : memref<40x16xf32, #tpu.memory_space<vmem>>, vector<1x16xf32>,
          %get3A_1118 = vector.shape_cast %get3A_1117 : vector<1x16xf32> to vector<16xf32>
          %mul3A_1119 = arith.mulf %get3A_1118, %select_n3A_653 : vector<16xf32>
          %get3A_1120 = arith.index_cast %scan3A_199 : i32 to index
          %get3A_1121 = arith.constant 400 : index
          %get3A_1122 = tpu.vector_load %arg15[%get3A_1120, %get3A_1121] {strides = array<i32>} : memref<16x640xf32, #tpu.memory_space<vmem>>, vector<1x16xf32>,
          %get3A_1123 = vector.shape_cast %get3A_1122 : vector<1x16xf32> to vector<16xf32>
          %mul3A_1124 = arith.mulf %select_n3A_656, %get3A_1123 : vector<16xf32>
          %add3A_1125 = arith.addf %mul3A_1119, %mul3A_1124 : vector<16xf32>
          %swap3A_1126 = arith.constant 25 : i32
          %swap3A_1127 = arith.index_cast %swap3A_1126 : i32 to index
          %swap3A_1128 = arith.constant 0 : index
          %swap3A_1129 = tpu.vector_load %arg19[%swap3A_1127, %swap3A_1128] {strides = array<i32>} : memref<40x16xf32, #tpu.memory_space<vmem>>, vector<1x16xf32>,
          %swap3A_1130 = vector.shape_cast %swap3A_1129 : vector<1x16xf32> to vector<16xf32>
          %swap3A_1131 = vector.shape_cast %add3A_1125 : vector<16xf32> to vector<1x16xf32>
          tpu.vector_store %arg19[%swap3A_1127, %swap3A_1128], %swap3A_1131 {strides = array<i32>} : memref<40x16xf32, #tpu.memory_space<vmem>>, vector<1x16xf32>,
          %get3A_1132 = arith.constant 26 : i32
          %get3A_1133 = arith.index_cast %get3A_1132 : i32 to index
          %get3A_1134 = arith.constant 0 : index
          %get3A_1135 = tpu.vector_load %arg19[%get3A_1133, %get3A_1134] {strides = array<i32>} : memref<40x16xf32, #tpu.memory_space<vmem>>, vector<1x16xf32>,
          %get3A_1136 = vector.shape_cast %get3A_1135 : vector<1x16xf32> to vector<16xf32>
          %mul3A_1137 = arith.mulf %get3A_1136, %select_n3A_653 : vector<16xf32>
          %get3A_1138 = arith.index_cast %scan3A_199 : i32 to index
          %get3A_1139 = arith.constant 416 : index
          %get3A_1140 = tpu.vector_load %arg15[%get3A_1138, %get3A_1139] {strides = array<i32>} : memref<16x640xf32, #tpu.memory_space<vmem>>, vector<1x16xf32>,
          %get3A_1141 = vector.shape_cast %get3A_1140 : vector<1x16xf32> to vector<16xf32>
          %mul3A_1142 = arith.mulf %select_n3A_656, %get3A_1141 : vector<16xf32>
          %add3A_1143 = arith.addf %mul3A_1137, %mul3A_1142 : vector<16xf32>
          %swap3A_1144 = arith.constant 26 : i32
          %swap3A_1145 = arith.index_cast %swap3A_1144 : i32 to index
          %swap3A_1146 = arith.constant 0 : index
          %swap3A_1147 = tpu.vector_load %arg19[%swap3A_1145, %swap3A_1146] {strides = array<i32>} : memref<40x16xf32, #tpu.memory_space<vmem>>, vector<1x16xf32>,
          %swap3A_1148 = vector.shape_cast %swap3A_1147 : vector<1x16xf32> to vector<16xf32>
          %swap3A_1149 = vector.shape_cast %add3A_1143 : vector<16xf32> to vector<1x16xf32>
          tpu.vector_store %arg19[%swap3A_1145, %swap3A_1146], %swap3A_1149 {strides = array<i32>} : memref<40x16xf32, #tpu.memory_space<vmem>>, vector<1x16xf32>,
          %get3A_1150 = arith.constant 27 : i32
          %get3A_1151 = arith.index_cast %get3A_1150 : i32 to index
          %get3A_1152 = arith.constant 0 : index
          %get3A_1153 = tpu.vector_load %arg19[%get3A_1151, %get3A_1152] {strides = array<i32>} : memref<40x16xf32, #tpu.memory_space<vmem>>, vector<1x16xf32>,
          %get3A_1154 = vector.shape_cast %get3A_1153 : vector<1x16xf32> to vector<16xf32>
          %mul3A_1155 = arith.mulf %get3A_1154, %select_n3A_653 : vector<16xf32>
          %get3A_1156 = arith.index_cast %scan3A_199 : i32 to index
          %get3A_1157 = arith.constant 432 : index
          %get3A_1158 = tpu.vector_load %arg15[%get3A_1156, %get3A_1157] {strides = array<i32>} : memref<16x640xf32, #tpu.memory_space<vmem>>, vector<1x16xf32>,
          %get3A_1159 = vector.shape_cast %get3A_1158 : vector<1x16xf32> to vector<16xf32>
          %mul3A_1160 = arith.mulf %select_n3A_656, %get3A_1159 : vector<16xf32>
          %add3A_1161 = arith.addf %mul3A_1155, %mul3A_1160 : vector<16xf32>
          %swap3A_1162 = arith.constant 27 : i32
          %swap3A_1163 = arith.index_cast %swap3A_1162 : i32 to index
          %swap3A_1164 = arith.constant 0 : index
          %swap3A_1165 = tpu.vector_load %arg19[%swap3A_1163, %swap3A_1164] {strides = array<i32>} : memref<40x16xf32, #tpu.memory_space<vmem>>, vector<1x16xf32>,
          %swap3A_1166 = vector.shape_cast %swap3A_1165 : vector<1x16xf32> to vector<16xf32>
          %swap3A_1167 = vector.shape_cast %add3A_1161 : vector<16xf32> to vector<1x16xf32>
          tpu.vector_store %arg19[%swap3A_1163, %swap3A_1164], %swap3A_1167 {strides = array<i32>} : memref<40x16xf32, #tpu.memory_space<vmem>>, vector<1x16xf32>,
          %get3A_1168 = arith.constant 28 : i32
          %get3A_1169 = arith.index_cast %get3A_1168 : i32 to index
          %get3A_1170 = arith.constant 0 : index
          %get3A_1171 = tpu.vector_load %arg19[%get3A_1169, %get3A_1170] {strides = array<i32>} : memref<40x16xf32, #tpu.memory_space<vmem>>, vector<1x16xf32>,
          %get3A_1172 = vector.shape_cast %get3A_1171 : vector<1x16xf32> to vector<16xf32>
          %mul3A_1173 = arith.mulf %get3A_1172, %select_n3A_653 : vector<16xf32>
          %get3A_1174 = arith.index_cast %scan3A_199 : i32 to index
          %get3A_1175 = arith.constant 448 : index
          %get3A_1176 = tpu.vector_load %arg15[%get3A_1174, %get3A_1175] {strides = array<i32>} : memref<16x640xf32, #tpu.memory_space<vmem>>, vector<1x16xf32>,
          %get3A_1177 = vector.shape_cast %get3A_1176 : vector<1x16xf32> to vector<16xf32>
          %mul3A_1178 = arith.mulf %select_n3A_656, %get3A_1177 : vector<16xf32>
          %add3A_1179 = arith.addf %mul3A_1173, %mul3A_1178 : vector<16xf32>
          %swap3A_1180 = arith.constant 28 : i32
          %swap3A_1181 = arith.index_cast %swap3A_1180 : i32 to index
          %swap3A_1182 = arith.constant 0 : index
          %swap3A_1183 = tpu.vector_load %arg19[%swap3A_1181, %swap3A_1182] {strides = array<i32>} : memref<40x16xf32, #tpu.memory_space<vmem>>, vector<1x16xf32>,
          %swap3A_1184 = vector.shape_cast %swap3A_1183 : vector<1x16xf32> to vector<16xf32>
          %swap3A_1185 = vector.shape_cast %add3A_1179 : vector<16xf32> to vector<1x16xf32>
          tpu.vector_store %arg19[%swap3A_1181, %swap3A_1182], %swap3A_1185 {strides = array<i32>} : memref<40x16xf32, #tpu.memory_space<vmem>>, vector<1x16xf32>,
          %get3A_1186 = arith.constant 29 : i32
          %get3A_1187 = arith.index_cast %get3A_1186 : i32 to index
          %get3A_1188 = arith.constant 0 : index
          %get3A_1189 = tpu.vector_load %arg19[%get3A_1187, %get3A_1188] {strides = array<i32>} : memref<40x16xf32, #tpu.memory_space<vmem>>, vector<1x16xf32>,
          %get3A_1190 = vector.shape_cast %get3A_1189 : vector<1x16xf32> to vector<16xf32>
          %mul3A_1191 = arith.mulf %get3A_1190, %select_n3A_653 : vector<16xf32>
          %get3A_1192 = arith.index_cast %scan3A_199 : i32 to index
          %get3A_1193 = arith.constant 464 : index
          %get3A_1194 = tpu.vector_load %arg15[%get3A_1192, %get3A_1193] {strides = array<i32>} : memref<16x640xf32, #tpu.memory_space<vmem>>, vector<1x16xf32>,
          %get3A_1195 = vector.shape_cast %get3A_1194 : vector<1x16xf32> to vector<16xf32>
          %mul3A_1196 = arith.mulf %select_n3A_656, %get3A_1195 : vector<16xf32>
          %add3A_1197 = arith.addf %mul3A_1191, %mul3A_1196 : vector<16xf32>
          %swap3A_1198 = arith.constant 29 : i32
          %swap3A_1199 = arith.index_cast %swap3A_1198 : i32 to index
          %swap3A_1200 = arith.constant 0 : index
          %swap3A_1201 = tpu.vector_load %arg19[%swap3A_1199, %swap3A_1200] {strides = array<i32>} : memref<40x16xf32, #tpu.memory_space<vmem>>, vector<1x16xf32>,
          %swap3A_1202 = vector.shape_cast %swap3A_1201 : vector<1x16xf32> to vector<16xf32>
          %swap3A_1203 = vector.shape_cast %add3A_1197 : vector<16xf32> to vector<1x16xf32>
          tpu.vector_store %arg19[%swap3A_1199, %swap3A_1200], %swap3A_1203 {strides = array<i32>} : memref<40x16xf32, #tpu.memory_space<vmem>>, vector<1x16xf32>,
          %get3A_1204 = arith.constant 30 : i32
          %get3A_1205 = arith.index_cast %get3A_1204 : i32 to index
          %get3A_1206 = arith.constant 0 : index
          %get3A_1207 = tpu.vector_load %arg19[%get3A_1205, %get3A_1206] {strides = array<i32>} : memref<40x16xf32, #tpu.memory_space<vmem>>, vector<1x16xf32>,
          %get3A_1208 = vector.shape_cast %get3A_1207 : vector<1x16xf32> to vector<16xf32>
          %mul3A_1209 = arith.mulf %get3A_1208, %select_n3A_653 : vector<16xf32>
          %get3A_1210 = arith.index_cast %scan3A_199 : i32 to index
          %get3A_1211 = arith.constant 480 : index
          %get3A_1212 = tpu.vector_load %arg15[%get3A_1210, %get3A_1211] {strides = array<i32>} : memref<16x640xf32, #tpu.memory_space<vmem>>, vector<1x16xf32>,
          %get3A_1213 = vector.shape_cast %get3A_1212 : vector<1x16xf32> to vector<16xf32>
          %mul3A_1214 = arith.mulf %select_n3A_656, %get3A_1213 : vector<16xf32>
          %add3A_1215 = arith.addf %mul3A_1209, %mul3A_1214 : vector<16xf32>
          %swap3A_1216 = arith.constant 30 : i32
          %swap3A_1217 = arith.index_cast %swap3A_1216 : i32 to index
          %swap3A_1218 = arith.constant 0 : index
          %swap3A_1219 = tpu.vector_load %arg19[%swap3A_1217, %swap3A_1218] {strides = array<i32>} : memref<40x16xf32, #tpu.memory_space<vmem>>, vector<1x16xf32>,
          %swap3A_1220 = vector.shape_cast %swap3A_1219 : vector<1x16xf32> to vector<16xf32>
          %swap3A_1221 = vector.shape_cast %add3A_1215 : vector<16xf32> to vector<1x16xf32>
          tpu.vector_store %arg19[%swap3A_1217, %swap3A_1218], %swap3A_1221 {strides = array<i32>} : memref<40x16xf32, #tpu.memory_space<vmem>>, vector<1x16xf32>,
          %get3A_1222 = arith.constant 31 : i32
          %get3A_1223 = arith.index_cast %get3A_1222 : i32 to index
          %get3A_1224 = arith.constant 0 : index
          %get3A_1225 = tpu.vector_load %arg19[%get3A_1223, %get3A_1224] {strides = array<i32>} : memref<40x16xf32, #tpu.memory_space<vmem>>, vector<1x16xf32>,
          %get3A_1226 = vector.shape_cast %get3A_1225 : vector<1x16xf32> to vector<16xf32>
          %mul3A_1227 = arith.mulf %get3A_1226, %select_n3A_653 : vector<16xf32>
          %get3A_1228 = arith.index_cast %scan3A_199 : i32 to index
          %get3A_1229 = arith.constant 496 : index
          %get3A_1230 = tpu.vector_load %arg15[%get3A_1228, %get3A_1229] {strides = array<i32>} : memref<16x640xf32, #tpu.memory_space<vmem>>, vector<1x16xf32>,
          %get3A_1231 = vector.shape_cast %get3A_1230 : vector<1x16xf32> to vector<16xf32>
          %mul3A_1232 = arith.mulf %select_n3A_656, %get3A_1231 : vector<16xf32>
          %add3A_1233 = arith.addf %mul3A_1227, %mul3A_1232 : vector<16xf32>
          %swap3A_1234 = arith.constant 31 : i32
          %swap3A_1235 = arith.index_cast %swap3A_1234 : i32 to index
          %swap3A_1236 = arith.constant 0 : index
          %swap3A_1237 = tpu.vector_load %arg19[%swap3A_1235, %swap3A_1236] {strides = array<i32>} : memref<40x16xf32, #tpu.memory_space<vmem>>, vector<1x16xf32>,
          %swap3A_1238 = vector.shape_cast %swap3A_1237 : vector<1x16xf32> to vector<16xf32>
          %swap3A_1239 = vector.shape_cast %add3A_1233 : vector<16xf32> to vector<1x16xf32>
          tpu.vector_store %arg19[%swap3A_1235, %swap3A_1236], %swap3A_1239 {strides = array<i32>} : memref<40x16xf32, #tpu.memory_space<vmem>>, vector<1x16xf32>,
          %get3A_1240 = arith.constant 32 : i32
          %get3A_1241 = arith.index_cast %get3A_1240 : i32 to index
          %get3A_1242 = arith.constant 0 : index
          %get3A_1243 = tpu.vector_load %arg19[%get3A_1241, %get3A_1242] {strides = array<i32>} : memref<40x16xf32, #tpu.memory_space<vmem>>, vector<1x16xf32>,
          %get3A_1244 = vector.shape_cast %get3A_1243 : vector<1x16xf32> to vector<16xf32>
          %mul3A_1245 = arith.mulf %get3A_1244, %select_n3A_653 : vector<16xf32>
          %get3A_1246 = arith.index_cast %scan3A_199 : i32 to index
          %get3A_1247 = arith.constant 512 : index
          %get3A_1248 = tpu.vector_load %arg15[%get3A_1246, %get3A_1247] {strides = array<i32>} : memref<16x640xf32, #tpu.memory_space<vmem>>, vector<1x16xf32>,
          %get3A_1249 = vector.shape_cast %get3A_1248 : vector<1x16xf32> to vector<16xf32>
          %mul3A_1250 = arith.mulf %select_n3A_656, %get3A_1249 : vector<16xf32>
          %add3A_1251 = arith.addf %mul3A_1245, %mul3A_1250 : vector<16xf32>
          %swap3A_1252 = arith.constant 32 : i32
          %swap3A_1253 = arith.index_cast %swap3A_1252 : i32 to index
          %swap3A_1254 = arith.constant 0 : index
          %swap3A_1255 = tpu.vector_load %arg19[%swap3A_1253, %swap3A_1254] {strides = array<i32>} : memref<40x16xf32, #tpu.memory_space<vmem>>, vector<1x16xf32>,
          %swap3A_1256 = vector.shape_cast %swap3A_1255 : vector<1x16xf32> to vector<16xf32>
          %swap3A_1257 = vector.shape_cast %add3A_1251 : vector<16xf32> to vector<1x16xf32>
          tpu.vector_store %arg19[%swap3A_1253, %swap3A_1254], %swap3A_1257 {strides = array<i32>} : memref<40x16xf32, #tpu.memory_space<vmem>>, vector<1x16xf32>,
          %get3A_1258 = arith.constant 33 : i32
          %get3A_1259 = arith.index_cast %get3A_1258 : i32 to index
          %get3A_1260 = arith.constant 0 : index
          %get3A_1261 = tpu.vector_load %arg19[%get3A_1259, %get3A_1260] {strides = array<i32>} : memref<40x16xf32, #tpu.memory_space<vmem>>, vector<1x16xf32>,
          %get3A_1262 = vector.shape_cast %get3A_1261 : vector<1x16xf32> to vector<16xf32>
          %mul3A_1263 = arith.mulf %get3A_1262, %select_n3A_653 : vector<16xf32>
          %get3A_1264 = arith.index_cast %scan3A_199 : i32 to index
          %get3A_1265 = arith.constant 528 : index
          %get3A_1266 = tpu.vector_load %arg15[%get3A_1264, %get3A_1265] {strides = array<i32>} : memref<16x640xf32, #tpu.memory_space<vmem>>, vector<1x16xf32>,
          %get3A_1267 = vector.shape_cast %get3A_1266 : vector<1x16xf32> to vector<16xf32>
          %mul3A_1268 = arith.mulf %select_n3A_656, %get3A_1267 : vector<16xf32>
          %add3A_1269 = arith.addf %mul3A_1263, %mul3A_1268 : vector<16xf32>
          %swap3A_1270 = arith.constant 33 : i32
          %swap3A_1271 = arith.index_cast %swap3A_1270 : i32 to index
          %swap3A_1272 = arith.constant 0 : index
          %swap3A_1273 = tpu.vector_load %arg19[%swap3A_1271, %swap3A_1272] {strides = array<i32>} : memref<40x16xf32, #tpu.memory_space<vmem>>, vector<1x16xf32>,
          %swap3A_1274 = vector.shape_cast %swap3A_1273 : vector<1x16xf32> to vector<16xf32>
          %swap3A_1275 = vector.shape_cast %add3A_1269 : vector<16xf32> to vector<1x16xf32>
          tpu.vector_store %arg19[%swap3A_1271, %swap3A_1272], %swap3A_1275 {strides = array<i32>} : memref<40x16xf32, #tpu.memory_space<vmem>>, vector<1x16xf32>,
          %get3A_1276 = arith.constant 34 : i32
          %get3A_1277 = arith.index_cast %get3A_1276 : i32 to index
          %get3A_1278 = arith.constant 0 : index
          %get3A_1279 = tpu.vector_load %arg19[%get3A_1277, %get3A_1278] {strides = array<i32>} : memref<40x16xf32, #tpu.memory_space<vmem>>, vector<1x16xf32>,
          %get3A_1280 = vector.shape_cast %get3A_1279 : vector<1x16xf32> to vector<16xf32>
          %mul3A_1281 = arith.mulf %get3A_1280, %select_n3A_653 : vector<16xf32>
          %get3A_1282 = arith.index_cast %scan3A_199 : i32 to index
          %get3A_1283 = arith.constant 544 : index
          %get3A_1284 = tpu.vector_load %arg15[%get3A_1282, %get3A_1283] {strides = array<i32>} : memref<16x640xf32, #tpu.memory_space<vmem>>, vector<1x16xf32>,
          %get3A_1285 = vector.shape_cast %get3A_1284 : vector<1x16xf32> to vector<16xf32>
          %mul3A_1286 = arith.mulf %select_n3A_656, %get3A_1285 : vector<16xf32>
          %add3A_1287 = arith.addf %mul3A_1281, %mul3A_1286 : vector<16xf32>
          %swap3A_1288 = arith.constant 34 : i32
          %swap3A_1289 = arith.index_cast %swap3A_1288 : i32 to index
          %swap3A_1290 = arith.constant 0 : index
          %swap3A_1291 = tpu.vector_load %arg19[%swap3A_1289, %swap3A_1290] {strides = array<i32>} : memref<40x16xf32, #tpu.memory_space<vmem>>, vector<1x16xf32>,
          %swap3A_1292 = vector.shape_cast %swap3A_1291 : vector<1x16xf32> to vector<16xf32>
          %swap3A_1293 = vector.shape_cast %add3A_1287 : vector<16xf32> to vector<1x16xf32>
          tpu.vector_store %arg19[%swap3A_1289, %swap3A_1290], %swap3A_1293 {strides = array<i32>} : memref<40x16xf32, #tpu.memory_space<vmem>>, vector<1x16xf32>,
          %get3A_1294 = arith.constant 35 : i32
          %get3A_1295 = arith.index_cast %get3A_1294 : i32 to index
          %get3A_1296 = arith.constant 0 : index
          %get3A_1297 = tpu.vector_load %arg19[%get3A_1295, %get3A_1296] {strides = array<i32>} : memref<40x16xf32, #tpu.memory_space<vmem>>, vector<1x16xf32>,
          %get3A_1298 = vector.shape_cast %get3A_1297 : vector<1x16xf32> to vector<16xf32>
          %mul3A_1299 = arith.mulf %get3A_1298, %select_n3A_653 : vector<16xf32>
          %get3A_1300 = arith.index_cast %scan3A_199 : i32 to index
          %get3A_1301 = arith.constant 560 : index
          %get3A_1302 = tpu.vector_load %arg15[%get3A_1300, %get3A_1301] {strides = array<i32>} : memref<16x640xf32, #tpu.memory_space<vmem>>, vector<1x16xf32>,
          %get3A_1303 = vector.shape_cast %get3A_1302 : vector<1x16xf32> to vector<16xf32>
          %mul3A_1304 = arith.mulf %select_n3A_656, %get3A_1303 : vector<16xf32>
          %add3A_1305 = arith.addf %mul3A_1299, %mul3A_1304 : vector<16xf32>
          %swap3A_1306 = arith.constant 35 : i32
          %swap3A_1307 = arith.index_cast %swap3A_1306 : i32 to index
          %swap3A_1308 = arith.constant 0 : index
          %swap3A_1309 = tpu.vector_load %arg19[%swap3A_1307, %swap3A_1308] {strides = array<i32>} : memref<40x16xf32, #tpu.memory_space<vmem>>, vector<1x16xf32>,
          %swap3A_1310 = vector.shape_cast %swap3A_1309 : vector<1x16xf32> to vector<16xf32>
          %swap3A_1311 = vector.shape_cast %add3A_1305 : vector<16xf32> to vector<1x16xf32>
          tpu.vector_store %arg19[%swap3A_1307, %swap3A_1308], %swap3A_1311 {strides = array<i32>} : memref<40x16xf32, #tpu.memory_space<vmem>>, vector<1x16xf32>,
          %get3A_1312 = arith.constant 36 : i32
          %get3A_1313 = arith.index_cast %get3A_1312 : i32 to index
          %get3A_1314 = arith.constant 0 : index
          %get3A_1315 = tpu.vector_load %arg19[%get3A_1313, %get3A_1314] {strides = array<i32>} : memref<40x16xf32, #tpu.memory_space<vmem>>, vector<1x16xf32>,
          %get3A_1316 = vector.shape_cast %get3A_1315 : vector<1x16xf32> to vector<16xf32>
          %mul3A_1317 = arith.mulf %get3A_1316, %select_n3A_653 : vector<16xf32>
          %get3A_1318 = arith.index_cast %scan3A_199 : i32 to index
          %get3A_1319 = arith.constant 576 : index
          %get3A_1320 = tpu.vector_load %arg15[%get3A_1318, %get3A_1319] {strides = array<i32>} : memref<16x640xf32, #tpu.memory_space<vmem>>, vector<1x16xf32>,
          %get3A_1321 = vector.shape_cast %get3A_1320 : vector<1x16xf32> to vector<16xf32>
          %mul3A_1322 = arith.mulf %select_n3A_656, %get3A_1321 : vector<16xf32>
          %add3A_1323 = arith.addf %mul3A_1317, %mul3A_1322 : vector<16xf32>
          %swap3A_1324 = arith.constant 36 : i32
          %swap3A_1325 = arith.index_cast %swap3A_1324 : i32 to index
          %swap3A_1326 = arith.constant 0 : index
          %swap3A_1327 = tpu.vector_load %arg19[%swap3A_1325, %swap3A_1326] {strides = array<i32>} : memref<40x16xf32, #tpu.memory_space<vmem>>, vector<1x16xf32>,
          %swap3A_1328 = vector.shape_cast %swap3A_1327 : vector<1x16xf32> to vector<16xf32>
          %swap3A_1329 = vector.shape_cast %add3A_1323 : vector<16xf32> to vector<1x16xf32>
          tpu.vector_store %arg19[%swap3A_1325, %swap3A_1326], %swap3A_1329 {strides = array<i32>} : memref<40x16xf32, #tpu.memory_space<vmem>>, vector<1x16xf32>,
          %get3A_1330 = arith.constant 37 : i32
          %get3A_1331 = arith.index_cast %get3A_1330 : i32 to index
          %get3A_1332 = arith.constant 0 : index
          %get3A_1333 = tpu.vector_load %arg19[%get3A_1331, %get3A_1332] {strides = array<i32>} : memref<40x16xf32, #tpu.memory_space<vmem>>, vector<1x16xf32>,
          %get3A_1334 = vector.shape_cast %get3A_1333 : vector<1x16xf32> to vector<16xf32>
          %mul3A_1335 = arith.mulf %get3A_1334, %select_n3A_653 : vector<16xf32>
          %get3A_1336 = arith.index_cast %scan3A_199 : i32 to index
          %get3A_1337 = arith.constant 592 : index
          %get3A_1338 = tpu.vector_load %arg15[%get3A_1336, %get3A_1337] {strides = array<i32>} : memref<16x640xf32, #tpu.memory_space<vmem>>, vector<1x16xf32>,
          %get3A_1339 = vector.shape_cast %get3A_1338 : vector<1x16xf32> to vector<16xf32>
          %mul3A_1340 = arith.mulf %select_n3A_656, %get3A_1339 : vector<16xf32>
          %add3A_1341 = arith.addf %mul3A_1335, %mul3A_1340 : vector<16xf32>
          %swap3A_1342 = arith.constant 37 : i32
          %swap3A_1343 = arith.index_cast %swap3A_1342 : i32 to index
          %swap3A_1344 = arith.constant 0 : index
          %swap3A_1345 = tpu.vector_load %arg19[%swap3A_1343, %swap3A_1344] {strides = array<i32>} : memref<40x16xf32, #tpu.memory_space<vmem>>, vector<1x16xf32>,
          %swap3A_1346 = vector.shape_cast %swap3A_1345 : vector<1x16xf32> to vector<16xf32>
          %swap3A_1347 = vector.shape_cast %add3A_1341 : vector<16xf32> to vector<1x16xf32>
          tpu.vector_store %arg19[%swap3A_1343, %swap3A_1344], %swap3A_1347 {strides = array<i32>} : memref<40x16xf32, #tpu.memory_space<vmem>>, vector<1x16xf32>,
          %get3A_1348 = arith.constant 38 : i32
          %get3A_1349 = arith.index_cast %get3A_1348 : i32 to index
          %get3A_1350 = arith.constant 0 : index
          %get3A_1351 = tpu.vector_load %arg19[%get3A_1349, %get3A_1350] {strides = array<i32>} : memref<40x16xf32, #tpu.memory_space<vmem>>, vector<1x16xf32>,
          %get3A_1352 = vector.shape_cast %get3A_1351 : vector<1x16xf32> to vector<16xf32>
          %mul3A_1353 = arith.mulf %get3A_1352, %select_n3A_653 : vector<16xf32>
          %get3A_1354 = arith.index_cast %scan3A_199 : i32 to index
          %get3A_1355 = arith.constant 608 : index
          %get3A_1356 = tpu.vector_load %arg15[%get3A_1354, %get3A_1355] {strides = array<i32>} : memref<16x640xf32, #tpu.memory_space<vmem>>, vector<1x16xf32>,
          %get3A_1357 = vector.shape_cast %get3A_1356 : vector<1x16xf32> to vector<16xf32>
          %mul3A_1358 = arith.mulf %select_n3A_656, %get3A_1357 : vector<16xf32>
          %add3A_1359 = arith.addf %mul3A_1353, %mul3A_1358 : vector<16xf32>
          %swap3A_1360 = arith.constant 38 : i32
          %swap3A_1361 = arith.index_cast %swap3A_1360 : i32 to index
          %swap3A_1362 = arith.constant 0 : index
          %swap3A_1363 = tpu.vector_load %arg19[%swap3A_1361, %swap3A_1362] {strides = array<i32>} : memref<40x16xf32, #tpu.memory_space<vmem>>, vector<1x16xf32>,
          %swap3A_1364 = vector.shape_cast %swap3A_1363 : vector<1x16xf32> to vector<16xf32>
          %swap3A_1365 = vector.shape_cast %add3A_1359 : vector<16xf32> to vector<1x16xf32>
          tpu.vector_store %arg19[%swap3A_1361, %swap3A_1362], %swap3A_1365 {strides = array<i32>} : memref<40x16xf32, #tpu.memory_space<vmem>>, vector<1x16xf32>,
          %get3A_1366 = arith.constant 39 : i32
          %get3A_1367 = arith.index_cast %get3A_1366 : i32 to index
          %get3A_1368 = arith.constant 0 : index
          %get3A_1369 = tpu.vector_load %arg19[%get3A_1367, %get3A_1368] {strides = array<i32>} : memref<40x16xf32, #tpu.memory_space<vmem>>, vector<1x16xf32>,
          %get3A_1370 = vector.shape_cast %get3A_1369 : vector<1x16xf32> to vector<16xf32>
          %mul3A_1371 = arith.mulf %get3A_1370, %select_n3A_653 : vector<16xf32>
          %get3A_1372 = arith.index_cast %scan3A_199 : i32 to index
          %get3A_1373 = arith.constant 624 : index
          %get3A_1374 = tpu.vector_load %arg15[%get3A_1372, %get3A_1373] {strides = array<i32>} : memref<16x640xf32, #tpu.memory_space<vmem>>, vector<1x16xf32>,
          %get3A_1375 = vector.shape_cast %get3A_1374 : vector<1x16xf32> to vector<16xf32>
          %mul3A_1376 = arith.mulf %select_n3A_656, %get3A_1375 : vector<16xf32>
          %add3A_1377 = arith.addf %mul3A_1371, %mul3A_1376 : vector<16xf32>
          %swap3A_1378 = arith.constant 39 : i32
          %swap3A_1379 = arith.index_cast %swap3A_1378 : i32 to index
          %swap3A_1380 = arith.constant 0 : index
          %swap3A_1381 = tpu.vector_load %arg19[%swap3A_1379, %swap3A_1380] {strides = array<i32>} : memref<40x16xf32, #tpu.memory_space<vmem>>, vector<1x16xf32>,
          %swap3A_1382 = vector.shape_cast %swap3A_1381 : vector<1x16xf32> to vector<16xf32>
          %swap3A_1383 = vector.shape_cast %add3A_1377 : vector<16xf32> to vector<1x16xf32>
          tpu.vector_store %arg19[%swap3A_1379, %swap3A_1380], %swap3A_1383 {strides = array<i32>} : memref<40x16xf32, #tpu.memory_space<vmem>>, vector<1x16xf32>,
          %select_n3A_1384 = arith.select %and3A_222, %squeeze3A_212, %scan3A_203 : i32
          scf.yield %select_n3A_663, %add3A_658, %add3A_662, %select_n3A_1384 : vector<16xf32>, vector<16xf32>, vector<16xf32>, i32
        }
        %scan3A_198 = arith.constant 16 : i32
        scf.yield %scan3A_197#0, %scan3A_197#1, %scan3A_197#2, %scan3A_197#3 : vector<16xf32>, vector<16xf32>, vector<16xf32>, i32
      }
      %while3A_96 = arith.constant 1 : i32
      %while3A_97:4 = scf.for %while3A_103 = %while3A_93 to %while3A_89 step %while3A_96 iter_args(%while3A_104 = %while3A_95#0, %while3A_105 = %while3A_95#1, %while3A_106 = %while3A_95#2, %while3A_107 = %while3A_95#3) -> (vector<16xf32>, vector<16xf32>, vector<16xf32>, i32)  : i32 {
        %mul3A_108 = arith.constant 16 : i32
        %mul3A_109 = arith.muli %while3A_103, %mul3A_108 : i32
        %add3A_110 = arith.addi %mul3A_59, %mul3A_109 : i32
        %jit3A_111 = arith.constant 16 : i32
        %div3A_112 = arith.divsi %add3A_110, %jit3A_111 : i32
        %sign3A_113 = arith.constant 0 : i32
        %sign3A_114 = arith.cmpi sgt, %add3A_110, %sign3A_113 : i32
        %sign3A_115 = arith.extui %sign3A_114 : i1 to i32
        %sign3A_116 = arith.constant 0 : i32
        %sign3A_117 = arith.cmpi slt, %add3A_110, %sign3A_116 : i32
        %sign3A_118 = arith.extui %sign3A_117 : i1 to i32
        %sign3A_119 = arith.subi %sign3A_115, %sign3A_118 : i32
        %sign3A_120 = arith.constant 0 : i32
        %sign3A_121 = arith.cmpi sgt, %jit3A_111, %sign3A_120 : i32
        %sign3A_122 = arith.extui %sign3A_121 : i1 to i32
        %sign3A_123 = arith.constant 0 : i32
        %sign3A_124 = arith.cmpi slt, %jit3A_111, %sign3A_123 : i32
        %sign3A_125 = arith.extui %sign3A_124 : i1 to i32
        %sign3A_126 = arith.subi %sign3A_122, %sign3A_125 : i32
        %ne3A_127 = arith.cmpi ne, %sign3A_119, %sign3A_126 : i32
        %rem3A_128 = arith.remsi %add3A_110, %jit3A_111 : i32
        %ne3A_129 = arith.constant 0 : i32
        %ne3A_130 = arith.cmpi ne, %rem3A_128, %ne3A_129 : i32
        %and3A_131 = arith.andi %ne3A_127, %ne3A_130 : i1
        %sub3A_132 = arith.constant 1 : i32
        %sub3A_133 = arith.subi %div3A_112, %sub3A_132 : i32
        %select_n3A_134 = arith.select %and3A_131, %sub3A_133, %div3A_112 : i32
        %dma_start3A = arith.constant 0 : i32
        %dma_start3A_135 = tpu.memref_slice %arg6[%select_n3A_134, %dma_start3A] : memref<20004x48xi32, #tpu.memory_space<hbm>> -> memref<1x48xi32, #tpu.memory_space<hbm>>
        %dma_start3A_136 = arith.constant 0 : i32
        %dma_start3A_137 = tpu.memref_slice %arg6[%select_n3A_134, %dma_start3A_136] : memref<20004x48xi32, #tpu.memory_space<hbm>> -> memref<1x48xi32, #tpu.memory_space<hbm>>
        tpu.enqueue_dma source(%dma_start3A_137 : memref<1x48xi32, #tpu.memory_space<hbm>>) target(%arg11 : memref<1x48xi32, #tpu.memory_space<vmem>>) target_semaphore(%arg22 : memref<!tpu.dma_semaphore, #tpu.memory_space<semaphore_mem>>)
        %jit3A_138 = arith.constant 16 : i32
        %div3A_139 = arith.divsi %add3A_110, %jit3A_138 : i32
        %sign3A_140 = arith.constant 0 : i32
        %sign3A_141 = arith.cmpi sgt, %add3A_110, %sign3A_140 : i32
        %sign3A_142 = arith.extui %sign3A_141 : i1 to i32
        %sign3A_143 = arith.constant 0 : i32
        %sign3A_144 = arith.cmpi slt, %add3A_110, %sign3A_143 : i32
        %sign3A_145 = arith.extui %sign3A_144 : i1 to i32
        %sign3A_146 = arith.subi %sign3A_142, %sign3A_145 : i32
        %sign3A_147 = arith.constant 0 : i32
        %sign3A_148 = arith.cmpi sgt, %jit3A_138, %sign3A_147 : i32
        %sign3A_149 = arith.extui %sign3A_148 : i1 to i32
        %sign3A_150 = arith.constant 0 : i32
        %sign3A_151 = arith.cmpi slt, %jit3A_138, %sign3A_150 : i32
        %sign3A_152 = arith.extui %sign3A_151 : i1 to i32
        %sign3A_153 = arith.subi %sign3A_149, %sign3A_152 : i32
        %ne3A_154 = arith.cmpi ne, %sign3A_146, %sign3A_153 : i32
        %rem3A_155 = arith.remsi %add3A_110, %jit3A_138 : i32
        %ne3A_156 = arith.constant 0 : i32
        %ne3A_157 = arith.cmpi ne, %rem3A_155, %ne3A_156 : i32
        %and3A_158 = arith.andi %ne3A_154, %ne3A_157 : i1
        %sub3A_159 = arith.constant 1 : i32
        %sub3A_160 = arith.subi %div3A_139, %sub3A_159 : i32
        %select_n3A_161 = arith.select %and3A_158, %sub3A_160, %div3A_139 : i32
        %dma_start3A_162 = arith.constant 0 : i32
        %dma_start3A_163 = tpu.memref_slice %arg7[%select_n3A_161, %dma_start3A_162] : memref<20004x32xf32, #tpu.memory_space<hbm>> -> memref<1x32xf32, #tpu.memory_space<hbm>>
        %dma_start3A_164 = arith.constant 0 : i32
        %dma_start3A_165 = tpu.memref_slice %arg7[%select_n3A_161, %dma_start3A_164] : memref<20004x32xf32, #tpu.memory_space<hbm>> -> memref<1x32xf32, #tpu.memory_space<hbm>>
        tpu.enqueue_dma source(%dma_start3A_165 : memref<1x32xf32, #tpu.memory_space<hbm>>) target(%arg12 : memref<1x32xf32, #tpu.memory_space<vmem>>) target_semaphore(%arg23 : memref<!tpu.dma_semaphore, #tpu.memory_space<semaphore_mem>>)
        %dma_wait3A = arith.constant 0 : i32
        %dma_wait3A_166 = tpu.memref_slice %arg6[%select_n3A_134, %dma_wait3A] : memref<20004x48xi32, #tpu.memory_space<hbm>> -> memref<1x48xi32, #tpu.memory_space<hbm>>
        %dma_wait3A_167 = arith.constant 0 : i32
        %dma_wait3A_168 = tpu.memref_slice %arg6[%select_n3A_134, %dma_wait3A_167] : memref<20004x48xi32, #tpu.memory_space<hbm>> -> memref<1x48xi32, #tpu.memory_space<hbm>>
        tpu.wait_dma2 semaphore(%arg22 : memref<!tpu.dma_semaphore, #tpu.memory_space<semaphore_mem>>) src(%dma_wait3A_168 : memref<1x48xi32, #tpu.memory_space<hbm>>) dst(%arg11 : memref<1x48xi32, #tpu.memory_space<vmem>>)
        %dma_wait3A_169 = arith.constant 0 : i32
        %dma_wait3A_170 = tpu.memref_slice %arg7[%select_n3A_161, %dma_wait3A_169] : memref<20004x32xf32, #tpu.memory_space<hbm>> -> memref<1x32xf32, #tpu.memory_space<hbm>>
        %dma_wait3A_171 = arith.constant 0 : i32
        %dma_wait3A_172 = tpu.memref_slice %arg7[%select_n3A_161, %dma_wait3A_171] : memref<20004x32xf32, #tpu.memory_space<hbm>> -> memref<1x32xf32, #tpu.memory_space<hbm>>
        tpu.wait_dma2 semaphore(%arg23 : memref<!tpu.dma_semaphore, #tpu.memory_space<semaphore_mem>>) src(%dma_wait3A_172 : memref<1x32xf32, #tpu.memory_space<hbm>>) dst(%arg12 : memref<1x32xf32, #tpu.memory_space<vmem>>)
        %get3A_173 = arith.constant 0 : i32
        %get3A_174 = arith.index_cast %get3A_173 : i32 to index
        %get3A_175 = arith.constant 0 : index
        %get3A_176 = tpu.vector_load %arg11[%get3A_174, %get3A_175] {strides = array<i32>} : memref<1x48xi32, #tpu.memory_space<vmem>>, vector<1x16xi32>,
        %get3A_177 = vector.shape_cast %get3A_176 : vector<1x16xi32> to vector<16xi32>
        %swap3A = arith.constant 0 : index
        %swap3A_178 = tpu.vector_load %arg13[%swap3A] {strides = array<i32>} : memref<16xi32, #tpu.memory_space<vmem>>, vector<16xi32>,
        %swap3A_179 = vector.shape_cast %swap3A_178 : vector<16xi32> to vector<16xi32>
        %swap3A_180 = vector.shape_cast %get3A_177 : vector<16xi32> to vector<16xi32>
        tpu.vector_store %arg13[%swap3A], %swap3A_180 {strides = array<i32>} : memref<16xi32, #tpu.memory_space<vmem>>, vector<16xi32>,
        %dma_start3A_181 = arith.constant 0 : i32
        %dma_start3A_182 = arith.constant 0 : i32
        %dma_start3A_183 = tpu.memref_slice %arg3[%dma_start3A_181, %dma_start3A_182] : memref<20480x640xf32, #tpu.memory_space<hbm>> -> memref<20480x640xf32, #tpu.memory_space<hbm>>
        tpu.enqueue_indirect_dma source(%dma_start3A_183 : memref<20480x640xf32, #tpu.memory_space<hbm>>) target(%arg14 : memref<16x640xf32, #tpu.memory_space<vmem>>) offsets(%arg13 : memref<16xi32, #tpu.memory_space<vmem>>) semaphore(%arg22 : memref<!tpu.dma_semaphore, #tpu.memory_space<semaphore_mem>>)
        %dma_start3A_184 = arith.constant 0 : i32
        %dma_start3A_185 = arith.constant 0 : i32
        %dma_start3A_186 = tpu.memref_slice %arg4[%dma_start3A_184, %dma_start3A_185] : memref<20480x640xf32, #tpu.memory_space<hbm>> -> memref<20480x640xf32, #tpu.memory_space<hbm>>
        tpu.enqueue_indirect_dma source(%dma_start3A_186 : memref<20480x640xf32, #tpu.memory_space<hbm>>) target(%arg15 : memref<16x640xf32, #tpu.memory_space<vmem>>) offsets(%arg13 : memref<16xi32, #tpu.memory_space<vmem>>) semaphore(%arg23 : memref<!tpu.dma_semaphore, #tpu.memory_space<semaphore_mem>>)
        %dma_wait3A_187 = arith.constant 0 : i32
        %dma_wait3A_188 = arith.constant 0 : i32
        %dma_wait3A_189 = tpu.memref_slice %arg3[%dma_wait3A_187, %dma_wait3A_188] : memref<20480x640xf32, #tpu.memory_space<hbm>> -> memref<20480x640xf32, #tpu.memory_space<hbm>>
        tpu.wait_indirect_dma semaphore(%arg22 : memref<!tpu.dma_semaphore, #tpu.memory_space<semaphore_mem>>) src(%dma_wait3A_189 : memref<20480x640xf32, #tpu.memory_space<hbm>>) dst(%arg14 : memref<16x640xf32, #tpu.memory_space<vmem>>)
        %dma_wait3A_190 = arith.constant 0 : i32
        %dma_wait3A_191 = arith.constant 0 : i32
        %dma_wait3A_192 = tpu.memref_slice %arg4[%dma_wait3A_190, %dma_wait3A_191] : memref<20480x640xf32, #tpu.memory_space<hbm>> -> memref<20480x640xf32, #tpu.memory_space<hbm>>
        tpu.wait_indirect_dma semaphore(%arg23 : memref<!tpu.dma_semaphore, #tpu.memory_space<semaphore_mem>>) src(%dma_wait3A_192 : memref<20480x640xf32, #tpu.memory_space<hbm>>) dst(%arg15 : memref<16x640xf32, #tpu.memory_space<vmem>>)
        %scan3A_193 = arith.constant 0 : i32
        %scan3A_194 = arith.constant 16 : i32
        %scan3A_195 = arith.addi %scan3A_193, %scan3A_194 : i32
        %scan3A_196 = arith.constant 1 : i32
        %scan3A_197:4 = scf.for %scan3A_199 = %scan3A_193 to %scan3A_195 step %scan3A_196 iter_args(%scan3A_200 = %while3A_104, %scan3A_201 = %while3A_105, %scan3A_202 = %while3A_106, %scan3A_203 = %while3A_107) -> (vector<16xf32>, vector<16xf32>, vector<16xf32>, i32)  : i32 {
          %add3A_204 = arith.constant 16 : i32
          %add3A_205 = arith.addi %add3A_204, %scan3A_199 : i32
          %get3A_206 = arith.constant 0 : i32
          %get3A_207 = arith.index_cast %get3A_206 : i32 to index
          %get3A_208 = arith.index_cast %add3A_205 : i32 to index
          %get3A_209 = tpu.vector_load %arg11[%get3A_207, %get3A_208] {strides = array<i32>} : memref<1x48xi32, #tpu.memory_space<vmem>>, vector<1x16xi32>,
          %get3A_210 = vector.shape_cast %get3A_209 : vector<1x16xi32> to vector<16xi32>
          %slice3A_211 = vector.extract_strided_slice %get3A_210 {offsets = [0], sizes = [1], strides = [1]} : vector<16xi32> to vector<1xi32>
          %squeeze3A_212 = vector.extract %slice3A_211[0] : i32 from vector<1xi32>
          %get3A_213 = arith.constant 0 : i32
          %get3A_214 = arith.index_cast %get3A_213 : i32 to index
          %get3A_215 = arith.index_cast %scan3A_199 : i32 to index
          %get3A_216 = tpu.vector_load %arg12[%get3A_214, %get3A_215] {strides = array<i32>} : memref<1x32xf32, #tpu.memory_space<vmem>>, vector<1x16xf32>,
          %get3A_217 = vector.shape_cast %get3A_216 : vector<1x16xf32> to vector<16xf32>
          %slice3A_218 = vector.extract_strided_slice %get3A_217 {offsets = [0], sizes = [1], strides = [1]} : vector<16xf32> to vector<1xf32>
          %squeeze3A_219 = vector.extract %slice3A_218[0] : f32 from vector<1xf32>
          %add3A_220 = arith.addi %add3A_110, %scan3A_199 : i32
          %ge3A_221 = arith.cmpi sge, %add3A_220, %squeeze3A : i32
          %lt3A = arith.cmpi slt, %add3A_220, %squeeze3A_41 : i32
          %and3A_222 = arith.andi %ge3A_221, %lt3A : i1
          %ne3A_223 = arith.cmpi ne, %squeeze3A_212, %scan3A_203 : i32
          %and3A_224 = arith.andi %and3A_222, %ne3A_223 : i1
          %ge3A_225 = arith.constant 0 : i32
          %ge3A_226 = arith.cmpi sge, %scan3A_203, %ge3A_225 : i32
          %and3A_227 = arith.andi %and3A_224, %ge3A_226 : i1
          %convert_element_type3A_228 = arith.extui %and3A_227 : i1 to i32
          %cond3A_229 = arith.constant 0 : i32
          %cond3A_230 = arith.constant 0 : i32
          %cond3A_231 = arith.cmpi ne, %convert_element_type3A_228, %cond3A_230 : i32
          %cond3A_232 = scf.if %cond3A_231 -> (i32) {
            %sub3A_1385 = arith.subi %scan3A_203, %mul3A_25 : i32
            %div3A_1386 = arith.constant 1.000000e+00 : f32
            %div3A_1387 = vector.broadcast %div3A_1386 : f32 to vector<16xf32>
            %div3A_1388 = arith.divf %div3A_1387, %scan3A_201 : vector<16xf32>
            %mul3A_1389 = arith.mulf %scan3A_202, %div3A_1388 : vector<16xf32>
            %scan3A_1390 = arith.constant 0 : i32
            %scan3A_1391 = arith.constant 0 : i32
            %scan3A_1392 = arith.constant 5 : i32
            %scan3A_1393 = arith.addi %scan3A_1391, %scan3A_1392 : i32
            %scan3A_1394 = arith.constant 1 : i32
            %scan3A_1395 = scf.for %scan3A_1398 = %scan3A_1391 to %scan3A_1393 step %scan3A_1394 iter_args(%scan3A_1399 = %scan3A_1390) -> (i32)  : i32 {
              %mul3A_1400 = arith.constant 8 : i32
              %mul3A_1401 = arith.muli %scan3A_1398, %mul3A_1400 : i32
              %add3A_1402 = arith.constant 0 : i32
              %add3A_1403 = arith.addi %mul3A_1401, %add3A_1402 : i32
              %get3A_1404 = arith.index_cast %add3A_1403 : i32 to index
              %get3A_1405 = arith.constant 0 : index
              %get3A_1406 = tpu.vector_load %arg19[%get3A_1404, %get3A_1405] {strides = array<i32>} : memref<40x16xf32, #tpu.memory_space<vmem>>, vector<1x16xf32>,
              %get3A_1407 = vector.shape_cast %get3A_1406 : vector<1x16xf32> to vector<16xf32>
              %mul3A_1408 = arith.mulf %get3A_1407, %div3A_1388 : vector<16xf32>
              %get3A_1409 = arith.index_cast %add3A_1403 : i32 to index
              %get3A_1410 = arith.constant 0 : index
              %get3A_1411 = tpu.vector_load %arg20[%get3A_1409, %get3A_1410] {strides = array<i32>} : memref<40x16xf32, #tpu.memory_space<vmem>>, vector<1x16xf32>,
              %get3A_1412 = vector.shape_cast %get3A_1411 : vector<1x16xf32> to vector<16xf32>
              %mul3A_1413 = arith.mulf %mul3A_1389, %get3A_1412 : vector<16xf32>
              %add3A_1414 = arith.addf %mul3A_1408, %mul3A_1413 : vector<16xf32>
              %mul3A_1415 = arith.constant 16 : i32
              %mul3A_1416 = arith.muli %add3A_1403, %mul3A_1415 : i32
              %swap3A_1417 = arith.index_cast %sub3A_1385 : i32 to index
              %swap3A_1418 = arith.index_cast %mul3A_1416 : i32 to index
              %swap3A_1419 = tpu.vector_load %arg18[%swap3A_1417, %swap3A_1418] {strides = array<i32>} : memref<32x640xf32, #tpu.memory_space<vmem>>, vector<1x16xf32>,
              %swap3A_1420 = vector.shape_cast %swap3A_1419 : vector<1x16xf32> to vector<16xf32>
              %swap3A_1421 = vector.shape_cast %add3A_1414 : vector<16xf32> to vector<1x16xf32>
              tpu.vector_store %arg18[%swap3A_1417, %swap3A_1418], %swap3A_1421 {strides = array<i32>} : memref<32x640xf32, #tpu.memory_space<vmem>>, vector<1x16xf32>,
              %swap3A_1422 = arith.index_cast %add3A_1403 : i32 to index
              %swap3A_1423 = arith.constant 0 : index
              %swap3A_1424 = tpu.vector_load %arg19[%swap3A_1422, %swap3A_1423] {strides = array<i32>} : memref<40x16xf32, #tpu.memory_space<vmem>>, vector<1x16xf32>,
              %swap3A_1425 = vector.shape_cast %swap3A_1424 : vector<1x16xf32> to vector<16xf32>
              %swap3A_1426 = vector.shape_cast %broadcast_in_dim3A_1 : vector<16xf32> to vector<1x16xf32>
              tpu.vector_store %arg19[%swap3A_1422, %swap3A_1423], %swap3A_1426 {strides = array<i32>} : memref<40x16xf32, #tpu.memory_space<vmem>>, vector<1x16xf32>,
              %mul3A_1427 = arith.constant 8 : i32
              %mul3A_1428 = arith.muli %scan3A_1398, %mul3A_1427 : i32
              %add3A_1429 = arith.constant 1 : i32
              %add3A_1430 = arith.addi %mul3A_1428, %add3A_1429 : i32
              %get3A_1431 = arith.index_cast %add3A_1430 : i32 to index
              %get3A_1432 = arith.constant 0 : index
              %get3A_1433 = tpu.vector_load %arg19[%get3A_1431, %get3A_1432] {strides = array<i32>} : memref<40x16xf32, #tpu.memory_space<vmem>>, vector<1x16xf32>,
              %get3A_1434 = vector.shape_cast %get3A_1433 : vector<1x16xf32> to vector<16xf32>
              %mul3A_1435 = arith.mulf %get3A_1434, %div3A_1388 : vector<16xf32>
              %get3A_1436 = arith.index_cast %add3A_1430 : i32 to index
              %get3A_1437 = arith.constant 0 : index
              %get3A_1438 = tpu.vector_load %arg20[%get3A_1436, %get3A_1437] {strides = array<i32>} : memref<40x16xf32, #tpu.memory_space<vmem>>, vector<1x16xf32>,
              %get3A_1439 = vector.shape_cast %get3A_1438 : vector<1x16xf32> to vector<16xf32>
              %mul3A_1440 = arith.mulf %mul3A_1389, %get3A_1439 : vector<16xf32>
              %add3A_1441 = arith.addf %mul3A_1435, %mul3A_1440 : vector<16xf32>
              %mul3A_1442 = arith.constant 16 : i32
              %mul3A_1443 = arith.muli %add3A_1430, %mul3A_1442 : i32
              %swap3A_1444 = arith.index_cast %sub3A_1385 : i32 to index
              %swap3A_1445 = arith.index_cast %mul3A_1443 : i32 to index
              %swap3A_1446 = tpu.vector_load %arg18[%swap3A_1444, %swap3A_1445] {strides = array<i32>} : memref<32x640xf32, #tpu.memory_space<vmem>>, vector<1x16xf32>,
              %swap3A_1447 = vector.shape_cast %swap3A_1446 : vector<1x16xf32> to vector<16xf32>
              %swap3A_1448 = vector.shape_cast %add3A_1441 : vector<16xf32> to vector<1x16xf32>
              tpu.vector_store %arg18[%swap3A_1444, %swap3A_1445], %swap3A_1448 {strides = array<i32>} : memref<32x640xf32, #tpu.memory_space<vmem>>, vector<1x16xf32>,
              %swap3A_1449 = arith.index_cast %add3A_1430 : i32 to index
              %swap3A_1450 = arith.constant 0 : index
              %swap3A_1451 = tpu.vector_load %arg19[%swap3A_1449, %swap3A_1450] {strides = array<i32>} : memref<40x16xf32, #tpu.memory_space<vmem>>, vector<1x16xf32>,
              %swap3A_1452 = vector.shape_cast %swap3A_1451 : vector<1x16xf32> to vector<16xf32>
              %swap3A_1453 = vector.shape_cast %broadcast_in_dim3A_1 : vector<16xf32> to vector<1x16xf32>
              tpu.vector_store %arg19[%swap3A_1449, %swap3A_1450], %swap3A_1453 {strides = array<i32>} : memref<40x16xf32, #tpu.memory_space<vmem>>, vector<1x16xf32>,
              %mul3A_1454 = arith.constant 8 : i32
              %mul3A_1455 = arith.muli %scan3A_1398, %mul3A_1454 : i32
              %add3A_1456 = arith.constant 2 : i32
              %add3A_1457 = arith.addi %mul3A_1455, %add3A_1456 : i32
              %get3A_1458 = arith.index_cast %add3A_1457 : i32 to index
              %get3A_1459 = arith.constant 0 : index
              %get3A_1460 = tpu.vector_load %arg19[%get3A_1458, %get3A_1459] {strides = array<i32>} : memref<40x16xf32, #tpu.memory_space<vmem>>, vector<1x16xf32>,
              %get3A_1461 = vector.shape_cast %get3A_1460 : vector<1x16xf32> to vector<16xf32>
              %mul3A_1462 = arith.mulf %get3A_1461, %div3A_1388 : vector<16xf32>
              %get3A_1463 = arith.index_cast %add3A_1457 : i32 to index
              %get3A_1464 = arith.constant 0 : index
              %get3A_1465 = tpu.vector_load %arg20[%get3A_1463, %get3A_1464] {strides = array<i32>} : memref<40x16xf32, #tpu.memory_space<vmem>>, vector<1x16xf32>,
              %get3A_1466 = vector.shape_cast %get3A_1465 : vector<1x16xf32> to vector<16xf32>
              %mul3A_1467 = arith.mulf %mul3A_1389, %get3A_1466 : vector<16xf32>
              %add3A_1468 = arith.addf %mul3A_1462, %mul3A_1467 : vector<16xf32>
              %mul3A_1469 = arith.constant 16 : i32
              %mul3A_1470 = arith.muli %add3A_1457, %mul3A_1469 : i32
              %swap3A_1471 = arith.index_cast %sub3A_1385 : i32 to index
              %swap3A_1472 = arith.index_cast %mul3A_1470 : i32 to index
              %swap3A_1473 = tpu.vector_load %arg18[%swap3A_1471, %swap3A_1472] {strides = array<i32>} : memref<32x640xf32, #tpu.memory_space<vmem>>, vector<1x16xf32>,
              %swap3A_1474 = vector.shape_cast %swap3A_1473 : vector<1x16xf32> to vector<16xf32>
              %swap3A_1475 = vector.shape_cast %add3A_1468 : vector<16xf32> to vector<1x16xf32>
              tpu.vector_store %arg18[%swap3A_1471, %swap3A_1472], %swap3A_1475 {strides = array<i32>} : memref<32x640xf32, #tpu.memory_space<vmem>>, vector<1x16xf32>,
              %swap3A_1476 = arith.index_cast %add3A_1457 : i32 to index
              %swap3A_1477 = arith.constant 0 : index
              %swap3A_1478 = tpu.vector_load %arg19[%swap3A_1476, %swap3A_1477] {strides = array<i32>} : memref<40x16xf32, #tpu.memory_space<vmem>>, vector<1x16xf32>,
              %swap3A_1479 = vector.shape_cast %swap3A_1478 : vector<1x16xf32> to vector<16xf32>
              %swap3A_1480 = vector.shape_cast %broadcast_in_dim3A_1 : vector<16xf32> to vector<1x16xf32>
              tpu.vector_store %arg19[%swap3A_1476, %swap3A_1477], %swap3A_1480 {strides = array<i32>} : memref<40x16xf32, #tpu.memory_space<vmem>>, vector<1x16xf32>,
              %mul3A_1481 = arith.constant 8 : i32
              %mul3A_1482 = arith.muli %scan3A_1398, %mul3A_1481 : i32
              %add3A_1483 = arith.constant 3 : i32
              %add3A_1484 = arith.addi %mul3A_1482, %add3A_1483 : i32
              %get3A_1485 = arith.index_cast %add3A_1484 : i32 to index
              %get3A_1486 = arith.constant 0 : index
              %get3A_1487 = tpu.vector_load %arg19[%get3A_1485, %get3A_1486] {strides = array<i32>} : memref<40x16xf32, #tpu.memory_space<vmem>>, vector<1x16xf32>,
              %get3A_1488 = vector.shape_cast %get3A_1487 : vector<1x16xf32> to vector<16xf32>
              %mul3A_1489 = arith.mulf %get3A_1488, %div3A_1388 : vector<16xf32>
              %get3A_1490 = arith.index_cast %add3A_1484 : i32 to index
              %get3A_1491 = arith.constant 0 : index
              %get3A_1492 = tpu.vector_load %arg20[%get3A_1490, %get3A_1491] {strides = array<i32>} : memref<40x16xf32, #tpu.memory_space<vmem>>, vector<1x16xf32>,
              %get3A_1493 = vector.shape_cast %get3A_1492 : vector<1x16xf32> to vector<16xf32>
              %mul3A_1494 = arith.mulf %mul3A_1389, %get3A_1493 : vector<16xf32>
              %add3A_1495 = arith.addf %mul3A_1489, %mul3A_1494 : vector<16xf32>
              %mul3A_1496 = arith.constant 16 : i32
              %mul3A_1497 = arith.muli %add3A_1484, %mul3A_1496 : i32
              %swap3A_1498 = arith.index_cast %sub3A_1385 : i32 to index
              %swap3A_1499 = arith.index_cast %mul3A_1497 : i32 to index
              %swap3A_1500 = tpu.vector_load %arg18[%swap3A_1498, %swap3A_1499] {strides = array<i32>} : memref<32x640xf32, #tpu.memory_space<vmem>>, vector<1x16xf32>,
              %swap3A_1501 = vector.shape_cast %swap3A_1500 : vector<1x16xf32> to vector<16xf32>
              %swap3A_1502 = vector.shape_cast %add3A_1495 : vector<16xf32> to vector<1x16xf32>
              tpu.vector_store %arg18[%swap3A_1498, %swap3A_1499], %swap3A_1502 {strides = array<i32>} : memref<32x640xf32, #tpu.memory_space<vmem>>, vector<1x16xf32>,
              %swap3A_1503 = arith.index_cast %add3A_1484 : i32 to index
              %swap3A_1504 = arith.constant 0 : index
              %swap3A_1505 = tpu.vector_load %arg19[%swap3A_1503, %swap3A_1504] {strides = array<i32>} : memref<40x16xf32, #tpu.memory_space<vmem>>, vector<1x16xf32>,
              %swap3A_1506 = vector.shape_cast %swap3A_1505 : vector<1x16xf32> to vector<16xf32>
              %swap3A_1507 = vector.shape_cast %broadcast_in_dim3A_1 : vector<16xf32> to vector<1x16xf32>
              tpu.vector_store %arg19[%swap3A_1503, %swap3A_1504], %swap3A_1507 {strides = array<i32>} : memref<40x16xf32, #tpu.memory_space<vmem>>, vector<1x16xf32>,
              %mul3A_1508 = arith.constant 8 : i32
              %mul3A_1509 = arith.muli %scan3A_1398, %mul3A_1508 : i32
              %add3A_1510 = arith.constant 4 : i32
              %add3A_1511 = arith.addi %mul3A_1509, %add3A_1510 : i32
              %get3A_1512 = arith.index_cast %add3A_1511 : i32 to index
              %get3A_1513 = arith.constant 0 : index
              %get3A_1514 = tpu.vector_load %arg19[%get3A_1512, %get3A_1513] {strides = array<i32>} : memref<40x16xf32, #tpu.memory_space<vmem>>, vector<1x16xf32>,
              %get3A_1515 = vector.shape_cast %get3A_1514 : vector<1x16xf32> to vector<16xf32>
              %mul3A_1516 = arith.mulf %get3A_1515, %div3A_1388 : vector<16xf32>
              %get3A_1517 = arith.index_cast %add3A_1511 : i32 to index
              %get3A_1518 = arith.constant 0 : index
              %get3A_1519 = tpu.vector_load %arg20[%get3A_1517, %get3A_1518] {strides = array<i32>} : memref<40x16xf32, #tpu.memory_space<vmem>>, vector<1x16xf32>,
              %get3A_1520 = vector.shape_cast %get3A_1519 : vector<1x16xf32> to vector<16xf32>
              %mul3A_1521 = arith.mulf %mul3A_1389, %get3A_1520 : vector<16xf32>
              %add3A_1522 = arith.addf %mul3A_1516, %mul3A_1521 : vector<16xf32>
              %mul3A_1523 = arith.constant 16 : i32
              %mul3A_1524 = arith.muli %add3A_1511, %mul3A_1523 : i32
              %swap3A_1525 = arith.index_cast %sub3A_1385 : i32 to index
              %swap3A_1526 = arith.index_cast %mul3A_1524 : i32 to index
              %swap3A_1527 = tpu.vector_load %arg18[%swap3A_1525, %swap3A_1526] {strides = array<i32>} : memref<32x640xf32, #tpu.memory_space<vmem>>, vector<1x16xf32>,
              %swap3A_1528 = vector.shape_cast %swap3A_1527 : vector<1x16xf32> to vector<16xf32>
              %swap3A_1529 = vector.shape_cast %add3A_1522 : vector<16xf32> to vector<1x16xf32>
              tpu.vector_store %arg18[%swap3A_1525, %swap3A_1526], %swap3A_1529 {strides = array<i32>} : memref<32x640xf32, #tpu.memory_space<vmem>>, vector<1x16xf32>,
              %swap3A_1530 = arith.index_cast %add3A_1511 : i32 to index
              %swap3A_1531 = arith.constant 0 : index
              %swap3A_1532 = tpu.vector_load %arg19[%swap3A_1530, %swap3A_1531] {strides = array<i32>} : memref<40x16xf32, #tpu.memory_space<vmem>>, vector<1x16xf32>,
              %swap3A_1533 = vector.shape_cast %swap3A_1532 : vector<1x16xf32> to vector<16xf32>
              %swap3A_1534 = vector.shape_cast %broadcast_in_dim3A_1 : vector<16xf32> to vector<1x16xf32>
              tpu.vector_store %arg19[%swap3A_1530, %swap3A_1531], %swap3A_1534 {strides = array<i32>} : memref<40x16xf32, #tpu.memory_space<vmem>>, vector<1x16xf32>,
              %mul3A_1535 = arith.constant 8 : i32
              %mul3A_1536 = arith.muli %scan3A_1398, %mul3A_1535 : i32
              %add3A_1537 = arith.constant 5 : i32
              %add3A_1538 = arith.addi %mul3A_1536, %add3A_1537 : i32
              %get3A_1539 = arith.index_cast %add3A_1538 : i32 to index
              %get3A_1540 = arith.constant 0 : index
              %get3A_1541 = tpu.vector_load %arg19[%get3A_1539, %get3A_1540] {strides = array<i32>} : memref<40x16xf32, #tpu.memory_space<vmem>>, vector<1x16xf32>,
              %get3A_1542 = vector.shape_cast %get3A_1541 : vector<1x16xf32> to vector<16xf32>
              %mul3A_1543 = arith.mulf %get3A_1542, %div3A_1388 : vector<16xf32>
              %get3A_1544 = arith.index_cast %add3A_1538 : i32 to index
              %get3A_1545 = arith.constant 0 : index
              %get3A_1546 = tpu.vector_load %arg20[%get3A_1544, %get3A_1545] {strides = array<i32>} : memref<40x16xf32, #tpu.memory_space<vmem>>, vector<1x16xf32>,
              %get3A_1547 = vector.shape_cast %get3A_1546 : vector<1x16xf32> to vector<16xf32>
              %mul3A_1548 = arith.mulf %mul3A_1389, %get3A_1547 : vector<16xf32>
              %add3A_1549 = arith.addf %mul3A_1543, %mul3A_1548 : vector<16xf32>
              %mul3A_1550 = arith.constant 16 : i32
              %mul3A_1551 = arith.muli %add3A_1538, %mul3A_1550 : i32
              %swap3A_1552 = arith.index_cast %sub3A_1385 : i32 to index
              %swap3A_1553 = arith.index_cast %mul3A_1551 : i32 to index
              %swap3A_1554 = tpu.vector_load %arg18[%swap3A_1552, %swap3A_1553] {strides = array<i32>} : memref<32x640xf32, #tpu.memory_space<vmem>>, vector<1x16xf32>,
              %swap3A_1555 = vector.shape_cast %swap3A_1554 : vector<1x16xf32> to vector<16xf32>
              %swap3A_1556 = vector.shape_cast %add3A_1549 : vector<16xf32> to vector<1x16xf32>
              tpu.vector_store %arg18[%swap3A_1552, %swap3A_1553], %swap3A_1556 {strides = array<i32>} : memref<32x640xf32, #tpu.memory_space<vmem>>, vector<1x16xf32>,
              %swap3A_1557 = arith.index_cast %add3A_1538 : i32 to index
              %swap3A_1558 = arith.constant 0 : index
              %swap3A_1559 = tpu.vector_load %arg19[%swap3A_1557, %swap3A_1558] {strides = array<i32>} : memref<40x16xf32, #tpu.memory_space<vmem>>, vector<1x16xf32>,
              %swap3A_1560 = vector.shape_cast %swap3A_1559 : vector<1x16xf32> to vector<16xf32>
              %swap3A_1561 = vector.shape_cast %broadcast_in_dim3A_1 : vector<16xf32> to vector<1x16xf32>
              tpu.vector_store %arg19[%swap3A_1557, %swap3A_1558], %swap3A_1561 {strides = array<i32>} : memref<40x16xf32, #tpu.memory_space<vmem>>, vector<1x16xf32>,
              %mul3A_1562 = arith.constant 8 : i32
              %mul3A_1563 = arith.muli %scan3A_1398, %mul3A_1562 : i32
              %add3A_1564 = arith.constant 6 : i32
              %add3A_1565 = arith.addi %mul3A_1563, %add3A_1564 : i32
              %get3A_1566 = arith.index_cast %add3A_1565 : i32 to index
              %get3A_1567 = arith.constant 0 : index
              %get3A_1568 = tpu.vector_load %arg19[%get3A_1566, %get3A_1567] {strides = array<i32>} : memref<40x16xf32, #tpu.memory_space<vmem>>, vector<1x16xf32>,
              %get3A_1569 = vector.shape_cast %get3A_1568 : vector<1x16xf32> to vector<16xf32>
              %mul3A_1570 = arith.mulf %get3A_1569, %div3A_1388 : vector<16xf32>
              %get3A_1571 = arith.index_cast %add3A_1565 : i32 to index
              %get3A_1572 = arith.constant 0 : index
              %get3A_1573 = tpu.vector_load %arg20[%get3A_1571, %get3A_1572] {strides = array<i32>} : memref<40x16xf32, #tpu.memory_space<vmem>>, vector<1x16xf32>,
              %get3A_1574 = vector.shape_cast %get3A_1573 : vector<1x16xf32> to vector<16xf32>
              %mul3A_1575 = arith.mulf %mul3A_1389, %get3A_1574 : vector<16xf32>
              %add3A_1576 = arith.addf %mul3A_1570, %mul3A_1575 : vector<16xf32>
              %mul3A_1577 = arith.constant 16 : i32
              %mul3A_1578 = arith.muli %add3A_1565, %mul3A_1577 : i32
              %swap3A_1579 = arith.index_cast %sub3A_1385 : i32 to index
              %swap3A_1580 = arith.index_cast %mul3A_1578 : i32 to index
              %swap3A_1581 = tpu.vector_load %arg18[%swap3A_1579, %swap3A_1580] {strides = array<i32>} : memref<32x640xf32, #tpu.memory_space<vmem>>, vector<1x16xf32>,
              %swap3A_1582 = vector.shape_cast %swap3A_1581 : vector<1x16xf32> to vector<16xf32>
              %swap3A_1583 = vector.shape_cast %add3A_1576 : vector<16xf32> to vector<1x16xf32>
              tpu.vector_store %arg18[%swap3A_1579, %swap3A_1580], %swap3A_1583 {strides = array<i32>} : memref<32x640xf32, #tpu.memory_space<vmem>>, vector<1x16xf32>,
              %swap3A_1584 = arith.index_cast %add3A_1565 : i32 to index
              %swap3A_1585 = arith.constant 0 : index
              %swap3A_1586 = tpu.vector_load %arg19[%swap3A_1584, %swap3A_1585] {strides = array<i32>} : memref<40x16xf32, #tpu.memory_space<vmem>>, vector<1x16xf32>,
              %swap3A_1587 = vector.shape_cast %swap3A_1586 : vector<1x16xf32> to vector<16xf32>
              %swap3A_1588 = vector.shape_cast %broadcast_in_dim3A_1 : vector<16xf32> to vector<1x16xf32>
              tpu.vector_store %arg19[%swap3A_1584, %swap3A_1585], %swap3A_1588 {strides = array<i32>} : memref<40x16xf32, #tpu.memory_space<vmem>>, vector<1x16xf32>,
              %mul3A_1589 = arith.constant 8 : i32
              %mul3A_1590 = arith.muli %scan3A_1398, %mul3A_1589 : i32
              %add3A_1591 = arith.constant 7 : i32
              %add3A_1592 = arith.addi %mul3A_1590, %add3A_1591 : i32
              %get3A_1593 = arith.index_cast %add3A_1592 : i32 to index
              %get3A_1594 = arith.constant 0 : index
              %get3A_1595 = tpu.vector_load %arg19[%get3A_1593, %get3A_1594] {strides = array<i32>} : memref<40x16xf32, #tpu.memory_space<vmem>>, vector<1x16xf32>,
              %get3A_1596 = vector.shape_cast %get3A_1595 : vector<1x16xf32> to vector<16xf32>
              %mul3A_1597 = arith.mulf %get3A_1596, %div3A_1388 : vector<16xf32>
              %get3A_1598 = arith.index_cast %add3A_1592 : i32 to index
              %get3A_1599 = arith.constant 0 : index
              %get3A_1600 = tpu.vector_load %arg20[%get3A_1598, %get3A_1599] {strides = array<i32>} : memref<40x16xf32, #tpu.memory_space<vmem>>, vector<1x16xf32>,
              %get3A_1601 = vector.shape_cast %get3A_1600 : vector<1x16xf32> to vector<16xf32>
              %mul3A_1602 = arith.mulf %mul3A_1389, %get3A_1601 : vector<16xf32>
              %add3A_1603 = arith.addf %mul3A_1597, %mul3A_1602 : vector<16xf32>
              %mul3A_1604 = arith.constant 16 : i32
              %mul3A_1605 = arith.muli %add3A_1592, %mul3A_1604 : i32
              %swap3A_1606 = arith.index_cast %sub3A_1385 : i32 to index
              %swap3A_1607 = arith.index_cast %mul3A_1605 : i32 to index
              %swap3A_1608 = tpu.vector_load %arg18[%swap3A_1606, %swap3A_1607] {strides = array<i32>} : memref<32x640xf32, #tpu.memory_space<vmem>>, vector<1x16xf32>,
              %swap3A_1609 = vector.shape_cast %swap3A_1608 : vector<1x16xf32> to vector<16xf32>
              %swap3A_1610 = vector.shape_cast %add3A_1603 : vector<16xf32> to vector<1x16xf32>
              tpu.vector_store %arg18[%swap3A_1606, %swap3A_1607], %swap3A_1610 {strides = array<i32>} : memref<32x640xf32, #tpu.memory_space<vmem>>, vector<1x16xf32>,
              %swap3A_1611 = arith.index_cast %add3A_1592 : i32 to index
              %swap3A_1612 = arith.constant 0 : index
              %swap3A_1613 = tpu.vector_load %arg19[%swap3A_1611, %swap3A_1612] {strides = array<i32>} : memref<40x16xf32, #tpu.memory_space<vmem>>, vector<1x16xf32>,
              %swap3A_1614 = vector.shape_cast %swap3A_1613 : vector<1x16xf32> to vector<16xf32>
              %swap3A_1615 = vector.shape_cast %broadcast_in_dim3A_1 : vector<16xf32> to vector<1x16xf32>
              tpu.vector_store %arg19[%swap3A_1611, %swap3A_1612], %swap3A_1615 {strides = array<i32>} : memref<40x16xf32, #tpu.memory_space<vmem>>, vector<1x16xf32>,
              %scan3A_1616 = arith.constant 0 : i32
              scf.yield %scan3A_1616 : i32
            }
            %scan3A_1396 = arith.constant 5 : i32
            %cond3A_1397 = arith.constant 0 : i32
            scf.yield %cond3A_1397 : i32
          } else {
            %cond3A_1385 = arith.constant 0 : i32
            scf.yield %cond3A_1385 : i32
          }
          %select_n3A_233 = arith.select %and3A_224, %broadcast_in_dim3A_3, %scan3A_200 : vector<16xf32>
          %select_n3A_234 = arith.select %and3A_224, %broadcast_in_dim3A_1, %scan3A_201 : vector<16xf32>
          %select_n3A_235 = arith.select %and3A_224, %broadcast_in_dim3A_1, %scan3A_202 : vector<16xf32>
          %sub3A_236 = arith.subi %squeeze3A_212, %mul3A_25 : i32
          %jit3A_237 = arith.constant 0 : i32
          %jit3A_238 = arith.constant 31 : i32
          %max3A = arith.maxsi %jit3A_237, %sub3A_236 : i32
          %min3A = arith.minsi %jit3A_238, %max3A : i32
          %get3A_239 = arith.index_cast %min3A : i32 to index
          %get3A_240 = arith.constant 0 : index
          %get3A_241 = tpu.vector_load %arg16[%get3A_239, %get3A_240] {strides = array<i32>} : memref<32x640xf32, #tpu.memory_space<vmem>>, vector<1x16xf32>,
          %get3A_242 = vector.shape_cast %get3A_241 : vector<1x16xf32> to vector<16xf32>
          %get3A_243 = arith.index_cast %scan3A_199 : i32 to index
          %get3A_244 = arith.constant 0 : index
          %get3A_245 = tpu.vector_load %arg14[%get3A_243, %get3A_244] {strides = array<i32>} : memref<16x640xf32, #tpu.memory_space<vmem>>, vector<1x16xf32>,
          %get3A_246 = vector.shape_cast %get3A_245 : vector<1x16xf32> to vector<16xf32>
          %mul3A_247 = arith.mulf %get3A_242, %get3A_246 : vector<16xf32>
          %add3A_248 = arith.addf %broadcast_in_dim3A_1, %mul3A_247 : vector<16xf32>
          %get3A_249 = arith.index_cast %min3A : i32 to index
          %get3A_250 = arith.constant 16 : index
          %get3A_251 = tpu.vector_load %arg16[%get3A_249, %get3A_250] {strides = array<i32>} : memref<32x640xf32, #tpu.memory_space<vmem>>, vector<1x16xf32>,
          %get3A_252 = vector.shape_cast %get3A_251 : vector<1x16xf32> to vector<16xf32>
          %get3A_253 = arith.index_cast %scan3A_199 : i32 to index
          %get3A_254 = arith.constant 16 : index
          %get3A_255 = tpu.vector_load %arg14[%get3A_253, %get3A_254] {strides = array<i32>} : memref<16x640xf32, #tpu.memory_space<vmem>>, vector<1x16xf32>,
          %get3A_256 = vector.shape_cast %get3A_255 : vector<1x16xf32> to vector<16xf32>
          %mul3A_257 = arith.mulf %get3A_252, %get3A_256 : vector<16xf32>
          %add3A_258 = arith.addf %add3A_248, %mul3A_257 : vector<16xf32>
          %get3A_259 = arith.index_cast %min3A : i32 to index
          %get3A_260 = arith.constant 32 : index
          %get3A_261 = tpu.vector_load %arg16[%get3A_259, %get3A_260] {strides = array<i32>} : memref<32x640xf32, #tpu.memory_space<vmem>>, vector<1x16xf32>,
          %get3A_262 = vector.shape_cast %get3A_261 : vector<1x16xf32> to vector<16xf32>
          %get3A_263 = arith.index_cast %scan3A_199 : i32 to index
          %get3A_264 = arith.constant 32 : index
          %get3A_265 = tpu.vector_load %arg14[%get3A_263, %get3A_264] {strides = array<i32>} : memref<16x640xf32, #tpu.memory_space<vmem>>, vector<1x16xf32>,
          %get3A_266 = vector.shape_cast %get3A_265 : vector<1x16xf32> to vector<16xf32>
          %mul3A_267 = arith.mulf %get3A_262, %get3A_266 : vector<16xf32>
          %add3A_268 = arith.addf %add3A_258, %mul3A_267 : vector<16xf32>
          %get3A_269 = arith.index_cast %min3A : i32 to index
          %get3A_270 = arith.constant 48 : index
          %get3A_271 = tpu.vector_load %arg16[%get3A_269, %get3A_270] {strides = array<i32>} : memref<32x640xf32, #tpu.memory_space<vmem>>, vector<1x16xf32>,
          %get3A_272 = vector.shape_cast %get3A_271 : vector<1x16xf32> to vector<16xf32>
          %get3A_273 = arith.index_cast %scan3A_199 : i32 to index
          %get3A_274 = arith.constant 48 : index
          %get3A_275 = tpu.vector_load %arg14[%get3A_273, %get3A_274] {strides = array<i32>} : memref<16x640xf32, #tpu.memory_space<vmem>>, vector<1x16xf32>,
          %get3A_276 = vector.shape_cast %get3A_275 : vector<1x16xf32> to vector<16xf32>
          %mul3A_277 = arith.mulf %get3A_272, %get3A_276 : vector<16xf32>
          %add3A_278 = arith.addf %add3A_268, %mul3A_277 : vector<16xf32>
          %get3A_279 = arith.index_cast %min3A : i32 to index
          %get3A_280 = arith.constant 64 : index
          %get3A_281 = tpu.vector_load %arg16[%get3A_279, %get3A_280] {strides = array<i32>} : memref<32x640xf32, #tpu.memory_space<vmem>>, vector<1x16xf32>,
          %get3A_282 = vector.shape_cast %get3A_281 : vector<1x16xf32> to vector<16xf32>
          %get3A_283 = arith.index_cast %scan3A_199 : i32 to index
          %get3A_284 = arith.constant 64 : index
          %get3A_285 = tpu.vector_load %arg14[%get3A_283, %get3A_284] {strides = array<i32>} : memref<16x640xf32, #tpu.memory_space<vmem>>, vector<1x16xf32>,
          %get3A_286 = vector.shape_cast %get3A_285 : vector<1x16xf32> to vector<16xf32>
          %mul3A_287 = arith.mulf %get3A_282, %get3A_286 : vector<16xf32>
          %add3A_288 = arith.addf %add3A_278, %mul3A_287 : vector<16xf32>
          %get3A_289 = arith.index_cast %min3A : i32 to index
          %get3A_290 = arith.constant 80 : index
          %get3A_291 = tpu.vector_load %arg16[%get3A_289, %get3A_290] {strides = array<i32>} : memref<32x640xf32, #tpu.memory_space<vmem>>, vector<1x16xf32>,
          %get3A_292 = vector.shape_cast %get3A_291 : vector<1x16xf32> to vector<16xf32>
          %get3A_293 = arith.index_cast %scan3A_199 : i32 to index
          %get3A_294 = arith.constant 80 : index
          %get3A_295 = tpu.vector_load %arg14[%get3A_293, %get3A_294] {strides = array<i32>} : memref<16x640xf32, #tpu.memory_space<vmem>>, vector<1x16xf32>,
          %get3A_296 = vector.shape_cast %get3A_295 : vector<1x16xf32> to vector<16xf32>
          %mul3A_297 = arith.mulf %get3A_292, %get3A_296 : vector<16xf32>
          %add3A_298 = arith.addf %add3A_288, %mul3A_297 : vector<16xf32>
          %get3A_299 = arith.index_cast %min3A : i32 to index
          %get3A_300 = arith.constant 96 : index
          %get3A_301 = tpu.vector_load %arg16[%get3A_299, %get3A_300] {strides = array<i32>} : memref<32x640xf32, #tpu.memory_space<vmem>>, vector<1x16xf32>,
          %get3A_302 = vector.shape_cast %get3A_301 : vector<1x16xf32> to vector<16xf32>
          %get3A_303 = arith.index_cast %scan3A_199 : i32 to index
          %get3A_304 = arith.constant 96 : index
          %get3A_305 = tpu.vector_load %arg14[%get3A_303, %get3A_304] {strides = array<i32>} : memref<16x640xf32, #tpu.memory_space<vmem>>, vector<1x16xf32>,
          %get3A_306 = vector.shape_cast %get3A_305 : vector<1x16xf32> to vector<16xf32>
          %mul3A_307 = arith.mulf %get3A_302, %get3A_306 : vector<16xf32>
          %add3A_308 = arith.addf %add3A_298, %mul3A_307 : vector<16xf32>
          %get3A_309 = arith.index_cast %min3A : i32 to index
          %get3A_310 = arith.constant 112 : index
          %get3A_311 = tpu.vector_load %arg16[%get3A_309, %get3A_310] {strides = array<i32>} : memref<32x640xf32, #tpu.memory_space<vmem>>, vector<1x16xf32>,
          %get3A_312 = vector.shape_cast %get3A_311 : vector<1x16xf32> to vector<16xf32>
          %get3A_313 = arith.index_cast %scan3A_199 : i32 to index
          %get3A_314 = arith.constant 112 : index
          %get3A_315 = tpu.vector_load %arg14[%get3A_313, %get3A_314] {strides = array<i32>} : memref<16x640xf32, #tpu.memory_space<vmem>>, vector<1x16xf32>,
          %get3A_316 = vector.shape_cast %get3A_315 : vector<1x16xf32> to vector<16xf32>
          %mul3A_317 = arith.mulf %get3A_312, %get3A_316 : vector<16xf32>
          %add3A_318 = arith.addf %add3A_308, %mul3A_317 : vector<16xf32>
          %get3A_319 = arith.index_cast %min3A : i32 to index
          %get3A_320 = arith.constant 128 : index
          %get3A_321 = tpu.vector_load %arg16[%get3A_319, %get3A_320] {strides = array<i32>} : memref<32x640xf32, #tpu.memory_space<vmem>>, vector<1x16xf32>,
          %get3A_322 = vector.shape_cast %get3A_321 : vector<1x16xf32> to vector<16xf32>
          %get3A_323 = arith.index_cast %scan3A_199 : i32 to index
          %get3A_324 = arith.constant 128 : index
          %get3A_325 = tpu.vector_load %arg14[%get3A_323, %get3A_324] {strides = array<i32>} : memref<16x640xf32, #tpu.memory_space<vmem>>, vector<1x16xf32>,
          %get3A_326 = vector.shape_cast %get3A_325 : vector<1x16xf32> to vector<16xf32>
          %mul3A_327 = arith.mulf %get3A_322, %get3A_326 : vector<16xf32>
          %add3A_328 = arith.addf %add3A_318, %mul3A_327 : vector<16xf32>
          %get3A_329 = arith.index_cast %min3A : i32 to index
          %get3A_330 = arith.constant 144 : index
          %get3A_331 = tpu.vector_load %arg16[%get3A_329, %get3A_330] {strides = array<i32>} : memref<32x640xf32, #tpu.memory_space<vmem>>, vector<1x16xf32>,
          %get3A_332 = vector.shape_cast %get3A_331 : vector<1x16xf32> to vector<16xf32>
          %get3A_333 = arith.index_cast %scan3A_199 : i32 to index
          %get3A_334 = arith.constant 144 : index
          %get3A_335 = tpu.vector_load %arg14[%get3A_333, %get3A_334] {strides = array<i32>} : memref<16x640xf32, #tpu.memory_space<vmem>>, vector<1x16xf32>,
          %get3A_336 = vector.shape_cast %get3A_335 : vector<1x16xf32> to vector<16xf32>
          %mul3A_337 = arith.mulf %get3A_332, %get3A_336 : vector<16xf32>
          %add3A_338 = arith.addf %add3A_328, %mul3A_337 : vector<16xf32>
          %get3A_339 = arith.index_cast %min3A : i32 to index
          %get3A_340 = arith.constant 160 : index
          %get3A_341 = tpu.vector_load %arg16[%get3A_339, %get3A_340] {strides = array<i32>} : memref<32x640xf32, #tpu.memory_space<vmem>>, vector<1x16xf32>,
          %get3A_342 = vector.shape_cast %get3A_341 : vector<1x16xf32> to vector<16xf32>
          %get3A_343 = arith.index_cast %scan3A_199 : i32 to index
          %get3A_344 = arith.constant 160 : index
          %get3A_345 = tpu.vector_load %arg14[%get3A_343, %get3A_344] {strides = array<i32>} : memref<16x640xf32, #tpu.memory_space<vmem>>, vector<1x16xf32>,
          %get3A_346 = vector.shape_cast %get3A_345 : vector<1x16xf32> to vector<16xf32>
          %mul3A_347 = arith.mulf %get3A_342, %get3A_346 : vector<16xf32>
          %add3A_348 = arith.addf %add3A_338, %mul3A_347 : vector<16xf32>
          %get3A_349 = arith.index_cast %min3A : i32 to index
          %get3A_350 = arith.constant 176 : index
          %get3A_351 = tpu.vector_load %arg16[%get3A_349, %get3A_350] {strides = array<i32>} : memref<32x640xf32, #tpu.memory_space<vmem>>, vector<1x16xf32>,
          %get3A_352 = vector.shape_cast %get3A_351 : vector<1x16xf32> to vector<16xf32>
          %get3A_353 = arith.index_cast %scan3A_199 : i32 to index
          %get3A_354 = arith.constant 176 : index
          %get3A_355 = tpu.vector_load %arg14[%get3A_353, %get3A_354] {strides = array<i32>} : memref<16x640xf32, #tpu.memory_space<vmem>>, vector<1x16xf32>,
          %get3A_356 = vector.shape_cast %get3A_355 : vector<1x16xf32> to vector<16xf32>
          %mul3A_357 = arith.mulf %get3A_352, %get3A_356 : vector<16xf32>
          %add3A_358 = arith.addf %add3A_348, %mul3A_357 : vector<16xf32>
          %get3A_359 = arith.index_cast %min3A : i32 to index
          %get3A_360 = arith.constant 192 : index
          %get3A_361 = tpu.vector_load %arg16[%get3A_359, %get3A_360] {strides = array<i32>} : memref<32x640xf32, #tpu.memory_space<vmem>>, vector<1x16xf32>,
          %get3A_362 = vector.shape_cast %get3A_361 : vector<1x16xf32> to vector<16xf32>
          %get3A_363 = arith.index_cast %scan3A_199 : i32 to index
          %get3A_364 = arith.constant 192 : index
          %get3A_365 = tpu.vector_load %arg14[%get3A_363, %get3A_364] {strides = array<i32>} : memref<16x640xf32, #tpu.memory_space<vmem>>, vector<1x16xf32>,
          %get3A_366 = vector.shape_cast %get3A_365 : vector<1x16xf32> to vector<16xf32>
          %mul3A_367 = arith.mulf %get3A_362, %get3A_366 : vector<16xf32>
          %add3A_368 = arith.addf %add3A_358, %mul3A_367 : vector<16xf32>
          %get3A_369 = arith.index_cast %min3A : i32 to index
          %get3A_370 = arith.constant 208 : index
          %get3A_371 = tpu.vector_load %arg16[%get3A_369, %get3A_370] {strides = array<i32>} : memref<32x640xf32, #tpu.memory_space<vmem>>, vector<1x16xf32>,
          %get3A_372 = vector.shape_cast %get3A_371 : vector<1x16xf32> to vector<16xf32>
          %get3A_373 = arith.index_cast %scan3A_199 : i32 to index
          %get3A_374 = arith.constant 208 : index
          %get3A_375 = tpu.vector_load %arg14[%get3A_373, %get3A_374] {strides = array<i32>} : memref<16x640xf32, #tpu.memory_space<vmem>>, vector<1x16xf32>,
          %get3A_376 = vector.shape_cast %get3A_375 : vector<1x16xf32> to vector<16xf32>
          %mul3A_377 = arith.mulf %get3A_372, %get3A_376 : vector<16xf32>
          %add3A_378 = arith.addf %add3A_368, %mul3A_377 : vector<16xf32>
          %get3A_379 = arith.index_cast %min3A : i32 to index
          %get3A_380 = arith.constant 224 : index
          %get3A_381 = tpu.vector_load %arg16[%get3A_379, %get3A_380] {strides = array<i32>} : memref<32x640xf32, #tpu.memory_space<vmem>>, vector<1x16xf32>,
          %get3A_382 = vector.shape_cast %get3A_381 : vector<1x16xf32> to vector<16xf32>
          %get3A_383 = arith.index_cast %scan3A_199 : i32 to index
          %get3A_384 = arith.constant 224 : index
          %get3A_385 = tpu.vector_load %arg14[%get3A_383, %get3A_384] {strides = array<i32>} : memref<16x640xf32, #tpu.memory_space<vmem>>, vector<1x16xf32>,
          %get3A_386 = vector.shape_cast %get3A_385 : vector<1x16xf32> to vector<16xf32>
          %mul3A_387 = arith.mulf %get3A_382, %get3A_386 : vector<16xf32>
          %add3A_388 = arith.addf %add3A_378, %mul3A_387 : vector<16xf32>
          %get3A_389 = arith.index_cast %min3A : i32 to index
          %get3A_390 = arith.constant 240 : index
          %get3A_391 = tpu.vector_load %arg16[%get3A_389, %get3A_390] {strides = array<i32>} : memref<32x640xf32, #tpu.memory_space<vmem>>, vector<1x16xf32>,
          %get3A_392 = vector.shape_cast %get3A_391 : vector<1x16xf32> to vector<16xf32>
          %get3A_393 = arith.index_cast %scan3A_199 : i32 to index
          %get3A_394 = arith.constant 240 : index
          %get3A_395 = tpu.vector_load %arg14[%get3A_393, %get3A_394] {strides = array<i32>} : memref<16x640xf32, #tpu.memory_space<vmem>>, vector<1x16xf32>,
          %get3A_396 = vector.shape_cast %get3A_395 : vector<1x16xf32> to vector<16xf32>
          %mul3A_397 = arith.mulf %get3A_392, %get3A_396 : vector<16xf32>
          %add3A_398 = arith.addf %add3A_388, %mul3A_397 : vector<16xf32>
          %get3A_399 = arith.index_cast %min3A : i32 to index
          %get3A_400 = arith.constant 256 : index
          %get3A_401 = tpu.vector_load %arg16[%get3A_399, %get3A_400] {strides = array<i32>} : memref<32x640xf32, #tpu.memory_space<vmem>>, vector<1x16xf32>,
          %get3A_402 = vector.shape_cast %get3A_401 : vector<1x16xf32> to vector<16xf32>
          %get3A_403 = arith.index_cast %scan3A_199 : i32 to index
          %get3A_404 = arith.constant 256 : index
          %get3A_405 = tpu.vector_load %arg14[%get3A_403, %get3A_404] {strides = array<i32>} : memref<16x640xf32, #tpu.memory_space<vmem>>, vector<1x16xf32>,
          %get3A_406 = vector.shape_cast %get3A_405 : vector<1x16xf32> to vector<16xf32>
          %mul3A_407 = arith.mulf %get3A_402, %get3A_406 : vector<16xf32>
          %add3A_408 = arith.addf %add3A_398, %mul3A_407 : vector<16xf32>
          %get3A_409 = arith.index_cast %min3A : i32 to index
          %get3A_410 = arith.constant 272 : index
          %get3A_411 = tpu.vector_load %arg16[%get3A_409, %get3A_410] {strides = array<i32>} : memref<32x640xf32, #tpu.memory_space<vmem>>, vector<1x16xf32>,
          %get3A_412 = vector.shape_cast %get3A_411 : vector<1x16xf32> to vector<16xf32>
          %get3A_413 = arith.index_cast %scan3A_199 : i32 to index
          %get3A_414 = arith.constant 272 : index
          %get3A_415 = tpu.vector_load %arg14[%get3A_413, %get3A_414] {strides = array<i32>} : memref<16x640xf32, #tpu.memory_space<vmem>>, vector<1x16xf32>,
          %get3A_416 = vector.shape_cast %get3A_415 : vector<1x16xf32> to vector<16xf32>
          %mul3A_417 = arith.mulf %get3A_412, %get3A_416 : vector<16xf32>
          %add3A_418 = arith.addf %add3A_408, %mul3A_417 : vector<16xf32>
          %get3A_419 = arith.index_cast %min3A : i32 to index
          %get3A_420 = arith.constant 288 : index
          %get3A_421 = tpu.vector_load %arg16[%get3A_419, %get3A_420] {strides = array<i32>} : memref<32x640xf32, #tpu.memory_space<vmem>>, vector<1x16xf32>,
          %get3A_422 = vector.shape_cast %get3A_421 : vector<1x16xf32> to vector<16xf32>
          %get3A_423 = arith.index_cast %scan3A_199 : i32 to index
          %get3A_424 = arith.constant 288 : index
          %get3A_425 = tpu.vector_load %arg14[%get3A_423, %get3A_424] {strides = array<i32>} : memref<16x640xf32, #tpu.memory_space<vmem>>, vector<1x16xf32>,
          %get3A_426 = vector.shape_cast %get3A_425 : vector<1x16xf32> to vector<16xf32>
          %mul3A_427 = arith.mulf %get3A_422, %get3A_426 : vector<16xf32>
          %add3A_428 = arith.addf %add3A_418, %mul3A_427 : vector<16xf32>
          %get3A_429 = arith.index_cast %min3A : i32 to index
          %get3A_430 = arith.constant 304 : index
          %get3A_431 = tpu.vector_load %arg16[%get3A_429, %get3A_430] {strides = array<i32>} : memref<32x640xf32, #tpu.memory_space<vmem>>, vector<1x16xf32>,
          %get3A_432 = vector.shape_cast %get3A_431 : vector<1x16xf32> to vector<16xf32>
          %get3A_433 = arith.index_cast %scan3A_199 : i32 to index
          %get3A_434 = arith.constant 304 : index
          %get3A_435 = tpu.vector_load %arg14[%get3A_433, %get3A_434] {strides = array<i32>} : memref<16x640xf32, #tpu.memory_space<vmem>>, vector<1x16xf32>,
          %get3A_436 = vector.shape_cast %get3A_435 : vector<1x16xf32> to vector<16xf32>
          %mul3A_437 = arith.mulf %get3A_432, %get3A_436 : vector<16xf32>
          %add3A_438 = arith.addf %add3A_428, %mul3A_437 : vector<16xf32>
          %get3A_439 = arith.index_cast %min3A : i32 to index
          %get3A_440 = arith.constant 320 : index
          %get3A_441 = tpu.vector_load %arg16[%get3A_439, %get3A_440] {strides = array<i32>} : memref<32x640xf32, #tpu.memory_space<vmem>>, vector<1x16xf32>,
          %get3A_442 = vector.shape_cast %get3A_441 : vector<1x16xf32> to vector<16xf32>
          %get3A_443 = arith.index_cast %scan3A_199 : i32 to index
          %get3A_444 = arith.constant 320 : index
          %get3A_445 = tpu.vector_load %arg14[%get3A_443, %get3A_444] {strides = array<i32>} : memref<16x640xf32, #tpu.memory_space<vmem>>, vector<1x16xf32>,
          %get3A_446 = vector.shape_cast %get3A_445 : vector<1x16xf32> to vector<16xf32>
          %mul3A_447 = arith.mulf %get3A_442, %get3A_446 : vector<16xf32>
          %add3A_448 = arith.addf %add3A_438, %mul3A_447 : vector<16xf32>
          %get3A_449 = arith.index_cast %min3A : i32 to index
          %get3A_450 = arith.constant 336 : index
          %get3A_451 = tpu.vector_load %arg16[%get3A_449, %get3A_450] {strides = array<i32>} : memref<32x640xf32, #tpu.memory_space<vmem>>, vector<1x16xf32>,
          %get3A_452 = vector.shape_cast %get3A_451 : vector<1x16xf32> to vector<16xf32>
          %get3A_453 = arith.index_cast %scan3A_199 : i32 to index
          %get3A_454 = arith.constant 336 : index
          %get3A_455 = tpu.vector_load %arg14[%get3A_453, %get3A_454] {strides = array<i32>} : memref<16x640xf32, #tpu.memory_space<vmem>>, vector<1x16xf32>,
          %get3A_456 = vector.shape_cast %get3A_455 : vector<1x16xf32> to vector<16xf32>
          %mul3A_457 = arith.mulf %get3A_452, %get3A_456 : vector<16xf32>
          %add3A_458 = arith.addf %add3A_448, %mul3A_457 : vector<16xf32>
          %get3A_459 = arith.index_cast %min3A : i32 to index
          %get3A_460 = arith.constant 352 : index
          %get3A_461 = tpu.vector_load %arg16[%get3A_459, %get3A_460] {strides = array<i32>} : memref<32x640xf32, #tpu.memory_space<vmem>>, vector<1x16xf32>,
          %get3A_462 = vector.shape_cast %get3A_461 : vector<1x16xf32> to vector<16xf32>
          %get3A_463 = arith.index_cast %scan3A_199 : i32 to index
          %get3A_464 = arith.constant 352 : index
          %get3A_465 = tpu.vector_load %arg14[%get3A_463, %get3A_464] {strides = array<i32>} : memref<16x640xf32, #tpu.memory_space<vmem>>, vector<1x16xf32>,
          %get3A_466 = vector.shape_cast %get3A_465 : vector<1x16xf32> to vector<16xf32>
          %mul3A_467 = arith.mulf %get3A_462, %get3A_466 : vector<16xf32>
          %add3A_468 = arith.addf %add3A_458, %mul3A_467 : vector<16xf32>
          %get3A_469 = arith.index_cast %min3A : i32 to index
          %get3A_470 = arith.constant 368 : index
          %get3A_471 = tpu.vector_load %arg16[%get3A_469, %get3A_470] {strides = array<i32>} : memref<32x640xf32, #tpu.memory_space<vmem>>, vector<1x16xf32>,
          %get3A_472 = vector.shape_cast %get3A_471 : vector<1x16xf32> to vector<16xf32>
          %get3A_473 = arith.index_cast %scan3A_199 : i32 to index
          %get3A_474 = arith.constant 368 : index
          %get3A_475 = tpu.vector_load %arg14[%get3A_473, %get3A_474] {strides = array<i32>} : memref<16x640xf32, #tpu.memory_space<vmem>>, vector<1x16xf32>,
          %get3A_476 = vector.shape_cast %get3A_475 : vector<1x16xf32> to vector<16xf32>
          %mul3A_477 = arith.mulf %get3A_472, %get3A_476 : vector<16xf32>
          %add3A_478 = arith.addf %add3A_468, %mul3A_477 : vector<16xf32>
          %get3A_479 = arith.index_cast %min3A : i32 to index
          %get3A_480 = arith.constant 384 : index
          %get3A_481 = tpu.vector_load %arg16[%get3A_479, %get3A_480] {strides = array<i32>} : memref<32x640xf32, #tpu.memory_space<vmem>>, vector<1x16xf32>,
          %get3A_482 = vector.shape_cast %get3A_481 : vector<1x16xf32> to vector<16xf32>
          %get3A_483 = arith.index_cast %scan3A_199 : i32 to index
          %get3A_484 = arith.constant 384 : index
          %get3A_485 = tpu.vector_load %arg14[%get3A_483, %get3A_484] {strides = array<i32>} : memref<16x640xf32, #tpu.memory_space<vmem>>, vector<1x16xf32>,
          %get3A_486 = vector.shape_cast %get3A_485 : vector<1x16xf32> to vector<16xf32>
          %mul3A_487 = arith.mulf %get3A_482, %get3A_486 : vector<16xf32>
          %add3A_488 = arith.addf %add3A_478, %mul3A_487 : vector<16xf32>
          %get3A_489 = arith.index_cast %min3A : i32 to index
          %get3A_490 = arith.constant 400 : index
          %get3A_491 = tpu.vector_load %arg16[%get3A_489, %get3A_490] {strides = array<i32>} : memref<32x640xf32, #tpu.memory_space<vmem>>, vector<1x16xf32>,
          %get3A_492 = vector.shape_cast %get3A_491 : vector<1x16xf32> to vector<16xf32>
          %get3A_493 = arith.index_cast %scan3A_199 : i32 to index
          %get3A_494 = arith.constant 400 : index
          %get3A_495 = tpu.vector_load %arg14[%get3A_493, %get3A_494] {strides = array<i32>} : memref<16x640xf32, #tpu.memory_space<vmem>>, vector<1x16xf32>,
          %get3A_496 = vector.shape_cast %get3A_495 : vector<1x16xf32> to vector<16xf32>
          %mul3A_497 = arith.mulf %get3A_492, %get3A_496 : vector<16xf32>
          %add3A_498 = arith.addf %add3A_488, %mul3A_497 : vector<16xf32>
          %get3A_499 = arith.index_cast %min3A : i32 to index
          %get3A_500 = arith.constant 416 : index
          %get3A_501 = tpu.vector_load %arg16[%get3A_499, %get3A_500] {strides = array<i32>} : memref<32x640xf32, #tpu.memory_space<vmem>>, vector<1x16xf32>,
          %get3A_502 = vector.shape_cast %get3A_501 : vector<1x16xf32> to vector<16xf32>
          %get3A_503 = arith.index_cast %scan3A_199 : i32 to index
          %get3A_504 = arith.constant 416 : index
          %get3A_505 = tpu.vector_load %arg14[%get3A_503, %get3A_504] {strides = array<i32>} : memref<16x640xf32, #tpu.memory_space<vmem>>, vector<1x16xf32>,
          %get3A_506 = vector.shape_cast %get3A_505 : vector<1x16xf32> to vector<16xf32>
          %mul3A_507 = arith.mulf %get3A_502, %get3A_506 : vector<16xf32>
          %add3A_508 = arith.addf %add3A_498, %mul3A_507 : vector<16xf32>
          %get3A_509 = arith.index_cast %min3A : i32 to index
          %get3A_510 = arith.constant 432 : index
          %get3A_511 = tpu.vector_load %arg16[%get3A_509, %get3A_510] {strides = array<i32>} : memref<32x640xf32, #tpu.memory_space<vmem>>, vector<1x16xf32>,
          %get3A_512 = vector.shape_cast %get3A_511 : vector<1x16xf32> to vector<16xf32>
          %get3A_513 = arith.index_cast %scan3A_199 : i32 to index
          %get3A_514 = arith.constant 432 : index
          %get3A_515 = tpu.vector_load %arg14[%get3A_513, %get3A_514] {strides = array<i32>} : memref<16x640xf32, #tpu.memory_space<vmem>>, vector<1x16xf32>,
          %get3A_516 = vector.shape_cast %get3A_515 : vector<1x16xf32> to vector<16xf32>
          %mul3A_517 = arith.mulf %get3A_512, %get3A_516 : vector<16xf32>
          %add3A_518 = arith.addf %add3A_508, %mul3A_517 : vector<16xf32>
          %get3A_519 = arith.index_cast %min3A : i32 to index
          %get3A_520 = arith.constant 448 : index
          %get3A_521 = tpu.vector_load %arg16[%get3A_519, %get3A_520] {strides = array<i32>} : memref<32x640xf32, #tpu.memory_space<vmem>>, vector<1x16xf32>,
          %get3A_522 = vector.shape_cast %get3A_521 : vector<1x16xf32> to vector<16xf32>
          %get3A_523 = arith.index_cast %scan3A_199 : i32 to index
          %get3A_524 = arith.constant 448 : index
          %get3A_525 = tpu.vector_load %arg14[%get3A_523, %get3A_524] {strides = array<i32>} : memref<16x640xf32, #tpu.memory_space<vmem>>, vector<1x16xf32>,
          %get3A_526 = vector.shape_cast %get3A_525 : vector<1x16xf32> to vector<16xf32>
          %mul3A_527 = arith.mulf %get3A_522, %get3A_526 : vector<16xf32>
          %add3A_528 = arith.addf %add3A_518, %mul3A_527 : vector<16xf32>
          %get3A_529 = arith.index_cast %min3A : i32 to index
          %get3A_530 = arith.constant 464 : index
          %get3A_531 = tpu.vector_load %arg16[%get3A_529, %get3A_530] {strides = array<i32>} : memref<32x640xf32, #tpu.memory_space<vmem>>, vector<1x16xf32>,
          %get3A_532 = vector.shape_cast %get3A_531 : vector<1x16xf32> to vector<16xf32>
          %get3A_533 = arith.index_cast %scan3A_199 : i32 to index
          %get3A_534 = arith.constant 464 : index
          %get3A_535 = tpu.vector_load %arg14[%get3A_533, %get3A_534] {strides = array<i32>} : memref<16x640xf32, #tpu.memory_space<vmem>>, vector<1x16xf32>,
          %get3A_536 = vector.shape_cast %get3A_535 : vector<1x16xf32> to vector<16xf32>
          %mul3A_537 = arith.mulf %get3A_532, %get3A_536 : vector<16xf32>
          %add3A_538 = arith.addf %add3A_528, %mul3A_537 : vector<16xf32>
          %get3A_539 = arith.index_cast %min3A : i32 to index
          %get3A_540 = arith.constant 480 : index
          %get3A_541 = tpu.vector_load %arg16[%get3A_539, %get3A_540] {strides = array<i32>} : memref<32x640xf32, #tpu.memory_space<vmem>>, vector<1x16xf32>,
          %get3A_542 = vector.shape_cast %get3A_541 : vector<1x16xf32> to vector<16xf32>
          %get3A_543 = arith.index_cast %scan3A_199 : i32 to index
          %get3A_544 = arith.constant 480 : index
          %get3A_545 = tpu.vector_load %arg14[%get3A_543, %get3A_544] {strides = array<i32>} : memref<16x640xf32, #tpu.memory_space<vmem>>, vector<1x16xf32>,
          %get3A_546 = vector.shape_cast %get3A_545 : vector<1x16xf32> to vector<16xf32>
          %mul3A_547 = arith.mulf %get3A_542, %get3A_546 : vector<16xf32>
          %add3A_548 = arith.addf %add3A_538, %mul3A_547 : vector<16xf32>
          %get3A_549 = arith.index_cast %min3A : i32 to index
          %get3A_550 = arith.constant 496 : index
          %get3A_551 = tpu.vector_load %arg16[%get3A_549, %get3A_550] {strides = array<i32>} : memref<32x640xf32, #tpu.memory_space<vmem>>, vector<1x16xf32>,
          %get3A_552 = vector.shape_cast %get3A_551 : vector<1x16xf32> to vector<16xf32>
          %get3A_553 = arith.index_cast %scan3A_199 : i32 to index
          %get3A_554 = arith.constant 496 : index
          %get3A_555 = tpu.vector_load %arg14[%get3A_553, %get3A_554] {strides = array<i32>} : memref<16x640xf32, #tpu.memory_space<vmem>>, vector<1x16xf32>,
          %get3A_556 = vector.shape_cast %get3A_555 : vector<1x16xf32> to vector<16xf32>
          %mul3A_557 = arith.mulf %get3A_552, %get3A_556 : vector<16xf32>
          %add3A_558 = arith.addf %add3A_548, %mul3A_557 : vector<16xf32>
          %get3A_559 = arith.index_cast %min3A : i32 to index
          %get3A_560 = arith.constant 512 : index
          %get3A_561 = tpu.vector_load %arg16[%get3A_559, %get3A_560] {strides = array<i32>} : memref<32x640xf32, #tpu.memory_space<vmem>>, vector<1x16xf32>,
          %get3A_562 = vector.shape_cast %get3A_561 : vector<1x16xf32> to vector<16xf32>
          %get3A_563 = arith.index_cast %scan3A_199 : i32 to index
          %get3A_564 = arith.constant 512 : index
          %get3A_565 = tpu.vector_load %arg14[%get3A_563, %get3A_564] {strides = array<i32>} : memref<16x640xf32, #tpu.memory_space<vmem>>, vector<1x16xf32>,
          %get3A_566 = vector.shape_cast %get3A_565 : vector<1x16xf32> to vector<16xf32>
          %mul3A_567 = arith.mulf %get3A_562, %get3A_566 : vector<16xf32>
          %add3A_568 = arith.addf %add3A_558, %mul3A_567 : vector<16xf32>
          %get3A_569 = arith.index_cast %min3A : i32 to index
          %get3A_570 = arith.constant 528 : index
          %get3A_571 = tpu.vector_load %arg16[%get3A_569, %get3A_570] {strides = array<i32>} : memref<32x640xf32, #tpu.memory_space<vmem>>, vector<1x16xf32>,
          %get3A_572 = vector.shape_cast %get3A_571 : vector<1x16xf32> to vector<16xf32>
          %get3A_573 = arith.index_cast %scan3A_199 : i32 to index
          %get3A_574 = arith.constant 528 : index
          %get3A_575 = tpu.vector_load %arg14[%get3A_573, %get3A_574] {strides = array<i32>} : memref<16x640xf32, #tpu.memory_space<vmem>>, vector<1x16xf32>,
          %get3A_576 = vector.shape_cast %get3A_575 : vector<1x16xf32> to vector<16xf32>
          %mul3A_577 = arith.mulf %get3A_572, %get3A_576 : vector<16xf32>
          %add3A_578 = arith.addf %add3A_568, %mul3A_577 : vector<16xf32>
          %get3A_579 = arith.index_cast %min3A : i32 to index
          %get3A_580 = arith.constant 544 : index
          %get3A_581 = tpu.vector_load %arg16[%get3A_579, %get3A_580] {strides = array<i32>} : memref<32x640xf32, #tpu.memory_space<vmem>>, vector<1x16xf32>,
          %get3A_582 = vector.shape_cast %get3A_581 : vector<1x16xf32> to vector<16xf32>
          %get3A_583 = arith.index_cast %scan3A_199 : i32 to index
          %get3A_584 = arith.constant 544 : index
          %get3A_585 = tpu.vector_load %arg14[%get3A_583, %get3A_584] {strides = array<i32>} : memref<16x640xf32, #tpu.memory_space<vmem>>, vector<1x16xf32>,
          %get3A_586 = vector.shape_cast %get3A_585 : vector<1x16xf32> to vector<16xf32>
          %mul3A_587 = arith.mulf %get3A_582, %get3A_586 : vector<16xf32>
          %add3A_588 = arith.addf %add3A_578, %mul3A_587 : vector<16xf32>
          %get3A_589 = arith.index_cast %min3A : i32 to index
          %get3A_590 = arith.constant 560 : index
          %get3A_591 = tpu.vector_load %arg16[%get3A_589, %get3A_590] {strides = array<i32>} : memref<32x640xf32, #tpu.memory_space<vmem>>, vector<1x16xf32>,
          %get3A_592 = vector.shape_cast %get3A_591 : vector<1x16xf32> to vector<16xf32>
          %get3A_593 = arith.index_cast %scan3A_199 : i32 to index
          %get3A_594 = arith.constant 560 : index
          %get3A_595 = tpu.vector_load %arg14[%get3A_593, %get3A_594] {strides = array<i32>} : memref<16x640xf32, #tpu.memory_space<vmem>>, vector<1x16xf32>,
          %get3A_596 = vector.shape_cast %get3A_595 : vector<1x16xf32> to vector<16xf32>
          %mul3A_597 = arith.mulf %get3A_592, %get3A_596 : vector<16xf32>
          %add3A_598 = arith.addf %add3A_588, %mul3A_597 : vector<16xf32>
          %get3A_599 = arith.index_cast %min3A : i32 to index
          %get3A_600 = arith.constant 576 : index
          %get3A_601 = tpu.vector_load %arg16[%get3A_599, %get3A_600] {strides = array<i32>} : memref<32x640xf32, #tpu.memory_space<vmem>>, vector<1x16xf32>,
          %get3A_602 = vector.shape_cast %get3A_601 : vector<1x16xf32> to vector<16xf32>
          %get3A_603 = arith.index_cast %scan3A_199 : i32 to index
          %get3A_604 = arith.constant 576 : index
          %get3A_605 = tpu.vector_load %arg14[%get3A_603, %get3A_604] {strides = array<i32>} : memref<16x640xf32, #tpu.memory_space<vmem>>, vector<1x16xf32>,
          %get3A_606 = vector.shape_cast %get3A_605 : vector<1x16xf32> to vector<16xf32>
          %mul3A_607 = arith.mulf %get3A_602, %get3A_606 : vector<16xf32>
          %add3A_608 = arith.addf %add3A_598, %mul3A_607 : vector<16xf32>
          %get3A_609 = arith.index_cast %min3A : i32 to index
          %get3A_610 = arith.constant 592 : index
          %get3A_611 = tpu.vector_load %arg16[%get3A_609, %get3A_610] {strides = array<i32>} : memref<32x640xf32, #tpu.memory_space<vmem>>, vector<1x16xf32>,
          %get3A_612 = vector.shape_cast %get3A_611 : vector<1x16xf32> to vector<16xf32>
          %get3A_613 = arith.index_cast %scan3A_199 : i32 to index
          %get3A_614 = arith.constant 592 : index
          %get3A_615 = tpu.vector_load %arg14[%get3A_613, %get3A_614] {strides = array<i32>} : memref<16x640xf32, #tpu.memory_space<vmem>>, vector<1x16xf32>,
          %get3A_616 = vector.shape_cast %get3A_615 : vector<1x16xf32> to vector<16xf32>
          %mul3A_617 = arith.mulf %get3A_612, %get3A_616 : vector<16xf32>
          %add3A_618 = arith.addf %add3A_608, %mul3A_617 : vector<16xf32>
          %get3A_619 = arith.index_cast %min3A : i32 to index
          %get3A_620 = arith.constant 608 : index
          %get3A_621 = tpu.vector_load %arg16[%get3A_619, %get3A_620] {strides = array<i32>} : memref<32x640xf32, #tpu.memory_space<vmem>>, vector<1x16xf32>,
          %get3A_622 = vector.shape_cast %get3A_621 : vector<1x16xf32> to vector<16xf32>
          %get3A_623 = arith.index_cast %scan3A_199 : i32 to index
          %get3A_624 = arith.constant 608 : index
          %get3A_625 = tpu.vector_load %arg14[%get3A_623, %get3A_624] {strides = array<i32>} : memref<16x640xf32, #tpu.memory_space<vmem>>, vector<1x16xf32>,
          %get3A_626 = vector.shape_cast %get3A_625 : vector<1x16xf32> to vector<16xf32>
          %mul3A_627 = arith.mulf %get3A_622, %get3A_626 : vector<16xf32>
          %add3A_628 = arith.addf %add3A_618, %mul3A_627 : vector<16xf32>
          %get3A_629 = arith.index_cast %min3A : i32 to index
          %get3A_630 = arith.constant 624 : index
          %get3A_631 = tpu.vector_load %arg16[%get3A_629, %get3A_630] {strides = array<i32>} : memref<32x640xf32, #tpu.memory_space<vmem>>, vector<1x16xf32>,
          %get3A_632 = vector.shape_cast %get3A_631 : vector<1x16xf32> to vector<16xf32>
          %get3A_633 = arith.index_cast %scan3A_199 : i32 to index
          %get3A_634 = arith.constant 624 : index
          %get3A_635 = tpu.vector_load %arg14[%get3A_633, %get3A_634] {strides = array<i32>} : memref<16x640xf32, #tpu.memory_space<vmem>>, vector<1x16xf32>,
          %get3A_636 = vector.shape_cast %get3A_635 : vector<1x16xf32> to vector<16xf32>
          %mul3A_637 = arith.mulf %get3A_632, %get3A_636 : vector<16xf32>
          %add3A_638 = arith.addf %add3A_628, %mul3A_637 : vector<16xf32>
          %rev3A = arith.constant 15 : i32
          %rev3A_639 = vector.broadcast %rev3A : i32 to vector<16xi32>
          %rev3A_640 = tpu.iota {dimensions = array<i32: 0>} : vector<16xi32>
          %rev3A_641 = arith.subi %rev3A_639, %rev3A_640 : vector<16xi32>
          %rev3A_642 = tpu.dynamic_gather %add3A_638[%rev3A_641] in [0] : vector<16xf32>, vector<16xi32> -> vector<16xf32>
          %add3A_643 = arith.addf %add3A_638, %rev3A_642 : vector<16xf32>
          %get3A_644 = arith.index_cast %min3A : i32 to index
          %get3A_645 = arith.constant 0 : index
          %get3A_646 = tpu.vector_load %arg17[%get3A_644, %get3A_645] {strides = array<i32>} : memref<32x16xf32, #tpu.memory_space<vmem>>, vector<1x16xf32>,
          %get3A_647 = vector.shape_cast %get3A_646 : vector<1x16xf32> to vector<16xf32>
          %mul3A_648 = vector.broadcast %squeeze3A_219 : f32 to vector<16xf32>
          %mul3A_649 = arith.mulf %mul3A_648, %get3A_647 : vector<16xf32>
          %add3A_650 = arith.addf %add3A_643, %mul3A_649 : vector<16xf32>
          %max3A_651 = arith.maximumf %select_n3A_233, %add3A_650 : vector<16xf32>
          %sub3A_652 = arith.subf %select_n3A_233, %max3A_651 : vector<16xf32>
          %exp3A = math.exp %sub3A_652 : vector<16xf32>
          %select_n3A_653 = arith.select %and3A_222, %exp3A, %broadcast_in_dim3A_5 : vector<16xf32>
          %sub3A_654 = arith.subf %add3A_650, %max3A_651 : vector<16xf32>
          %exp3A_655 = math.exp %sub3A_654 : vector<16xf32>
          %select_n3A_656 = arith.select %and3A_222, %exp3A_655, %broadcast_in_dim3A_1 : vector<16xf32>
          %mul3A_657 = arith.mulf %select_n3A_234, %select_n3A_653 : vector<16xf32>
          %add3A_658 = arith.addf %mul3A_657, %select_n3A_656 : vector<16xf32>
          %mul3A_659 = arith.mulf %select_n3A_235, %select_n3A_653 : vector<16xf32>
          %mul3A_660 = vector.broadcast %squeeze3A_219 : f32 to vector<16xf32>
          %mul3A_661 = arith.mulf %select_n3A_656, %mul3A_660 : vector<16xf32>
          %add3A_662 = arith.addf %mul3A_659, %mul3A_661 : vector<16xf32>
          %select_n3A_663 = arith.select %and3A_222, %max3A_651, %scan3A_200 : vector<16xf32>
          %get3A_664 = arith.constant 0 : i32
          %get3A_665 = arith.index_cast %get3A_664 : i32 to index
          %get3A_666 = arith.constant 0 : index
          %get3A_667 = tpu.vector_load %arg19[%get3A_665, %get3A_666] {strides = array<i32>} : memref<40x16xf32, #tpu.memory_space<vmem>>, vector<1x16xf32>,
          %get3A_668 = vector.shape_cast %get3A_667 : vector<1x16xf32> to vector<16xf32>
          %mul3A_669 = arith.mulf %get3A_668, %select_n3A_653 : vector<16xf32>
          %get3A_670 = arith.index_cast %scan3A_199 : i32 to index
          %get3A_671 = arith.constant 0 : index
          %get3A_672 = tpu.vector_load %arg15[%get3A_670, %get3A_671] {strides = array<i32>} : memref<16x640xf32, #tpu.memory_space<vmem>>, vector<1x16xf32>,
          %get3A_673 = vector.shape_cast %get3A_672 : vector<1x16xf32> to vector<16xf32>
          %mul3A_674 = arith.mulf %select_n3A_656, %get3A_673 : vector<16xf32>
          %add3A_675 = arith.addf %mul3A_669, %mul3A_674 : vector<16xf32>
          %swap3A_676 = arith.constant 0 : i32
          %swap3A_677 = arith.index_cast %swap3A_676 : i32 to index
          %swap3A_678 = arith.constant 0 : index
          %swap3A_679 = tpu.vector_load %arg19[%swap3A_677, %swap3A_678] {strides = array<i32>} : memref<40x16xf32, #tpu.memory_space<vmem>>, vector<1x16xf32>,
          %swap3A_680 = vector.shape_cast %swap3A_679 : vector<1x16xf32> to vector<16xf32>
          %swap3A_681 = vector.shape_cast %add3A_675 : vector<16xf32> to vector<1x16xf32>
          tpu.vector_store %arg19[%swap3A_677, %swap3A_678], %swap3A_681 {strides = array<i32>} : memref<40x16xf32, #tpu.memory_space<vmem>>, vector<1x16xf32>,
          %get3A_682 = arith.constant 1 : i32
          %get3A_683 = arith.index_cast %get3A_682 : i32 to index
          %get3A_684 = arith.constant 0 : index
          %get3A_685 = tpu.vector_load %arg19[%get3A_683, %get3A_684] {strides = array<i32>} : memref<40x16xf32, #tpu.memory_space<vmem>>, vector<1x16xf32>,
          %get3A_686 = vector.shape_cast %get3A_685 : vector<1x16xf32> to vector<16xf32>
          %mul3A_687 = arith.mulf %get3A_686, %select_n3A_653 : vector<16xf32>
          %get3A_688 = arith.index_cast %scan3A_199 : i32 to index
          %get3A_689 = arith.constant 16 : index
          %get3A_690 = tpu.vector_load %arg15[%get3A_688, %get3A_689] {strides = array<i32>} : memref<16x640xf32, #tpu.memory_space<vmem>>, vector<1x16xf32>,
          %get3A_691 = vector.shape_cast %get3A_690 : vector<1x16xf32> to vector<16xf32>
          %mul3A_692 = arith.mulf %select_n3A_656, %get3A_691 : vector<16xf32>
          %add3A_693 = arith.addf %mul3A_687, %mul3A_692 : vector<16xf32>
          %swap3A_694 = arith.constant 1 : i32
          %swap3A_695 = arith.index_cast %swap3A_694 : i32 to index
          %swap3A_696 = arith.constant 0 : index
          %swap3A_697 = tpu.vector_load %arg19[%swap3A_695, %swap3A_696] {strides = array<i32>} : memref<40x16xf32, #tpu.memory_space<vmem>>, vector<1x16xf32>,
          %swap3A_698 = vector.shape_cast %swap3A_697 : vector<1x16xf32> to vector<16xf32>
          %swap3A_699 = vector.shape_cast %add3A_693 : vector<16xf32> to vector<1x16xf32>
          tpu.vector_store %arg19[%swap3A_695, %swap3A_696], %swap3A_699 {strides = array<i32>} : memref<40x16xf32, #tpu.memory_space<vmem>>, vector<1x16xf32>,
          %get3A_700 = arith.constant 2 : i32
          %get3A_701 = arith.index_cast %get3A_700 : i32 to index
          %get3A_702 = arith.constant 0 : index
          %get3A_703 = tpu.vector_load %arg19[%get3A_701, %get3A_702] {strides = array<i32>} : memref<40x16xf32, #tpu.memory_space<vmem>>, vector<1x16xf32>,
          %get3A_704 = vector.shape_cast %get3A_703 : vector<1x16xf32> to vector<16xf32>
          %mul3A_705 = arith.mulf %get3A_704, %select_n3A_653 : vector<16xf32>
          %get3A_706 = arith.index_cast %scan3A_199 : i32 to index
          %get3A_707 = arith.constant 32 : index
          %get3A_708 = tpu.vector_load %arg15[%get3A_706, %get3A_707] {strides = array<i32>} : memref<16x640xf32, #tpu.memory_space<vmem>>, vector<1x16xf32>,
          %get3A_709 = vector.shape_cast %get3A_708 : vector<1x16xf32> to vector<16xf32>
          %mul3A_710 = arith.mulf %select_n3A_656, %get3A_709 : vector<16xf32>
          %add3A_711 = arith.addf %mul3A_705, %mul3A_710 : vector<16xf32>
          %swap3A_712 = arith.constant 2 : i32
          %swap3A_713 = arith.index_cast %swap3A_712 : i32 to index
          %swap3A_714 = arith.constant 0 : index
          %swap3A_715 = tpu.vector_load %arg19[%swap3A_713, %swap3A_714] {strides = array<i32>} : memref<40x16xf32, #tpu.memory_space<vmem>>, vector<1x16xf32>,
          %swap3A_716 = vector.shape_cast %swap3A_715 : vector<1x16xf32> to vector<16xf32>
          %swap3A_717 = vector.shape_cast %add3A_711 : vector<16xf32> to vector<1x16xf32>
          tpu.vector_store %arg19[%swap3A_713, %swap3A_714], %swap3A_717 {strides = array<i32>} : memref<40x16xf32, #tpu.memory_space<vmem>>, vector<1x16xf32>,
          %get3A_718 = arith.constant 3 : i32
          %get3A_719 = arith.index_cast %get3A_718 : i32 to index
          %get3A_720 = arith.constant 0 : index
          %get3A_721 = tpu.vector_load %arg19[%get3A_719, %get3A_720] {strides = array<i32>} : memref<40x16xf32, #tpu.memory_space<vmem>>, vector<1x16xf32>,
          %get3A_722 = vector.shape_cast %get3A_721 : vector<1x16xf32> to vector<16xf32>
          %mul3A_723 = arith.mulf %get3A_722, %select_n3A_653 : vector<16xf32>
          %get3A_724 = arith.index_cast %scan3A_199 : i32 to index
          %get3A_725 = arith.constant 48 : index
          %get3A_726 = tpu.vector_load %arg15[%get3A_724, %get3A_725] {strides = array<i32>} : memref<16x640xf32, #tpu.memory_space<vmem>>, vector<1x16xf32>,
          %get3A_727 = vector.shape_cast %get3A_726 : vector<1x16xf32> to vector<16xf32>
          %mul3A_728 = arith.mulf %select_n3A_656, %get3A_727 : vector<16xf32>
          %add3A_729 = arith.addf %mul3A_723, %mul3A_728 : vector<16xf32>
          %swap3A_730 = arith.constant 3 : i32
          %swap3A_731 = arith.index_cast %swap3A_730 : i32 to index
          %swap3A_732 = arith.constant 0 : index
          %swap3A_733 = tpu.vector_load %arg19[%swap3A_731, %swap3A_732] {strides = array<i32>} : memref<40x16xf32, #tpu.memory_space<vmem>>, vector<1x16xf32>,
          %swap3A_734 = vector.shape_cast %swap3A_733 : vector<1x16xf32> to vector<16xf32>
          %swap3A_735 = vector.shape_cast %add3A_729 : vector<16xf32> to vector<1x16xf32>
          tpu.vector_store %arg19[%swap3A_731, %swap3A_732], %swap3A_735 {strides = array<i32>} : memref<40x16xf32, #tpu.memory_space<vmem>>, vector<1x16xf32>,
          %get3A_736 = arith.constant 4 : i32
          %get3A_737 = arith.index_cast %get3A_736 : i32 to index
          %get3A_738 = arith.constant 0 : index
          %get3A_739 = tpu.vector_load %arg19[%get3A_737, %get3A_738] {strides = array<i32>} : memref<40x16xf32, #tpu.memory_space<vmem>>, vector<1x16xf32>,
          %get3A_740 = vector.shape_cast %get3A_739 : vector<1x16xf32> to vector<16xf32>
          %mul3A_741 = arith.mulf %get3A_740, %select_n3A_653 : vector<16xf32>
          %get3A_742 = arith.index_cast %scan3A_199 : i32 to index
          %get3A_743 = arith.constant 64 : index
          %get3A_744 = tpu.vector_load %arg15[%get3A_742, %get3A_743] {strides = array<i32>} : memref<16x640xf32, #tpu.memory_space<vmem>>, vector<1x16xf32>,
          %get3A_745 = vector.shape_cast %get3A_744 : vector<1x16xf32> to vector<16xf32>
          %mul3A_746 = arith.mulf %select_n3A_656, %get3A_745 : vector<16xf32>
          %add3A_747 = arith.addf %mul3A_741, %mul3A_746 : vector<16xf32>
          %swap3A_748 = arith.constant 4 : i32
          %swap3A_749 = arith.index_cast %swap3A_748 : i32 to index
          %swap3A_750 = arith.constant 0 : index
          %swap3A_751 = tpu.vector_load %arg19[%swap3A_749, %swap3A_750] {strides = array<i32>} : memref<40x16xf32, #tpu.memory_space<vmem>>, vector<1x16xf32>,
          %swap3A_752 = vector.shape_cast %swap3A_751 : vector<1x16xf32> to vector<16xf32>
          %swap3A_753 = vector.shape_cast %add3A_747 : vector<16xf32> to vector<1x16xf32>
          tpu.vector_store %arg19[%swap3A_749, %swap3A_750], %swap3A_753 {strides = array<i32>} : memref<40x16xf32, #tpu.memory_space<vmem>>, vector<1x16xf32>,
          %get3A_754 = arith.constant 5 : i32
          %get3A_755 = arith.index_cast %get3A_754 : i32 to index
          %get3A_756 = arith.constant 0 : index
          %get3A_757 = tpu.vector_load %arg19[%get3A_755, %get3A_756] {strides = array<i32>} : memref<40x16xf32, #tpu.memory_space<vmem>>, vector<1x16xf32>,
          %get3A_758 = vector.shape_cast %get3A_757 : vector<1x16xf32> to vector<16xf32>
          %mul3A_759 = arith.mulf %get3A_758, %select_n3A_653 : vector<16xf32>
          %get3A_760 = arith.index_cast %scan3A_199 : i32 to index
          %get3A_761 = arith.constant 80 : index
          %get3A_762 = tpu.vector_load %arg15[%get3A_760, %get3A_761] {strides = array<i32>} : memref<16x640xf32, #tpu.memory_space<vmem>>, vector<1x16xf32>,
          %get3A_763 = vector.shape_cast %get3A_762 : vector<1x16xf32> to vector<16xf32>
          %mul3A_764 = arith.mulf %select_n3A_656, %get3A_763 : vector<16xf32>
          %add3A_765 = arith.addf %mul3A_759, %mul3A_764 : vector<16xf32>
          %swap3A_766 = arith.constant 5 : i32
          %swap3A_767 = arith.index_cast %swap3A_766 : i32 to index
          %swap3A_768 = arith.constant 0 : index
          %swap3A_769 = tpu.vector_load %arg19[%swap3A_767, %swap3A_768] {strides = array<i32>} : memref<40x16xf32, #tpu.memory_space<vmem>>, vector<1x16xf32>,
          %swap3A_770 = vector.shape_cast %swap3A_769 : vector<1x16xf32> to vector<16xf32>
          %swap3A_771 = vector.shape_cast %add3A_765 : vector<16xf32> to vector<1x16xf32>
          tpu.vector_store %arg19[%swap3A_767, %swap3A_768], %swap3A_771 {strides = array<i32>} : memref<40x16xf32, #tpu.memory_space<vmem>>, vector<1x16xf32>,
          %get3A_772 = arith.constant 6 : i32
          %get3A_773 = arith.index_cast %get3A_772 : i32 to index
          %get3A_774 = arith.constant 0 : index
          %get3A_775 = tpu.vector_load %arg19[%get3A_773, %get3A_774] {strides = array<i32>} : memref<40x16xf32, #tpu.memory_space<vmem>>, vector<1x16xf32>,
          %get3A_776 = vector.shape_cast %get3A_775 : vector<1x16xf32> to vector<16xf32>
          %mul3A_777 = arith.mulf %get3A_776, %select_n3A_653 : vector<16xf32>
          %get3A_778 = arith.index_cast %scan3A_199 : i32 to index
          %get3A_779 = arith.constant 96 : index
          %get3A_780 = tpu.vector_load %arg15[%get3A_778, %get3A_779] {strides = array<i32>} : memref<16x640xf32, #tpu.memory_space<vmem>>, vector<1x16xf32>,
          %get3A_781 = vector.shape_cast %get3A_780 : vector<1x16xf32> to vector<16xf32>
          %mul3A_782 = arith.mulf %select_n3A_656, %get3A_781 : vector<16xf32>
          %add3A_783 = arith.addf %mul3A_777, %mul3A_782 : vector<16xf32>
          %swap3A_784 = arith.constant 6 : i32
          %swap3A_785 = arith.index_cast %swap3A_784 : i32 to index
          %swap3A_786 = arith.constant 0 : index
          %swap3A_787 = tpu.vector_load %arg19[%swap3A_785, %swap3A_786] {strides = array<i32>} : memref<40x16xf32, #tpu.memory_space<vmem>>, vector<1x16xf32>,
          %swap3A_788 = vector.shape_cast %swap3A_787 : vector<1x16xf32> to vector<16xf32>
          %swap3A_789 = vector.shape_cast %add3A_783 : vector<16xf32> to vector<1x16xf32>
          tpu.vector_store %arg19[%swap3A_785, %swap3A_786], %swap3A_789 {strides = array<i32>} : memref<40x16xf32, #tpu.memory_space<vmem>>, vector<1x16xf32>,
          %get3A_790 = arith.constant 7 : i32
          %get3A_791 = arith.index_cast %get3A_790 : i32 to index
          %get3A_792 = arith.constant 0 : index
          %get3A_793 = tpu.vector_load %arg19[%get3A_791, %get3A_792] {strides = array<i32>} : memref<40x16xf32, #tpu.memory_space<vmem>>, vector<1x16xf32>,
          %get3A_794 = vector.shape_cast %get3A_793 : vector<1x16xf32> to vector<16xf32>
          %mul3A_795 = arith.mulf %get3A_794, %select_n3A_653 : vector<16xf32>
          %get3A_796 = arith.index_cast %scan3A_199 : i32 to index
          %get3A_797 = arith.constant 112 : index
          %get3A_798 = tpu.vector_load %arg15[%get3A_796, %get3A_797] {strides = array<i32>} : memref<16x640xf32, #tpu.memory_space<vmem>>, vector<1x16xf32>,
          %get3A_799 = vector.shape_cast %get3A_798 : vector<1x16xf32> to vector<16xf32>
          %mul3A_800 = arith.mulf %select_n3A_656, %get3A_799 : vector<16xf32>
          %add3A_801 = arith.addf %mul3A_795, %mul3A_800 : vector<16xf32>
          %swap3A_802 = arith.constant 7 : i32
          %swap3A_803 = arith.index_cast %swap3A_802 : i32 to index
          %swap3A_804 = arith.constant 0 : index
          %swap3A_805 = tpu.vector_load %arg19[%swap3A_803, %swap3A_804] {strides = array<i32>} : memref<40x16xf32, #tpu.memory_space<vmem>>, vector<1x16xf32>,
          %swap3A_806 = vector.shape_cast %swap3A_805 : vector<1x16xf32> to vector<16xf32>
          %swap3A_807 = vector.shape_cast %add3A_801 : vector<16xf32> to vector<1x16xf32>
          tpu.vector_store %arg19[%swap3A_803, %swap3A_804], %swap3A_807 {strides = array<i32>} : memref<40x16xf32, #tpu.memory_space<vmem>>, vector<1x16xf32>,
          %get3A_808 = arith.constant 8 : i32
          %get3A_809 = arith.index_cast %get3A_808 : i32 to index
          %get3A_810 = arith.constant 0 : index
          %get3A_811 = tpu.vector_load %arg19[%get3A_809, %get3A_810] {strides = array<i32>} : memref<40x16xf32, #tpu.memory_space<vmem>>, vector<1x16xf32>,
          %get3A_812 = vector.shape_cast %get3A_811 : vector<1x16xf32> to vector<16xf32>
          %mul3A_813 = arith.mulf %get3A_812, %select_n3A_653 : vector<16xf32>
          %get3A_814 = arith.index_cast %scan3A_199 : i32 to index
          %get3A_815 = arith.constant 128 : index
          %get3A_816 = tpu.vector_load %arg15[%get3A_814, %get3A_815] {strides = array<i32>} : memref<16x640xf32, #tpu.memory_space<vmem>>, vector<1x16xf32>,
          %get3A_817 = vector.shape_cast %get3A_816 : vector<1x16xf32> to vector<16xf32>
          %mul3A_818 = arith.mulf %select_n3A_656, %get3A_817 : vector<16xf32>
          %add3A_819 = arith.addf %mul3A_813, %mul3A_818 : vector<16xf32>
          %swap3A_820 = arith.constant 8 : i32
          %swap3A_821 = arith.index_cast %swap3A_820 : i32 to index
          %swap3A_822 = arith.constant 0 : index
          %swap3A_823 = tpu.vector_load %arg19[%swap3A_821, %swap3A_822] {strides = array<i32>} : memref<40x16xf32, #tpu.memory_space<vmem>>, vector<1x16xf32>,
          %swap3A_824 = vector.shape_cast %swap3A_823 : vector<1x16xf32> to vector<16xf32>
          %swap3A_825 = vector.shape_cast %add3A_819 : vector<16xf32> to vector<1x16xf32>
          tpu.vector_store %arg19[%swap3A_821, %swap3A_822], %swap3A_825 {strides = array<i32>} : memref<40x16xf32, #tpu.memory_space<vmem>>, vector<1x16xf32>,
          %get3A_826 = arith.constant 9 : i32
          %get3A_827 = arith.index_cast %get3A_826 : i32 to index
          %get3A_828 = arith.constant 0 : index
          %get3A_829 = tpu.vector_load %arg19[%get3A_827, %get3A_828] {strides = array<i32>} : memref<40x16xf32, #tpu.memory_space<vmem>>, vector<1x16xf32>,
          %get3A_830 = vector.shape_cast %get3A_829 : vector<1x16xf32> to vector<16xf32>
          %mul3A_831 = arith.mulf %get3A_830, %select_n3A_653 : vector<16xf32>
          %get3A_832 = arith.index_cast %scan3A_199 : i32 to index
          %get3A_833 = arith.constant 144 : index
          %get3A_834 = tpu.vector_load %arg15[%get3A_832, %get3A_833] {strides = array<i32>} : memref<16x640xf32, #tpu.memory_space<vmem>>, vector<1x16xf32>,
          %get3A_835 = vector.shape_cast %get3A_834 : vector<1x16xf32> to vector<16xf32>
          %mul3A_836 = arith.mulf %select_n3A_656, %get3A_835 : vector<16xf32>
          %add3A_837 = arith.addf %mul3A_831, %mul3A_836 : vector<16xf32>
          %swap3A_838 = arith.constant 9 : i32
          %swap3A_839 = arith.index_cast %swap3A_838 : i32 to index
          %swap3A_840 = arith.constant 0 : index
          %swap3A_841 = tpu.vector_load %arg19[%swap3A_839, %swap3A_840] {strides = array<i32>} : memref<40x16xf32, #tpu.memory_space<vmem>>, vector<1x16xf32>,
          %swap3A_842 = vector.shape_cast %swap3A_841 : vector<1x16xf32> to vector<16xf32>
          %swap3A_843 = vector.shape_cast %add3A_837 : vector<16xf32> to vector<1x16xf32>
          tpu.vector_store %arg19[%swap3A_839, %swap3A_840], %swap3A_843 {strides = array<i32>} : memref<40x16xf32, #tpu.memory_space<vmem>>, vector<1x16xf32>,
          %get3A_844 = arith.constant 10 : i32
          %get3A_845 = arith.index_cast %get3A_844 : i32 to index
          %get3A_846 = arith.constant 0 : index
          %get3A_847 = tpu.vector_load %arg19[%get3A_845, %get3A_846] {strides = array<i32>} : memref<40x16xf32, #tpu.memory_space<vmem>>, vector<1x16xf32>,
          %get3A_848 = vector.shape_cast %get3A_847 : vector<1x16xf32> to vector<16xf32>
          %mul3A_849 = arith.mulf %get3A_848, %select_n3A_653 : vector<16xf32>
          %get3A_850 = arith.index_cast %scan3A_199 : i32 to index
          %get3A_851 = arith.constant 160 : index
          %get3A_852 = tpu.vector_load %arg15[%get3A_850, %get3A_851] {strides = array<i32>} : memref<16x640xf32, #tpu.memory_space<vmem>>, vector<1x16xf32>,
          %get3A_853 = vector.shape_cast %get3A_852 : vector<1x16xf32> to vector<16xf32>
          %mul3A_854 = arith.mulf %select_n3A_656, %get3A_853 : vector<16xf32>
          %add3A_855 = arith.addf %mul3A_849, %mul3A_854 : vector<16xf32>
          %swap3A_856 = arith.constant 10 : i32
          %swap3A_857 = arith.index_cast %swap3A_856 : i32 to index
          %swap3A_858 = arith.constant 0 : index
          %swap3A_859 = tpu.vector_load %arg19[%swap3A_857, %swap3A_858] {strides = array<i32>} : memref<40x16xf32, #tpu.memory_space<vmem>>, vector<1x16xf32>,
          %swap3A_860 = vector.shape_cast %swap3A_859 : vector<1x16xf32> to vector<16xf32>
          %swap3A_861 = vector.shape_cast %add3A_855 : vector<16xf32> to vector<1x16xf32>
          tpu.vector_store %arg19[%swap3A_857, %swap3A_858], %swap3A_861 {strides = array<i32>} : memref<40x16xf32, #tpu.memory_space<vmem>>, vector<1x16xf32>,
          %get3A_862 = arith.constant 11 : i32
          %get3A_863 = arith.index_cast %get3A_862 : i32 to index
          %get3A_864 = arith.constant 0 : index
          %get3A_865 = tpu.vector_load %arg19[%get3A_863, %get3A_864] {strides = array<i32>} : memref<40x16xf32, #tpu.memory_space<vmem>>, vector<1x16xf32>,
          %get3A_866 = vector.shape_cast %get3A_865 : vector<1x16xf32> to vector<16xf32>
          %mul3A_867 = arith.mulf %get3A_866, %select_n3A_653 : vector<16xf32>
          %get3A_868 = arith.index_cast %scan3A_199 : i32 to index
          %get3A_869 = arith.constant 176 : index
          %get3A_870 = tpu.vector_load %arg15[%get3A_868, %get3A_869] {strides = array<i32>} : memref<16x640xf32, #tpu.memory_space<vmem>>, vector<1x16xf32>,
          %get3A_871 = vector.shape_cast %get3A_870 : vector<1x16xf32> to vector<16xf32>
          %mul3A_872 = arith.mulf %select_n3A_656, %get3A_871 : vector<16xf32>
          %add3A_873 = arith.addf %mul3A_867, %mul3A_872 : vector<16xf32>
          %swap3A_874 = arith.constant 11 : i32
          %swap3A_875 = arith.index_cast %swap3A_874 : i32 to index
          %swap3A_876 = arith.constant 0 : index
          %swap3A_877 = tpu.vector_load %arg19[%swap3A_875, %swap3A_876] {strides = array<i32>} : memref<40x16xf32, #tpu.memory_space<vmem>>, vector<1x16xf32>,
          %swap3A_878 = vector.shape_cast %swap3A_877 : vector<1x16xf32> to vector<16xf32>
          %swap3A_879 = vector.shape_cast %add3A_873 : vector<16xf32> to vector<1x16xf32>
          tpu.vector_store %arg19[%swap3A_875, %swap3A_876], %swap3A_879 {strides = array<i32>} : memref<40x16xf32, #tpu.memory_space<vmem>>, vector<1x16xf32>,
          %get3A_880 = arith.constant 12 : i32
          %get3A_881 = arith.index_cast %get3A_880 : i32 to index
          %get3A_882 = arith.constant 0 : index
          %get3A_883 = tpu.vector_load %arg19[%get3A_881, %get3A_882] {strides = array<i32>} : memref<40x16xf32, #tpu.memory_space<vmem>>, vector<1x16xf32>,
          %get3A_884 = vector.shape_cast %get3A_883 : vector<1x16xf32> to vector<16xf32>
          %mul3A_885 = arith.mulf %get3A_884, %select_n3A_653 : vector<16xf32>
          %get3A_886 = arith.index_cast %scan3A_199 : i32 to index
          %get3A_887 = arith.constant 192 : index
          %get3A_888 = tpu.vector_load %arg15[%get3A_886, %get3A_887] {strides = array<i32>} : memref<16x640xf32, #tpu.memory_space<vmem>>, vector<1x16xf32>,
          %get3A_889 = vector.shape_cast %get3A_888 : vector<1x16xf32> to vector<16xf32>
          %mul3A_890 = arith.mulf %select_n3A_656, %get3A_889 : vector<16xf32>
          %add3A_891 = arith.addf %mul3A_885, %mul3A_890 : vector<16xf32>
          %swap3A_892 = arith.constant 12 : i32
          %swap3A_893 = arith.index_cast %swap3A_892 : i32 to index
          %swap3A_894 = arith.constant 0 : index
          %swap3A_895 = tpu.vector_load %arg19[%swap3A_893, %swap3A_894] {strides = array<i32>} : memref<40x16xf32, #tpu.memory_space<vmem>>, vector<1x16xf32>,
          %swap3A_896 = vector.shape_cast %swap3A_895 : vector<1x16xf32> to vector<16xf32>
          %swap3A_897 = vector.shape_cast %add3A_891 : vector<16xf32> to vector<1x16xf32>
          tpu.vector_store %arg19[%swap3A_893, %swap3A_894], %swap3A_897 {strides = array<i32>} : memref<40x16xf32, #tpu.memory_space<vmem>>, vector<1x16xf32>,
          %get3A_898 = arith.constant 13 : i32
          %get3A_899 = arith.index_cast %get3A_898 : i32 to index
          %get3A_900 = arith.constant 0 : index
          %get3A_901 = tpu.vector_load %arg19[%get3A_899, %get3A_900] {strides = array<i32>} : memref<40x16xf32, #tpu.memory_space<vmem>>, vector<1x16xf32>,
          %get3A_902 = vector.shape_cast %get3A_901 : vector<1x16xf32> to vector<16xf32>
          %mul3A_903 = arith.mulf %get3A_902, %select_n3A_653 : vector<16xf32>
          %get3A_904 = arith.index_cast %scan3A_199 : i32 to index
          %get3A_905 = arith.constant 208 : index
          %get3A_906 = tpu.vector_load %arg15[%get3A_904, %get3A_905] {strides = array<i32>} : memref<16x640xf32, #tpu.memory_space<vmem>>, vector<1x16xf32>,
          %get3A_907 = vector.shape_cast %get3A_906 : vector<1x16xf32> to vector<16xf32>
          %mul3A_908 = arith.mulf %select_n3A_656, %get3A_907 : vector<16xf32>
          %add3A_909 = arith.addf %mul3A_903, %mul3A_908 : vector<16xf32>
          %swap3A_910 = arith.constant 13 : i32
          %swap3A_911 = arith.index_cast %swap3A_910 : i32 to index
          %swap3A_912 = arith.constant 0 : index
          %swap3A_913 = tpu.vector_load %arg19[%swap3A_911, %swap3A_912] {strides = array<i32>} : memref<40x16xf32, #tpu.memory_space<vmem>>, vector<1x16xf32>,
          %swap3A_914 = vector.shape_cast %swap3A_913 : vector<1x16xf32> to vector<16xf32>
          %swap3A_915 = vector.shape_cast %add3A_909 : vector<16xf32> to vector<1x16xf32>
          tpu.vector_store %arg19[%swap3A_911, %swap3A_912], %swap3A_915 {strides = array<i32>} : memref<40x16xf32, #tpu.memory_space<vmem>>, vector<1x16xf32>,
          %get3A_916 = arith.constant 14 : i32
          %get3A_917 = arith.index_cast %get3A_916 : i32 to index
          %get3A_918 = arith.constant 0 : index
          %get3A_919 = tpu.vector_load %arg19[%get3A_917, %get3A_918] {strides = array<i32>} : memref<40x16xf32, #tpu.memory_space<vmem>>, vector<1x16xf32>,
          %get3A_920 = vector.shape_cast %get3A_919 : vector<1x16xf32> to vector<16xf32>
          %mul3A_921 = arith.mulf %get3A_920, %select_n3A_653 : vector<16xf32>
          %get3A_922 = arith.index_cast %scan3A_199 : i32 to index
          %get3A_923 = arith.constant 224 : index
          %get3A_924 = tpu.vector_load %arg15[%get3A_922, %get3A_923] {strides = array<i32>} : memref<16x640xf32, #tpu.memory_space<vmem>>, vector<1x16xf32>,
          %get3A_925 = vector.shape_cast %get3A_924 : vector<1x16xf32> to vector<16xf32>
          %mul3A_926 = arith.mulf %select_n3A_656, %get3A_925 : vector<16xf32>
          %add3A_927 = arith.addf %mul3A_921, %mul3A_926 : vector<16xf32>
          %swap3A_928 = arith.constant 14 : i32
          %swap3A_929 = arith.index_cast %swap3A_928 : i32 to index
          %swap3A_930 = arith.constant 0 : index
          %swap3A_931 = tpu.vector_load %arg19[%swap3A_929, %swap3A_930] {strides = array<i32>} : memref<40x16xf32, #tpu.memory_space<vmem>>, vector<1x16xf32>,
          %swap3A_932 = vector.shape_cast %swap3A_931 : vector<1x16xf32> to vector<16xf32>
          %swap3A_933 = vector.shape_cast %add3A_927 : vector<16xf32> to vector<1x16xf32>
          tpu.vector_store %arg19[%swap3A_929, %swap3A_930], %swap3A_933 {strides = array<i32>} : memref<40x16xf32, #tpu.memory_space<vmem>>, vector<1x16xf32>,
          %get3A_934 = arith.constant 15 : i32
          %get3A_935 = arith.index_cast %get3A_934 : i32 to index
          %get3A_936 = arith.constant 0 : index
          %get3A_937 = tpu.vector_load %arg19[%get3A_935, %get3A_936] {strides = array<i32>} : memref<40x16xf32, #tpu.memory_space<vmem>>, vector<1x16xf32>,
          %get3A_938 = vector.shape_cast %get3A_937 : vector<1x16xf32> to vector<16xf32>
          %mul3A_939 = arith.mulf %get3A_938, %select_n3A_653 : vector<16xf32>
          %get3A_940 = arith.index_cast %scan3A_199 : i32 to index
          %get3A_941 = arith.constant 240 : index
          %get3A_942 = tpu.vector_load %arg15[%get3A_940, %get3A_941] {strides = array<i32>} : memref<16x640xf32, #tpu.memory_space<vmem>>, vector<1x16xf32>,
          %get3A_943 = vector.shape_cast %get3A_942 : vector<1x16xf32> to vector<16xf32>
          %mul3A_944 = arith.mulf %select_n3A_656, %get3A_943 : vector<16xf32>
          %add3A_945 = arith.addf %mul3A_939, %mul3A_944 : vector<16xf32>
          %swap3A_946 = arith.constant 15 : i32
          %swap3A_947 = arith.index_cast %swap3A_946 : i32 to index
          %swap3A_948 = arith.constant 0 : index
          %swap3A_949 = tpu.vector_load %arg19[%swap3A_947, %swap3A_948] {strides = array<i32>} : memref<40x16xf32, #tpu.memory_space<vmem>>, vector<1x16xf32>,
          %swap3A_950 = vector.shape_cast %swap3A_949 : vector<1x16xf32> to vector<16xf32>
          %swap3A_951 = vector.shape_cast %add3A_945 : vector<16xf32> to vector<1x16xf32>
          tpu.vector_store %arg19[%swap3A_947, %swap3A_948], %swap3A_951 {strides = array<i32>} : memref<40x16xf32, #tpu.memory_space<vmem>>, vector<1x16xf32>,
          %get3A_952 = arith.constant 16 : i32
          %get3A_953 = arith.index_cast %get3A_952 : i32 to index
          %get3A_954 = arith.constant 0 : index
          %get3A_955 = tpu.vector_load %arg19[%get3A_953, %get3A_954] {strides = array<i32>} : memref<40x16xf32, #tpu.memory_space<vmem>>, vector<1x16xf32>,
          %get3A_956 = vector.shape_cast %get3A_955 : vector<1x16xf32> to vector<16xf32>
          %mul3A_957 = arith.mulf %get3A_956, %select_n3A_653 : vector<16xf32>
          %get3A_958 = arith.index_cast %scan3A_199 : i32 to index
          %get3A_959 = arith.constant 256 : index
          %get3A_960 = tpu.vector_load %arg15[%get3A_958, %get3A_959] {strides = array<i32>} : memref<16x640xf32, #tpu.memory_space<vmem>>, vector<1x16xf32>,
          %get3A_961 = vector.shape_cast %get3A_960 : vector<1x16xf32> to vector<16xf32>
          %mul3A_962 = arith.mulf %select_n3A_656, %get3A_961 : vector<16xf32>
          %add3A_963 = arith.addf %mul3A_957, %mul3A_962 : vector<16xf32>
          %swap3A_964 = arith.constant 16 : i32
          %swap3A_965 = arith.index_cast %swap3A_964 : i32 to index
          %swap3A_966 = arith.constant 0 : index
          %swap3A_967 = tpu.vector_load %arg19[%swap3A_965, %swap3A_966] {strides = array<i32>} : memref<40x16xf32, #tpu.memory_space<vmem>>, vector<1x16xf32>,
          %swap3A_968 = vector.shape_cast %swap3A_967 : vector<1x16xf32> to vector<16xf32>
          %swap3A_969 = vector.shape_cast %add3A_963 : vector<16xf32> to vector<1x16xf32>
          tpu.vector_store %arg19[%swap3A_965, %swap3A_966], %swap3A_969 {strides = array<i32>} : memref<40x16xf32, #tpu.memory_space<vmem>>, vector<1x16xf32>,
          %get3A_970 = arith.constant 17 : i32
          %get3A_971 = arith.index_cast %get3A_970 : i32 to index
          %get3A_972 = arith.constant 0 : index
          %get3A_973 = tpu.vector_load %arg19[%get3A_971, %get3A_972] {strides = array<i32>} : memref<40x16xf32, #tpu.memory_space<vmem>>, vector<1x16xf32>,
          %get3A_974 = vector.shape_cast %get3A_973 : vector<1x16xf32> to vector<16xf32>
          %mul3A_975 = arith.mulf %get3A_974, %select_n3A_653 : vector<16xf32>
          %get3A_976 = arith.index_cast %scan3A_199 : i32 to index
          %get3A_977 = arith.constant 272 : index
          %get3A_978 = tpu.vector_load %arg15[%get3A_976, %get3A_977] {strides = array<i32>} : memref<16x640xf32, #tpu.memory_space<vmem>>, vector<1x16xf32>,
          %get3A_979 = vector.shape_cast %get3A_978 : vector<1x16xf32> to vector<16xf32>
          %mul3A_980 = arith.mulf %select_n3A_656, %get3A_979 : vector<16xf32>
          %add3A_981 = arith.addf %mul3A_975, %mul3A_980 : vector<16xf32>
          %swap3A_982 = arith.constant 17 : i32
          %swap3A_983 = arith.index_cast %swap3A_982 : i32 to index
          %swap3A_984 = arith.constant 0 : index
          %swap3A_985 = tpu.vector_load %arg19[%swap3A_983, %swap3A_984] {strides = array<i32>} : memref<40x16xf32, #tpu.memory_space<vmem>>, vector<1x16xf32>,
          %swap3A_986 = vector.shape_cast %swap3A_985 : vector<1x16xf32> to vector<16xf32>
          %swap3A_987 = vector.shape_cast %add3A_981 : vector<16xf32> to vector<1x16xf32>
          tpu.vector_store %arg19[%swap3A_983, %swap3A_984], %swap3A_987 {strides = array<i32>} : memref<40x16xf32, #tpu.memory_space<vmem>>, vector<1x16xf32>,
          %get3A_988 = arith.constant 18 : i32
          %get3A_989 = arith.index_cast %get3A_988 : i32 to index
          %get3A_990 = arith.constant 0 : index
          %get3A_991 = tpu.vector_load %arg19[%get3A_989, %get3A_990] {strides = array<i32>} : memref<40x16xf32, #tpu.memory_space<vmem>>, vector<1x16xf32>,
          %get3A_992 = vector.shape_cast %get3A_991 : vector<1x16xf32> to vector<16xf32>
          %mul3A_993 = arith.mulf %get3A_992, %select_n3A_653 : vector<16xf32>
          %get3A_994 = arith.index_cast %scan3A_199 : i32 to index
          %get3A_995 = arith.constant 288 : index
          %get3A_996 = tpu.vector_load %arg15[%get3A_994, %get3A_995] {strides = array<i32>} : memref<16x640xf32, #tpu.memory_space<vmem>>, vector<1x16xf32>,
          %get3A_997 = vector.shape_cast %get3A_996 : vector<1x16xf32> to vector<16xf32>
          %mul3A_998 = arith.mulf %select_n3A_656, %get3A_997 : vector<16xf32>
          %add3A_999 = arith.addf %mul3A_993, %mul3A_998 : vector<16xf32>
          %swap3A_1000 = arith.constant 18 : i32
          %swap3A_1001 = arith.index_cast %swap3A_1000 : i32 to index
          %swap3A_1002 = arith.constant 0 : index
          %swap3A_1003 = tpu.vector_load %arg19[%swap3A_1001, %swap3A_1002] {strides = array<i32>} : memref<40x16xf32, #tpu.memory_space<vmem>>, vector<1x16xf32>,
          %swap3A_1004 = vector.shape_cast %swap3A_1003 : vector<1x16xf32> to vector<16xf32>
          %swap3A_1005 = vector.shape_cast %add3A_999 : vector<16xf32> to vector<1x16xf32>
          tpu.vector_store %arg19[%swap3A_1001, %swap3A_1002], %swap3A_1005 {strides = array<i32>} : memref<40x16xf32, #tpu.memory_space<vmem>>, vector<1x16xf32>,
          %get3A_1006 = arith.constant 19 : i32
          %get3A_1007 = arith.index_cast %get3A_1006 : i32 to index
          %get3A_1008 = arith.constant 0 : index
          %get3A_1009 = tpu.vector_load %arg19[%get3A_1007, %get3A_1008] {strides = array<i32>} : memref<40x16xf32, #tpu.memory_space<vmem>>, vector<1x16xf32>,
          %get3A_1010 = vector.shape_cast %get3A_1009 : vector<1x16xf32> to vector<16xf32>
          %mul3A_1011 = arith.mulf %get3A_1010, %select_n3A_653 : vector<16xf32>
          %get3A_1012 = arith.index_cast %scan3A_199 : i32 to index
          %get3A_1013 = arith.constant 304 : index
          %get3A_1014 = tpu.vector_load %arg15[%get3A_1012, %get3A_1013] {strides = array<i32>} : memref<16x640xf32, #tpu.memory_space<vmem>>, vector<1x16xf32>,
          %get3A_1015 = vector.shape_cast %get3A_1014 : vector<1x16xf32> to vector<16xf32>
          %mul3A_1016 = arith.mulf %select_n3A_656, %get3A_1015 : vector<16xf32>
          %add3A_1017 = arith.addf %mul3A_1011, %mul3A_1016 : vector<16xf32>
          %swap3A_1018 = arith.constant 19 : i32
          %swap3A_1019 = arith.index_cast %swap3A_1018 : i32 to index
          %swap3A_1020 = arith.constant 0 : index
          %swap3A_1021 = tpu.vector_load %arg19[%swap3A_1019, %swap3A_1020] {strides = array<i32>} : memref<40x16xf32, #tpu.memory_space<vmem>>, vector<1x16xf32>,
          %swap3A_1022 = vector.shape_cast %swap3A_1021 : vector<1x16xf32> to vector<16xf32>
          %swap3A_1023 = vector.shape_cast %add3A_1017 : vector<16xf32> to vector<1x16xf32>
          tpu.vector_store %arg19[%swap3A_1019, %swap3A_1020], %swap3A_1023 {strides = array<i32>} : memref<40x16xf32, #tpu.memory_space<vmem>>, vector<1x16xf32>,
          %get3A_1024 = arith.constant 20 : i32
          %get3A_1025 = arith.index_cast %get3A_1024 : i32 to index
          %get3A_1026 = arith.constant 0 : index
          %get3A_1027 = tpu.vector_load %arg19[%get3A_1025, %get3A_1026] {strides = array<i32>} : memref<40x16xf32, #tpu.memory_space<vmem>>, vector<1x16xf32>,
          %get3A_1028 = vector.shape_cast %get3A_1027 : vector<1x16xf32> to vector<16xf32>
          %mul3A_1029 = arith.mulf %get3A_1028, %select_n3A_653 : vector<16xf32>
          %get3A_1030 = arith.index_cast %scan3A_199 : i32 to index
          %get3A_1031 = arith.constant 320 : index
          %get3A_1032 = tpu.vector_load %arg15[%get3A_1030, %get3A_1031] {strides = array<i32>} : memref<16x640xf32, #tpu.memory_space<vmem>>, vector<1x16xf32>,
          %get3A_1033 = vector.shape_cast %get3A_1032 : vector<1x16xf32> to vector<16xf32>
          %mul3A_1034 = arith.mulf %select_n3A_656, %get3A_1033 : vector<16xf32>
          %add3A_1035 = arith.addf %mul3A_1029, %mul3A_1034 : vector<16xf32>
          %swap3A_1036 = arith.constant 20 : i32
          %swap3A_1037 = arith.index_cast %swap3A_1036 : i32 to index
          %swap3A_1038 = arith.constant 0 : index
          %swap3A_1039 = tpu.vector_load %arg19[%swap3A_1037, %swap3A_1038] {strides = array<i32>} : memref<40x16xf32, #tpu.memory_space<vmem>>, vector<1x16xf32>,
          %swap3A_1040 = vector.shape_cast %swap3A_1039 : vector<1x16xf32> to vector<16xf32>
          %swap3A_1041 = vector.shape_cast %add3A_1035 : vector<16xf32> to vector<1x16xf32>
          tpu.vector_store %arg19[%swap3A_1037, %swap3A_1038], %swap3A_1041 {strides = array<i32>} : memref<40x16xf32, #tpu.memory_space<vmem>>, vector<1x16xf32>,
          %get3A_1042 = arith.constant 21 : i32
          %get3A_1043 = arith.index_cast %get3A_1042 : i32 to index
          %get3A_1044 = arith.constant 0 : index
          %get3A_1045 = tpu.vector_load %arg19[%get3A_1043, %get3A_1044] {strides = array<i32>} : memref<40x16xf32, #tpu.memory_space<vmem>>, vector<1x16xf32>,
          %get3A_1046 = vector.shape_cast %get3A_1045 : vector<1x16xf32> to vector<16xf32>
          %mul3A_1047 = arith.mulf %get3A_1046, %select_n3A_653 : vector<16xf32>
          %get3A_1048 = arith.index_cast %scan3A_199 : i32 to index
          %get3A_1049 = arith.constant 336 : index
          %get3A_1050 = tpu.vector_load %arg15[%get3A_1048, %get3A_1049] {strides = array<i32>} : memref<16x640xf32, #tpu.memory_space<vmem>>, vector<1x16xf32>,
          %get3A_1051 = vector.shape_cast %get3A_1050 : vector<1x16xf32> to vector<16xf32>
          %mul3A_1052 = arith.mulf %select_n3A_656, %get3A_1051 : vector<16xf32>
          %add3A_1053 = arith.addf %mul3A_1047, %mul3A_1052 : vector<16xf32>
          %swap3A_1054 = arith.constant 21 : i32
          %swap3A_1055 = arith.index_cast %swap3A_1054 : i32 to index
          %swap3A_1056 = arith.constant 0 : index
          %swap3A_1057 = tpu.vector_load %arg19[%swap3A_1055, %swap3A_1056] {strides = array<i32>} : memref<40x16xf32, #tpu.memory_space<vmem>>, vector<1x16xf32>,
          %swap3A_1058 = vector.shape_cast %swap3A_1057 : vector<1x16xf32> to vector<16xf32>
          %swap3A_1059 = vector.shape_cast %add3A_1053 : vector<16xf32> to vector<1x16xf32>
          tpu.vector_store %arg19[%swap3A_1055, %swap3A_1056], %swap3A_1059 {strides = array<i32>} : memref<40x16xf32, #tpu.memory_space<vmem>>, vector<1x16xf32>,
          %get3A_1060 = arith.constant 22 : i32
          %get3A_1061 = arith.index_cast %get3A_1060 : i32 to index
          %get3A_1062 = arith.constant 0 : index
          %get3A_1063 = tpu.vector_load %arg19[%get3A_1061, %get3A_1062] {strides = array<i32>} : memref<40x16xf32, #tpu.memory_space<vmem>>, vector<1x16xf32>,
          %get3A_1064 = vector.shape_cast %get3A_1063 : vector<1x16xf32> to vector<16xf32>
          %mul3A_1065 = arith.mulf %get3A_1064, %select_n3A_653 : vector<16xf32>
          %get3A_1066 = arith.index_cast %scan3A_199 : i32 to index
          %get3A_1067 = arith.constant 352 : index
          %get3A_1068 = tpu.vector_load %arg15[%get3A_1066, %get3A_1067] {strides = array<i32>} : memref<16x640xf32, #tpu.memory_space<vmem>>, vector<1x16xf32>,
          %get3A_1069 = vector.shape_cast %get3A_1068 : vector<1x16xf32> to vector<16xf32>
          %mul3A_1070 = arith.mulf %select_n3A_656, %get3A_1069 : vector<16xf32>
          %add3A_1071 = arith.addf %mul3A_1065, %mul3A_1070 : vector<16xf32>
          %swap3A_1072 = arith.constant 22 : i32
          %swap3A_1073 = arith.index_cast %swap3A_1072 : i32 to index
          %swap3A_1074 = arith.constant 0 : index
          %swap3A_1075 = tpu.vector_load %arg19[%swap3A_1073, %swap3A_1074] {strides = array<i32>} : memref<40x16xf32, #tpu.memory_space<vmem>>, vector<1x16xf32>,
          %swap3A_1076 = vector.shape_cast %swap3A_1075 : vector<1x16xf32> to vector<16xf32>
          %swap3A_1077 = vector.shape_cast %add3A_1071 : vector<16xf32> to vector<1x16xf32>
          tpu.vector_store %arg19[%swap3A_1073, %swap3A_1074], %swap3A_1077 {strides = array<i32>} : memref<40x16xf32, #tpu.memory_space<vmem>>, vector<1x16xf32>,
          %get3A_1078 = arith.constant 23 : i32
          %get3A_1079 = arith.index_cast %get3A_1078 : i32 to index
          %get3A_1080 = arith.constant 0 : index
          %get3A_1081 = tpu.vector_load %arg19[%get3A_1079, %get3A_1080] {strides = array<i32>} : memref<40x16xf32, #tpu.memory_space<vmem>>, vector<1x16xf32>,
          %get3A_1082 = vector.shape_cast %get3A_1081 : vector<1x16xf32> to vector<16xf32>
          %mul3A_1083 = arith.mulf %get3A_1082, %select_n3A_653 : vector<16xf32>
          %get3A_1084 = arith.index_cast %scan3A_199 : i32 to index
          %get3A_1085 = arith.constant 368 : index
          %get3A_1086 = tpu.vector_load %arg15[%get3A_1084, %get3A_1085] {strides = array<i32>} : memref<16x640xf32, #tpu.memory_space<vmem>>, vector<1x16xf32>,
          %get3A_1087 = vector.shape_cast %get3A_1086 : vector<1x16xf32> to vector<16xf32>
          %mul3A_1088 = arith.mulf %select_n3A_656, %get3A_1087 : vector<16xf32>
          %add3A_1089 = arith.addf %mul3A_1083, %mul3A_1088 : vector<16xf32>
          %swap3A_1090 = arith.constant 23 : i32
          %swap3A_1091 = arith.index_cast %swap3A_1090 : i32 to index
          %swap3A_1092 = arith.constant 0 : index
          %swap3A_1093 = tpu.vector_load %arg19[%swap3A_1091, %swap3A_1092] {strides = array<i32>} : memref<40x16xf32, #tpu.memory_space<vmem>>, vector<1x16xf32>,
          %swap3A_1094 = vector.shape_cast %swap3A_1093 : vector<1x16xf32> to vector<16xf32>
          %swap3A_1095 = vector.shape_cast %add3A_1089 : vector<16xf32> to vector<1x16xf32>
          tpu.vector_store %arg19[%swap3A_1091, %swap3A_1092], %swap3A_1095 {strides = array<i32>} : memref<40x16xf32, #tpu.memory_space<vmem>>, vector<1x16xf32>,
          %get3A_1096 = arith.constant 24 : i32
          %get3A_1097 = arith.index_cast %get3A_1096 : i32 to index
          %get3A_1098 = arith.constant 0 : index
          %get3A_1099 = tpu.vector_load %arg19[%get3A_1097, %get3A_1098] {strides = array<i32>} : memref<40x16xf32, #tpu.memory_space<vmem>>, vector<1x16xf32>,
          %get3A_1100 = vector.shape_cast %get3A_1099 : vector<1x16xf32> to vector<16xf32>
          %mul3A_1101 = arith.mulf %get3A_1100, %select_n3A_653 : vector<16xf32>
          %get3A_1102 = arith.index_cast %scan3A_199 : i32 to index
          %get3A_1103 = arith.constant 384 : index
          %get3A_1104 = tpu.vector_load %arg15[%get3A_1102, %get3A_1103] {strides = array<i32>} : memref<16x640xf32, #tpu.memory_space<vmem>>, vector<1x16xf32>,
          %get3A_1105 = vector.shape_cast %get3A_1104 : vector<1x16xf32> to vector<16xf32>
          %mul3A_1106 = arith.mulf %select_n3A_656, %get3A_1105 : vector<16xf32>
          %add3A_1107 = arith.addf %mul3A_1101, %mul3A_1106 : vector<16xf32>
          %swap3A_1108 = arith.constant 24 : i32
          %swap3A_1109 = arith.index_cast %swap3A_1108 : i32 to index
          %swap3A_1110 = arith.constant 0 : index
          %swap3A_1111 = tpu.vector_load %arg19[%swap3A_1109, %swap3A_1110] {strides = array<i32>} : memref<40x16xf32, #tpu.memory_space<vmem>>, vector<1x16xf32>,
          %swap3A_1112 = vector.shape_cast %swap3A_1111 : vector<1x16xf32> to vector<16xf32>
          %swap3A_1113 = vector.shape_cast %add3A_1107 : vector<16xf32> to vector<1x16xf32>
          tpu.vector_store %arg19[%swap3A_1109, %swap3A_1110], %swap3A_1113 {strides = array<i32>} : memref<40x16xf32, #tpu.memory_space<vmem>>, vector<1x16xf32>,
          %get3A_1114 = arith.constant 25 : i32
          %get3A_1115 = arith.index_cast %get3A_1114 : i32 to index
          %get3A_1116 = arith.constant 0 : index
          %get3A_1117 = tpu.vector_load %arg19[%get3A_1115, %get3A_1116] {strides = array<i32>} : memref<40x16xf32, #tpu.memory_space<vmem>>, vector<1x16xf32>,
          %get3A_1118 = vector.shape_cast %get3A_1117 : vector<1x16xf32> to vector<16xf32>
          %mul3A_1119 = arith.mulf %get3A_1118, %select_n3A_653 : vector<16xf32>
          %get3A_1120 = arith.index_cast %scan3A_199 : i32 to index
          %get3A_1121 = arith.constant 400 : index
          %get3A_1122 = tpu.vector_load %arg15[%get3A_1120, %get3A_1121] {strides = array<i32>} : memref<16x640xf32, #tpu.memory_space<vmem>>, vector<1x16xf32>,
          %get3A_1123 = vector.shape_cast %get3A_1122 : vector<1x16xf32> to vector<16xf32>
          %mul3A_1124 = arith.mulf %select_n3A_656, %get3A_1123 : vector<16xf32>
          %add3A_1125 = arith.addf %mul3A_1119, %mul3A_1124 : vector<16xf32>
          %swap3A_1126 = arith.constant 25 : i32
          %swap3A_1127 = arith.index_cast %swap3A_1126 : i32 to index
          %swap3A_1128 = arith.constant 0 : index
          %swap3A_1129 = tpu.vector_load %arg19[%swap3A_1127, %swap3A_1128] {strides = array<i32>} : memref<40x16xf32, #tpu.memory_space<vmem>>, vector<1x16xf32>,
          %swap3A_1130 = vector.shape_cast %swap3A_1129 : vector<1x16xf32> to vector<16xf32>
          %swap3A_1131 = vector.shape_cast %add3A_1125 : vector<16xf32> to vector<1x16xf32>
          tpu.vector_store %arg19[%swap3A_1127, %swap3A_1128], %swap3A_1131 {strides = array<i32>} : memref<40x16xf32, #tpu.memory_space<vmem>>, vector<1x16xf32>,
          %get3A_1132 = arith.constant 26 : i32
          %get3A_1133 = arith.index_cast %get3A_1132 : i32 to index
          %get3A_1134 = arith.constant 0 : index
          %get3A_1135 = tpu.vector_load %arg19[%get3A_1133, %get3A_1134] {strides = array<i32>} : memref<40x16xf32, #tpu.memory_space<vmem>>, vector<1x16xf32>,
          %get3A_1136 = vector.shape_cast %get3A_1135 : vector<1x16xf32> to vector<16xf32>
          %mul3A_1137 = arith.mulf %get3A_1136, %select_n3A_653 : vector<16xf32>
          %get3A_1138 = arith.index_cast %scan3A_199 : i32 to index
          %get3A_1139 = arith.constant 416 : index
          %get3A_1140 = tpu.vector_load %arg15[%get3A_1138, %get3A_1139] {strides = array<i32>} : memref<16x640xf32, #tpu.memory_space<vmem>>, vector<1x16xf32>,
          %get3A_1141 = vector.shape_cast %get3A_1140 : vector<1x16xf32> to vector<16xf32>
          %mul3A_1142 = arith.mulf %select_n3A_656, %get3A_1141 : vector<16xf32>
          %add3A_1143 = arith.addf %mul3A_1137, %mul3A_1142 : vector<16xf32>
          %swap3A_1144 = arith.constant 26 : i32
          %swap3A_1145 = arith.index_cast %swap3A_1144 : i32 to index
          %swap3A_1146 = arith.constant 0 : index
          %swap3A_1147 = tpu.vector_load %arg19[%swap3A_1145, %swap3A_1146] {strides = array<i32>} : memref<40x16xf32, #tpu.memory_space<vmem>>, vector<1x16xf32>,
          %swap3A_1148 = vector.shape_cast %swap3A_1147 : vector<1x16xf32> to vector<16xf32>
          %swap3A_1149 = vector.shape_cast %add3A_1143 : vector<16xf32> to vector<1x16xf32>
          tpu.vector_store %arg19[%swap3A_1145, %swap3A_1146], %swap3A_1149 {strides = array<i32>} : memref<40x16xf32, #tpu.memory_space<vmem>>, vector<1x16xf32>,
          %get3A_1150 = arith.constant 27 : i32
          %get3A_1151 = arith.index_cast %get3A_1150 : i32 to index
          %get3A_1152 = arith.constant 0 : index
          %get3A_1153 = tpu.vector_load %arg19[%get3A_1151, %get3A_1152] {strides = array<i32>} : memref<40x16xf32, #tpu.memory_space<vmem>>, vector<1x16xf32>,
          %get3A_1154 = vector.shape_cast %get3A_1153 : vector<1x16xf32> to vector<16xf32>
          %mul3A_1155 = arith.mulf %get3A_1154, %select_n3A_653 : vector<16xf32>
          %get3A_1156 = arith.index_cast %scan3A_199 : i32 to index
          %get3A_1157 = arith.constant 432 : index
          %get3A_1158 = tpu.vector_load %arg15[%get3A_1156, %get3A_1157] {strides = array<i32>} : memref<16x640xf32, #tpu.memory_space<vmem>>, vector<1x16xf32>,
          %get3A_1159 = vector.shape_cast %get3A_1158 : vector<1x16xf32> to vector<16xf32>
          %mul3A_1160 = arith.mulf %select_n3A_656, %get3A_1159 : vector<16xf32>
          %add3A_1161 = arith.addf %mul3A_1155, %mul3A_1160 : vector<16xf32>
          %swap3A_1162 = arith.constant 27 : i32
          %swap3A_1163 = arith.index_cast %swap3A_1162 : i32 to index
          %swap3A_1164 = arith.constant 0 : index
          %swap3A_1165 = tpu.vector_load %arg19[%swap3A_1163, %swap3A_1164] {strides = array<i32>} : memref<40x16xf32, #tpu.memory_space<vmem>>, vector<1x16xf32>,
          %swap3A_1166 = vector.shape_cast %swap3A_1165 : vector<1x16xf32> to vector<16xf32>
          %swap3A_1167 = vector.shape_cast %add3A_1161 : vector<16xf32> to vector<1x16xf32>
          tpu.vector_store %arg19[%swap3A_1163, %swap3A_1164], %swap3A_1167 {strides = array<i32>} : memref<40x16xf32, #tpu.memory_space<vmem>>, vector<1x16xf32>,
          %get3A_1168 = arith.constant 28 : i32
          %get3A_1169 = arith.index_cast %get3A_1168 : i32 to index
          %get3A_1170 = arith.constant 0 : index
          %get3A_1171 = tpu.vector_load %arg19[%get3A_1169, %get3A_1170] {strides = array<i32>} : memref<40x16xf32, #tpu.memory_space<vmem>>, vector<1x16xf32>,
          %get3A_1172 = vector.shape_cast %get3A_1171 : vector<1x16xf32> to vector<16xf32>
          %mul3A_1173 = arith.mulf %get3A_1172, %select_n3A_653 : vector<16xf32>
          %get3A_1174 = arith.index_cast %scan3A_199 : i32 to index
          %get3A_1175 = arith.constant 448 : index
          %get3A_1176 = tpu.vector_load %arg15[%get3A_1174, %get3A_1175] {strides = array<i32>} : memref<16x640xf32, #tpu.memory_space<vmem>>, vector<1x16xf32>,
          %get3A_1177 = vector.shape_cast %get3A_1176 : vector<1x16xf32> to vector<16xf32>
          %mul3A_1178 = arith.mulf %select_n3A_656, %get3A_1177 : vector<16xf32>
          %add3A_1179 = arith.addf %mul3A_1173, %mul3A_1178 : vector<16xf32>
          %swap3A_1180 = arith.constant 28 : i32
          %swap3A_1181 = arith.index_cast %swap3A_1180 : i32 to index
          %swap3A_1182 = arith.constant 0 : index
          %swap3A_1183 = tpu.vector_load %arg19[%swap3A_1181, %swap3A_1182] {strides = array<i32>} : memref<40x16xf32, #tpu.memory_space<vmem>>, vector<1x16xf32>,
          %swap3A_1184 = vector.shape_cast %swap3A_1183 : vector<1x16xf32> to vector<16xf32>
          %swap3A_1185 = vector.shape_cast %add3A_1179 : vector<16xf32> to vector<1x16xf32>
          tpu.vector_store %arg19[%swap3A_1181, %swap3A_1182], %swap3A_1185 {strides = array<i32>} : memref<40x16xf32, #tpu.memory_space<vmem>>, vector<1x16xf32>,
          %get3A_1186 = arith.constant 29 : i32
          %get3A_1187 = arith.index_cast %get3A_1186 : i32 to index
          %get3A_1188 = arith.constant 0 : index
          %get3A_1189 = tpu.vector_load %arg19[%get3A_1187, %get3A_1188] {strides = array<i32>} : memref<40x16xf32, #tpu.memory_space<vmem>>, vector<1x16xf32>,
          %get3A_1190 = vector.shape_cast %get3A_1189 : vector<1x16xf32> to vector<16xf32>
          %mul3A_1191 = arith.mulf %get3A_1190, %select_n3A_653 : vector<16xf32>
          %get3A_1192 = arith.index_cast %scan3A_199 : i32 to index
          %get3A_1193 = arith.constant 464 : index
          %get3A_1194 = tpu.vector_load %arg15[%get3A_1192, %get3A_1193] {strides = array<i32>} : memref<16x640xf32, #tpu.memory_space<vmem>>, vector<1x16xf32>,
          %get3A_1195 = vector.shape_cast %get3A_1194 : vector<1x16xf32> to vector<16xf32>
          %mul3A_1196 = arith.mulf %select_n3A_656, %get3A_1195 : vector<16xf32>
          %add3A_1197 = arith.addf %mul3A_1191, %mul3A_1196 : vector<16xf32>
          %swap3A_1198 = arith.constant 29 : i32
          %swap3A_1199 = arith.index_cast %swap3A_1198 : i32 to index
          %swap3A_1200 = arith.constant 0 : index
          %swap3A_1201 = tpu.vector_load %arg19[%swap3A_1199, %swap3A_1200] {strides = array<i32>} : memref<40x16xf32, #tpu.memory_space<vmem>>, vector<1x16xf32>,
          %swap3A_1202 = vector.shape_cast %swap3A_1201 : vector<1x16xf32> to vector<16xf32>
          %swap3A_1203 = vector.shape_cast %add3A_1197 : vector<16xf32> to vector<1x16xf32>
          tpu.vector_store %arg19[%swap3A_1199, %swap3A_1200], %swap3A_1203 {strides = array<i32>} : memref<40x16xf32, #tpu.memory_space<vmem>>, vector<1x16xf32>,
          %get3A_1204 = arith.constant 30 : i32
          %get3A_1205 = arith.index_cast %get3A_1204 : i32 to index
          %get3A_1206 = arith.constant 0 : index
          %get3A_1207 = tpu.vector_load %arg19[%get3A_1205, %get3A_1206] {strides = array<i32>} : memref<40x16xf32, #tpu.memory_space<vmem>>, vector<1x16xf32>,
          %get3A_1208 = vector.shape_cast %get3A_1207 : vector<1x16xf32> to vector<16xf32>
          %mul3A_1209 = arith.mulf %get3A_1208, %select_n3A_653 : vector<16xf32>
          %get3A_1210 = arith.index_cast %scan3A_199 : i32 to index
          %get3A_1211 = arith.constant 480 : index
          %get3A_1212 = tpu.vector_load %arg15[%get3A_1210, %get3A_1211] {strides = array<i32>} : memref<16x640xf32, #tpu.memory_space<vmem>>, vector<1x16xf32>,
          %get3A_1213 = vector.shape_cast %get3A_1212 : vector<1x16xf32> to vector<16xf32>
          %mul3A_1214 = arith.mulf %select_n3A_656, %get3A_1213 : vector<16xf32>
          %add3A_1215 = arith.addf %mul3A_1209, %mul3A_1214 : vector<16xf32>
          %swap3A_1216 = arith.constant 30 : i32
          %swap3A_1217 = arith.index_cast %swap3A_1216 : i32 to index
          %swap3A_1218 = arith.constant 0 : index
          %swap3A_1219 = tpu.vector_load %arg19[%swap3A_1217, %swap3A_1218] {strides = array<i32>} : memref<40x16xf32, #tpu.memory_space<vmem>>, vector<1x16xf32>,
          %swap3A_1220 = vector.shape_cast %swap3A_1219 : vector<1x16xf32> to vector<16xf32>
          %swap3A_1221 = vector.shape_cast %add3A_1215 : vector<16xf32> to vector<1x16xf32>
          tpu.vector_store %arg19[%swap3A_1217, %swap3A_1218], %swap3A_1221 {strides = array<i32>} : memref<40x16xf32, #tpu.memory_space<vmem>>, vector<1x16xf32>,
          %get3A_1222 = arith.constant 31 : i32
          %get3A_1223 = arith.index_cast %get3A_1222 : i32 to index
          %get3A_1224 = arith.constant 0 : index
          %get3A_1225 = tpu.vector_load %arg19[%get3A_1223, %get3A_1224] {strides = array<i32>} : memref<40x16xf32, #tpu.memory_space<vmem>>, vector<1x16xf32>,
          %get3A_1226 = vector.shape_cast %get3A_1225 : vector<1x16xf32> to vector<16xf32>
          %mul3A_1227 = arith.mulf %get3A_1226, %select_n3A_653 : vector<16xf32>
          %get3A_1228 = arith.index_cast %scan3A_199 : i32 to index
          %get3A_1229 = arith.constant 496 : index
          %get3A_1230 = tpu.vector_load %arg15[%get3A_1228, %get3A_1229] {strides = array<i32>} : memref<16x640xf32, #tpu.memory_space<vmem>>, vector<1x16xf32>,
          %get3A_1231 = vector.shape_cast %get3A_1230 : vector<1x16xf32> to vector<16xf32>
          %mul3A_1232 = arith.mulf %select_n3A_656, %get3A_1231 : vector<16xf32>
          %add3A_1233 = arith.addf %mul3A_1227, %mul3A_1232 : vector<16xf32>
          %swap3A_1234 = arith.constant 31 : i32
          %swap3A_1235 = arith.index_cast %swap3A_1234 : i32 to index
          %swap3A_1236 = arith.constant 0 : index
          %swap3A_1237 = tpu.vector_load %arg19[%swap3A_1235, %swap3A_1236] {strides = array<i32>} : memref<40x16xf32, #tpu.memory_space<vmem>>, vector<1x16xf32>,
          %swap3A_1238 = vector.shape_cast %swap3A_1237 : vector<1x16xf32> to vector<16xf32>
          %swap3A_1239 = vector.shape_cast %add3A_1233 : vector<16xf32> to vector<1x16xf32>
          tpu.vector_store %arg19[%swap3A_1235, %swap3A_1236], %swap3A_1239 {strides = array<i32>} : memref<40x16xf32, #tpu.memory_space<vmem>>, vector<1x16xf32>,
          %get3A_1240 = arith.constant 32 : i32
          %get3A_1241 = arith.index_cast %get3A_1240 : i32 to index
          %get3A_1242 = arith.constant 0 : index
          %get3A_1243 = tpu.vector_load %arg19[%get3A_1241, %get3A_1242] {strides = array<i32>} : memref<40x16xf32, #tpu.memory_space<vmem>>, vector<1x16xf32>,
          %get3A_1244 = vector.shape_cast %get3A_1243 : vector<1x16xf32> to vector<16xf32>
          %mul3A_1245 = arith.mulf %get3A_1244, %select_n3A_653 : vector<16xf32>
          %get3A_1246 = arith.index_cast %scan3A_199 : i32 to index
          %get3A_1247 = arith.constant 512 : index
          %get3A_1248 = tpu.vector_load %arg15[%get3A_1246, %get3A_1247] {strides = array<i32>} : memref<16x640xf32, #tpu.memory_space<vmem>>, vector<1x16xf32>,
          %get3A_1249 = vector.shape_cast %get3A_1248 : vector<1x16xf32> to vector<16xf32>
          %mul3A_1250 = arith.mulf %select_n3A_656, %get3A_1249 : vector<16xf32>
          %add3A_1251 = arith.addf %mul3A_1245, %mul3A_1250 : vector<16xf32>
          %swap3A_1252 = arith.constant 32 : i32
          %swap3A_1253 = arith.index_cast %swap3A_1252 : i32 to index
          %swap3A_1254 = arith.constant 0 : index
          %swap3A_1255 = tpu.vector_load %arg19[%swap3A_1253, %swap3A_1254] {strides = array<i32>} : memref<40x16xf32, #tpu.memory_space<vmem>>, vector<1x16xf32>,
          %swap3A_1256 = vector.shape_cast %swap3A_1255 : vector<1x16xf32> to vector<16xf32>
          %swap3A_1257 = vector.shape_cast %add3A_1251 : vector<16xf32> to vector<1x16xf32>
          tpu.vector_store %arg19[%swap3A_1253, %swap3A_1254], %swap3A_1257 {strides = array<i32>} : memref<40x16xf32, #tpu.memory_space<vmem>>, vector<1x16xf32>,
          %get3A_1258 = arith.constant 33 : i32
          %get3A_1259 = arith.index_cast %get3A_1258 : i32 to index
          %get3A_1260 = arith.constant 0 : index
          %get3A_1261 = tpu.vector_load %arg19[%get3A_1259, %get3A_1260] {strides = array<i32>} : memref<40x16xf32, #tpu.memory_space<vmem>>, vector<1x16xf32>,
          %get3A_1262 = vector.shape_cast %get3A_1261 : vector<1x16xf32> to vector<16xf32>
          %mul3A_1263 = arith.mulf %get3A_1262, %select_n3A_653 : vector<16xf32>
          %get3A_1264 = arith.index_cast %scan3A_199 : i32 to index
          %get3A_1265 = arith.constant 528 : index
          %get3A_1266 = tpu.vector_load %arg15[%get3A_1264, %get3A_1265] {strides = array<i32>} : memref<16x640xf32, #tpu.memory_space<vmem>>, vector<1x16xf32>,
          %get3A_1267 = vector.shape_cast %get3A_1266 : vector<1x16xf32> to vector<16xf32>
          %mul3A_1268 = arith.mulf %select_n3A_656, %get3A_1267 : vector<16xf32>
          %add3A_1269 = arith.addf %mul3A_1263, %mul3A_1268 : vector<16xf32>
          %swap3A_1270 = arith.constant 33 : i32
          %swap3A_1271 = arith.index_cast %swap3A_1270 : i32 to index
          %swap3A_1272 = arith.constant 0 : index
          %swap3A_1273 = tpu.vector_load %arg19[%swap3A_1271, %swap3A_1272] {strides = array<i32>} : memref<40x16xf32, #tpu.memory_space<vmem>>, vector<1x16xf32>,
          %swap3A_1274 = vector.shape_cast %swap3A_1273 : vector<1x16xf32> to vector<16xf32>
          %swap3A_1275 = vector.shape_cast %add3A_1269 : vector<16xf32> to vector<1x16xf32>
          tpu.vector_store %arg19[%swap3A_1271, %swap3A_1272], %swap3A_1275 {strides = array<i32>} : memref<40x16xf32, #tpu.memory_space<vmem>>, vector<1x16xf32>,
          %get3A_1276 = arith.constant 34 : i32
          %get3A_1277 = arith.index_cast %get3A_1276 : i32 to index
          %get3A_1278 = arith.constant 0 : index
          %get3A_1279 = tpu.vector_load %arg19[%get3A_1277, %get3A_1278] {strides = array<i32>} : memref<40x16xf32, #tpu.memory_space<vmem>>, vector<1x16xf32>,
          %get3A_1280 = vector.shape_cast %get3A_1279 : vector<1x16xf32> to vector<16xf32>
          %mul3A_1281 = arith.mulf %get3A_1280, %select_n3A_653 : vector<16xf32>
          %get3A_1282 = arith.index_cast %scan3A_199 : i32 to index
          %get3A_1283 = arith.constant 544 : index
          %get3A_1284 = tpu.vector_load %arg15[%get3A_1282, %get3A_1283] {strides = array<i32>} : memref<16x640xf32, #tpu.memory_space<vmem>>, vector<1x16xf32>,
          %get3A_1285 = vector.shape_cast %get3A_1284 : vector<1x16xf32> to vector<16xf32>
          %mul3A_1286 = arith.mulf %select_n3A_656, %get3A_1285 : vector<16xf32>
          %add3A_1287 = arith.addf %mul3A_1281, %mul3A_1286 : vector<16xf32>
          %swap3A_1288 = arith.constant 34 : i32
          %swap3A_1289 = arith.index_cast %swap3A_1288 : i32 to index
          %swap3A_1290 = arith.constant 0 : index
          %swap3A_1291 = tpu.vector_load %arg19[%swap3A_1289, %swap3A_1290] {strides = array<i32>} : memref<40x16xf32, #tpu.memory_space<vmem>>, vector<1x16xf32>,
          %swap3A_1292 = vector.shape_cast %swap3A_1291 : vector<1x16xf32> to vector<16xf32>
          %swap3A_1293 = vector.shape_cast %add3A_1287 : vector<16xf32> to vector<1x16xf32>
          tpu.vector_store %arg19[%swap3A_1289, %swap3A_1290], %swap3A_1293 {strides = array<i32>} : memref<40x16xf32, #tpu.memory_space<vmem>>, vector<1x16xf32>,
          %get3A_1294 = arith.constant 35 : i32
          %get3A_1295 = arith.index_cast %get3A_1294 : i32 to index
          %get3A_1296 = arith.constant 0 : index
          %get3A_1297 = tpu.vector_load %arg19[%get3A_1295, %get3A_1296] {strides = array<i32>} : memref<40x16xf32, #tpu.memory_space<vmem>>, vector<1x16xf32>,
          %get3A_1298 = vector.shape_cast %get3A_1297 : vector<1x16xf32> to vector<16xf32>
          %mul3A_1299 = arith.mulf %get3A_1298, %select_n3A_653 : vector<16xf32>
          %get3A_1300 = arith.index_cast %scan3A_199 : i32 to index
          %get3A_1301 = arith.constant 560 : index
          %get3A_1302 = tpu.vector_load %arg15[%get3A_1300, %get3A_1301] {strides = array<i32>} : memref<16x640xf32, #tpu.memory_space<vmem>>, vector<1x16xf32>,
          %get3A_1303 = vector.shape_cast %get3A_1302 : vector<1x16xf32> to vector<16xf32>
          %mul3A_1304 = arith.mulf %select_n3A_656, %get3A_1303 : vector<16xf32>
          %add3A_1305 = arith.addf %mul3A_1299, %mul3A_1304 : vector<16xf32>
          %swap3A_1306 = arith.constant 35 : i32
          %swap3A_1307 = arith.index_cast %swap3A_1306 : i32 to index
          %swap3A_1308 = arith.constant 0 : index
          %swap3A_1309 = tpu.vector_load %arg19[%swap3A_1307, %swap3A_1308] {strides = array<i32>} : memref<40x16xf32, #tpu.memory_space<vmem>>, vector<1x16xf32>,
          %swap3A_1310 = vector.shape_cast %swap3A_1309 : vector<1x16xf32> to vector<16xf32>
          %swap3A_1311 = vector.shape_cast %add3A_1305 : vector<16xf32> to vector<1x16xf32>
          tpu.vector_store %arg19[%swap3A_1307, %swap3A_1308], %swap3A_1311 {strides = array<i32>} : memref<40x16xf32, #tpu.memory_space<vmem>>, vector<1x16xf32>,
          %get3A_1312 = arith.constant 36 : i32
          %get3A_1313 = arith.index_cast %get3A_1312 : i32 to index
          %get3A_1314 = arith.constant 0 : index
          %get3A_1315 = tpu.vector_load %arg19[%get3A_1313, %get3A_1314] {strides = array<i32>} : memref<40x16xf32, #tpu.memory_space<vmem>>, vector<1x16xf32>,
          %get3A_1316 = vector.shape_cast %get3A_1315 : vector<1x16xf32> to vector<16xf32>
          %mul3A_1317 = arith.mulf %get3A_1316, %select_n3A_653 : vector<16xf32>
          %get3A_1318 = arith.index_cast %scan3A_199 : i32 to index
          %get3A_1319 = arith.constant 576 : index
          %get3A_1320 = tpu.vector_load %arg15[%get3A_1318, %get3A_1319] {strides = array<i32>} : memref<16x640xf32, #tpu.memory_space<vmem>>, vector<1x16xf32>,
          %get3A_1321 = vector.shape_cast %get3A_1320 : vector<1x16xf32> to vector<16xf32>
          %mul3A_1322 = arith.mulf %select_n3A_656, %get3A_1321 : vector<16xf32>
          %add3A_1323 = arith.addf %mul3A_1317, %mul3A_1322 : vector<16xf32>
          %swap3A_1324 = arith.constant 36 : i32
          %swap3A_1325 = arith.index_cast %swap3A_1324 : i32 to index
          %swap3A_1326 = arith.constant 0 : index
          %swap3A_1327 = tpu.vector_load %arg19[%swap3A_1325, %swap3A_1326] {strides = array<i32>} : memref<40x16xf32, #tpu.memory_space<vmem>>, vector<1x16xf32>,
          %swap3A_1328 = vector.shape_cast %swap3A_1327 : vector<1x16xf32> to vector<16xf32>
          %swap3A_1329 = vector.shape_cast %add3A_1323 : vector<16xf32> to vector<1x16xf32>
          tpu.vector_store %arg19[%swap3A_1325, %swap3A_1326], %swap3A_1329 {strides = array<i32>} : memref<40x16xf32, #tpu.memory_space<vmem>>, vector<1x16xf32>,
          %get3A_1330 = arith.constant 37 : i32
          %get3A_1331 = arith.index_cast %get3A_1330 : i32 to index
          %get3A_1332 = arith.constant 0 : index
          %get3A_1333 = tpu.vector_load %arg19[%get3A_1331, %get3A_1332] {strides = array<i32>} : memref<40x16xf32, #tpu.memory_space<vmem>>, vector<1x16xf32>,
          %get3A_1334 = vector.shape_cast %get3A_1333 : vector<1x16xf32> to vector<16xf32>
          %mul3A_1335 = arith.mulf %get3A_1334, %select_n3A_653 : vector<16xf32>
          %get3A_1336 = arith.index_cast %scan3A_199 : i32 to index
          %get3A_1337 = arith.constant 592 : index
          %get3A_1338 = tpu.vector_load %arg15[%get3A_1336, %get3A_1337] {strides = array<i32>} : memref<16x640xf32, #tpu.memory_space<vmem>>, vector<1x16xf32>,
          %get3A_1339 = vector.shape_cast %get3A_1338 : vector<1x16xf32> to vector<16xf32>
          %mul3A_1340 = arith.mulf %select_n3A_656, %get3A_1339 : vector<16xf32>
          %add3A_1341 = arith.addf %mul3A_1335, %mul3A_1340 : vector<16xf32>
          %swap3A_1342 = arith.constant 37 : i32
          %swap3A_1343 = arith.index_cast %swap3A_1342 : i32 to index
          %swap3A_1344 = arith.constant 0 : index
          %swap3A_1345 = tpu.vector_load %arg19[%swap3A_1343, %swap3A_1344] {strides = array<i32>} : memref<40x16xf32, #tpu.memory_space<vmem>>, vector<1x16xf32>,
          %swap3A_1346 = vector.shape_cast %swap3A_1345 : vector<1x16xf32> to vector<16xf32>
          %swap3A_1347 = vector.shape_cast %add3A_1341 : vector<16xf32> to vector<1x16xf32>
          tpu.vector_store %arg19[%swap3A_1343, %swap3A_1344], %swap3A_1347 {strides = array<i32>} : memref<40x16xf32, #tpu.memory_space<vmem>>, vector<1x16xf32>,
          %get3A_1348 = arith.constant 38 : i32
          %get3A_1349 = arith.index_cast %get3A_1348 : i32 to index
          %get3A_1350 = arith.constant 0 : index
          %get3A_1351 = tpu.vector_load %arg19[%get3A_1349, %get3A_1350] {strides = array<i32>} : memref<40x16xf32, #tpu.memory_space<vmem>>, vector<1x16xf32>,
          %get3A_1352 = vector.shape_cast %get3A_1351 : vector<1x16xf32> to vector<16xf32>
          %mul3A_1353 = arith.mulf %get3A_1352, %select_n3A_653 : vector<16xf32>
          %get3A_1354 = arith.index_cast %scan3A_199 : i32 to index
          %get3A_1355 = arith.constant 608 : index
          %get3A_1356 = tpu.vector_load %arg15[%get3A_1354, %get3A_1355] {strides = array<i32>} : memref<16x640xf32, #tpu.memory_space<vmem>>, vector<1x16xf32>,
          %get3A_1357 = vector.shape_cast %get3A_1356 : vector<1x16xf32> to vector<16xf32>
          %mul3A_1358 = arith.mulf %select_n3A_656, %get3A_1357 : vector<16xf32>
          %add3A_1359 = arith.addf %mul3A_1353, %mul3A_1358 : vector<16xf32>
          %swap3A_1360 = arith.constant 38 : i32
          %swap3A_1361 = arith.index_cast %swap3A_1360 : i32 to index
          %swap3A_1362 = arith.constant 0 : index
          %swap3A_1363 = tpu.vector_load %arg19[%swap3A_1361, %swap3A_1362] {strides = array<i32>} : memref<40x16xf32, #tpu.memory_space<vmem>>, vector<1x16xf32>,
          %swap3A_1364 = vector.shape_cast %swap3A_1363 : vector<1x16xf32> to vector<16xf32>
          %swap3A_1365 = vector.shape_cast %add3A_1359 : vector<16xf32> to vector<1x16xf32>
          tpu.vector_store %arg19[%swap3A_1361, %swap3A_1362], %swap3A_1365 {strides = array<i32>} : memref<40x16xf32, #tpu.memory_space<vmem>>, vector<1x16xf32>,
          %get3A_1366 = arith.constant 39 : i32
          %get3A_1367 = arith.index_cast %get3A_1366 : i32 to index
          %get3A_1368 = arith.constant 0 : index
          %get3A_1369 = tpu.vector_load %arg19[%get3A_1367, %get3A_1368] {strides = array<i32>} : memref<40x16xf32, #tpu.memory_space<vmem>>, vector<1x16xf32>,
          %get3A_1370 = vector.shape_cast %get3A_1369 : vector<1x16xf32> to vector<16xf32>
          %mul3A_1371 = arith.mulf %get3A_1370, %select_n3A_653 : vector<16xf32>
          %get3A_1372 = arith.index_cast %scan3A_199 : i32 to index
          %get3A_1373 = arith.constant 624 : index
          %get3A_1374 = tpu.vector_load %arg15[%get3A_1372, %get3A_1373] {strides = array<i32>} : memref<16x640xf32, #tpu.memory_space<vmem>>, vector<1x16xf32>,
          %get3A_1375 = vector.shape_cast %get3A_1374 : vector<1x16xf32> to vector<16xf32>
          %mul3A_1376 = arith.mulf %select_n3A_656, %get3A_1375 : vector<16xf32>
          %add3A_1377 = arith.addf %mul3A_1371, %mul3A_1376 : vector<16xf32>
          %swap3A_1378 = arith.constant 39 : i32
          %swap3A_1379 = arith.index_cast %swap3A_1378 : i32 to index
          %swap3A_1380 = arith.constant 0 : index
          %swap3A_1381 = tpu.vector_load %arg19[%swap3A_1379, %swap3A_1380] {strides = array<i32>} : memref<40x16xf32, #tpu.memory_space<vmem>>, vector<1x16xf32>,
          %swap3A_1382 = vector.shape_cast %swap3A_1381 : vector<1x16xf32> to vector<16xf32>
          %swap3A_1383 = vector.shape_cast %add3A_1377 : vector<16xf32> to vector<1x16xf32>
          tpu.vector_store %arg19[%swap3A_1379, %swap3A_1380], %swap3A_1383 {strides = array<i32>} : memref<40x16xf32, #tpu.memory_space<vmem>>, vector<1x16xf32>,
          %select_n3A_1384 = arith.select %and3A_222, %squeeze3A_212, %scan3A_203 : i32
          scf.yield %select_n3A_663, %add3A_658, %add3A_662, %select_n3A_1384 : vector<16xf32>, vector<16xf32>, vector<16xf32>, i32
        }
        %scan3A_198 = arith.constant 16 : i32
        scf.yield %scan3A_197#0, %scan3A_197#1, %scan3A_197#2, %scan3A_197#3 : vector<16xf32>, vector<16xf32>, vector<16xf32>, i32
      }
      %ge3A = arith.constant 0 : i32
      %ge3A_98 = arith.cmpi sge, %while3A_97#3, %ge3A : i32
      %convert_element_type3A = arith.extui %ge3A_98 : i1 to i32
      %cond3A = arith.constant 0 : i32
      %cond3A_99 = arith.constant 0 : i32
      %cond3A_100 = arith.cmpi ne, %convert_element_type3A, %cond3A_99 : i32
      %cond3A_101 = scf.if %cond3A_100 -> (i32) {
        %sub3A_103 = arith.subi %while3A_97#3, %mul3A_25 : i32
        %div3A_104 = arith.constant 1.000000e+00 : f32
        %div3A_105 = vector.broadcast %div3A_104 : f32 to vector<16xf32>
        %div3A_106 = arith.divf %div3A_105, %while3A_97#1 : vector<16xf32>
        %mul3A_107 = arith.mulf %while3A_97#2, %div3A_106 : vector<16xf32>
        %scan3A_108 = arith.constant 0 : i32
        %scan3A_109 = arith.constant 0 : i32
        %scan3A_110 = arith.constant 5 : i32
        %scan3A_111 = arith.addi %scan3A_109, %scan3A_110 : i32
        %scan3A_112 = arith.constant 1 : i32
        %scan3A_113 = scf.for %scan3A_116 = %scan3A_109 to %scan3A_111 step %scan3A_112 iter_args(%scan3A_117 = %scan3A_108) -> (i32)  : i32 {
          %mul3A_118 = arith.constant 8 : i32
          %mul3A_119 = arith.muli %scan3A_116, %mul3A_118 : i32
          %add3A_120 = arith.constant 0 : i32
          %add3A_121 = arith.addi %mul3A_119, %add3A_120 : i32
          %get3A_122 = arith.index_cast %add3A_121 : i32 to index
          %get3A_123 = arith.constant 0 : index
          %get3A_124 = tpu.vector_load %arg19[%get3A_122, %get3A_123] {strides = array<i32>} : memref<40x16xf32, #tpu.memory_space<vmem>>, vector<1x16xf32>,
          %get3A_125 = vector.shape_cast %get3A_124 : vector<1x16xf32> to vector<16xf32>
          %mul3A_126 = arith.mulf %get3A_125, %div3A_106 : vector<16xf32>
          %get3A_127 = arith.index_cast %add3A_121 : i32 to index
          %get3A_128 = arith.constant 0 : index
          %get3A_129 = tpu.vector_load %arg20[%get3A_127, %get3A_128] {strides = array<i32>} : memref<40x16xf32, #tpu.memory_space<vmem>>, vector<1x16xf32>,
          %get3A_130 = vector.shape_cast %get3A_129 : vector<1x16xf32> to vector<16xf32>
          %mul3A_131 = arith.mulf %mul3A_107, %get3A_130 : vector<16xf32>
          %add3A_132 = arith.addf %mul3A_126, %mul3A_131 : vector<16xf32>
          %mul3A_133 = arith.constant 16 : i32
          %mul3A_134 = arith.muli %add3A_121, %mul3A_133 : i32
          %swap3A = arith.index_cast %sub3A_103 : i32 to index
          %swap3A_135 = arith.index_cast %mul3A_134 : i32 to index
          %swap3A_136 = tpu.vector_load %arg18[%swap3A, %swap3A_135] {strides = array<i32>} : memref<32x640xf32, #tpu.memory_space<vmem>>, vector<1x16xf32>,
          %swap3A_137 = vector.shape_cast %swap3A_136 : vector<1x16xf32> to vector<16xf32>
          %swap3A_138 = vector.shape_cast %add3A_132 : vector<16xf32> to vector<1x16xf32>
          tpu.vector_store %arg18[%swap3A, %swap3A_135], %swap3A_138 {strides = array<i32>} : memref<32x640xf32, #tpu.memory_space<vmem>>, vector<1x16xf32>,
          %swap3A_139 = arith.index_cast %add3A_121 : i32 to index
          %swap3A_140 = arith.constant 0 : index
          %swap3A_141 = tpu.vector_load %arg19[%swap3A_139, %swap3A_140] {strides = array<i32>} : memref<40x16xf32, #tpu.memory_space<vmem>>, vector<1x16xf32>,
          %swap3A_142 = vector.shape_cast %swap3A_141 : vector<1x16xf32> to vector<16xf32>
          %swap3A_143 = vector.shape_cast %broadcast_in_dim3A_1 : vector<16xf32> to vector<1x16xf32>
          tpu.vector_store %arg19[%swap3A_139, %swap3A_140], %swap3A_143 {strides = array<i32>} : memref<40x16xf32, #tpu.memory_space<vmem>>, vector<1x16xf32>,
          %mul3A_144 = arith.constant 8 : i32
          %mul3A_145 = arith.muli %scan3A_116, %mul3A_144 : i32
          %add3A_146 = arith.constant 1 : i32
          %add3A_147 = arith.addi %mul3A_145, %add3A_146 : i32
          %get3A_148 = arith.index_cast %add3A_147 : i32 to index
          %get3A_149 = arith.constant 0 : index
          %get3A_150 = tpu.vector_load %arg19[%get3A_148, %get3A_149] {strides = array<i32>} : memref<40x16xf32, #tpu.memory_space<vmem>>, vector<1x16xf32>,
          %get3A_151 = vector.shape_cast %get3A_150 : vector<1x16xf32> to vector<16xf32>
          %mul3A_152 = arith.mulf %get3A_151, %div3A_106 : vector<16xf32>
          %get3A_153 = arith.index_cast %add3A_147 : i32 to index
          %get3A_154 = arith.constant 0 : index
          %get3A_155 = tpu.vector_load %arg20[%get3A_153, %get3A_154] {strides = array<i32>} : memref<40x16xf32, #tpu.memory_space<vmem>>, vector<1x16xf32>,
          %get3A_156 = vector.shape_cast %get3A_155 : vector<1x16xf32> to vector<16xf32>
          %mul3A_157 = arith.mulf %mul3A_107, %get3A_156 : vector<16xf32>
          %add3A_158 = arith.addf %mul3A_152, %mul3A_157 : vector<16xf32>
          %mul3A_159 = arith.constant 16 : i32
          %mul3A_160 = arith.muli %add3A_147, %mul3A_159 : i32
          %swap3A_161 = arith.index_cast %sub3A_103 : i32 to index
          %swap3A_162 = arith.index_cast %mul3A_160 : i32 to index
          %swap3A_163 = tpu.vector_load %arg18[%swap3A_161, %swap3A_162] {strides = array<i32>} : memref<32x640xf32, #tpu.memory_space<vmem>>, vector<1x16xf32>,
          %swap3A_164 = vector.shape_cast %swap3A_163 : vector<1x16xf32> to vector<16xf32>
          %swap3A_165 = vector.shape_cast %add3A_158 : vector<16xf32> to vector<1x16xf32>
          tpu.vector_store %arg18[%swap3A_161, %swap3A_162], %swap3A_165 {strides = array<i32>} : memref<32x640xf32, #tpu.memory_space<vmem>>, vector<1x16xf32>,
          %swap3A_166 = arith.index_cast %add3A_147 : i32 to index
          %swap3A_167 = arith.constant 0 : index
          %swap3A_168 = tpu.vector_load %arg19[%swap3A_166, %swap3A_167] {strides = array<i32>} : memref<40x16xf32, #tpu.memory_space<vmem>>, vector<1x16xf32>,
          %swap3A_169 = vector.shape_cast %swap3A_168 : vector<1x16xf32> to vector<16xf32>
          %swap3A_170 = vector.shape_cast %broadcast_in_dim3A_1 : vector<16xf32> to vector<1x16xf32>
          tpu.vector_store %arg19[%swap3A_166, %swap3A_167], %swap3A_170 {strides = array<i32>} : memref<40x16xf32, #tpu.memory_space<vmem>>, vector<1x16xf32>,
          %mul3A_171 = arith.constant 8 : i32
          %mul3A_172 = arith.muli %scan3A_116, %mul3A_171 : i32
          %add3A_173 = arith.constant 2 : i32
          %add3A_174 = arith.addi %mul3A_172, %add3A_173 : i32
          %get3A_175 = arith.index_cast %add3A_174 : i32 to index
          %get3A_176 = arith.constant 0 : index
          %get3A_177 = tpu.vector_load %arg19[%get3A_175, %get3A_176] {strides = array<i32>} : memref<40x16xf32, #tpu.memory_space<vmem>>, vector<1x16xf32>,
          %get3A_178 = vector.shape_cast %get3A_177 : vector<1x16xf32> to vector<16xf32>
          %mul3A_179 = arith.mulf %get3A_178, %div3A_106 : vector<16xf32>
          %get3A_180 = arith.index_cast %add3A_174 : i32 to index
          %get3A_181 = arith.constant 0 : index
          %get3A_182 = tpu.vector_load %arg20[%get3A_180, %get3A_181] {strides = array<i32>} : memref<40x16xf32, #tpu.memory_space<vmem>>, vector<1x16xf32>,
          %get3A_183 = vector.shape_cast %get3A_182 : vector<1x16xf32> to vector<16xf32>
          %mul3A_184 = arith.mulf %mul3A_107, %get3A_183 : vector<16xf32>
          %add3A_185 = arith.addf %mul3A_179, %mul3A_184 : vector<16xf32>
          %mul3A_186 = arith.constant 16 : i32
          %mul3A_187 = arith.muli %add3A_174, %mul3A_186 : i32
          %swap3A_188 = arith.index_cast %sub3A_103 : i32 to index
          %swap3A_189 = arith.index_cast %mul3A_187 : i32 to index
          %swap3A_190 = tpu.vector_load %arg18[%swap3A_188, %swap3A_189] {strides = array<i32>} : memref<32x640xf32, #tpu.memory_space<vmem>>, vector<1x16xf32>,
          %swap3A_191 = vector.shape_cast %swap3A_190 : vector<1x16xf32> to vector<16xf32>
          %swap3A_192 = vector.shape_cast %add3A_185 : vector<16xf32> to vector<1x16xf32>
          tpu.vector_store %arg18[%swap3A_188, %swap3A_189], %swap3A_192 {strides = array<i32>} : memref<32x640xf32, #tpu.memory_space<vmem>>, vector<1x16xf32>,
          %swap3A_193 = arith.index_cast %add3A_174 : i32 to index
          %swap3A_194 = arith.constant 0 : index
          %swap3A_195 = tpu.vector_load %arg19[%swap3A_193, %swap3A_194] {strides = array<i32>} : memref<40x16xf32, #tpu.memory_space<vmem>>, vector<1x16xf32>,
          %swap3A_196 = vector.shape_cast %swap3A_195 : vector<1x16xf32> to vector<16xf32>
          %swap3A_197 = vector.shape_cast %broadcast_in_dim3A_1 : vector<16xf32> to vector<1x16xf32>
          tpu.vector_store %arg19[%swap3A_193, %swap3A_194], %swap3A_197 {strides = array<i32>} : memref<40x16xf32, #tpu.memory_space<vmem>>, vector<1x16xf32>,
          %mul3A_198 = arith.constant 8 : i32
          %mul3A_199 = arith.muli %scan3A_116, %mul3A_198 : i32
          %add3A_200 = arith.constant 3 : i32
          %add3A_201 = arith.addi %mul3A_199, %add3A_200 : i32
          %get3A_202 = arith.index_cast %add3A_201 : i32 to index
          %get3A_203 = arith.constant 0 : index
          %get3A_204 = tpu.vector_load %arg19[%get3A_202, %get3A_203] {strides = array<i32>} : memref<40x16xf32, #tpu.memory_space<vmem>>, vector<1x16xf32>,
          %get3A_205 = vector.shape_cast %get3A_204 : vector<1x16xf32> to vector<16xf32>
          %mul3A_206 = arith.mulf %get3A_205, %div3A_106 : vector<16xf32>
          %get3A_207 = arith.index_cast %add3A_201 : i32 to index
          %get3A_208 = arith.constant 0 : index
          %get3A_209 = tpu.vector_load %arg20[%get3A_207, %get3A_208] {strides = array<i32>} : memref<40x16xf32, #tpu.memory_space<vmem>>, vector<1x16xf32>,
          %get3A_210 = vector.shape_cast %get3A_209 : vector<1x16xf32> to vector<16xf32>
          %mul3A_211 = arith.mulf %mul3A_107, %get3A_210 : vector<16xf32>
          %add3A_212 = arith.addf %mul3A_206, %mul3A_211 : vector<16xf32>
          %mul3A_213 = arith.constant 16 : i32
          %mul3A_214 = arith.muli %add3A_201, %mul3A_213 : i32
          %swap3A_215 = arith.index_cast %sub3A_103 : i32 to index
          %swap3A_216 = arith.index_cast %mul3A_214 : i32 to index
          %swap3A_217 = tpu.vector_load %arg18[%swap3A_215, %swap3A_216] {strides = array<i32>} : memref<32x640xf32, #tpu.memory_space<vmem>>, vector<1x16xf32>,
          %swap3A_218 = vector.shape_cast %swap3A_217 : vector<1x16xf32> to vector<16xf32>
          %swap3A_219 = vector.shape_cast %add3A_212 : vector<16xf32> to vector<1x16xf32>
          tpu.vector_store %arg18[%swap3A_215, %swap3A_216], %swap3A_219 {strides = array<i32>} : memref<32x640xf32, #tpu.memory_space<vmem>>, vector<1x16xf32>,
          %swap3A_220 = arith.index_cast %add3A_201 : i32 to index
          %swap3A_221 = arith.constant 0 : index
          %swap3A_222 = tpu.vector_load %arg19[%swap3A_220, %swap3A_221] {strides = array<i32>} : memref<40x16xf32, #tpu.memory_space<vmem>>, vector<1x16xf32>,
          %swap3A_223 = vector.shape_cast %swap3A_222 : vector<1x16xf32> to vector<16xf32>
          %swap3A_224 = vector.shape_cast %broadcast_in_dim3A_1 : vector<16xf32> to vector<1x16xf32>
          tpu.vector_store %arg19[%swap3A_220, %swap3A_221], %swap3A_224 {strides = array<i32>} : memref<40x16xf32, #tpu.memory_space<vmem>>, vector<1x16xf32>,
          %mul3A_225 = arith.constant 8 : i32
          %mul3A_226 = arith.muli %scan3A_116, %mul3A_225 : i32
          %add3A_227 = arith.constant 4 : i32
          %add3A_228 = arith.addi %mul3A_226, %add3A_227 : i32
          %get3A_229 = arith.index_cast %add3A_228 : i32 to index
          %get3A_230 = arith.constant 0 : index
          %get3A_231 = tpu.vector_load %arg19[%get3A_229, %get3A_230] {strides = array<i32>} : memref<40x16xf32, #tpu.memory_space<vmem>>, vector<1x16xf32>,
          %get3A_232 = vector.shape_cast %get3A_231 : vector<1x16xf32> to vector<16xf32>
          %mul3A_233 = arith.mulf %get3A_232, %div3A_106 : vector<16xf32>
          %get3A_234 = arith.index_cast %add3A_228 : i32 to index
          %get3A_235 = arith.constant 0 : index
          %get3A_236 = tpu.vector_load %arg20[%get3A_234, %get3A_235] {strides = array<i32>} : memref<40x16xf32, #tpu.memory_space<vmem>>, vector<1x16xf32>,
          %get3A_237 = vector.shape_cast %get3A_236 : vector<1x16xf32> to vector<16xf32>
          %mul3A_238 = arith.mulf %mul3A_107, %get3A_237 : vector<16xf32>
          %add3A_239 = arith.addf %mul3A_233, %mul3A_238 : vector<16xf32>
          %mul3A_240 = arith.constant 16 : i32
          %mul3A_241 = arith.muli %add3A_228, %mul3A_240 : i32
          %swap3A_242 = arith.index_cast %sub3A_103 : i32 to index
          %swap3A_243 = arith.index_cast %mul3A_241 : i32 to index
          %swap3A_244 = tpu.vector_load %arg18[%swap3A_242, %swap3A_243] {strides = array<i32>} : memref<32x640xf32, #tpu.memory_space<vmem>>, vector<1x16xf32>,
          %swap3A_245 = vector.shape_cast %swap3A_244 : vector<1x16xf32> to vector<16xf32>
          %swap3A_246 = vector.shape_cast %add3A_239 : vector<16xf32> to vector<1x16xf32>
          tpu.vector_store %arg18[%swap3A_242, %swap3A_243], %swap3A_246 {strides = array<i32>} : memref<32x640xf32, #tpu.memory_space<vmem>>, vector<1x16xf32>,
          %swap3A_247 = arith.index_cast %add3A_228 : i32 to index
          %swap3A_248 = arith.constant 0 : index
          %swap3A_249 = tpu.vector_load %arg19[%swap3A_247, %swap3A_248] {strides = array<i32>} : memref<40x16xf32, #tpu.memory_space<vmem>>, vector<1x16xf32>,
          %swap3A_250 = vector.shape_cast %swap3A_249 : vector<1x16xf32> to vector<16xf32>
          %swap3A_251 = vector.shape_cast %broadcast_in_dim3A_1 : vector<16xf32> to vector<1x16xf32>
          tpu.vector_store %arg19[%swap3A_247, %swap3A_248], %swap3A_251 {strides = array<i32>} : memref<40x16xf32, #tpu.memory_space<vmem>>, vector<1x16xf32>,
          %mul3A_252 = arith.constant 8 : i32
          %mul3A_253 = arith.muli %scan3A_116, %mul3A_252 : i32
          %add3A_254 = arith.constant 5 : i32
          %add3A_255 = arith.addi %mul3A_253, %add3A_254 : i32
          %get3A_256 = arith.index_cast %add3A_255 : i32 to index
          %get3A_257 = arith.constant 0 : index
          %get3A_258 = tpu.vector_load %arg19[%get3A_256, %get3A_257] {strides = array<i32>} : memref<40x16xf32, #tpu.memory_space<vmem>>, vector<1x16xf32>,
          %get3A_259 = vector.shape_cast %get3A_258 : vector<1x16xf32> to vector<16xf32>
          %mul3A_260 = arith.mulf %get3A_259, %div3A_106 : vector<16xf32>
          %get3A_261 = arith.index_cast %add3A_255 : i32 to index
          %get3A_262 = arith.constant 0 : index
          %get3A_263 = tpu.vector_load %arg20[%get3A_261, %get3A_262] {strides = array<i32>} : memref<40x16xf32, #tpu.memory_space<vmem>>, vector<1x16xf32>,
          %get3A_264 = vector.shape_cast %get3A_263 : vector<1x16xf32> to vector<16xf32>
          %mul3A_265 = arith.mulf %mul3A_107, %get3A_264 : vector<16xf32>
          %add3A_266 = arith.addf %mul3A_260, %mul3A_265 : vector<16xf32>
          %mul3A_267 = arith.constant 16 : i32
          %mul3A_268 = arith.muli %add3A_255, %mul3A_267 : i32
          %swap3A_269 = arith.index_cast %sub3A_103 : i32 to index
          %swap3A_270 = arith.index_cast %mul3A_268 : i32 to index
          %swap3A_271 = tpu.vector_load %arg18[%swap3A_269, %swap3A_270] {strides = array<i32>} : memref<32x640xf32, #tpu.memory_space<vmem>>, vector<1x16xf32>,
          %swap3A_272 = vector.shape_cast %swap3A_271 : vector<1x16xf32> to vector<16xf32>
          %swap3A_273 = vector.shape_cast %add3A_266 : vector<16xf32> to vector<1x16xf32>
          tpu.vector_store %arg18[%swap3A_269, %swap3A_270], %swap3A_273 {strides = array<i32>} : memref<32x640xf32, #tpu.memory_space<vmem>>, vector<1x16xf32>,
          %swap3A_274 = arith.index_cast %add3A_255 : i32 to index
          %swap3A_275 = arith.constant 0 : index
          %swap3A_276 = tpu.vector_load %arg19[%swap3A_274, %swap3A_275] {strides = array<i32>} : memref<40x16xf32, #tpu.memory_space<vmem>>, vector<1x16xf32>,
          %swap3A_277 = vector.shape_cast %swap3A_276 : vector<1x16xf32> to vector<16xf32>
          %swap3A_278 = vector.shape_cast %broadcast_in_dim3A_1 : vector<16xf32> to vector<1x16xf32>
          tpu.vector_store %arg19[%swap3A_274, %swap3A_275], %swap3A_278 {strides = array<i32>} : memref<40x16xf32, #tpu.memory_space<vmem>>, vector<1x16xf32>,
          %mul3A_279 = arith.constant 8 : i32
          %mul3A_280 = arith.muli %scan3A_116, %mul3A_279 : i32
          %add3A_281 = arith.constant 6 : i32
          %add3A_282 = arith.addi %mul3A_280, %add3A_281 : i32
          %get3A_283 = arith.index_cast %add3A_282 : i32 to index
          %get3A_284 = arith.constant 0 : index
          %get3A_285 = tpu.vector_load %arg19[%get3A_283, %get3A_284] {strides = array<i32>} : memref<40x16xf32, #tpu.memory_space<vmem>>, vector<1x16xf32>,
          %get3A_286 = vector.shape_cast %get3A_285 : vector<1x16xf32> to vector<16xf32>
          %mul3A_287 = arith.mulf %get3A_286, %div3A_106 : vector<16xf32>
          %get3A_288 = arith.index_cast %add3A_282 : i32 to index
          %get3A_289 = arith.constant 0 : index
          %get3A_290 = tpu.vector_load %arg20[%get3A_288, %get3A_289] {strides = array<i32>} : memref<40x16xf32, #tpu.memory_space<vmem>>, vector<1x16xf32>,
          %get3A_291 = vector.shape_cast %get3A_290 : vector<1x16xf32> to vector<16xf32>
          %mul3A_292 = arith.mulf %mul3A_107, %get3A_291 : vector<16xf32>
          %add3A_293 = arith.addf %mul3A_287, %mul3A_292 : vector<16xf32>
          %mul3A_294 = arith.constant 16 : i32
          %mul3A_295 = arith.muli %add3A_282, %mul3A_294 : i32
          %swap3A_296 = arith.index_cast %sub3A_103 : i32 to index
          %swap3A_297 = arith.index_cast %mul3A_295 : i32 to index
          %swap3A_298 = tpu.vector_load %arg18[%swap3A_296, %swap3A_297] {strides = array<i32>} : memref<32x640xf32, #tpu.memory_space<vmem>>, vector<1x16xf32>,
          %swap3A_299 = vector.shape_cast %swap3A_298 : vector<1x16xf32> to vector<16xf32>
          %swap3A_300 = vector.shape_cast %add3A_293 : vector<16xf32> to vector<1x16xf32>
          tpu.vector_store %arg18[%swap3A_296, %swap3A_297], %swap3A_300 {strides = array<i32>} : memref<32x640xf32, #tpu.memory_space<vmem>>, vector<1x16xf32>,
          %swap3A_301 = arith.index_cast %add3A_282 : i32 to index
          %swap3A_302 = arith.constant 0 : index
          %swap3A_303 = tpu.vector_load %arg19[%swap3A_301, %swap3A_302] {strides = array<i32>} : memref<40x16xf32, #tpu.memory_space<vmem>>, vector<1x16xf32>,
          %swap3A_304 = vector.shape_cast %swap3A_303 : vector<1x16xf32> to vector<16xf32>
          %swap3A_305 = vector.shape_cast %broadcast_in_dim3A_1 : vector<16xf32> to vector<1x16xf32>
          tpu.vector_store %arg19[%swap3A_301, %swap3A_302], %swap3A_305 {strides = array<i32>} : memref<40x16xf32, #tpu.memory_space<vmem>>, vector<1x16xf32>,
          %mul3A_306 = arith.constant 8 : i32
          %mul3A_307 = arith.muli %scan3A_116, %mul3A_306 : i32
          %add3A_308 = arith.constant 7 : i32
          %add3A_309 = arith.addi %mul3A_307, %add3A_308 : i32
          %get3A_310 = arith.index_cast %add3A_309 : i32 to index
          %get3A_311 = arith.constant 0 : index
          %get3A_312 = tpu.vector_load %arg19[%get3A_310, %get3A_311] {strides = array<i32>} : memref<40x16xf32, #tpu.memory_space<vmem>>, vector<1x16xf32>,
          %get3A_313 = vector.shape_cast %get3A_312 : vector<1x16xf32> to vector<16xf32>
          %mul3A_314 = arith.mulf %get3A_313, %div3A_106 : vector<16xf32>
          %get3A_315 = arith.index_cast %add3A_309 : i32 to index
          %get3A_316 = arith.constant 0 : index
          %get3A_317 = tpu.vector_load %arg20[%get3A_315, %get3A_316] {strides = array<i32>} : memref<40x16xf32, #tpu.memory_space<vmem>>, vector<1x16xf32>,
          %get3A_318 = vector.shape_cast %get3A_317 : vector<1x16xf32> to vector<16xf32>
          %mul3A_319 = arith.mulf %mul3A_107, %get3A_318 : vector<16xf32>
          %add3A_320 = arith.addf %mul3A_314, %mul3A_319 : vector<16xf32>
          %mul3A_321 = arith.constant 16 : i32
          %mul3A_322 = arith.muli %add3A_309, %mul3A_321 : i32
          %swap3A_323 = arith.index_cast %sub3A_103 : i32 to index
          %swap3A_324 = arith.index_cast %mul3A_322 : i32 to index
          %swap3A_325 = tpu.vector_load %arg18[%swap3A_323, %swap3A_324] {strides = array<i32>} : memref<32x640xf32, #tpu.memory_space<vmem>>, vector<1x16xf32>,
          %swap3A_326 = vector.shape_cast %swap3A_325 : vector<1x16xf32> to vector<16xf32>
          %swap3A_327 = vector.shape_cast %add3A_320 : vector<16xf32> to vector<1x16xf32>
          tpu.vector_store %arg18[%swap3A_323, %swap3A_324], %swap3A_327 {strides = array<i32>} : memref<32x640xf32, #tpu.memory_space<vmem>>, vector<1x16xf32>,
          %swap3A_328 = arith.index_cast %add3A_309 : i32 to index
          %swap3A_329 = arith.constant 0 : index
          %swap3A_330 = tpu.vector_load %arg19[%swap3A_328, %swap3A_329] {strides = array<i32>} : memref<40x16xf32, #tpu.memory_space<vmem>>, vector<1x16xf32>,
          %swap3A_331 = vector.shape_cast %swap3A_330 : vector<1x16xf32> to vector<16xf32>
          %swap3A_332 = vector.shape_cast %broadcast_in_dim3A_1 : vector<16xf32> to vector<1x16xf32>
          tpu.vector_store %arg19[%swap3A_328, %swap3A_329], %swap3A_332 {strides = array<i32>} : memref<40x16xf32, #tpu.memory_space<vmem>>, vector<1x16xf32>,
          %scan3A_333 = arith.constant 0 : i32
          scf.yield %scan3A_333 : i32
        }
        %scan3A_114 = arith.constant 5 : i32
        %cond3A_115 = arith.constant 0 : i32
        scf.yield %cond3A_115 : i32
      } else {
        %cond3A_103 = arith.constant 0 : i32
        scf.yield %cond3A_103 : i32
      }
      "tpu.region"() ({
        %run_scoped3A = tpu.sem_alloc : memref<!tpu.dma_semaphore, #tpu.memory_space<semaphore_mem>>
        %dma_start3A = arith.constant 0 : i32
        %dma_start3A_103 = tpu.memref_slice %arg10[%mul3A_25, %dma_start3A] : memref<20480x640xf32, #tpu.memory_space<hbm>> -> memref<32x640xf32, #tpu.memory_space<hbm>>
        %dma_start3A_104 = arith.constant 0 : i32
        %dma_start3A_105 = tpu.memref_slice %arg10[%mul3A_25, %dma_start3A_104] : memref<20480x640xf32, #tpu.memory_space<hbm>> -> memref<32x640xf32, #tpu.memory_space<hbm>>
        tpu.enqueue_dma source(%arg18 : memref<32x640xf32, #tpu.memory_space<vmem>>) target(%dma_start3A_105 : memref<32x640xf32, #tpu.memory_space<hbm>>) target_semaphore(%run_scoped3A : memref<!tpu.dma_semaphore, #tpu.memory_space<semaphore_mem>>)
        %dma_wait3A = arith.constant 0 : i32
        %dma_wait3A_106 = tpu.memref_slice %arg10[%mul3A_25, %dma_wait3A] : memref<20480x640xf32, #tpu.memory_space<hbm>> -> memref<32x640xf32, #tpu.memory_space<hbm>>
        %dma_wait3A_107 = arith.constant 0 : i32
        %dma_wait3A_108 = tpu.memref_slice %arg10[%mul3A_25, %dma_wait3A_107] : memref<20480x640xf32, #tpu.memory_space<hbm>> -> memref<32x640xf32, #tpu.memory_space<hbm>>
        tpu.wait_dma2 semaphore(%run_scoped3A : memref<!tpu.dma_semaphore, #tpu.memory_space<semaphore_mem>>) src(%arg18 : memref<32x640xf32, #tpu.memory_space<vmem>>) dst(%dma_wait3A_108 : memref<32x640xf32, #tpu.memory_space<hbm>>)
        tpu.yield
      }) : () -> ()
      %scan3A_102 = arith.constant 0 : i32
      scf.yield %scan3A_102 : i32
    }
    %scan3A_18 = arith.constant 20 : i32
    return
  }
}

module attributes {stable_mosaic.version = 14 : i64} {
  func.func @_proj_kernel(%arg0: i32, %arg1: memref<1xi32, #tpu.memory_space<smem>>, %arg2: memref<512x640xf32, #tpu.memory_space<vmem>>, %arg3: memref<512x640xf32, #tpu.memory_space<vmem>>, %arg4: memref<640x2576xf32, #tpu.memory_space<vmem>>, %arg5: memref<512x640xf32, #tpu.memory_space<vmem>>, %arg6: memref<512x640xf32, #tpu.memory_space<vmem>>, %arg7: memref<512x640xf32, #tpu.memory_space<vmem>>, %arg8: memref<512x640xf32, #tpu.memory_space<vmem>>, %arg9: memref<512x16xf32, #tpu.memory_space<vmem>>) attributes {dimension_semantics = [#tpu.dimension_semantics<arbitrary>], iteration_bounds = array<i64: 40>, scalar_prefetch = 0 : i64, scratch_operands = 0 : i64, tpu.core_type = #tpu.core_type<tc>, window_params = [{transform_indices = @transform_0, window_bounds = array<i64: 1>}, {transform_indices = @transform_1, window_bounds = array<i64: 512, 640>}, {transform_indices = @transform_2, window_bounds = array<i64: 512, 640>}, {pipeline_mode = #tpu.pipeline_mode<synchronous>, transform_indices = @transform_3, window_bounds = array<i64: 640, 2576>}, {transform_indices = @transform_4, window_bounds = array<i64: 512, 640>}, {transform_indices = @transform_5, window_bounds = array<i64: 512, 640>}, {transform_indices = @transform_6, window_bounds = array<i64: 512, 640>}, {transform_indices = @transform_7, window_bounds = array<i64: 512, 640>}, {transform_indices = @transform_8, window_bounds = array<i64: 512, 16>}]} {
    %get3A = arith.constant 0 : index
    %get3A_0 = arith.constant 0 : index
    %get3A_1 = vector.load %arg2[%get3A, %get3A_0] : memref<512x640xf32, #tpu.memory_space<vmem>>, vector<512x640xf32>
    %get3A_2 = arith.constant 0 : index
    %get3A_3 = arith.constant 0 : index
    %get3A_4 = vector.load %arg3[%get3A_2, %get3A_3] : memref<512x640xf32, #tpu.memory_space<vmem>>, vector<512x640xf32>
    %add3A = arith.addf %get3A_1, %get3A_4 : vector<512x640xf32>
    %get3A_5 = arith.constant 0 : index
    %get3A_6 = memref.load %arg1[%get3A_5] : memref<1xi32, #tpu.memory_space<smem>>
    %gt3A = arith.constant 0 : i32
    %gt3A_7 = arith.cmpi sgt, %get3A_6, %gt3A : i32
    %max3A = arith.constant 0.000000e+00 : f32
    %max3A_8 = vector.broadcast %max3A : f32 to vector<512x640xf32>
    %max3A_9 = arith.maximumf %add3A, %max3A_8 : vector<512x640xf32>
    %select_n3A = arith.select %gt3A_7, %max3A_9, %add3A : vector<512x640xf32>
    %get3A_10 = arith.constant 0 : index
    %get3A_11 = arith.constant 0 : index
    %get3A_12 = vector.load %arg4[%get3A_10, %get3A_11] : memref<640x2576xf32, #tpu.memory_space<vmem>>, vector<640x2576xf32>
    %dot_general3A = arith.constant dense<0.000000e+00> : vector<512x2576xf32>
    %dot_general3A_13 = tpu.matmul %select_n3A, %get3A_12, %dot_general3A {dimension_numbers = #tpu.dot_dimension_numbers<[1], [0], [0], [1], [0, 0, 1, 1], [], []>, precision = #tpu.contract_precision<fp32>, transpose_lhs_hint = false} : vector<512x640xf32>, vector<640x2576xf32>, vector<512x2576xf32> -> vector<512x2576xf32>
    %slice3A = vector.extract_strided_slice %dot_general3A_13 {offsets = [0, 0], sizes = [512, 640], strides = [1, 1]} : vector<512x2576xf32> to vector<512x640xf32>
    %swap3A = arith.constant 0 : index
    %swap3A_14 = arith.constant 0 : index
    %swap3A_15 = vector.load %arg5[%swap3A, %swap3A_14] : memref<512x640xf32, #tpu.memory_space<vmem>>, vector<512x640xf32>
    tpu.vector_store %arg5[%swap3A, %swap3A_14], %slice3A {strides = array<i32>} : memref<512x640xf32, #tpu.memory_space<vmem>>, vector<512x640xf32>,
    %slice3A_16 = vector.extract_strided_slice %dot_general3A_13 {offsets = [0, 640], sizes = [512, 640], strides = [1, 1]} : vector<512x2576xf32> to vector<512x640xf32>
    %swap3A_17 = arith.constant 0 : index
    %swap3A_18 = arith.constant 0 : index
    %swap3A_19 = vector.load %arg6[%swap3A_17, %swap3A_18] : memref<512x640xf32, #tpu.memory_space<vmem>>, vector<512x640xf32>
    tpu.vector_store %arg6[%swap3A_17, %swap3A_18], %slice3A_16 {strides = array<i32>} : memref<512x640xf32, #tpu.memory_space<vmem>>, vector<512x640xf32>,
    %slice3A_20 = vector.extract_strided_slice %dot_general3A_13 {offsets = [0, 1280], sizes = [512, 640], strides = [1, 1]} : vector<512x2576xf32> to vector<512x640xf32>
    %swap3A_21 = arith.constant 0 : index
    %swap3A_22 = arith.constant 0 : index
    %swap3A_23 = vector.load %arg7[%swap3A_21, %swap3A_22] : memref<512x640xf32, #tpu.memory_space<vmem>>, vector<512x640xf32>
    tpu.vector_store %arg7[%swap3A_21, %swap3A_22], %slice3A_20 {strides = array<i32>} : memref<512x640xf32, #tpu.memory_space<vmem>>, vector<512x640xf32>,
    %slice3A_24 = vector.extract_strided_slice %dot_general3A_13 {offsets = [0, 1920], sizes = [512, 640], strides = [1, 1]} : vector<512x2576xf32> to vector<512x640xf32>
    %swap3A_25 = arith.constant 0 : index
    %swap3A_26 = arith.constant 0 : index
    %swap3A_27 = vector.load %arg8[%swap3A_25, %swap3A_26] : memref<512x640xf32, #tpu.memory_space<vmem>>, vector<512x640xf32>
    tpu.vector_store %arg8[%swap3A_25, %swap3A_26], %slice3A_24 {strides = array<i32>} : memref<512x640xf32, #tpu.memory_space<vmem>>, vector<512x640xf32>,
    %slice3A_28 = vector.extract_strided_slice %dot_general3A_13 {offsets = [0, 2560], sizes = [512, 16], strides = [1, 1]} : vector<512x2576xf32> to vector<512x16xf32>
    %swap3A_29 = arith.constant 0 : index
    %swap3A_30 = arith.constant 0 : index
    %swap3A_31 = vector.load %arg9[%swap3A_29, %swap3A_30] : memref<512x16xf32, #tpu.memory_space<vmem>>, vector<512x16xf32>
    tpu.vector_store %arg9[%swap3A_29, %swap3A_30], %slice3A_28 {strides = array<i32>} : memref<512x16xf32, #tpu.memory_space<vmem>>, vector<512x16xf32>,
    return
  }
  func.func @transform_0(%arg0: i32) -> i32 {
    %c0_i32 = arith.constant 0 : i32
    %c0_i32_0 = arith.constant 0 : i32
    return %c0_i32 : i32
  }
  func.func @transform_1(%arg0: i32) -> (i32, i32) {
    %c0_i32 = arith.constant 0 : i32
    %c0_i32_0 = arith.constant 0 : i32
    return %arg0, %c0_i32 : i32, i32
  }
  func.func @transform_2(%arg0: i32) -> (i32, i32) {
    %c0_i32 = arith.constant 0 : i32
    %c0_i32_0 = arith.constant 0 : i32
    return %arg0, %c0_i32 : i32, i32
  }
  func.func @transform_3(%arg0: i32) -> (i32, i32) {
    %c0_i32 = arith.constant 0 : i32
    %c0_i32_0 = arith.constant 0 : i32
    %c0_i32_1 = arith.constant 0 : i32
    return %c0_i32, %c0_i32_0 : i32, i32
  }
  func.func @transform_4(%arg0: i32) -> (i32, i32) {
    %c0_i32 = arith.constant 0 : i32
    %c0_i32_0 = arith.constant 0 : i32
    return %arg0, %c0_i32 : i32, i32
  }
  func.func @transform_5(%arg0: i32) -> (i32, i32) {
    %c0_i32 = arith.constant 0 : i32
    %c0_i32_0 = arith.constant 0 : i32
    return %arg0, %c0_i32 : i32, i32
  }
  func.func @transform_6(%arg0: i32) -> (i32, i32) {
    %c0_i32 = arith.constant 0 : i32
    %c0_i32_0 = arith.constant 0 : i32
    return %arg0, %c0_i32 : i32, i32
  }
  func.func @transform_7(%arg0: i32) -> (i32, i32) {
    %c0_i32 = arith.constant 0 : i32
    %c0_i32_0 = arith.constant 0 : i32
    return %arg0, %c0_i32 : i32, i32
  }
  func.func @transform_8(%arg0: i32) -> (i32, i32) {
    %c0_i32 = arith.constant 0 : i32
    %c0_i32_0 = arith.constant 0 : i32
    return %arg0, %c0_i32 : i32, i32
  }
}

module attributes {stable_mosaic.version = 14 : i64} {
  func.func @_pool_kernel(%arg0: i32, %arg1: memref<512x640xf32, #tpu.memory_space<vmem>>, %arg2: memref<512x640xf32, #tpu.memory_space<vmem>>, %arg3: memref<128x512xf32, #tpu.memory_space<vmem>>, %arg4: memref<128x640xf32, #tpu.memory_space<vmem>>) attributes {dimension_semantics = [#tpu.dimension_semantics<arbitrary>], iteration_bounds = array<i64: 40>, scalar_prefetch = 0 : i64, scratch_operands = 0 : i64, tpu.core_type = #tpu.core_type<tc>, window_params = [{transform_indices = @transform_0, window_bounds = array<i64: 512, 640>}, {transform_indices = @transform_1, window_bounds = array<i64: 512, 640>}, {transform_indices = @transform_2, window_bounds = array<i64: 128, 512>}, {pipeline_mode = #tpu.pipeline_mode<synchronous>, transform_indices = @transform_3, window_bounds = array<i64: 128, 640>}]} {
    %eq3A = arith.constant 0 : i32
    %eq3A_0 = arith.cmpi eq, %arg0, %eq3A : i32
    %convert_element_type3A = arith.extui %eq3A_0 : i1 to i32
    %cond3A = arith.constant 0 : i32
    %cond3A_1 = arith.cmpi ne, %convert_element_type3A, %cond3A : i32
    scf.if %cond3A_1 {
      %broadcast_in_dim3A = arith.constant 0.000000e+00 : f32
      %broadcast_in_dim3A_17 = vector.broadcast %broadcast_in_dim3A : f32 to vector<128x640xf32>
      %swap3A_18 = arith.constant 0 : index
      %swap3A_19 = arith.constant 0 : index
      %swap3A_20 = vector.load %arg4[%swap3A_18, %swap3A_19] : memref<128x640xf32, #tpu.memory_space<vmem>>, vector<128x640xf32>
      tpu.vector_store %arg4[%swap3A_18, %swap3A_19], %broadcast_in_dim3A_17 {strides = array<i32>} : memref<128x640xf32, #tpu.memory_space<vmem>>, vector<128x640xf32>,
    } else {
    }
    %get3A = arith.constant 0 : index
    %get3A_2 = arith.constant 0 : index
    %get3A_3 = vector.load %arg1[%get3A, %get3A_2] : memref<512x640xf32, #tpu.memory_space<vmem>>, vector<512x640xf32>
    %get3A_4 = arith.constant 0 : index
    %get3A_5 = arith.constant 0 : index
    %get3A_6 = vector.load %arg2[%get3A_4, %get3A_5] : memref<512x640xf32, #tpu.memory_space<vmem>>, vector<512x640xf32>
    %add3A = arith.addf %get3A_3, %get3A_6 : vector<512x640xf32>
    %get3A_7 = arith.constant 0 : index
    %get3A_8 = arith.constant 0 : index
    %get3A_9 = vector.load %arg4[%get3A_7, %get3A_8] : memref<128x640xf32, #tpu.memory_space<vmem>>, vector<128x640xf32>
    %get3A_10 = arith.constant 0 : index
    %get3A_11 = arith.constant 0 : index
    %get3A_12 = vector.load %arg3[%get3A_10, %get3A_11] : memref<128x512xf32, #tpu.memory_space<vmem>>, vector<128x512xf32>
    %dot_general3A = arith.constant dense<0.000000e+00> : vector<128x640xf32>
    %dot_general3A_13 = tpu.matmul %get3A_12, %add3A, %dot_general3A {dimension_numbers = #tpu.dot_dimension_numbers<[1], [0], [0], [1], [0, 0, 1, 1], [], []>, precision = #tpu.contract_precision<fp32>, transpose_lhs_hint = false} : vector<128x512xf32>, vector<512x640xf32>, vector<128x640xf32> -> vector<128x640xf32>
    %add3A_14 = arith.addf %get3A_9, %dot_general3A_13 : vector<128x640xf32>
    %swap3A = arith.constant 0 : index
    %swap3A_15 = arith.constant 0 : index
    %swap3A_16 = vector.load %arg4[%swap3A, %swap3A_15] : memref<128x640xf32, #tpu.memory_space<vmem>>, vector<128x640xf32>
    tpu.vector_store %arg4[%swap3A, %swap3A_15], %add3A_14 {strides = array<i32>} : memref<128x640xf32, #tpu.memory_space<vmem>>, vector<128x640xf32>,
    return
  }
  func.func @transform_0(%arg0: i32) -> (i32, i32) {
    %c0_i32 = arith.constant 0 : i32
    %c0_i32_0 = arith.constant 0 : i32
    return %arg0, %c0_i32 : i32, i32
  }
  func.func @transform_1(%arg0: i32) -> (i32, i32) {
    %c0_i32 = arith.constant 0 : i32
    %c0_i32_0 = arith.constant 0 : i32
    return %arg0, %c0_i32 : i32, i32
  }
  func.func @transform_2(%arg0: i32) -> (i32, i32) {
    %c0_i32 = arith.constant 0 : i32
    %c0_i32_0 = arith.constant 0 : i32
    return %c0_i32, %arg0 : i32, i32
  }
  func.func @transform_3(%arg0: i32) -> (i32, i32) {
    %c0_i32 = arith.constant 0 : i32
    %c0_i32_0 = arith.constant 0 : i32
    %c0_i32_1 = arith.constant 0 : i32
    return %c0_i32, %c0_i32_0 : i32, i32
  }
}

module attributes {stable_mosaic.version = 14 : i64} {
  func.func @_head_kernel(%arg0: memref<128x640xf32, #tpu.memory_space<vmem>>, %arg1: memref<640xf32, #tpu.memory_space<vmem>>, %arg2: memref<640xf32, #tpu.memory_space<vmem>>, %arg3: memref<640x640xf32, #tpu.memory_space<vmem>>, %arg4: memref<640xf32, #tpu.memory_space<vmem>>, %arg5: memref<64xf32, #tpu.memory_space<vmem>>) attributes {dimension_semantics = [], scalar_prefetch = 0 : i64, scratch_operands = 0 : i64, tpu.core_type = #tpu.core_type<tc>} {
    %get3A = arith.constant 0 : index
    %get3A_0 = arith.constant 0 : index
    %get3A_1 = vector.load %arg0[%get3A, %get3A_0] : memref<128x640xf32, #tpu.memory_space<vmem>>, vector<128x640xf32>
    %reduce_sum3A = arith.constant dense<0.000000e+00> : vector<128xf32>
    %reduce_sum3A_2 = vector.multi_reduction <add>, %get3A_1, %reduce_sum3A [1] : vector<128x640xf32> to vector<128xf32>
    %broadcast_in_dim3A = vector.shape_cast %reduce_sum3A_2 : vector<128xf32> to vector<128x1xf32>
    %div3A = arith.constant 6.400000e+02 : f32
    %div3A_3 = vector.broadcast %div3A : f32 to vector<128x1xf32>
    %div3A_4 = arith.divf %broadcast_in_dim3A, %div3A_3 : vector<128x1xf32>
    %sub3A = vector.broadcast %div3A_4 : vector<128x1xf32> to vector<128x640xf32>
    %sub3A_5 = arith.subf %get3A_1, %sub3A : vector<128x640xf32>
    %integer_pow3A = arith.mulf %sub3A_5, %sub3A_5 : vector<128x640xf32>
    %reduce_sum3A_6 = arith.constant dense<0.000000e+00> : vector<128xf32>
    %reduce_sum3A_7 = vector.multi_reduction <add>, %integer_pow3A, %reduce_sum3A_6 [1] : vector<128x640xf32> to vector<128xf32>
    %broadcast_in_dim3A_8 = vector.shape_cast %reduce_sum3A_7 : vector<128xf32> to vector<128x1xf32>
    %div3A_9 = arith.constant 6.400000e+02 : f32
    %div3A_10 = vector.broadcast %div3A_9 : f32 to vector<128x1xf32>
    %div3A_11 = arith.divf %broadcast_in_dim3A_8, %div3A_10 : vector<128x1xf32>
    %sub3A_12 = vector.broadcast %div3A_4 : vector<128x1xf32> to vector<128x640xf32>
    %sub3A_13 = arith.subf %get3A_1, %sub3A_12 : vector<128x640xf32>
    %add3A = arith.constant 9.99999974E-6 : f32
    %add3A_14 = vector.broadcast %add3A : f32 to vector<128x1xf32>
    %add3A_15 = arith.addf %div3A_11, %add3A_14 : vector<128x1xf32>
    %sqrt3A = math.sqrt %add3A_15 : vector<128x1xf32>
    %div3A_16 = vector.broadcast %sqrt3A : vector<128x1xf32> to vector<128x640xf32>
    %div3A_17 = arith.divf %sub3A_13, %div3A_16 : vector<128x640xf32>
    %get3A_18 = arith.constant 0 : index
    %get3A_19 = vector.load %arg1[%get3A_18] : memref<640xf32, #tpu.memory_space<vmem>>, vector<640xf32>
    %broadcast_in_dim3A_20 = vector.shape_cast %get3A_19 : vector<640xf32> to vector<1x640xf32>
    %mul3A = vector.broadcast %broadcast_in_dim3A_20 : vector<1x640xf32> to vector<128x640xf32>
    %mul3A_21 = arith.mulf %div3A_17, %mul3A : vector<128x640xf32>
    %get3A_22 = arith.constant 0 : index
    %get3A_23 = vector.load %arg2[%get3A_22] : memref<640xf32, #tpu.memory_space<vmem>>, vector<640xf32>
    %broadcast_in_dim3A_24 = vector.shape_cast %get3A_23 : vector<640xf32> to vector<1x640xf32>
    %add3A_25 = vector.broadcast %broadcast_in_dim3A_24 : vector<1x640xf32> to vector<128x640xf32>
    %add3A_26 = arith.addf %mul3A_21, %add3A_25 : vector<128x640xf32>
    %get3A_27 = arith.constant 0 : index
    %get3A_28 = arith.constant 0 : index
    %get3A_29 = vector.load %arg3[%get3A_27, %get3A_28] : memref<640x640xf32, #tpu.memory_space<vmem>>, vector<640x640xf32>
    %dot_general3A = arith.constant dense<0.000000e+00> : vector<128x640xf32>
    %dot_general3A_30 = tpu.matmul %add3A_26, %get3A_29, %dot_general3A {dimension_numbers = #tpu.dot_dimension_numbers<[1], [0], [0], [1], [0, 0, 1, 1], [], []>, precision = #tpu.contract_precision<fp32>, transpose_lhs_hint = false} : vector<128x640xf32>, vector<640x640xf32>, vector<128x640xf32> -> vector<128x640xf32>
    %get3A_31 = arith.constant 0 : index
    %get3A_32 = vector.load %arg4[%get3A_31] : memref<640xf32, #tpu.memory_space<vmem>>, vector<640xf32>
    %broadcast_in_dim3A_33 = vector.shape_cast %get3A_32 : vector<640xf32> to vector<1x640xf32>
    %add3A_34 = vector.broadcast %broadcast_in_dim3A_33 : vector<1x640xf32> to vector<128x640xf32>
    %add3A_35 = arith.addf %dot_general3A_30, %add3A_34 : vector<128x640xf32>
    %max3A = arith.constant 0.000000e+00 : f32
    %max3A_36 = vector.broadcast %max3A : f32 to vector<128x640xf32>
    %max3A_37 = arith.maximumf %add3A_35, %max3A_36 : vector<128x640xf32>
    %slice3A = vector.extract_strided_slice %max3A_37 {offsets = [0, 0], sizes = [64, 640], strides = [1, 1]} : vector<128x640xf32> to vector<64x640xf32>
    %slice3A_38 = vector.extract_strided_slice %max3A_37 {offsets = [64, 0], sizes = [64, 640], strides = [1, 1]} : vector<128x640xf32> to vector<64x640xf32>
    %mul3A_39 = arith.mulf %slice3A, %slice3A_38 : vector<64x640xf32>
    %reduce_sum3A_40 = arith.constant dense<0.000000e+00> : vector<64xf32>
    %reduce_sum3A_41 = vector.multi_reduction <add>, %mul3A_39, %reduce_sum3A_40 [1] : vector<64x640xf32> to vector<64xf32>
    %mul3A_42 = arith.mulf %slice3A, %slice3A : vector<64x640xf32>
    %reduce_sum3A_43 = arith.constant dense<0.000000e+00> : vector<64xf32>
    %reduce_sum3A_44 = vector.multi_reduction <add>, %mul3A_42, %reduce_sum3A_43 [1] : vector<64x640xf32> to vector<64xf32>
    %sqrt3A_45 = math.sqrt %reduce_sum3A_44 : vector<64xf32>
    %max3A_46 = arith.constant 9.99999993E-9 : f32
    %max3A_47 = vector.broadcast %max3A_46 : f32 to vector<64xf32>
    %max3A_48 = arith.maximumf %sqrt3A_45, %max3A_47 : vector<64xf32>
    %mul3A_49 = arith.mulf %slice3A_38, %slice3A_38 : vector<64x640xf32>
    %reduce_sum3A_50 = arith.constant dense<0.000000e+00> : vector<64xf32>
    %reduce_sum3A_51 = vector.multi_reduction <add>, %mul3A_49, %reduce_sum3A_50 [1] : vector<64x640xf32> to vector<64xf32>
    %sqrt3A_52 = math.sqrt %reduce_sum3A_51 : vector<64xf32>
    %max3A_53 = arith.constant 9.99999993E-9 : f32
    %max3A_54 = vector.broadcast %max3A_53 : f32 to vector<64xf32>
    %max3A_55 = arith.maximumf %sqrt3A_52, %max3A_54 : vector<64xf32>
    %mul3A_56 = arith.mulf %max3A_48, %max3A_55 : vector<64xf32>
    %div3A_57 = arith.divf %reduce_sum3A_41, %mul3A_56 : vector<64xf32>
    %swap3A = arith.constant 0 : index
    %swap3A_58 = vector.load %arg5[%swap3A] : memref<64xf32, #tpu.memory_space<vmem>>, vector<64xf32>
    tpu.vector_store %arg5[%swap3A], %div3A_57 {strides = array<i32>} : memref<64xf32, #tpu.memory_space<vmem>>, vector<64xf32>,
    return
  }
}

</mosaic_0001>

<sc_bundles>
// kernel: closed_call.15.cloned.1.call-start
scs
__scs_entry_jumppad:
0x0: {  	(pc) =	sbr.rel $0x88, $3  }
0x1: {  	(tag) =	ssettag $0x0;
	lr =	simm.s32 $0x1  }
0x2: {  	[smem:$0x3F8B] =	sst lr;
	_ =	strace $0xD0000000  }
0x3: {  	_ = 	snop  }
0x4: {  	_ = 	snop  }
0x5: {  	_ = 	snop  }
0x6: {  	_ = 	snop  }
0x7: {  	_ = 	snop  }
__scs_overlays_trampoline_lowered:
0x8: {  	[smem:$0x3F9A] =	sst s0  }
0x9: {  	[smem:$0x3F9B] =	sst s1  }
0xa: {  	[smem:$0x3F9C] =	sst s2  }
0xb: {  	[smem:$0x3F9D] =	sst s3  }
0xc: {  	[smem:$0x3F9E] =	sst s4  }
0xd: {  	[smem:$0x3F9F] =	sst s5  }
0xe: {  	[smem:$0x3FA0] =	sst s6  }
0xf: {  	[smem:$0x3FA1] =	sst s7  }
0x10: {  	[smem:$0x3FA2] =	sst s8  }
0x11: {  	[smem:$0x3FA3] =	sst s9;
	s0 =	simm.s32 @!p0 $0x0  }
0x12: {  	s1 =	sld [smem:$0x3F89];
	s0 =	simm.s32 @p0 $0x1  }
0x13: {  	[smem:$0x3FA4] =	sst s0;
	s0 =	simm.s32 @!p1 $0x0  }
0x14: {  	s2 =	sld [smem:$0x3F88];
	s0 =	simm.s32 @p1 $0x1  }
0x15: {  	[smem:$0x3FA5] =	sst s0;
	s0 =	simm.s32 @!p2 $0x0  }
0x16: {  	s3 =	sld [smem:$0x3FDB];
	s0 =	simm.s32 @p2 $0x1  }
0x17: {  	s4 =	simm.s32 $0x1BF5;
	[smem:$0x3FA7] =	sst s0  }
0x18: {  	s0 =	sld [smem:$0x3F8A];
	_ =	swait.ge [sflag:s4], $0x0  }
0x19: {  	s7 =	sld [smem:$0x3F8B]  }
0x1a: {  	s8 =	sadd.s32 $0xFFFFE003, lr  }
0x1b: {  	s9 =	sadd.s32 $0xFFFFFEF7, lr;
	s5 =	simm.s32 $0xFFFFFFFF;
	p2 =	slt.u32 s8, $0xFFFFF086  }
0x1c: {  	p1 =	slt.u32 s9, $0xF7A;
	s5 =	simm.s32 @!p2 $0x0  }
0x1d: {  	s5 =	simm.s32 @p1 $0x1;
	p0 =	seq.s32 s7, s2  }
0x1e: {  	s7 =	smul.u32 @!p0 $0xF7A, s2;
	p2 =	seq.s32 @!p0 s5, $0x0  }
0x1f: {  	s9 =	smul.u32 $0xF7A, s1;
	s8 =	simm.s32 @!p0 $0x1BF5;
	p2 =	por !p2, p0  }
0x20: {  	[sflag:s8] =	ssyncset.s32 @!p0 $0xFFFFF086;
	s6 =	sadd.s32 @!p0 s3, s7;
	s7 =	simm.s32 @!p0 $0x108  }
0x21: {  	s3 =	sadd.s32 s3, s9;
	s6 =	sadd.s32 @!p0 $0x88, s6;
	s7 =	simm.s32 @p2 $0x1082  }
0x22: {  	[simem:s7], [sflag:s8] =	dma.local @!p0 [hbm:s6], $0xF7A  }
0x23: {  	s9 =	sor.u32 $0xD0000000, s2;
	s6 =	simm.s32 $0x108;
	_ =	swait.ge @!p0 [sflag:s8], $0x0  }
0x24: {  	s3 =	sadd.s32 $0x88, s3;
	s6 =	simm.s32 @!p1 $0x1082;
	[sflag:s4] =	ssyncset.s32 $0xFFFFF086  }
0x25: {  	[simem:s6], [sflag:s4] =	dma.local [hbm:s3], $0xF7A  }
0x26: {  	[smem:$0x3F8B] =	sst s1;
	(tag) =	ssettag s2;
	_ =	strace s9  }
0x27: {  	s1 =	sld [smem:$0x3F9B]  }
0x28: {  	s2 =	sld [smem:$0x3F9C]  }
0x29: {  	s4 =	sld [smem:$0x3F9E]  }
0x2a: {  	p0 =	seq.s32 s5, $0x0;
	s5 =	sld [smem:$0x3F9F]  }
0x2b: {  	s6 =	sld [smem:$0x3FA0]  }
0x2c: {  	s7 =	sld [smem:$0x3FA1]  }
0x2d: {  	s3 =	simm.s32 $0x108;
	s8 =	sld [smem:$0x3FA2]  }
0x2e: {  	s3 =	simm.s32 @!p0 $0x1082;
	s9 =	sld [smem:$0x3FA3]  }
0x2f: {  	lr =	sadd.s32 s0, s3;
	s0 =	sld [smem:$0x3F9A]  }
0x30: {  	s3 =	sld [smem:$0x3F9D]  }
0x31: {  	[smem:$0x3FA6] =	sst s10  }
0x32: {  	s10 =	sld [smem:$0x3FA4];
	_ =	sdelay $0x3  }
0x33: {  	p0 =	seq.s32 s10, $0x1;
	s10 =	sld [smem:$0x3FA6];
	_ =	sdelay $0x3  }
0x34: {  	[smem:$0x3FA6] =	sst s10  }
0x35: {  	s10 =	sld [smem:$0x3FA5];
	_ =	sdelay $0x3  }
0x36: {  	p1 =	seq.s32 s10, $0x1;
	s10 =	sld [smem:$0x3FA6];
	_ =	sdelay $0x3  }
0x37: {  	[smem:$0x3FA6] =	sst s10  }
0x38: {  	s10 =	sld [smem:$0x3FA7]  }
0x39: {  	_ = 	snop;
	(pc) =	sbr.ind lr, $3  }
0x3a: {  	_ = 	snop  }
0x3b: {  	_ = 	snop  }
0x3c: {  	p2 =	seq.s32 s10, $0x1;
	s10 =	sld [smem:$0x3FA6]  }
0x3d: {  	_ =	shalt  }
0x3e: {  	_ =	shalt  }
0x3f: {  	_ =	shalt  }
0x40: {  	_ =	shalt  }
0x41: {  	_ =	shalt  }
0x42: {  	_ =	shalt  }
0x43: {  	_ =	shalt  }
0x44: {  	_ =	shalt  }
0x45: {  	_ =	shalt  }
0x46: {  	_ =	shalt  }
0x47: {  	_ =	shalt  }
0x48: {  	_ =	shalt  }
0x49: {  	_ =	shalt  }
0x4a: {  	_ =	shalt  }
0x4b: {  	_ =	shalt  }
0x4c: {  	_ =	shalt  }
0x4d: {  	_ =	shalt  }
0x4e: {  	_ =	shalt  }
0x4f: {  	_ =	shalt  }
0x50: {  	_ =	shalt  }
0x51: {  	_ =	shalt  }
0x52: {  	_ =	shalt  }
0x53: {  	_ =	shalt  }
0x54: {  	_ =	shalt  }
0x55: {  	_ =	shalt  }
0x56: {  	_ =	shalt  }
0x57: {  	_ =	shalt  }
0x58: {  	_ =	shalt  }
0x59: {  	_ =	shalt  }
0x5a: {  	_ =	shalt  }
0x5b: {  	_ =	shalt  }
0x5c: {  	_ =	shalt  }
0x5d: {  	_ =	shalt  }
0x5e: {  	_ =	shalt  }
0x5f: {  	_ =	shalt  }
0x60: {  	_ =	shalt  }
0x61: {  	_ =	shalt  }
0x62: {  	_ =	shalt  }
0x63: {  	_ =	shalt  }
0x64: {  	_ =	shalt  }
0x65: {  	_ =	shalt  }
0x66: {  	_ =	shalt  }
0x67: {  	_ =	shalt  }
0x68: {  	_ =	shalt  }
0x69: {  	_ =	shalt  }
0x6a: {  	_ =	shalt  }
0x6b: {  	_ =	shalt  }
0x6c: {  	_ =	shalt  }
0x6d: {  	_ =	shalt  }
0x6e: {  	_ =	shalt  }
0x6f: {  	_ =	shalt  }
0x70: {  	_ =	shalt  }
0x71: {  	_ =	shalt  }
0x72: {  	_ =	shalt  }
0x73: {  	_ =	shalt  }
0x74: {  	_ =	shalt  }
0x75: {  	_ =	shalt  }
0x76: {  	_ =	shalt  }
0x77: {  	_ =	shalt  }
0x78: {  	_ =	shalt  }
0x79: {  	_ =	shalt  }
0x7a: {  	_ =	shalt  }
0x7b: {  	_ =	shalt  }
0x7c: {  	_ =	shalt  }
0x7d: {  	_ =	shalt  }
0x7e: {  	_ =	shalt  }
0x7f: {  	_ =	shalt  }
0x80: {  	_ =	shalt  }
0x81: {  	_ =	shalt  }
0x82: {  	_ =	shalt  }
0x83: {  	_ =	shalt  }
0x84: {  	_ =	shalt  }
0x85: {  	_ =	shalt  }
0x86: {  	_ =	shalt  }
0x87: {  	_ =	shalt  }
.Lfunc_end0:
.L_simem_size_0:
called_computation.6_lowered:
.L_overlay_start_0:
0x88: {  	s2 =	sld [smem:$0x3FD9]  }
0x89: {  	s3 =	sld [smem:$0x3FFE];
	_ =	sdelay $0x1  }
0x8a: {  	s1 =	srdreg.scid  }
0x8b: {  	s0 =	sand.u32 $0x1, s1  }
0x8c: {  	s16 =	sshll.u32 s0, $0xA;
	s2 =	sadd.s32 s3, s2  }
0x8d: {  	s2 =	sadd.s32 s2, s16  }
0x8e: {  	[smem:$0x3FB2] =	sst s2  }
0x8f: {  	_ = 	snop  }
0x90: {  	(tm) =	ssettm $0x1  }
0x91: {  	s17 =	sld [smem:$0x3FFB];
	_ =	sdelay $0x3  }
0x92: {  	_ =	strace s17  }
0x93: {  	s2 =	sld [smem:$0x3FFC];
	_ =	sdelay $0x3  }
0x94: {  	_ =	strace s2  }
0x95: {  	s2 =	sld [smem:$0x3FFD];
	_ =	sdelay $0x3  }
0x96: {  	_ =	strace s2  }
0x97: {  	_ =	strace $0x8FFFFFFF  }
0x98: {  	s18 =	sld [smem:$0x3FDB];
	_ =	sdelay $0x1  }
0x99: {  	s19 =	simm.s32 $_scs_section_size  }
0x9a: {  	s4 =	simm.s32 $_size__tile_overlayer_lowered;
	s5 =	simm.s32 $_tile_overlayer_lowered  }
0x9b: {  	s22 =	simm.s32 $0x1BFF;
	s21 =	sshll.u32 s5, $0x1;
	s2 =	sadd.s32 s19, s18  }
0x9c: {  	s6 =	simm.s32 $0x0;
	s20 =	sshll.u32 s4, $0x1;
	s4 =	sadd.s32 s21, s2  }
0x9d: {  	[timem:s6], [sflag:s22] =	dma.local [hbm:s4], s20  }
0x9e: {  	_ =	swait.ge [sflag:s22], s20  }
0x9f: {  	s3 =	ssub.s32 $0x0, s20;
	[sflag:s22] =	ssyncset.done $0x0  }
0xa0: {  	[sflag:s22] =	ssyncadd.s32 s3;
	_ =	sdelay $0x1  }
0xa1: {  	s23 =	simm.s32 $0x1B8B  }
0xa2: {  	_ =	swait.ge [sflag:s23], $0x1  }
0xa3: {  	[sflag:s23] =	ssyncset.done $0x0  }
0xa4: {  	s25 =	simm.s32 $0x1B8E;
	s24 =	sld [smem:$0x3FFE];
	[sflag:s23] =	ssyncadd.s32 $0xFFFFFFFF  }
0xa5: {  	s26 =	simm.s32 $execute0_lowered;
	[smem:$0x3FD2] =	sst s25  }
0xa6: {  	s4 =	sshll.u32 s26, $0x1;
	_ =	strace $0x80000058;
	[dreg:$0x1] =	wrdreg $0xFFFFFFFF  }
0xa7: {  	s28 =	simm.s32 $_size_execute0_lowered;
	s2 =	sadd.s32 s2, s4;
	[dreg:$0x0] =	wrdreg $0x0  }
0xa8: {  	s4 =	sshll.u32 s28, $0x1;
	[dreg:$0x2] =	wrdreg s2  }
0xa9: {  	[dreg:$0x3] =	wrdreg s4  }
0xaa: {  	[dreg:$0x4] =	wrdreg $0xC0  }
0xab: {  	_ =	task [dreg:s6], $0x5FFFF  }
0xac: {  	[dreg:$0x1] =	wrdreg $0xFFFFFFFF  }
0xad: {  	[dreg:$0x0] =	wrdreg $0x60  }
0xae: {  	[dreg:$0x2] =	wrdreg s24  }
0xaf: {  	[dreg:$0x3] =	wrdreg $0x9  }
0xb0: {  	_ =	task.clear_ibuf [dreg:s6], $0x4FFFF;
	_ =	strace $0x90000058  }
0xb1: {  	s29 =	simm.s32 $0x9;
	_ =	strace $0x8000005A  }
0xb2: {  	_ =	swait.ge [sflag:s29], $0x1  }
0xb3: {  	[sflag:s29] =	ssyncadd.s32 $0xFFFFFFFF  }
0xb4: {  	_ =	strace $0x9000005A  }
0xb5: {  	_ =	sfence  }
0xb6: {  	s30 =	sld [smem:$0x0];
	_ =	sdelay $0x2  }
0xb7: {  	s31 =	sshll.u32 s1, $0xD;
	s1 =	sshrl.u32 s1, $0x2  }
0xb8: {  	s3 =	sand.u32 $0x4000, s31;
	s1 =	sadd.s32 s1, s30  }
0xb9: {  	s0 =	sor.u32 s3, s0;
	s1 =	sshll.u32 s1, $0x11  }
0xba: {  	s0 =	sor.u32 s1, s0  }
0xbb: {  	s0 =	sadd.s32 $0x8F2B, s0  }
0xbc: {  	[sflag:s0] =	ssyncadd.remote.s32 $0x1  }
0xbd: {  	_ =	sfence.sel $0xFFFF  }
0xbe: {  	[dreg:$0x0] =	wrdreg $0xFFFFFFFF;
	(pc) =	sbr.abs _section_cstart, $3  }
0xbf: {  	[dreg:$0x1] =	wrdreg $0xFFFFFFFF  }
0xc0: {  	_ =	task.clear_ibuf [dreg:s6], $0x2FFFF;
	_ =	strace $0x9FFFFFFF  }
0xc1: {  	(tm) =	ssettm $0x7FFFFFFF  }
tec
execute0_lowered:
.L_overlay_start_1:
0x0: {  	(tag) =	ssettag $0x1  }
0x1: {  	s0 =	rddreg [dreg:$0x0]  }
0x2: {  	s1 =	simm.s32 $0x0;
	s24 =	srdreg.scid;
	s10 =	simm.s32 $0x3D80  }
0x3: {  	s17 =	simm.s32 $0x4580;
	s18 =	simm.s32 $0x4D80;
	[smem:$0x7FF] =	sst s1  }
0x4: {  	s6 =	stileid.u32;
	s22 =	sadd.s32 $0x776400, s0;
	s4 =	sadd.s32 $0x906400, s0  }
0x5: {  	s19 =	simm.s32 $0x3;
	s5 =	sadd.s32 $0xA96400, s0;
	s23 =	sadd.s32 $0x5E6400, s0  }
0x6: {  	s7 =	sadd.s32 $0x1EE00, s0;
	s1 =	sand.u32 $0x1, s24;
	s2 =	sshll.u32 s6, $0x1  }
0x7: {  	s8 =	sadd.s32 $0x598000, s0;
	s3 =	sadd.s32 $0x5200, s0;
	s25 =	sadd.s32 $0x5600, s0  }
0x8: {  	s26 =	sadd.s32 $0x228000, s0;
	_ =	strace $0x80000059;
	[dreg:$0x2] =	wrdreg s22  }
0x9: {  	s13 =	sadd.s32 $0x906500, s0;
	s14 =	sadd.s32 $0x906600, s0;
	[dreg:$0x3] =	wrdreg s23  }
0xa: {  	s6 =	smul.u32 $0x500, s6;
	[dreg:$0x4] =	wrdreg s3;
	s2 =	sor.u32 s1, s2  }
0xb: {  	[dreg:$0x5] =	wrdreg s25;
	s28 =	ssub.s32 $0x2, s1;
	s1 =	smul.u32 $0xFFFFFD80, s1  }
.Ltmp0:
0xc: {  	s15 =	sadd.s32 $0xA96500, s0;
	[dreg:$0x6] =	wrdreg s26;
	(pc) =	sbr.rel .LBB2_1-.Ltmp0, $4  }
0xd: {  	v0 =	vimm.f32 $0.0e+00;
	v3 =	vlaneseq.u32;
	s9 =	smul.u32 $0x14, s2;
	s29 =	sshrl.u32 s28, $0x1;
	s31 =	ssub.s32 s1, s6  }
0xe: {  	vm0 =	vmmov $0xffff;
	vm1 =	vmmov $0xff;
	s16 =	sadd.s32 $0xA96600, s0;
	v4 =	vmul.u32 $0xFFFFFFFF, v3;
	s2 =	ssub.s32 s28, s29;
	[dreg:$0x9] =	wrdreg s31  }
0xf: {  	s24 =	simm.s32 $0x1;
	v1 =	vand.u32 $0x7, v3;
	v2 =	vshrl.u32 v3, $0x3;
	v3 =	vor.u32 $0x8, v3;
	s30 =	smax.u32 s2, $0x1;
	[dreg:$0x7] =	wrdreg s9  }
0x10: {  	s26 =	simm.s32 $0x2;
	v2 =	vmul.u32 $0x8, v2;
	v4 =	vadd.s32 $0xF, v4;
	s1 =	simm.s32 $0x0;
	v5 =	vmov s9;
	[dreg:$0x8] =	wrdreg s30  }
.LBB2_18:
0x11: {  	s1 =	rddreg [dreg:$0xa]  }
0x12: {  	s0 =	rddreg [dreg:$0x8];
	s1 =	sadd.s32 $0x1, s1  }
0x13: {  	p0 =	sne.s32 s1, s0  }
.Ltmp1:
0x14: {  	_ = 	snop;
	(pc) =	sbr.rel @!p0 .LBB2_19-.Ltmp1, $1  }
0x15: {  	_ =	sdelay $0x3  }
.LBB2_1:
0x16: {  	[dreg:$0xa] =	wrdreg s1  }
0x17: {  	s0 =	simm.s32 $0x0;
	s29 =	rddreg [dreg:$0x5];
	s2 =	simm.s32 $0x11580  }
0x18: {  	[tilespmem:s2], [sflag:$0x3] =	stream.linear.gather [hbm4b:s29+s0], $0x1400, $0x38;
	[tilespmem:$0x12C80] =	vst v63  }
0x19: {  	_ =	swait.ge [sflag:s19], $0x1400  }
0x1a: {  	[sflag:s19] =	ssyncset.done $0x0  }
0x1b: {  	s31 =	simm.s32 $0x12980;
	s30 =	rddreg [dreg:$0x4];
	[sflag:s19] =	ssyncadd.s32 $0xFFFFEC00  }
0x1c: {  	[tilespmem:s31], [sflag:$0x3] =	stream.linear.gather [hbm4b:s30+s0], $0x300, $0x38;
	[tilespmem:$0x12C80] =	vst v63  }
0x1d: {  	_ =	swait.ge [sflag:s19], $0x300  }
0x1e: {  	[sflag:s19] =	ssyncset.done $0x0  }
0x1f: {  	[sflag:s19] =	ssyncadd.s32 $0xFFFFFD00  }
0x20: {  	[tilespmem:$0x10180] =	vst v0  }
0x21: {  	[tilespmem:$0x10200] =	vst v0  }
0x22: {  	[tilespmem:$0x10280] =	vst v0  }
0x23: {  	[tilespmem:$0x10300] =	vst v0  }
0x24: {  	[tilespmem:$0x10380] =	vst v0  }
0x25: {  	[tilespmem:$0x10400] =	vst v0  }
0x26: {  	[tilespmem:$0x10480] =	vst v0  }
0x27: {  	[tilespmem:$0x10500] =	vst v0  }
0x28: {  	[tilespmem:$0x10580] =	vst v0  }
0x29: {  	[tilespmem:$0x10600] =	vst v0  }
0x2a: {  	[tilespmem:$0x10680] =	vst v0  }
0x2b: {  	[tilespmem:$0x10700] =	vst v0  }
0x2c: {  	[tilespmem:$0x10780] =	vst v0  }
0x2d: {  	[tilespmem:$0x10800] =	vst v0  }
0x2e: {  	[tilespmem:$0x10880] =	vst v0  }
0x2f: {  	[tilespmem:$0x10900] =	vst v0  }
0x30: {  	[tilespmem:$0x10980] =	vst v0  }
0x31: {  	[tilespmem:$0x10A00] =	vst v0  }
0x32: {  	[tilespmem:$0x10A80] =	vst v0  }
0x33: {  	[tilespmem:$0x10B00] =	vst v0  }
0x34: {  	[tilespmem:$0x10B80] =	vst v0  }
0x35: {  	[tilespmem:$0x10C00] =	vst v0  }
0x36: {  	[tilespmem:$0x10C80] =	vst v0  }
0x37: {  	[tilespmem:$0x10D00] =	vst v0  }
0x38: {  	[tilespmem:$0x10D80] =	vst v0  }
0x39: {  	[tilespmem:$0x10E00] =	vst v0  }
0x3a: {  	[tilespmem:$0x10E80] =	vst v0  }
0x3b: {  	[tilespmem:$0x10F00] =	vst v0  }
0x3c: {  	[tilespmem:$0x10F80] =	vst v0  }
0x3d: {  	[tilespmem:$0x11000] =	vst v0  }
0x3e: {  	[tilespmem:$0x11080] =	vst v0  }
0x3f: {  	[tilespmem:$0x11100] =	vst v0  }
0x40: {  	[tilespmem:$0x11180] =	vst v0  }
0x41: {  	[tilespmem:$0x11200] =	vst v0  }
0x42: {  	[tilespmem:$0x11280] =	vst v0  }
.Ltmp2:
0x43: {  	[tilespmem:$0x11300] =	vst v0;
	(pc) =	sbr.rel .LBB2_2-.Ltmp2, $4  }
0x44: {  	[tilespmem:$0x11380] =	vst v0  }
0x45: {  	[tilespmem:$0x11400] =	vst v0  }
0x46: {  	[tilespmem:$0x11480] =	vst v0  }
0x47: {  	s22 =	simm.s32 $0x0;
	s23 =	rddreg [dreg:$0x9];
	[tilespmem:$0x11500] =	vst v0  }
.LBB2_17:
0x48: {  	s22 =	sadd.s32 $0x1, s22  }
0x49: {  	s0 =	rddreg [dreg:$0x6];
	s1 =	simm.s32 $0x0;
	p0 =	sne.s32 s22, $0x14  }
.Ltmp3:
0x4a: {  	s2 =	simm.s32 $0xB180;
	s0 =	sadd.s32 s0, s9;
	(pc) =	sbr.rel @!p0 .LBB2_18-.Ltmp3, $4  }
0x4b: {  	[hbm4b:s0+s1] =	stream.linear.scatter [tilespmem:s2], [sflag:$0x3], $0x5000, $0x38;
	[tilespmem:$0x12C80] =	vst v63  }
0x4c: {  	_ =	swait.ge [sflag:s19], $0x5000  }
0x4d: {  	[sflag:s19] =	ssyncset.done $0x0  }
0x4e: {  	s23 =	sadd.s32 $0xFFFFFFE0, s23;
	[sflag:s19] =	ssyncadd.s32 $0xFFFFB000  }
.LBB2_2:
0x4f: {  	s0 =	simm.s32 $0x0  }
0x50: {  	s0 =	smul.u32 $0x5000, s0  }
0x51: {  	s1 =	simm.s32 $0x0  }
0x52: {  	s2 =	sand.u32 $0x380, s1;
	s0 =	sshra.s32 s0, $0x2  }
0x53: {  	s0 =	sor.u32 s2, s0  }
0x54: {  	[tilespmem:s0+$0xC1F0] =	vst v0  }
0x55: {  	[tilespmem:s0+$0xB180] =	vst v0  }
0x56: {  	[tilespmem:s0+$0xB190] =	vst v0  }
0x57: {  	[tilespmem:s0+$0xB1A0] =	vst v0  }
0x58: {  	[tilespmem:s0+$0xB1B0] =	vst v0  }
0x59: {  	[tilespmem:s0+$0xB1C0] =	vst v0  }
0x5a: {  	[tilespmem:s0+$0xB1D0] =	vst v0  }
0x5b: {  	[tilespmem:s0+$0xB1E0] =	vst v0  }
0x5c: {  	[tilespmem:s0+$0xB1F0] =	vst v0  }
0x5d: {  	[tilespmem:s0+$0xB580] =	vst v0  }
0x5e: {  	[tilespmem:s0+$0xB590] =	vst v0  }
0x5f: {  	[tilespmem:s0+$0xB5A0] =	vst v0  }
0x60: {  	[tilespmem:s0+$0xB5B0] =	vst v0  }
0x61: {  	[tilespmem:s0+$0xB5C0] =	vst v0  }
0x62: {  	[tilespmem:s0+$0xB5D0] =	vst v0  }
0x63: {  	[tilespmem:s0+$0xB5E0] =	vst v0  }
0x64: {  	[tilespmem:s0+$0xB5F0] =	vst v0  }
0x65: {  	[tilespmem:s0+$0xB980] =	vst v0  }
0x66: {  	[tilespmem:s0+$0xB990] =	vst v0  }
0x67: {  	[tilespmem:s0+$0xB9A0] =	vst v0  }
0x68: {  	[tilespmem:s0+$0xB9B0] =	vst v0  }
0x69: {  	[tilespmem:s0+$0xB9C0] =	vst v0  }
0x6a: {  	[tilespmem:s0+$0xB9D0] =	vst v0  }
0x6b: {  	[tilespmem:s0+$0xB9E0] =	vst v0  }
0x6c: {  	[tilespmem:s0+$0xB9F0] =	vst v0  }
0x6d: {  	[tilespmem:s0+$0xBD80] =	vst v0  }
0x6e: {  	[tilespmem:s0+$0xBD90] =	vst v0  }
0x6f: {  	[tilespmem:s0+$0xBDA0] =	vst v0  }
0x70: {  	[tilespmem:s0+$0xBDB0] =	vst v0  }
0x71: {  	[tilespmem:s0+$0xBDC0] =	vst v0  }
0x72: {  	[tilespmem:s0+$0xBDD0] =	vst v0  }
0x73: {  	[tilespmem:s0+$0xBDE0] =	vst v0  }
0x74: {  	[tilespmem:s0+$0xBDF0] =	vst v0  }
0x75: {  	[tilespmem:s0+$0xC180] =	vst v0  }
0x76: {  	[tilespmem:s0+$0xC190] =	vst v0  }
0x77: {  	s3 =	simm.s32 $0x0;
	s2 =	simm.s32 $0x2;
	[tilespmem:s0+$0xC1A0] =	vst v0  }
.LBB2_3:
0x78: {  	p0 =	sne.s32 s2, $0x1F;
	s3 =	smul.u32 $0x5000, s3;
	[tilespmem:s0+$0xC1B0] =	vst v0  }
0x79: {  	s1 =	sadd.s32 $0x80, s1;
	[tilespmem:s0+$0xC1C0] =	vst v0  }
0x7a: {  	s6 =	sand.u32 $0x380, s1;
	s3 =	sshra.s32 s3, $0x2;
	[tilespmem:s0+$0xC1D0] =	vst v0  }
0x7b: {  	[tilespmem:s0+$0xC1E0] =	vst v0;
	s0 =	sor.u32 s6, s3  }
0x7c: {  	[tilespmem:s0+$0xC1F0] =	vst v0  }
0x7d: {  	[tilespmem:s0+$0xB180] =	vst v0  }
0x7e: {  	[tilespmem:s0+$0xB190] =	vst v0  }
0x7f: {  	[tilespmem:s0+$0xB1A0] =	vst v0  }
0x80: {  	[tilespmem:s0+$0xB1B0] =	vst v0  }
0x81: {  	[tilespmem:s0+$0xB1C0] =	vst v0  }
0x82: {  	[tilespmem:s0+$0xB1D0] =	vst v0  }
0x83: {  	[tilespmem:s0+$0xB1E0] =	vst v0  }
0x84: {  	[tilespmem:s0+$0xB1F0] =	vst v0  }
0x85: {  	[tilespmem:s0+$0xB580] =	vst v0  }
0x86: {  	[tilespmem:s0+$0xB590] =	vst v0  }
0x87: {  	[tilespmem:s0+$0xB5A0] =	vst v0  }
0x88: {  	[tilespmem:s0+$0xB5B0] =	vst v0  }
0x89: {  	[tilespmem:s0+$0xB5C0] =	vst v0  }
0x8a: {  	[tilespmem:s0+$0xB5D0] =	vst v0  }
0x8b: {  	[tilespmem:s0+$0xB5E0] =	vst v0  }
0x8c: {  	[tilespmem:s0+$0xB5F0] =	vst v0  }
0x8d: {  	[tilespmem:s0+$0xB980] =	vst v0  }
0x8e: {  	[tilespmem:s0+$0xB990] =	vst v0  }
0x8f: {  	[tilespmem:s0+$0xB9A0] =	vst v0  }
0x90: {  	[tilespmem:s0+$0xB9B0] =	vst v0  }
0x91: {  	[tilespmem:s0+$0xB9C0] =	vst v0  }
0x92: {  	[tilespmem:s0+$0xB9D0] =	vst v0  }
0x93: {  	[tilespmem:s0+$0xB9E0] =	vst v0  }
0x94: {  	[tilespmem:s0+$0xB9F0] =	vst v0  }
0x95: {  	[tilespmem:s0+$0xBD80] =	vst v0  }
0x96: {  	[tilespmem:s0+$0xBD90] =	vst v0  }
0x97: {  	[tilespmem:s0+$0xBDA0] =	vst v0  }
0x98: {  	[tilespmem:s0+$0xBDB0] =	vst v0  }
0x99: {  	[tilespmem:s0+$0xBDC0] =	vst v0  }
0x9a: {  	[tilespmem:s0+$0xBDD0] =	vst v0  }
.Ltmp4:
0x9b: {  	[tilespmem:s0+$0xBDE0] =	vst v0;
	(pc) =	sbr.rel @p0 .LBB2_3-.Ltmp4, $4  }
0x9c: {  	[tilespmem:s0+$0xBDF0] =	vst v0  }
0x9d: {  	[tilespmem:s0+$0xC180] =	vst v0  }
0x9e: {  	[tilespmem:s0+$0xC190] =	vst v0  }
0x9f: {  	s3 =	sshrl.u32 s2, $0x3;
	s2 =	sadd.s32 $0x1, s2;
	[tilespmem:s0+$0xC1A0] =	vst v0  }
0xa0: {  	s2 =	smul.u32 $0x5000, s3;
	[tilespmem:s0+$0xC1B0] =	vst v0  }
0xa1: {  	[tilespmem:s0+$0xC1C0] =	vst v0;
	s1 =	sadd.s32 $0x80, s1  }
0xa2: {  	[tilespmem:s0+$0xC1D0] =	vst v0;
	s1 =	sand.u32 $0x380, s1;
	s2 =	sshra.s32 s2, $0x2  }
0xa3: {  	[tilespmem:s0+$0xC1E0] =	vst v0;
	s1 =	sor.u32 s1, s2  }
0xa4: {  	[tilespmem:s1+$0xC1F0] =	vst v0  }
0xa5: {  	[tilespmem:s1+$0xB180] =	vst v0  }
0xa6: {  	[tilespmem:s1+$0xB190] =	vst v0  }
0xa7: {  	[tilespmem:s1+$0xB1A0] =	vst v0  }
0xa8: {  	[tilespmem:s1+$0xB1B0] =	vst v0  }
0xa9: {  	[tilespmem:s1+$0xB1C0] =	vst v0  }
0xaa: {  	[tilespmem:s1+$0xB1D0] =	vst v0  }
0xab: {  	[tilespmem:s1+$0xB1E0] =	vst v0  }
0xac: {  	[tilespmem:s1+$0xB1F0] =	vst v0  }
0xad: {  	[tilespmem:s1+$0xB580] =	vst v0  }
0xae: {  	[tilespmem:s1+$0xB590] =	vst v0  }
0xaf: {  	[tilespmem:s1+$0xB5A0] =	vst v0  }
0xb0: {  	[tilespmem:s1+$0xB5B0] =	vst v0  }
0xb1: {  	[tilespmem:s1+$0xB5C0] =	vst v0  }
0xb2: {  	[tilespmem:s1+$0xB5D0] =	vst v0  }
0xb3: {  	[tilespmem:s1+$0xB5E0] =	vst v0  }
0xb4: {  	[tilespmem:s1+$0xB5F0] =	vst v0  }
0xb5: {  	[tilespmem:s1+$0xB980] =	vst v0  }
0xb6: {  	[tilespmem:s1+$0xB990] =	vst v0  }
0xb7: {  	[tilespmem:s1+$0xB9A0] =	vst v0  }
0xb8: {  	[tilespmem:s1+$0xB9B0] =	vst v0  }
0xb9: {  	[tilespmem:s1+$0xB9C0] =	vst v0  }
0xba: {  	[tilespmem:s1+$0xB9D0] =	vst v0  }
0xbb: {  	[tilespmem:s1+$0xB9E0] =	vst v0  }
0xbc: {  	[tilespmem:s1+$0xB9F0] =	vst v0  }
0xbd: {  	[tilespmem:s1+$0xBD80] =	vst v0  }
0xbe: {  	[tilespmem:s1+$0xBD90] =	vst v0  }
0xbf: {  	[tilespmem:s1+$0xBDA0] =	vst v0  }
0xc0: {  	[tilespmem:s1+$0xBDB0] =	vst v0  }
0xc1: {  	[tilespmem:s1+$0xBDC0] =	vst v0  }
0xc2: {  	[tilespmem:s1+$0xBDD0] =	vst v0  }
0xc3: {  	[tilespmem:s1+$0xBDE0] =	vst v0  }
0xc4: {  	[tilespmem:s1+$0xBDF0] =	vst v0  }
0xc5: {  	[tilespmem:s1+$0xC180] =	vst v0  }
0xc6: {  	[tilespmem:s1+$0xC190] =	vst v0  }
0xc7: {  	s3 =	rddreg [dreg:$0x7];
	[tilespmem:s1+$0xC1A0] =	vst v0  }
0xc8: {  	s0 =	sadd.s32 s3, s22;
	[tilespmem:s1+$0xC1B0] =	vst v0  }
0xc9: {  	s9 =	smul.u32 $0xA00, s0;
	[tilespmem:s1+$0xC1C0] =	vst v0  }
0xca: {  	s6 =	rddreg [dreg:$0x2];
	[tilespmem:s1+$0xC1D0] =	vst v0  }
0xcb: {  	s11 =	simm.s32 $0x5180;
	s2 =	simm.s32 $0x0;
	[tilespmem:s1+$0xC1E0] =	vst v0;
	s1 =	sadd.s32 s6, s9  }
0xcc: {  	[tilespmem:s11], [sflag:$0x3] =	stream.linear.gather [hbm4b:s1+s2], $0x5000, $0x38;
	[tilespmem:$0x12C80] =	vst v63  }
0xcd: {  	_ =	swait.ge [sflag:s19], $0x5000  }
0xce: {  	s12 =	sshll.u32 s0, $0x9;
	[sflag:s19] =	ssyncset.done $0x0;
	s20 =	rddreg [dreg:$0x3]  }
0xcf: {  	s21 =	simm.s32 $0xA180;
	[sflag:s19] =	ssyncadd.s32 $0xFFFFB000;
	s1 =	sadd.s32 s20, s12  }
0xd0: {  	[tilespmem:s21], [sflag:$0x3] =	stream.linear.gather [hbm4b:s1+s2], $0x1000, $0x38;
	[tilespmem:$0x12C80] =	vst v63  }
0xd1: {  	_ =	swait.ge [sflag:s19], $0x1000  }
0xd2: {  	[sflag:s19] =	ssyncset.done $0x0  }
0xd3: {  	[sflag:s19] =	ssyncadd.s32 $0xFFFFF000  }
0xd4: {  	v6 =	vld.idx.msk [tilespmem:v5+s22+$0x12980 ss:$0x1], $0xffff;
	_ =	sdelay $0x4  }
0xd5: {  	(v2sf) =	vpush v6, $0x0;
	_ =	sdelay $0x1  }
0xd6: {  	v6 =	vld.idx.msk [tilespmem:v5+s22+$0x12981 ss:$0x1], $0xffff;
	_ =	sdelay $0x4  }
0xd7: {  	(v2sf) =	vpush v6, $0x0;
	_ =	sdelay $0x7  }
0xd8: {  	s6 =	spop (v2sf)  }
0xd9: {  	s25 =	sand.u32 $0xF, s6  }
0xda: {  	s28 =	sshra.s32 s6, $0x1F;
	p0 =	slt.s32 s6, $0x1;
	p1 =	sne.s32 s25, $0x0  }
0xdb: {  	s29 =	sshrl.u32 s28, $0x1C;
	p0 =	por !p0, !p1  }
0xdc: {  	s3 =	simm.s32 $0x1;
	s1 =	sadd.s32 s29, s6;
	p0 =	por !p0, !p0  }
0xdd: {  	s1 =	sshra.s32 s1, $0x4;
	s3 =	simm.s32 @!p0 $0x0  }
0xde: {  	s11 =	ssub.s32 s1, s3  }
0xdf: {  	s12 =	spop (v2sf);
	s1 =	sshll.u32 s11, $0x4  }
0xe0: {  	s1 =	ssub.s32 s12, s1  }
0xe1: {  	s1 =	sadd.s32 $0xF, s1  }
0xe2: {  	s30 =	sand.u32 $0xF, s1  }
0xe3: {  	s31 =	sshra.s32 s1, $0x1F;
	p6 =	slt.s32 s1, $0x1;
	p5 =	sne.s32 s30, $0x0  }
0xe4: {  	s3 =	sshrl.u32 s31, $0x1C;
	p0 =	por !p6, !p5  }
0xe5: {  	s1 =	sadd.s32 s3, s1;
	s3 =	simm.s32 $0x1;
	p0 =	por !p0, !p0  }
0xe6: {  	s1 =	sshra.s32 s1, $0x4;
	s3 =	simm.s32 @!p0 $0x0  }
0xe7: {  	s20 =	ssub.s32 s1, s3  }
0xe8: {  	p0 =	slt.s32 s20, $0x1  }
.Ltmp5:
0xe9: {  	_ = 	snop;
	(pc) =	sbr.rel @p0 .LBB2_17-.Ltmp5, $1  }
0xea: {  	_ =	sdelay $0x3  }
.Ltmp6:
0xeb: {  	(pc) =	sbr.rel .LBB2_6-.Ltmp6, $3  }
0xec: {  	_ =	sdelay $0x1  }
0xed: {  	[dreg:$0xb] =	wrdreg s9  }
0xee: {  	s25 =	sshll.u32 s0, $0x5;
	v7 =	vimm.f32 $-1.000000020e+30;
	v6 =	vimm.f32 $0.0e+00;
	s1 =	simm.s32 $0xFFFFFFFF;
	v8 =	vimm.f32 $0.0e+00;
	s28 =	simm.s32 $0x0  }
.LBB2_12:
0xef: {  	s28 =	sadd.s32 $0x1, s28  }
0xf0: {  	p0 =	sne.s32 s28, s20  }
.Ltmp7:
0xf1: {  	_ = 	snop;
	(pc) =	sbr.rel @!p0 .LBB2_13-.Ltmp7, $1  }
0xf2: {  	_ =	sdelay $0x3  }
.LBB2_6:
0xf3: {  	s0 =	sadd.s32 s11, s28  }
0xf4: {  	s29 =	sshll.u32 s0, $0x4  }
0xf5: {  	s0 =	sand.u32 $0x1FFFFFF0, s29  }
0xf6: {  	s3 =	sadd.s32 s7, s0  }
0xf7: {  	[tilespmem:s2], [sflag:$0x1] =	stream.linear.gather [hbm4b:s3+s2], $0x80, $0x38;
	[tilespmem:$0x12C80] =	vst v63  }
0xf8: {  	s31 =	simm.s32 $0x80;
	s0 =	sadd.s32 s8, s0  }
0xf9: {  	[tilespmem:s31], [sflag:$0x2] =	stream.linear.gather [hbm4b:s0+s2], $0x80, $0x38;
	[tilespmem:$0x12C80] =	vst v63  }
0xfa: {  	_ =	swait.ge [sflag:s24], $0x80  }
0xfb: {  	[sflag:s24] =	ssyncset.done $0x0  }
0xfc: {  	[sflag:s24] =	ssyncadd.s32 $0xFFFFFF80  }
0xfd: {  	_ =	swait.ge [sflag:s26], $0x80  }
0xfe: {  	[sflag:s26] =	ssyncset.done $0x0  }
0xff: {  	[sflag:s26] =	ssyncadd.s32 $0xFFFFFF80  }
0x100: {  	v9 =	vld [tilespmem:$0x0];
	_ =	sdelay $0x4  }
0x101: {  	v10 =	vshrl.u32 v9, $0x3  }
0x102: {  	v10 =	vmul.u32 $0x28, v10  }
0x103: {  	v11 =	vand.u32 $0x7, v9  }
0x104: {  	v10 =	vor.u32 v11, v10  }
0x105: {  	v11 =	vperm.xlane v10, v1;
	_ =	sdelay $0x1  }
0x106: {  	v11 =	vadd.s32 v2, v11;
	_ =	sdelay $0x3  }
0x107: {  	s9 =	simm.s32 $0x180;
	[tilespmem:$0x100] =	vst v9;
	v9 =	vperm.xlane v10, v3  }
0x108: {  	[tilespmem:s9], [sflag:$0x1] =	stream.indirect_vreg.gather [hbm4b:s4+s2], $0x80, v11, vm0, $0xb8;
	[tilespmem:$0x12C80] =	vst v63  }
0x109: {  	s19 =	simm.s32 $0x980;
	v9 =	vadd.s32 v2, v9  }
0x10a: {  	[tilespmem:s19], [sflag:$0x1] =	stream.indirect_vreg.gather [hbm4b:s13+s2], $0x80, v11, vm0, $0xb8;
	[tilespmem:$0x12C80] =	vst v63  }
0x10b: {  	s21 =	simm.s32 $0x1180  }
0x10c: {  	[tilespmem:s21], [sflag:$0x1] =	stream.indirect_vreg.gather [hbm4b:s14+s2], $0x80, v11, vm1, $0xb8;
	[tilespmem:$0x12C80] =	vst v63  }
0x10d: {  	s31 =	simm.s32 $0x1580  }
0x10e: {  	[tilespmem:s31], [sflag:$0x1] =	stream.indirect_vreg.gather [hbm4b:s4+s2], $0x80, v9, vm0, $0xb8;
	[tilespmem:$0x12C80] =	vst v63  }
0x10f: {  	s3 =	simm.s32 $0x1D80  }
0x110: {  	[tilespmem:s3], [sflag:$0x1] =	stream.indirect_vreg.gather [hbm4b:s13+s2], $0x80, v9, vm0, $0xb8;
	[tilespmem:$0x12C80] =	vst v63  }
0x111: {  	s9 =	simm.s32 $0x2580  }
0x112: {  	[tilespmem:s9], [sflag:$0x1] =	stream.indirect_vreg.gather [hbm4b:s14+s2], $0x80, v9, vm1, $0xb8;
	[tilespmem:$0x12C80] =	vst v63  }
0x113: {  	v9 =	vld [tilespmem:$0x100];
	_ =	sdelay $0x4  }
0x114: {  	v10 =	vshrl.u32 v9, $0x3  }
0x115: {  	v10 =	vmul.u32 $0x28, v10  }
0x116: {  	v9 =	vand.u32 $0x7, v9  }
0x117: {  	v9 =	vor.u32 v9, v10  }
0x118: {  	v10 =	vperm.xlane v9, v1;
	_ =	sdelay $0x1  }
0x119: {  	v10 =	vadd.s32 v2, v10;
	_ =	sdelay $0x3  }
0x11a: {  	s19 =	simm.s32 $0x2980;
	v9 =	vperm.xlane v9, v3  }
0x11b: {  	[tilespmem:s19], [sflag:$0x2] =	stream.indirect_vreg.gather [hbm4b:s5+s2], $0x80, v10, vm0, $0xb8;
	[tilespmem:$0x12C80] =	vst v63  }
0x11c: {  	s21 =	simm.s32 $0x3180;
	v9 =	vadd.s32 v2, v9  }
0x11d: {  	[tilespmem:s21], [sflag:$0x2] =	stream.indirect_vreg.gather [hbm4b:s15+s2], $0x80, v10, vm0, $0xb8;
	[tilespmem:$0x12C80] =	vst v63  }
0x11e: {  	s31 =	simm.s32 $0x3980  }
0x11f: {  	[tilespmem:s31], [sflag:$0x2] =	stream.indirect_vreg.gather [hbm4b:s16+s2], $0x80, v10, vm1, $0xb8;
	[tilespmem:$0x12C80] =	vst v63  }
0x120: {  	_ = 	snop  }
0x121: {  	[tilespmem:s10], [sflag:$0x2] =	stream.indirect_vreg.gather [hbm4b:s5+s2], $0x80, v9, vm0, $0xb8;
	[tilespmem:$0x12C80] =	vst v63  }
0x122: {  	_ = 	snop  }
0x123: {  	[tilespmem:s17], [sflag:$0x2] =	stream.indirect_vreg.gather [hbm4b:s15+s2], $0x80, v9, vm0, $0xb8;
	[tilespmem:$0x12C80] =	vst v63  }
0x124: {  	_ = 	snop  }
0x125: {  	[tilespmem:s18], [sflag:$0x2] =	stream.indirect_vreg.gather [hbm4b:s16+s2], $0x80, v9, vm1, $0xb8;
	[tilespmem:$0x12C80] =	vst v63  }
0x126: {  	_ =	swait.ge [sflag:s24], $0x2800  }
.Ltmp8:
0x127: {  	[sflag:s24] =	ssyncset.done $0x0;
	(pc) =	sbr.rel .LBB2_7-.Ltmp8, $4  }
0x128: {  	[sflag:s24] =	ssyncadd.s32 $0xFFFFD800  }
0x129: {  	_ =	swait.ge [sflag:s26], $0x2800  }
0x12a: {  	[sflag:s26] =	ssyncset.done $0x0  }
0x12b: {  	s30 =	simm.s32 $0x0;
	[sflag:s26] =	ssyncadd.s32 $0xFFFFD800  }
.LBB2_10:
0x12c: {  	v10 =	vmul.f32 v13, v10;
	v11 =	vmul.f32 v14, v11;
	_ =	sdelay $0x1  }
0x12d: {  	v10 =	vadd.f32 v11, v10;
	_ =	sdelay $0x1  }
0x12e: {  	[tilespmem:v12+s0+$0x30 ss:$0x1] =	vst.idx.msk $0xffff, v10  }
0x12f: {  	[tilespmem:s0+$0x10500] =	vst v0  }
.LBB2_11:
0x130: {  	s0 =	ssub.s32 s31, s25  }
0x131: {  	p2 =	sgt.s32 s0, $0x0  }
0x132: {  	s0 =	simm.s32 @!p2 $0x0  }
0x133: {  	s0 =	smin.u32 s0, $0x1F  }
0x134: {  	s19 =	sshrl.u32 s0, $0x3  }
0x135: {  	s21 =	sshrl.u32 s30, $0x3;
	s9 =	smul.u32 $0x5000, s19  }
0x136: {  	s21 =	smul.u32 $0x1400, s21;
	s3 =	sshll.u32 s0, $0x7  }
0x137: {  	s19 =	sand.u32 $0x380, s3;
	s0 =	sshrl.u32 s9, $0x2;
	s9 =	sshll.u32 s30, $0x7  }
0x138: {  	s19 =	sor.u32 s19, s0;
	s9 =	sand.u32 $0x380, s9  }
0x139: {  	v10 =	vld [tilespmem:s19+$0x5180];
	s0 =	sor.u32 s9, s21  }
0x13a: {  	v11 =	vld [tilespmem:s0+$0x180]  }
0x13b: {  	v12 =	vld [tilespmem:s19+$0x5190]  }
0x13c: {  	v13 =	vld [tilespmem:s0+$0x190]  }
0x13d: {  	v14 =	vld [tilespmem:s19+$0x51A0]  }
0x13e: {  	v15 =	vld [tilespmem:s0+$0x1A0]  }
0x13f: {  	v16 =	vld [tilespmem:s0+$0x1B0];
	v10 =	vmul.f32 v11, v10  }
0x140: {  	v11 =	vld [tilespmem:s19+$0x51B0]  }
0x141: {  	v43 =	vld [tilespmem:s19+$0x51C0];
	v12 =	vmul.f32 v13, v12;
	v10 =	vadd.f32 $0.0e+00, v10  }
0x142: {  	v17 =	vld [tilespmem:s0+$0x1C0]  }
0x143: {  	v45 =	vld [tilespmem:s19+$0x51D0];
	v44 =	vmul.f32 v15, v14;
	v10 =	vadd.f32 v12, v10  }
0x144: {  	v46 =	vld [tilespmem:s0+$0x1D0]  }
0x145: {  	v47 =	vld [tilespmem:s19+$0x51E0];
	v11 =	vmul.f32 v16, v11;
	v10 =	vadd.f32 v44, v10  }
0x146: {  	v48 =	vld [tilespmem:s0+$0x1E0]  }
0x147: {  	v49 =	vld [tilespmem:s19+$0x51F0];
	v10 =	vadd.f32 v11, v10;
	v11 =	vmul.f32 v17, v43  }
0x148: {  	v50 =	vld [tilespmem:s0+$0x1F0]  }
0x149: {  	v51 =	vld [tilespmem:s19+$0x5580];
	v10 =	vadd.f32 v11, v10;
	v11 =	vmul.f32 v46, v45  }
0x14a: {  	v52 =	vld [tilespmem:s0+$0x580]  }
0x14b: {  	v53 =	vld [tilespmem:s19+$0x5590];
	v10 =	vadd.f32 v11, v10;
	v11 =	vmul.f32 v48, v47  }
0x14c: {  	v54 =	vld [tilespmem:s0+$0x590]  }
0x14d: {  	v55 =	vld [tilespmem:s19+$0x55A0];
	v10 =	vadd.f32 v11, v10;
	v11 =	vmul.f32 v50, v49  }
0x14e: {  	v56 =	vld [tilespmem:s0+$0x5A0]  }
0x14f: {  	v57 =	vld [tilespmem:s19+$0x55B0];
	v10 =	vadd.f32 v11, v10;
	v11 =	vmul.f32 v52, v51  }
0x150: {  	v58 =	vld [tilespmem:s0+$0x5B0]  }
0x151: {  	v59 =	vld [tilespmem:s19+$0x55C0];
	v10 =	vadd.f32 v11, v10;
	v11 =	vmul.f32 v54, v53  }
0x152: {  	v60 =	vld [tilespmem:s0+$0x5C0]  }
0x153: {  	v61 =	vld [tilespmem:s19+$0x55D0];
	v10 =	vadd.f32 v11, v10;
	v11 =	vmul.f32 v56, v55  }
0x154: {  	v62 =	vld [tilespmem:s0+$0x5D0]  }
0x155: {  	v63 =	vld [tilespmem:s19+$0x55E0];
	v10 =	vadd.f32 v11, v10;
	v11 =	vmul.f32 v58, v57  }
0x156: {  	v20 =	vld [tilespmem:s0+$0x5E0]  }
0x157: {  	v21 =	vld [tilespmem:s19+$0x55F0];
	v10 =	vadd.f32 v11, v10;
	v11 =	vmul.f32 v60, v59  }
0x158: {  	v22 =	vld [tilespmem:s0+$0x5F0]  }
0x159: {  	v23 =	vld [tilespmem:s19+$0x5980];
	v10 =	vadd.f32 v11, v10;
	v11 =	vmul.f32 v62, v61  }
0x15a: {  	v24 =	vld [tilespmem:s0+$0x980]  }
0x15b: {  	v25 =	vld [tilespmem:s19+$0x5990];
	v10 =	vadd.f32 v11, v10;
	v11 =	vmul.f32 v20, v63  }
0x15c: {  	v26 =	vld [tilespmem:s0+$0x990]  }
0x15d: {  	v27 =	vld [tilespmem:s19+$0x59A0];
	v10 =	vadd.f32 v11, v10;
	v11 =	vmul.f32 v22, v21  }
0x15e: {  	v28 =	vld [tilespmem:s0+$0x9A0]  }
0x15f: {  	v29 =	vld [tilespmem:s19+$0x59B0];
	v10 =	vadd.f32 v11, v10;
	v11 =	vmul.f32 v24, v23  }
0x160: {  	v30 =	vld [tilespmem:s0+$0x9B0]  }
0x161: {  	v31 =	vld [tilespmem:s19+$0x59C0];
	v10 =	vadd.f32 v11, v10;
	v11 =	vmul.f32 v26, v25  }
0x162: {  	v32 =	vld [tilespmem:s0+$0x9C0]  }
0x163: {  	v33 =	vld [tilespmem:s19+$0x59D0];
	v10 =	vadd.f32 v11, v10;
	v11 =	vmul.f32 v28, v27  }
0x164: {  	v34 =	vld [tilespmem:s0+$0x9D0]  }
0x165: {  	v35 =	vld [tilespmem:s19+$0x59E0];
	v10 =	vadd.f32 v11, v10;
	v11 =	vmul.f32 v30, v29  }
0x166: {  	v36 =	vld [tilespmem:s0+$0x9E0]  }
0x167: {  	v37 =	vld [tilespmem:s19+$0x59F0];
	v10 =	vadd.f32 v11, v10;
	v11 =	vmul.f32 v32, v31  }
0x168: {  	v38 =	vld [tilespmem:s0+$0x9F0]  }
0x169: {  	v39 =	vld [tilespmem:s19+$0x5D80];
	v10 =	vadd.f32 v11, v10;
	v11 =	vmul.f32 v34, v33  }
0x16a: {  	v40 =	vld [tilespmem:s0+$0xD80]  }
0x16b: {  	v41 =	vld [tilespmem:s19+$0x5D90];
	v10 =	vadd.f32 v11, v10;
	v11 =	vmul.f32 v36, v35  }
0x16c: {  	v42 =	vld [tilespmem:s0+$0xD90]  }
0x16d: {  	v44 =	vld [tilespmem:s0+$0xDA0];
	v10 =	vadd.f32 v11, v10;
	v11 =	vmul.f32 v38, v37  }
0x16e: {  	v43 =	vld [tilespmem:s19+$0x5DA0]  }
0x16f: {  	v45 =	vld [tilespmem:s19+$0x5DB0];
	v10 =	vadd.f32 v11, v10;
	v11 =	vmul.f32 v40, v39  }
0x170: {  	v46 =	vld [tilespmem:s0+$0xDB0]  }
0x171: {  	v47 =	vld [tilespmem:s19+$0x5DC0];
	v10 =	vadd.f32 v11, v10;
	v11 =	vmul.f32 v42, v41  }
0x172: {  	v48 =	vld [tilespmem:s0+$0xDC0]  }
0x173: {  	v49 =	vld [tilespmem:s19+$0x5DD0];
	v10 =	vadd.f32 v11, v10;
	v11 =	vmul.f32 v44, v43  }
0x174: {  	v50 =	vld [tilespmem:s0+$0xDD0]  }
0x175: {  	v51 =	vld [tilespmem:s19+$0x5DE0];
	v10 =	vadd.f32 v11, v10;
	v11 =	vmul.f32 v46, v45  }
0x176: {  	v52 =	vld [tilespmem:s0+$0xDE0]  }
0x177: {  	v53 =	vld [tilespmem:s19+$0x5DF0];
	v10 =	vadd.f32 v11, v10;
	v11 =	vmul.f32 v48, v47  }
0x178: {  	v54 =	vld [tilespmem:s0+$0xDF0]  }
0x179: {  	v55 =	vld [tilespmem:s19+$0x6180];
	v10 =	vadd.f32 v11, v10;
	v11 =	vmul.f32 v50, v49  }
0x17a: {  	v56 =	vld [tilespmem:s0+$0x1180]  }
0x17b: {  	v57 =	vld [tilespmem:s19+$0x6190];
	v10 =	vadd.f32 v11, v10;
	v11 =	vmul.f32 v52, v51  }
0x17c: {  	v58 =	vld [tilespmem:s0+$0x1190]  }
0x17d: {  	v59 =	vld [tilespmem:s19+$0x61A0];
	v10 =	vadd.f32 v11, v10;
	v11 =	vmul.f32 v54, v53  }
0x17e: {  	v60 =	vld [tilespmem:s0+$0x11A0]  }
0x17f: {  	v61 =	vld [tilespmem:s19+$0x61B0];
	v10 =	vadd.f32 v11, v10;
	v11 =	vmul.f32 v56, v55  }
0x180: {  	v62 =	vld [tilespmem:s0+$0x11B0]  }
0x181: {  	v63 =	vld [tilespmem:s19+$0x61C0];
	v10 =	vadd.f32 v11, v10;
	v11 =	vmul.f32 v58, v57  }
0x182: {  	v20 =	vld [tilespmem:s0+$0x11C0]  }
0x183: {  	v21 =	vld [tilespmem:s19+$0x61D0];
	v10 =	vadd.f32 v11, v10;
	v11 =	vmul.f32 v60, v59  }
0x184: {  	v22 =	vld [tilespmem:s0+$0x11D0]  }
0x185: {  	v23 =	vld [tilespmem:s19+$0x61E0];
	v10 =	vadd.f32 v11, v10;
	v11 =	vmul.f32 v62, v61  }
0x186: {  	v24 =	vld [tilespmem:s0+$0x11E0]  }
0x187: {  	v25 =	vld [tilespmem:s19+$0x61F0];
	v10 =	vadd.f32 v11, v10;
	v11 =	vmul.f32 v20, v63  }
0x188: {  	v26 =	vld [tilespmem:s0+$0x11F0]  }
0x189: {  	v10 =	vadd.f32 v11, v10;
	v11 =	vmul.f32 v22, v21;
	_ =	sdelay $0x1  }
0x18a: {  	v10 =	vadd.f32 v11, v10;
	v11 =	vmul.f32 v24, v23;
	_ =	sdelay $0x1  }
0x18b: {  	v10 =	vadd.f32 v11, v10;
	v11 =	vmul.f32 v26, v25  }
0x18c: {  	v27 =	vld [tilespmem:s3+$0xA180]  }
0x18d: {  	v11 =	vadd.f32 v11, v10;
	_ =	sdelay $0x1  }
0x18e: {  	v10 =	vbroadcast v9, $0x0;
	v28 =	vperm.xlane v11, v4;
	_ =	sdelay $0x1  }
0x18f: {  	v9 =	vadd.f32 v11, v28;
	v11 =	vmul.f32 v27, v10;
	_ =	sdelay $0x1  }
0x190: {  	v11 =	vadd.f32 v11, v9  }
0x191: {  	v29 =	vpsel p1, $0xF149F2CA, v7  }
0x192: {  	v9 =	vmax.f32 v29, v11  }
0x193: {  	v12 =	vsub.f32 v29, v9  }
0x194: {  	v11 =	vsub.f32 v11, v9  }
0x195: {  	v12 =	vmul.f32 $1.442695020e+00, v12  }
0x196: {  	v11 =	vmul.f32 $1.442695020e+00, v11  }
0x197: {  	(erf) = vpow2.f32 v12  }
0x198: {  	(erf) = vpow2.f32 v11;
	_ =	sdelay $0x4  }
0x199: {  	v30 =	vld [tilespmem:$0x10180]  }
0x19a: {  	v31 =	vld [tilespmem:s0+$0x2980];
	_ =	sdelay $0x1  }
0x19b: {  	v11 =	vpop (erf)  }
0x19c: {  	v32 =	vpop (erf)  }
0x19d: {  	v12 =	vpsel !p0, $0x3F800000, v11;
	v11 =	vpsel !p0, $0x0, v32  }
0x19e: {  	v13 =	vmul.f32 v12, v30;
	v14 =	vmul.f32 v11, v31;
	_ =	sdelay $0x1  }
0x19f: {  	v13 =	vadd.f32 v14, v13;
	_ =	sdelay $0x1  }
0x1a0: {  	v33 =	vld [tilespmem:$0x10200];
	[tilespmem:$0x10180] =	vst v13  }
0x1a1: {  	v34 =	vld [tilespmem:s0+$0x2990];
	_ =	sdelay $0x4  }
0x1a2: {  	v13 =	vmul.f32 v12, v33;
	v14 =	vmul.f32 v11, v34;
	_ =	sdelay $0x1  }
0x1a3: {  	v13 =	vadd.f32 v14, v13;
	_ =	sdelay $0x1  }
0x1a4: {  	v35 =	vld [tilespmem:$0x10280];
	[tilespmem:$0x10200] =	vst v13  }
0x1a5: {  	v36 =	vld [tilespmem:s0+$0x29A0];
	_ =	sdelay $0x4  }
0x1a6: {  	v13 =	vmul.f32 v12, v35;
	v14 =	vmul.f32 v36, v11;
	_ =	sdelay $0x1  }
0x1a7: {  	v13 =	vadd.f32 v14, v13;
	_ =	sdelay $0x1  }
0x1a8: {  	v37 =	vld [tilespmem:$0x10300];
	[tilespmem:$0x10280] =	vst v13  }
0x1a9: {  	v38 =	vld [tilespmem:s0+$0x29B0];
	_ =	sdelay $0x4  }
0x1aa: {  	v13 =	vmul.f32 v37, v12;
	v14 =	vmul.f32 v38, v11;
	_ =	sdelay $0x1  }
0x1ab: {  	v13 =	vadd.f32 v14, v13;
	_ =	sdelay $0x1  }
0x1ac: {  	v39 =	vld [tilespmem:$0x10380];
	[tilespmem:$0x10300] =	vst v13  }
0x1ad: {  	v40 =	vld [tilespmem:s0+$0x29C0];
	_ =	sdelay $0x4  }
0x1ae: {  	v13 =	vmul.f32 v39, v12;
	v14 =	vmul.f32 v40, v11;
	_ =	sdelay $0x1  }
0x1af: {  	v13 =	vadd.f32 v14, v13;
	_ =	sdelay $0x1  }
0x1b0: {  	v41 =	vld [tilespmem:$0x10400];
	[tilespmem:$0x10380] =	vst v13  }
0x1b1: {  	v42 =	vld [tilespmem:s0+$0x29D0];
	_ =	sdelay $0x4  }
0x1b2: {  	v13 =	vmul.f32 v41, v12;
	v14 =	vmul.f32 v42, v11;
	_ =	sdelay $0x1  }
0x1b3: {  	v13 =	vadd.f32 v14, v13;
	_ =	sdelay $0x1  }
0x1b4: {  	v43 =	vld [tilespmem:$0x10480];
	[tilespmem:$0x10400] =	vst v13  }
0x1b5: {  	v44 =	vld [tilespmem:s0+$0x29E0];
	_ =	sdelay $0x4  }
0x1b6: {  	v13 =	vmul.f32 v43, v12;
	v14 =	vmul.f32 v44, v11;
	_ =	sdelay $0x1  }
0x1b7: {  	v13 =	vadd.f32 v14, v13;
	_ =	sdelay $0x1  }
0x1b8: {  	v45 =	vld [tilespmem:$0x10500];
	[tilespmem:$0x10480] =	vst v13  }
0x1b9: {  	v46 =	vld [tilespmem:s0+$0x29F0];
	_ =	sdelay $0x4  }
0x1ba: {  	v13 =	vmul.f32 v45, v12;
	v14 =	vmul.f32 v46, v11;
	_ =	sdelay $0x1  }
0x1bb: {  	v13 =	vadd.f32 v14, v13;
	_ =	sdelay $0x1  }
0x1bc: {  	v47 =	vld [tilespmem:$0x10580];
	[tilespmem:$0x10500] =	vst v13  }
0x1bd: {  	v48 =	vld [tilespmem:s0+$0x2D80];
	_ =	sdelay $0x4  }
0x1be: {  	v13 =	vmul.f32 v47, v12;
	v14 =	vmul.f32 v48, v11;
	_ =	sdelay $0x1  }
0x1bf: {  	v13 =	vadd.f32 v14, v13;
	_ =	sdelay $0x1  }
0x1c0: {  	v49 =	vld [tilespmem:$0x10600];
	[tilespmem:$0x10580] =	vst v13  }
0x1c1: {  	v50 =	vld [tilespmem:s0+$0x2D90];
	_ =	sdelay $0x4  }
0x1c2: {  	v13 =	vmul.f32 v49, v12;
	v14 =	vmul.f32 v50, v11;
	_ =	sdelay $0x1  }
0x1c3: {  	v13 =	vadd.f32 v14, v13;
	_ =	sdelay $0x1  }
0x1c4: {  	v51 =	vld [tilespmem:$0x10680];
	[tilespmem:$0x10600] =	vst v13  }
0x1c5: {  	v52 =	vld [tilespmem:s0+$0x2DA0];
	_ =	sdelay $0x4  }
0x1c6: {  	v13 =	vmul.f32 v51, v12;
	v14 =	vmul.f32 v52, v11;
	_ =	sdelay $0x1  }
0x1c7: {  	v13 =	vadd.f32 v14, v13;
	_ =	sdelay $0x1  }
0x1c8: {  	v53 =	vld [tilespmem:$0x10700];
	[tilespmem:$0x10680] =	vst v13  }
0x1c9: {  	v54 =	vld [tilespmem:s0+$0x2DB0];
	_ =	sdelay $0x4  }
0x1ca: {  	v13 =	vmul.f32 v53, v12;
	v14 =	vmul.f32 v54, v11;
	_ =	sdelay $0x1  }
0x1cb: {  	v13 =	vadd.f32 v14, v13;
	_ =	sdelay $0x1  }
0x1cc: {  	v55 =	vld [tilespmem:$0x10780];
	[tilespmem:$0x10700] =	vst v13  }
0x1cd: {  	v56 =	vld [tilespmem:s0+$0x2DC0];
	_ =	sdelay $0x4  }
0x1ce: {  	v13 =	vmul.f32 v55, v12;
	v14 =	vmul.f32 v56, v11;
	_ =	sdelay $0x1  }
0x1cf: {  	v13 =	vadd.f32 v14, v13;
	_ =	sdelay $0x1  }
0x1d0: {  	v57 =	vld [tilespmem:$0x10800];
	[tilespmem:$0x10780] =	vst v13  }
0x1d1: {  	v58 =	vld [tilespmem:s0+$0x2DD0];
	_ =	sdelay $0x4  }
0x1d2: {  	v13 =	vmul.f32 v57, v12;
	v14 =	vmul.f32 v58, v11;
	_ =	sdelay $0x1  }
0x1d3: {  	v13 =	vadd.f32 v14, v13;
	_ =	sdelay $0x1  }
0x1d4: {  	v59 =	vld [tilespmem:$0x10880];
	[tilespmem:$0x10800] =	vst v13  }
0x1d5: {  	v60 =	vld [tilespmem:s0+$0x2DE0];
	_ =	sdelay $0x4  }
0x1d6: {  	v13 =	vmul.f32 v59, v12;
	v14 =	vmul.f32 v60, v11;
	_ =	sdelay $0x1  }
0x1d7: {  	v13 =	vadd.f32 v14, v13;
	_ =	sdelay $0x1  }
0x1d8: {  	v61 =	vld [tilespmem:$0x10900];
	[tilespmem:$0x10880] =	vst v13  }
0x1d9: {  	v62 =	vld [tilespmem:s0+$0x2DF0];
	_ =	sdelay $0x4  }
0x1da: {  	v13 =	vmul.f32 v61, v12;
	v14 =	vmul.f32 v62, v11;
	_ =	sdelay $0x1  }
0x1db: {  	v13 =	vadd.f32 v14, v13;
	_ =	sdelay $0x1  }
0x1dc: {  	v63 =	vld [tilespmem:$0x10980];
	[tilespmem:$0x10900] =	vst v13  }
0x1dd: {  	v16 =	vld [tilespmem:s0+$0x3180];
	_ =	sdelay $0x4  }
0x1de: {  	v13 =	vmul.f32 v63, v12;
	v14 =	vmul.f32 v16, v11;
	_ =	sdelay $0x1  }
0x1df: {  	v13 =	vadd.f32 v14, v13;
	_ =	sdelay $0x1  }
0x1e0: {  	v17 =	vld [tilespmem:$0x10A00];
	[tilespmem:$0x10980] =	vst v13  }
0x1e1: {  	v18 =	vld [tilespmem:s0+$0x3190];
	_ =	sdelay $0x4  }
0x1e2: {  	v13 =	vmul.f32 v17, v12;
	v14 =	vmul.f32 v18, v11;
	_ =	sdelay $0x1  }
0x1e3: {  	v13 =	vadd.f32 v14, v13;
	_ =	sdelay $0x1  }
0x1e4: {  	v19 =	vld [tilespmem:$0x10A80];
	[tilespmem:$0x10A00] =	vst v13  }
0x1e5: {  	v20 =	vld [tilespmem:s0+$0x31A0];
	_ =	sdelay $0x4  }
0x1e6: {  	v13 =	vmul.f32 v19, v12;
	v14 =	vmul.f32 v20, v11;
	_ =	sdelay $0x1  }
0x1e7: {  	v13 =	vadd.f32 v14, v13;
	_ =	sdelay $0x1  }
0x1e8: {  	v21 =	vld [tilespmem:$0x10B00];
	[tilespmem:$0x10A80] =	vst v13  }
0x1e9: {  	v22 =	vld [tilespmem:s0+$0x31B0];
	_ =	sdelay $0x4  }
0x1ea: {  	v13 =	vmul.f32 v21, v12;
	v14 =	vmul.f32 v22, v11;
	_ =	sdelay $0x1  }
0x1eb: {  	v13 =	vadd.f32 v14, v13;
	_ =	sdelay $0x1  }
0x1ec: {  	v23 =	vld [tilespmem:$0x10B80];
	[tilespmem:$0x10B00] =	vst v13  }
0x1ed: {  	v24 =	vld [tilespmem:s0+$0x31C0];
	_ =	sdelay $0x4  }
0x1ee: {  	v13 =	vmul.f32 v23, v12;
	v14 =	vmul.f32 v24, v11;
	_ =	sdelay $0x1  }
0x1ef: {  	v13 =	vadd.f32 v14, v13;
	_ =	sdelay $0x1  }
0x1f0: {  	v25 =	vld [tilespmem:$0x10C00];
	[tilespmem:$0x10B80] =	vst v13  }
0x1f1: {  	v26 =	vld [tilespmem:s0+$0x31D0];
	_ =	sdelay $0x4  }
0x1f2: {  	v13 =	vmul.f32 v25, v12;
	v14 =	vmul.f32 v26, v11;
	_ =	sdelay $0x1  }
0x1f3: {  	v13 =	vadd.f32 v14, v13;
	_ =	sdelay $0x1  }
0x1f4: {  	v27 =	vld [tilespmem:$0x10C80];
	[tilespmem:$0x10C00] =	vst v13  }
0x1f5: {  	v28 =	vld [tilespmem:s0+$0x31E0];
	_ =	sdelay $0x4  }
0x1f6: {  	v13 =	vmul.f32 v27, v12;
	v14 =	vmul.f32 v28, v11;
	_ =	sdelay $0x1  }
0x1f7: {  	v13 =	vadd.f32 v14, v13;
	_ =	sdelay $0x1  }
0x1f8: {  	v29 =	vld [tilespmem:$0x10D00];
	[tilespmem:$0x10C80] =	vst v13  }
0x1f9: {  	v30 =	vld [tilespmem:s0+$0x31F0];
	_ =	sdelay $0x4  }
0x1fa: {  	v13 =	vmul.f32 v29, v12;
	v14 =	vmul.f32 v30, v11;
	_ =	sdelay $0x1  }
0x1fb: {  	v13 =	vadd.f32 v14, v13;
	_ =	sdelay $0x1  }
0x1fc: {  	v31 =	vld [tilespmem:$0x10D80];
	[tilespmem:$0x10D00] =	vst v13  }
0x1fd: {  	v32 =	vld [tilespmem:s0+$0x3580];
	_ =	sdelay $0x4  }
0x1fe: {  	v13 =	vmul.f32 v31, v12;
	v14 =	vmul.f32 v32, v11;
	_ =	sdelay $0x1  }
0x1ff: {  	v13 =	vadd.f32 v14, v13;
	_ =	sdelay $0x1  }
0x200: {  	v33 =	vld [tilespmem:$0x10E00];
	[tilespmem:$0x10D80] =	vst v13  }
0x201: {  	v34 =	vld [tilespmem:s0+$0x3590];
	_ =	sdelay $0x4  }
0x202: {  	v13 =	vmul.f32 v33, v12;
	v14 =	vmul.f32 v34, v11;
	_ =	sdelay $0x1  }
0x203: {  	v13 =	vadd.f32 v14, v13;
	_ =	sdelay $0x1  }
0x204: {  	v35 =	vld [tilespmem:$0x10E80];
	[tilespmem:$0x10E00] =	vst v13  }
0x205: {  	v36 =	vld [tilespmem:s0+$0x35A0];
	_ =	sdelay $0x4  }
0x206: {  	v13 =	vmul.f32 v35, v12;
	v14 =	vmul.f32 v36, v11;
	_ =	sdelay $0x1  }
0x207: {  	v13 =	vadd.f32 v14, v13;
	_ =	sdelay $0x1  }
0x208: {  	v37 =	vld [tilespmem:$0x10F00];
	[tilespmem:$0x10E80] =	vst v13  }
0x209: {  	v38 =	vld [tilespmem:s0+$0x35B0];
	_ =	sdelay $0x4  }
0x20a: {  	v13 =	vmul.f32 v37, v12;
	v14 =	vmul.f32 v38, v11;
	_ =	sdelay $0x1  }
0x20b: {  	v13 =	vadd.f32 v14, v13;
	_ =	sdelay $0x1  }
0x20c: {  	v39 =	vld [tilespmem:$0x10F80];
	[tilespmem:$0x10F00] =	vst v13  }
0x20d: {  	v40 =	vld [tilespmem:s0+$0x35C0];
	_ =	sdelay $0x4  }
0x20e: {  	v13 =	vmul.f32 v39, v12;
	v14 =	vmul.f32 v40, v11;
	_ =	sdelay $0x1  }
0x20f: {  	v13 =	vadd.f32 v14, v13;
	_ =	sdelay $0x1  }
0x210: {  	v41 =	vld [tilespmem:$0x11000];
	[tilespmem:$0x10F80] =	vst v13  }
0x211: {  	v42 =	vld [tilespmem:s0+$0x35D0];
	_ =	sdelay $0x4  }
0x212: {  	v13 =	vmul.f32 v41, v12;
	v14 =	vmul.f32 v42, v11;
	_ =	sdelay $0x1  }
0x213: {  	v13 =	vadd.f32 v14, v13;
	_ =	sdelay $0x1  }
0x214: {  	v43 =	vld [tilespmem:$0x11080];
	[tilespmem:$0x11000] =	vst v13  }
0x215: {  	v44 =	vld [tilespmem:s0+$0x35E0];
	_ =	sdelay $0x4  }
0x216: {  	v13 =	vmul.f32 v43, v12;
	v14 =	vmul.f32 v44, v11;
	_ =	sdelay $0x1  }
0x217: {  	v13 =	vadd.f32 v14, v13;
	_ =	sdelay $0x1  }
0x218: {  	v45 =	vld [tilespmem:$0x11100];
	[tilespmem:$0x11080] =	vst v13  }
0x219: {  	v46 =	vld [tilespmem:s0+$0x35F0];
	_ =	sdelay $0x4  }
0x21a: {  	v13 =	vmul.f32 v45, v12;
	v14 =	vmul.f32 v46, v11;
	_ =	sdelay $0x1  }
0x21b: {  	v13 =	vadd.f32 v14, v13;
	_ =	sdelay $0x1  }
0x21c: {  	v47 =	vld [tilespmem:$0x11180];
	[tilespmem:$0x11100] =	vst v13  }
0x21d: {  	v48 =	vld [tilespmem:s0+$0x3980];
	_ =	sdelay $0x4  }
0x21e: {  	v13 =	vmul.f32 v47, v12;
	v14 =	vmul.f32 v48, v11;
	_ =	sdelay $0x1  }
0x21f: {  	v13 =	vadd.f32 v14, v13;
	_ =	sdelay $0x1  }
0x220: {  	v49 =	vld [tilespmem:$0x11200];
	[tilespmem:$0x11180] =	vst v13  }
0x221: {  	v50 =	vld [tilespmem:s0+$0x3990];
	_ =	sdelay $0x4  }
0x222: {  	v13 =	vmul.f32 v49, v12;
	v14 =	vmul.f32 v50, v11;
	_ =	sdelay $0x1  }
0x223: {  	v13 =	vadd.f32 v14, v13;
	_ =	sdelay $0x1  }
0x224: {  	v51 =	vld [tilespmem:$0x11280];
	[tilespmem:$0x11200] =	vst v13  }
0x225: {  	v52 =	vld [tilespmem:s0+$0x39A0];
	_ =	sdelay $0x4  }
0x226: {  	v13 =	vmul.f32 v51, v12;
	v14 =	vmul.f32 v52, v11;
	_ =	sdelay $0x1  }
0x227: {  	v13 =	vadd.f32 v14, v13;
	_ =	sdelay $0x1  }
0x228: {  	v53 =	vld [tilespmem:$0x11300];
	[tilespmem:$0x11280] =	vst v13  }
0x229: {  	v54 =	vld [tilespmem:s0+$0x39B0];
	_ =	sdelay $0x4  }
0x22a: {  	v13 =	vmul.f32 v53, v12;
	v14 =	vmul.f32 v54, v11;
	_ =	sdelay $0x1  }
0x22b: {  	v13 =	vadd.f32 v14, v13;
	_ =	sdelay $0x1  }
0x22c: {  	v55 =	vld [tilespmem:$0x11380];
	[tilespmem:$0x11300] =	vst v13  }
0x22d: {  	v56 =	vld [tilespmem:s0+$0x39C0];
	_ =	sdelay $0x4  }
0x22e: {  	v13 =	vmul.f32 v55, v12;
	v14 =	vmul.f32 v56, v11;
	_ =	sdelay $0x1  }
0x22f: {  	v13 =	vadd.f32 v14, v13;
	_ =	sdelay $0x1  }
0x230: {  	v57 =	vld [tilespmem:$0x11400];
	[tilespmem:$0x11380] =	vst v13  }
0x231: {  	v58 =	vld [tilespmem:s0+$0x39D0];
	_ =	sdelay $0x4  }
0x232: {  	v13 =	vmul.f32 v57, v12;
	v14 =	vmul.f32 v58, v11;
	_ =	sdelay $0x1  }
0x233: {  	v13 =	vadd.f32 v14, v13;
	_ =	sdelay $0x1  }
0x234: {  	v59 =	vld [tilespmem:$0x11480];
	[tilespmem:$0x11400] =	vst v13  }
0x235: {  	v60 =	vld [tilespmem:s0+$0x39E0];
	_ =	sdelay $0x4  }
0x236: {  	v13 =	vmul.f32 v59, v12;
	v14 =	vmul.f32 v60, v11;
	_ =	sdelay $0x1  }
0x237: {  	v13 =	vadd.f32 v14, v13;
	_ =	sdelay $0x1  }
0x238: {  	v61 =	vld [tilespmem:$0x11500];
	[tilespmem:$0x11480] =	vst v13  }
0x239: {  	v62 =	vld [tilespmem:s0+$0x39F0];
	_ =	sdelay $0x2  }
0x23a: {  	s30 =	sadd.s32 $0x1, s30  }
0x23b: {  	v8 =	vpsel p1, $0x0, v8;
	v6 =	vpsel p1, $0x0, v6;
	p1 =	sne.s32 s30, $0x10  }
.Ltmp9:
0x23c: {  	v13 =	vmul.f32 v61, v12;
	v14 =	vmul.f32 v62, v11;
	(pc) =	sbr.rel @!p1 .LBB2_12-.Ltmp9, $3  }
0x23d: {  	v8 =	vmul.f32 v12, v8  }
0x23e: {  	v6 =	vmul.f32 v12, v6;
	v10 =	vmul.f32 v11, v10;
	v63 =	vadd.f32 v14, v13;
	_ =	sdelay $0x1  }
0x23f: {  	s1 =	smov.u32 @p0 s31;
	v7 =	vpsel p0, v9, v7;
	v8 =	vadd.f32 v8, v11;
	v6 =	vadd.f32 v10, v6;
	[tilespmem:$0x11500] =	vst v63  }
.LBB2_7:
0x240: {  	v9 =	vld [tilespmem:s30+$0x10];
	_ =	sdelay $0x4  }
0x241: {  	(v2sf) =	vpush v9, $0x0;
	_ =	sdelay $0xc  }
0x242: {  	s0 =	sadd.s32 s29, s30  }
0x243: {  	p0 =	sge.s32 s0, s6;
	p1 =	slt.s32 s0, s12  }
0x244: {  	p0 =	por !p0, !p1;
	s31 =	spop (v2sf)  }
0x245: {  	p0 =	por !p0, !p0;
	p6 =	sne.s32 s31, s1  }
0x246: {  	p1 =	por !p0, !p6  }
0x247: {  	p2 =	slt.s32 s1, $0x0;
	p1 =	por !p1, !p1  }
0x248: {  	p2 =	por p2, !p1  }
.Ltmp10:
0x249: {  	_ = 	snop;
	(pc) =	sbr.rel @p2 .LBB2_11-.Ltmp10, $2  }
0x24a: {  	_ =	sdelay $0x2  }
0x24b: {  	v9 =	vld [tilespmem:s30+$0x80]  }
0x24c: {  	(erf) = vrcp.f32 v8;
	_ =	sdelay $0x3  }
0x24d: {  	s0 =	sadd.s32 s1, s23  }
0x24e: {  	s3 =	sshrl.u32 s0, $0x3;
	s0 =	simm.s32 $0x0  }
0x24f: {  	s19 =	sand.u32 $0x7, s1;
	s3 =	smul.u32 $0x5000, s3;
	v13 =	vld [tilespmem:s0+$0x10180]  }
0x250: {  	s19 =	sshll.u32 s19, $0x9;
	v14 =	vld [tilespmem:s0+$0x11580]  }
0x251: {  	s3 =	sor.u32 s19, s3  }
0x252: {  	s3 =	sshra.s32 s3, $0x2;
	v10 =	vpop (erf)  }
0x253: {  	s3 =	sadd.s32 $0xB1C0, s3;
	v11 =	vmul.f32 v10, v6  }
0x254: {  	v12 =	vmov s3  }
0x255: {  	v13 =	vmul.f32 v13, v10;
	v14 =	vmul.f32 v14, v11;
	_ =	sdelay $0x1  }
0x256: {  	v13 =	vadd.f32 v14, v13;
	_ =	sdelay $0x1  }
0x257: {  	[tilespmem:v12+s0+$0xFFFFFFC0 ss:$0x1] =	vst.idx.msk $0xffff, v13  }
0x258: {  	v13 =	vld [tilespmem:s0+$0x10200]  }
0x259: {  	v14 =	vld [tilespmem:s0+$0x11600];
	_ =	sdelay $0x4  }
0x25a: {  	v13 =	vmul.f32 v13, v10;
	v14 =	vmul.f32 v14, v11;
	_ =	sdelay $0x1  }
0x25b: {  	v13 =	vadd.f32 v14, v13  }
0x25c: {  	[tilespmem:s0+$0x10180] =	vst v0  }
0x25d: {  	[tilespmem:v12+s0+$0xFFFFFFD0 ss:$0x1] =	vst.idx.msk $0xffff, v13  }
0x25e: {  	v13 =	vld [tilespmem:s0+$0x10280]  }
0x25f: {  	v14 =	vld [tilespmem:s0+$0x11680];
	_ =	sdelay $0x4  }
0x260: {  	v13 =	vmul.f32 v13, v10;
	v14 =	vmul.f32 v14, v11;
	_ =	sdelay $0x1  }
0x261: {  	v13 =	vadd.f32 v14, v13  }
0x262: {  	[tilespmem:s0+$0x10200] =	vst v0  }
0x263: {  	[tilespmem:v12+s0+$0xFFFFFFE0 ss:$0x1] =	vst.idx.msk $0xffff, v13  }
0x264: {  	v13 =	vld [tilespmem:s0+$0x10300]  }
0x265: {  	v14 =	vld [tilespmem:s0+$0x11700];
	_ =	sdelay $0x4  }
0x266: {  	v13 =	vmul.f32 v13, v10;
	v14 =	vmul.f32 v14, v11;
	_ =	sdelay $0x1  }
0x267: {  	v13 =	vadd.f32 v14, v13  }
0x268: {  	[tilespmem:s0+$0x10280] =	vst v0  }
0x269: {  	[tilespmem:v12+s0+$0xFFFFFFF0 ss:$0x1] =	vst.idx.msk $0xffff, v13  }
0x26a: {  	v13 =	vld [tilespmem:s0+$0x10380]  }
0x26b: {  	v14 =	vld [tilespmem:s0+$0x11780];
	_ =	sdelay $0x4  }
0x26c: {  	v13 =	vmul.f32 v13, v10;
	v14 =	vmul.f32 v14, v11;
	_ =	sdelay $0x1  }
0x26d: {  	v13 =	vadd.f32 v14, v13  }
0x26e: {  	[tilespmem:s0+$0x10300] =	vst v0  }
0x26f: {  	[tilespmem:v12+s0+$0x0 ss:$0x1] =	vst.idx.msk $0xffff, v13  }
0x270: {  	v13 =	vld [tilespmem:s0+$0x10400]  }
0x271: {  	v14 =	vld [tilespmem:s0+$0x11800];
	_ =	sdelay $0x4  }
0x272: {  	v13 =	vmul.f32 v13, v10;
	v14 =	vmul.f32 v14, v11;
	_ =	sdelay $0x1  }
0x273: {  	v13 =	vadd.f32 v14, v13  }
0x274: {  	[tilespmem:s0+$0x10380] =	vst v0  }
0x275: {  	[tilespmem:v12+s0+$0x10 ss:$0x1] =	vst.idx.msk $0xffff, v13  }
0x276: {  	v13 =	vld [tilespmem:s0+$0x10480]  }
0x277: {  	v14 =	vld [tilespmem:s0+$0x11880];
	_ =	sdelay $0x4  }
0x278: {  	v13 =	vmul.f32 v13, v10;
	v14 =	vmul.f32 v14, v11;
	_ =	sdelay $0x1  }
0x279: {  	v13 =	vadd.f32 v14, v13  }
0x27a: {  	[tilespmem:s0+$0x10400] =	vst v0  }
0x27b: {  	[tilespmem:v12+s0+$0x20 ss:$0x1] =	vst.idx.msk $0xffff, v13  }
0x27c: {  	v13 =	vld [tilespmem:s0+$0x10500]  }
0x27d: {  	v14 =	vld [tilespmem:s0+$0x11900]  }
0x27e: {  	s3 =	simm.s32 $0x1000;
	[tilespmem:s0+$0x10480] =	vst v0  }
.LBB2_9:
0x27f: {  	p2 =	sne.s32 s3, $0x4000;
	s19 =	smov.u32 s3;
	s3 =	sadd.s32 $0x1000, s3  }
0x280: {  	_ = 	snop  }
0x281: {  	v13 =	vmul.f32 v13, v10  }
0x282: {  	v14 =	vmul.f32 v14, v11;
	_ =	sdelay $0x1  }
0x283: {  	v13 =	vadd.f32 v14, v13;
	_ =	sdelay $0x1  }
0x284: {  	s19 =	sshra.s32 s19, $0x2;
	[tilespmem:v12+s0+$0x30 ss:$0x1] =	vst.idx.msk $0xffff, v13  }
0x285: {  	v13 =	vld [tilespmem:s19+$0x10180];
	[tilespmem:s0+$0x10500] =	vst v0;
	s0 =	smov.u32 s19  }
0x286: {  	v14 =	vld [tilespmem:s0+$0x11580];
	_ =	sdelay $0x3  }
0x287: {  	v13 =	vmul.f32 v13, v10  }
0x288: {  	v14 =	vmul.f32 v14, v11;
	_ =	sdelay $0x1  }
0x289: {  	v13 =	vadd.f32 v14, v13;
	_ =	sdelay $0x1  }
0x28a: {  	[tilespmem:v12+s0+$0xFFFFFFC0 ss:$0x1] =	vst.idx.msk $0xffff, v13  }
0x28b: {  	v13 =	vld [tilespmem:s0+$0x10200]  }
0x28c: {  	v14 =	vld [tilespmem:s0+$0x11600];
	_ =	sdelay $0x3  }
0x28d: {  	v13 =	vmul.f32 v13, v10  }
0x28e: {  	v14 =	vmul.f32 v14, v11  }
0x28f: {  	[tilespmem:s0+$0x10180] =	vst v0  }
0x290: {  	v13 =	vadd.f32 v14, v13;
	_ =	sdelay $0x1  }
0x291: {  	[tilespmem:v12+s0+$0xFFFFFFD0 ss:$0x1] =	vst.idx.msk $0xffff, v13  }
0x292: {  	v13 =	vld [tilespmem:s0+$0x10280]  }
0x293: {  	v14 =	vld [tilespmem:s0+$0x11680];
	_ =	sdelay $0x3  }
0x294: {  	v13 =	vmul.f32 v13, v10  }
0x295: {  	[tilespmem:s0+$0x10200] =	vst v0;
	v14 =	vmul.f32 v14, v11;
	_ =	sdelay $0x1  }
0x296: {  	v13 =	vadd.f32 v14, v13;
	_ =	sdelay $0x1  }
0x297: {  	[tilespmem:v12+s0+$0xFFFFFFE0 ss:$0x1] =	vst.idx.msk $0xffff, v13  }
0x298: {  	v13 =	vld [tilespmem:s0+$0x10300]  }
0x299: {  	v14 =	vld [tilespmem:s0+$0x11700];
	_ =	sdelay $0x3  }
0x29a: {  	[tilespmem:s0+$0x10280] =	vst v0;
	v13 =	vmul.f32 v13, v10  }
0x29b: {  	v14 =	vmul.f32 v14, v11;
	_ =	sdelay $0x1  }
0x29c: {  	v13 =	vadd.f32 v14, v13;
	_ =	sdelay $0x1  }
0x29d: {  	[tilespmem:v12+s0+$0xFFFFFFF0 ss:$0x1] =	vst.idx.msk $0xffff, v13  }
0x29e: {  	[tilespmem:s0+$0x10300] =	vst v0;
	v13 =	vld [tilespmem:s0+$0x10380]  }
0x29f: {  	v14 =	vld [tilespmem:s0+$0x11780];
	_ =	sdelay $0x3  }
0x2a0: {  	v13 =	vmul.f32 v13, v10  }
0x2a1: {  	v14 =	vmul.f32 v14, v11;
	_ =	sdelay $0x1  }
0x2a2: {  	v13 =	vadd.f32 v14, v13;
	_ =	sdelay $0x1  }
0x2a3: {  	[tilespmem:v12+s0+$0x0 ss:$0x1] =	vst.idx.msk $0xffff, v13  }
0x2a4: {  	[tilespmem:s0+$0x10380] =	vst v0;
	v13 =	vld [tilespmem:s0+$0x10400]  }
0x2a5: {  	v14 =	vld [tilespmem:s0+$0x11800];
	_ =	sdelay $0x3  }
0x2a6: {  	v13 =	vmul.f32 v13, v10  }
0x2a7: {  	v14 =	vmul.f32 v14, v11;
	_ =	sdelay $0x1  }
0x2a8: {  	v13 =	vadd.f32 v14, v13;
	_ =	sdelay $0x1  }
0x2a9: {  	[tilespmem:v12+s0+$0x10 ss:$0x1] =	vst.idx.msk $0xffff, v13  }
0x2aa: {  	[tilespmem:s0+$0x10400] =	vst v0;
	v13 =	vld [tilespmem:s0+$0x10480]  }
0x2ab: {  	v14 =	vld [tilespmem:s0+$0x11880];
	_ =	sdelay $0x3  }
0x2ac: {  	v13 =	vmul.f32 v13, v10  }
0x2ad: {  	v14 =	vmul.f32 v14, v11;
	_ =	sdelay $0x1  }
.Ltmp11:
0x2ae: {  	v13 =	vadd.f32 v14, v13;
	(pc) =	sbr.rel @p2 .LBB2_9-.Ltmp11, $4  }
0x2af: {  	_ = 	snop  }
0x2b0: {  	[tilespmem:v12+s0+$0x20 ss:$0x1] =	vst.idx.msk $0xffff, v13  }
0x2b1: {  	[tilespmem:s0+$0x10480] =	vst v0;
	v13 =	vld [tilespmem:s0+$0x10500]  }
0x2b2: {  	v14 =	vld [tilespmem:s0+$0x11900]  }
.Ltmp12:
0x2b3: {  	_ = 	snop;
	(pc) =	sbr.rel .LBB2_10-.Ltmp12, $1  }
0x2b4: {  	_ =	sdelay $0x3  }
.LBB2_13:
0x2b5: {  	p0 =	slt.s32 s1, $0x0  }
.Ltmp13:
0x2b6: {  	_ = 	snop;
	(pc) =	sbr.rel @p0 .LBB2_17-.Ltmp13, $2  }
0x2b7: {  	_ =	sdelay $0x2  }
0x2b8: {  	s19 =	simm.s32 $0x3;
	s9 =	rddreg [dreg:$0xb]  }
0x2b9: {  	(erf) = vrcp.f32 v8;
	_ =	sdelay $0x3  }
0x2ba: {  	s0 =	sadd.s32 s1, s23  }
0x2bb: {  	s2 =	sshrl.u32 s0, $0x3;
	s0 =	simm.s32 $0x0  }
0x2bc: {  	s31 =	sand.u32 $0x7, s1;
	s2 =	smul.u32 $0x5000, s2;
	v9 =	vld [tilespmem:s0+$0x10180]  }
0x2bd: {  	s1 =	sshll.u32 s31, $0x9;
	v10 =	vld [tilespmem:s0+$0x11580]  }
0x2be: {  	s1 =	sor.u32 s1, s2  }
0x2bf: {  	s1 =	sshra.s32 s1, $0x2;
	v7 =	vpop (erf)  }
0x2c0: {  	s1 =	sadd.s32 $0xB1C0, s1;
	v6 =	vmul.f32 v7, v6  }
0x2c1: {  	v8 =	vmov s1  }
0x2c2: {  	v9 =	vmul.f32 v9, v7;
	v10 =	vmul.f32 v10, v6;
	_ =	sdelay $0x1  }
0x2c3: {  	v9 =	vadd.f32 v10, v9;
	_ =	sdelay $0x1  }
0x2c4: {  	[tilespmem:v8+s0+$0xFFFFFFC0 ss:$0x1] =	vst.idx.msk $0xffff, v9  }
0x2c5: {  	v9 =	vld [tilespmem:s0+$0x10200]  }
0x2c6: {  	v10 =	vld [tilespmem:s0+$0x11600];
	_ =	sdelay $0x4  }
0x2c7: {  	v9 =	vmul.f32 v9, v7;
	v10 =	vmul.f32 v10, v6;
	_ =	sdelay $0x1  }
0x2c8: {  	v9 =	vadd.f32 v10, v9  }
0x2c9: {  	[tilespmem:s0+$0x10180] =	vst v0  }
0x2ca: {  	[tilespmem:v8+s0+$0xFFFFFFD0 ss:$0x1] =	vst.idx.msk $0xffff, v9  }
0x2cb: {  	v9 =	vld [tilespmem:s0+$0x10280]  }
0x2cc: {  	v10 =	vld [tilespmem:s0+$0x11680];
	_ =	sdelay $0x4  }
0x2cd: {  	v9 =	vmul.f32 v9, v7;
	v10 =	vmul.f32 v10, v6;
	_ =	sdelay $0x1  }
0x2ce: {  	v9 =	vadd.f32 v10, v9  }
0x2cf: {  	[tilespmem:s0+$0x10200] =	vst v0  }
0x2d0: {  	[tilespmem:v8+s0+$0xFFFFFFE0 ss:$0x1] =	vst.idx.msk $0xffff, v9  }
0x2d1: {  	v9 =	vld [tilespmem:s0+$0x10300]  }
0x2d2: {  	v10 =	vld [tilespmem:s0+$0x11700];
	_ =	sdelay $0x4  }
0x2d3: {  	v9 =	vmul.f32 v9, v7;
	v10 =	vmul.f32 v10, v6;
	_ =	sdelay $0x1  }
0x2d4: {  	v9 =	vadd.f32 v10, v9  }
0x2d5: {  	[tilespmem:s0+$0x10280] =	vst v0  }
0x2d6: {  	[tilespmem:v8+s0+$0xFFFFFFF0 ss:$0x1] =	vst.idx.msk $0xffff, v9  }
0x2d7: {  	v9 =	vld [tilespmem:s0+$0x10380]  }
0x2d8: {  	v10 =	vld [tilespmem:s0+$0x11780];
	_ =	sdelay $0x4  }
0x2d9: {  	v9 =	vmul.f32 v9, v7;
	v10 =	vmul.f32 v10, v6;
	_ =	sdelay $0x1  }
0x2da: {  	v9 =	vadd.f32 v10, v9  }
0x2db: {  	[tilespmem:s0+$0x10300] =	vst v0  }
0x2dc: {  	[tilespmem:v8+s0+$0x0 ss:$0x1] =	vst.idx.msk $0xffff, v9  }
0x2dd: {  	v9 =	vld [tilespmem:s0+$0x10400]  }
0x2de: {  	v10 =	vld [tilespmem:s0+$0x11800];
	_ =	sdelay $0x4  }
0x2df: {  	v9 =	vmul.f32 v9, v7;
	v10 =	vmul.f32 v10, v6;
	_ =	sdelay $0x1  }
0x2e0: {  	v9 =	vadd.f32 v10, v9  }
0x2e1: {  	[tilespmem:s0+$0x10380] =	vst v0  }
0x2e2: {  	[tilespmem:v8+s0+$0x10 ss:$0x1] =	vst.idx.msk $0xffff, v9  }
0x2e3: {  	v9 =	vld [tilespmem:s0+$0x10480]  }
0x2e4: {  	v10 =	vld [tilespmem:s0+$0x11880];
	_ =	sdelay $0x4  }
0x2e5: {  	v9 =	vmul.f32 v9, v7;
	v10 =	vmul.f32 v10, v6;
	_ =	sdelay $0x1  }
0x2e6: {  	v9 =	vadd.f32 v10, v9  }
0x2e7: {  	[tilespmem:s0+$0x10400] =	vst v0  }
0x2e8: {  	[tilespmem:v8+s0+$0x20 ss:$0x1] =	vst.idx.msk $0xffff, v9  }
0x2e9: {  	v9 =	vld [tilespmem:s0+$0x10500]  }
0x2ea: {  	s1 =	simm.s32 $0x1000;
	[tilespmem:s0+$0x10480] =	vst v0;
	v10 =	vld [tilespmem:s0+$0x11900]  }
.LBB2_15:
0x2eb: {  	_ = 	snop  }
0x2ec: {  	p0 =	sne.s32 s1, $0x4000;
	s2 =	smov.u32 s1;
	s1 =	sadd.s32 $0x1000, s1  }
0x2ed: {  	_ = 	snop  }
0x2ee: {  	v9 =	vmul.f32 v9, v7  }
0x2ef: {  	v10 =	vmul.f32 v10, v6;
	_ =	sdelay $0x1  }
0x2f0: {  	v9 =	vadd.f32 v10, v9;
	_ =	sdelay $0x1  }
0x2f1: {  	s2 =	sshra.s32 s2, $0x2;
	[tilespmem:v8+s0+$0x30 ss:$0x1] =	vst.idx.msk $0xffff, v9  }
0x2f2: {  	v9 =	vld [tilespmem:s2+$0x10180];
	[tilespmem:s0+$0x10500] =	vst v0;
	s0 =	smov.u32 s2  }
0x2f3: {  	v10 =	vld [tilespmem:s0+$0x11580];
	_ =	sdelay $0x3  }
0x2f4: {  	v9 =	vmul.f32 v9, v7  }
0x2f5: {  	v10 =	vmul.f32 v10, v6;
	_ =	sdelay $0x1  }
0x2f6: {  	v9 =	vadd.f32 v10, v9;
	_ =	sdelay $0x1  }
0x2f7: {  	[tilespmem:v8+s0+$0xFFFFFFC0 ss:$0x1] =	vst.idx.msk $0xffff, v9  }
0x2f8: {  	v9 =	vld [tilespmem:s0+$0x10200]  }
0x2f9: {  	v10 =	vld [tilespmem:s0+$0x11600];
	_ =	sdelay $0x3  }
0x2fa: {  	v9 =	vmul.f32 v9, v7  }
0x2fb: {  	v10 =	vmul.f32 v10, v6  }
0x2fc: {  	[tilespmem:s0+$0x10180] =	vst v0  }
0x2fd: {  	v9 =	vadd.f32 v10, v9;
	_ =	sdelay $0x1  }
0x2fe: {  	[tilespmem:v8+s0+$0xFFFFFFD0 ss:$0x1] =	vst.idx.msk $0xffff, v9  }
0x2ff: {  	v9 =	vld [tilespmem:s0+$0x10280]  }
0x300: {  	v10 =	vld [tilespmem:s0+$0x11680];
	_ =	sdelay $0x3  }
0x301: {  	v9 =	vmul.f32 v9, v7  }
0x302: {  	[tilespmem:s0+$0x10200] =	vst v0;
	v10 =	vmul.f32 v10, v6;
	_ =	sdelay $0x1  }
0x303: {  	v9 =	vadd.f32 v10, v9;
	_ =	sdelay $0x1  }
0x304: {  	[tilespmem:v8+s0+$0xFFFFFFE0 ss:$0x1] =	vst.idx.msk $0xffff, v9  }
0x305: {  	v9 =	vld [tilespmem:s0+$0x10300]  }
0x306: {  	v10 =	vld [tilespmem:s0+$0x11700];
	_ =	sdelay $0x3  }
0x307: {  	[tilespmem:s0+$0x10280] =	vst v0;
	v9 =	vmul.f32 v9, v7  }
0x308: {  	v10 =	vmul.f32 v10, v6;
	_ =	sdelay $0x1  }
0x309: {  	v9 =	vadd.f32 v10, v9;
	_ =	sdelay $0x1  }
0x30a: {  	[tilespmem:v8+s0+$0xFFFFFFF0 ss:$0x1] =	vst.idx.msk $0xffff, v9  }
0x30b: {  	[tilespmem:s0+$0x10300] =	vst v0;
	v9 =	vld [tilespmem:s0+$0x10380]  }
0x30c: {  	v10 =	vld [tilespmem:s0+$0x11780];
	_ =	sdelay $0x3  }
0x30d: {  	v9 =	vmul.f32 v9, v7  }
0x30e: {  	v10 =	vmul.f32 v10, v6;
	_ =	sdelay $0x1  }
0x30f: {  	v9 =	vadd.f32 v10, v9;
	_ =	sdelay $0x1  }
0x310: {  	[tilespmem:v8+s0+$0x0 ss:$0x1] =	vst.idx.msk $0xffff, v9  }
0x311: {  	[tilespmem:s0+$0x10380] =	vst v0;
	v9 =	vld [tilespmem:s0+$0x10400]  }
0x312: {  	v10 =	vld [tilespmem:s0+$0x11800];
	_ =	sdelay $0x3  }
0x313: {  	v9 =	vmul.f32 v9, v7  }
0x314: {  	v10 =	vmul.f32 v10, v6;
	_ =	sdelay $0x1  }
0x315: {  	v9 =	vadd.f32 v10, v9;
	_ =	sdelay $0x1  }
0x316: {  	[tilespmem:v8+s0+$0x10 ss:$0x1] =	vst.idx.msk $0xffff, v9  }
0x317: {  	[tilespmem:s0+$0x10400] =	vst v0;
	v9 =	vld [tilespmem:s0+$0x10480]  }
0x318: {  	v10 =	vld [tilespmem:s0+$0x11880];
	_ =	sdelay $0x3  }
0x319: {  	v9 =	vmul.f32 v9, v7  }
0x31a: {  	v10 =	vmul.f32 v10, v6;
	_ =	sdelay $0x1  }
.Ltmp14:
0x31b: {  	v9 =	vadd.f32 v10, v9;
	(pc) =	sbr.rel @p0 .LBB2_15-.Ltmp14, $4  }
0x31c: {  	_ = 	snop  }
0x31d: {  	[tilespmem:v8+s0+$0x20 ss:$0x1] =	vst.idx.msk $0xffff, v9  }
0x31e: {  	[tilespmem:s0+$0x10480] =	vst v0;
	v9 =	vld [tilespmem:s0+$0x10500]  }
0x31f: {  	v10 =	vld [tilespmem:s0+$0x11900]  }
0x320: {  	_ =	sdelay $0x3  }
0x321: {  	v7 =	vmul.f32 v9, v7;
	v6 =	vmul.f32 v10, v6  }
.Ltmp15:
0x322: {  	_ = 	snop;
	(pc) =	sbr.rel .LBB2_17-.Ltmp15, $3  }
0x323: {  	v6 =	vadd.f32 v6, v7;
	_ =	sdelay $0x1  }
0x324: {  	[tilespmem:v8+s0+$0x30 ss:$0x1] =	vst.idx.msk $0xffff, v6  }
0x325: {  	[tilespmem:s0+$0x10500] =	vst v0  }
.LBB2_19:
0x326: {  	_ =	sfence.sel $0x180000  }
0x327: {  	[bflag:$0x0] =	sbarrier.arrive $0xFFFF  }
0x328: {  	_ =	strace $0x90000059  }
0x329: {  	s0 =	stileid.u32;
	[bflag:$0x2] =	sbarrier.arrive $0xFFFF  }
0x32a: {  	p0 =	sne.s32 s0, $0x0;
	s0 =	rddreg [dreg:$0x1]  }
0x32b: {  	s0 =	sadd.s32 @!p0 $0x100000, s0  }
0x32c: {  	[sflag:s0] =	ssyncadd.tile.s32 @!p0 $0x1;
	_ =	shalt  }
.Lfunc_end2:
_tile_overlayer_lowered:
.L_overlay_start_2:
0x32d: {  	(tag) =	ssettag $0x2  }
0x32e: {  	s0 =	rddreg [dreg:$0x0];
	s2 =	stileid.u32  }
0x32f: {  	s1 =	rddreg [dreg:$0x1];
	p0 =	sne.s32 s2, $0x0  }
0x330: {  	s3 =	rddreg [dreg:$0x2];
	[bflag:$0x3] =	sbarrier.arrive $0xFFFF;
	s2 =	simm.s32 @!p0 $0x1C03  }
0x331: {  	[timem:s3], [sflag:s2] =	dma.local @!p0 [hbm:s0], s1  }
0x332: {  	s0 =	simm.s32 @!p0 $0x3  }
0x333: {  	_ =	swait.ge @!p0 [sflag:s0], s1  }
0x334: {  	s1 =	ssub.s32 @!p0 $0x0, s1;
	[sflag:s0] =	ssyncset.done @!p0 $0x0  }
0x335: {  	[sflag:s0] =	ssyncadd.s32 @!p0 s1  }
0x336: {  	[bflag:$0x3] =	sbarrier.arrive $0xFFFF  }
0x337: {  	_ =	shalt  }

// kernel: gather_offload_async_start.1
scs
__scs_entry_jumppad:
0x0: {  	(pc) =	sbr.rel $0x88, $3  }
0x1: {  	(tag) =	ssettag $0x0;
	lr =	simm.s32 $0x1  }
0x2: {  	[smem:$0x3F8B] =	sst lr;
	_ =	strace $0xD0000000  }
0x3: {  	_ = 	snop  }
0x4: {  	_ = 	snop  }
0x5: {  	_ = 	snop  }
0x6: {  	_ = 	snop  }
0x7: {  	_ = 	snop  }
__scs_overlays_trampoline_lowered:
0x8: {  	[smem:$0x3F9A] =	sst s0  }
0x9: {  	[smem:$0x3F9B] =	sst s1  }
0xa: {  	[smem:$0x3F9C] =	sst s2  }
0xb: {  	[smem:$0x3F9D] =	sst s3  }
0xc: {  	[smem:$0x3F9E] =	sst s4  }
0xd: {  	[smem:$0x3F9F] =	sst s5  }
0xe: {  	[smem:$0x3FA0] =	sst s6  }
0xf: {  	[smem:$0x3FA1] =	sst s7  }
0x10: {  	[smem:$0x3FA2] =	sst s8  }
0x11: {  	[smem:$0x3FA3] =	sst s9;
	s0 =	simm.s32 @!p0 $0x0  }
0x12: {  	s1 =	sld [smem:$0x3F89];
	s0 =	simm.s32 @p0 $0x1  }
0x13: {  	[smem:$0x3FA4] =	sst s0;
	s0 =	simm.s32 @!p1 $0x0  }
0x14: {  	s2 =	sld [smem:$0x3F88];
	s0 =	simm.s32 @p1 $0x1  }
0x15: {  	[smem:$0x3FA5] =	sst s0;
	s0 =	simm.s32 @!p2 $0x0  }
0x16: {  	s3 =	sld [smem:$0x3FDB];
	s0 =	simm.s32 @p2 $0x1  }
0x17: {  	s4 =	simm.s32 $0x1BF5;
	[smem:$0x3FA7] =	sst s0  }
0x18: {  	s0 =	sld [smem:$0x3F8A];
	_ =	swait.ge [sflag:s4], $0x0  }
0x19: {  	s7 =	sld [smem:$0x3F8B]  }
0x1a: {  	s8 =	sadd.s32 $0xFFFFE003, lr  }
0x1b: {  	s9 =	sadd.s32 $0xFFFFFEF7, lr;
	s5 =	simm.s32 $0xFFFFFFFF;
	p2 =	slt.u32 s8, $0xFFFFF086  }
0x1c: {  	p1 =	slt.u32 s9, $0xF7A;
	s5 =	simm.s32 @!p2 $0x0  }
0x1d: {  	s5 =	simm.s32 @p1 $0x1;
	p0 =	seq.s32 s7, s2  }
0x1e: {  	s7 =	smul.u32 @!p0 $0xF7A, s2;
	p2 =	seq.s32 @!p0 s5, $0x0  }
0x1f: {  	s9 =	smul.u32 $0xF7A, s1;
	s8 =	simm.s32 @!p0 $0x1BF5;
	p2 =	por !p2, p0  }
0x20: {  	[sflag:s8] =	ssyncset.s32 @!p0 $0xFFFFF086;
	s6 =	sadd.s32 @!p0 s3, s7;
	s7 =	simm.s32 @!p0 $0x108  }
0x21: {  	s3 =	sadd.s32 s3, s9;
	s6 =	sadd.s32 @!p0 $0x88, s6;
	s7 =	simm.s32 @p2 $0x1082  }
0x22: {  	[simem:s7], [sflag:s8] =	dma.local @!p0 [hbm:s6], $0xF7A  }
0x23: {  	s9 =	sor.u32 $0xD0000000, s2;
	s6 =	simm.s32 $0x108;
	_ =	swait.ge @!p0 [sflag:s8], $0x0  }
0x24: {  	s3 =	sadd.s32 $0x88, s3;
	s6 =	simm.s32 @!p1 $0x1082;
	[sflag:s4] =	ssyncset.s32 $0xFFFFF086  }
0x25: {  	[simem:s6], [sflag:s4] =	dma.local [hbm:s3], $0xF7A  }
0x26: {  	[smem:$0x3F8B] =	sst s1;
	(tag) =	ssettag s2;
	_ =	strace s9  }
0x27: {  	s1 =	sld [smem:$0x3F9B]  }
0x28: {  	s2 =	sld [smem:$0x3F9C]  }
0x29: {  	s4 =	sld [smem:$0x3F9E]  }
0x2a: {  	p0 =	seq.s32 s5, $0x0;
	s5 =	sld [smem:$0x3F9F]  }
0x2b: {  	s6 =	sld [smem:$0x3FA0]  }
0x2c: {  	s7 =	sld [smem:$0x3FA1]  }
0x2d: {  	s3 =	simm.s32 $0x108;
	s8 =	sld [smem:$0x3FA2]  }
0x2e: {  	s3 =	simm.s32 @!p0 $0x1082;
	s9 =	sld [smem:$0x3FA3]  }
0x2f: {  	lr =	sadd.s32 s0, s3;
	s0 =	sld [smem:$0x3F9A]  }
0x30: {  	s3 =	sld [smem:$0x3F9D]  }
0x31: {  	[smem:$0x3FA6] =	sst s10  }
0x32: {  	s10 =	sld [smem:$0x3FA4];
	_ =	sdelay $0x3  }
0x33: {  	p0 =	seq.s32 s10, $0x1;
	s10 =	sld [smem:$0x3FA6];
	_ =	sdelay $0x3  }
0x34: {  	[smem:$0x3FA6] =	sst s10  }
0x35: {  	s10 =	sld [smem:$0x3FA5];
	_ =	sdelay $0x3  }
0x36: {  	p1 =	seq.s32 s10, $0x1;
	s10 =	sld [smem:$0x3FA6];
	_ =	sdelay $0x3  }
0x37: {  	[smem:$0x3FA6] =	sst s10  }
0x38: {  	s10 =	sld [smem:$0x3FA7]  }
0x39: {  	_ = 	snop;
	(pc) =	sbr.ind lr, $3  }
0x3a: {  	_ = 	snop  }
0x3b: {  	_ = 	snop  }
0x3c: {  	p2 =	seq.s32 s10, $0x1;
	s10 =	sld [smem:$0x3FA6]  }
0x3d: {  	_ =	shalt  }
0x3e: {  	_ =	shalt  }
0x3f: {  	_ =	shalt  }
0x40: {  	_ =	shalt  }
0x41: {  	_ =	shalt  }
0x42: {  	_ =	shalt  }
0x43: {  	_ =	shalt  }
0x44: {  	_ =	shalt  }
0x45: {  	_ =	shalt  }
0x46: {  	_ =	shalt  }
0x47: {  	_ =	shalt  }
0x48: {  	_ =	shalt  }
0x49: {  	_ =	shalt  }
0x4a: {  	_ =	shalt  }
0x4b: {  	_ =	shalt  }
0x4c: {  	_ =	shalt  }
0x4d: {  	_ =	shalt  }
0x4e: {  	_ =	shalt  }
0x4f: {  	_ =	shalt  }
0x50: {  	_ =	shalt  }
0x51: {  	_ =	shalt  }
0x52: {  	_ =	shalt  }
0x53: {  	_ =	shalt  }
0x54: {  	_ =	shalt  }
0x55: {  	_ =	shalt  }
0x56: {  	_ =	shalt  }
0x57: {  	_ =	shalt  }
0x58: {  	_ =	shalt  }
0x59: {  	_ =	shalt  }
0x5a: {  	_ =	shalt  }
0x5b: {  	_ =	shalt  }
0x5c: {  	_ =	shalt  }
0x5d: {  	_ =	shalt  }
0x5e: {  	_ =	shalt  }
0x5f: {  	_ =	shalt  }
0x60: {  	_ =	shalt  }
0x61: {  	_ =	shalt  }
0x62: {  	_ =	shalt  }
0x63: {  	_ =	shalt  }
0x64: {  	_ =	shalt  }
0x65: {  	_ =	shalt  }
0x66: {  	_ =	shalt  }
0x67: {  	_ =	shalt  }
0x68: {  	_ =	shalt  }
0x69: {  	_ =	shalt  }
0x6a: {  	_ =	shalt  }
0x6b: {  	_ =	shalt  }
0x6c: {  	_ =	shalt  }
0x6d: {  	_ =	shalt  }
0x6e: {  	_ =	shalt  }
0x6f: {  	_ =	shalt  }
0x70: {  	_ =	shalt  }
0x71: {  	_ =	shalt  }
0x72: {  	_ =	shalt  }
0x73: {  	_ =	shalt  }
0x74: {  	_ =	shalt  }
0x75: {  	_ =	shalt  }
0x76: {  	_ =	shalt  }
0x77: {  	_ =	shalt  }
0x78: {  	_ =	shalt  }
0x79: {  	_ =	shalt  }
0x7a: {  	_ =	shalt  }
0x7b: {  	_ =	shalt  }
0x7c: {  	_ =	shalt  }
0x7d: {  	_ =	shalt  }
0x7e: {  	_ =	shalt  }
0x7f: {  	_ =	shalt  }
0x80: {  	_ =	shalt  }
0x81: {  	_ =	shalt  }
0x82: {  	_ =	shalt  }
0x83: {  	_ =	shalt  }
0x84: {  	_ =	shalt  }
0x85: {  	_ =	shalt  }
0x86: {  	_ =	shalt  }
0x87: {  	_ =	shalt  }
.Lfunc_end0:
.L_simem_size_0:
called_computation.1_lowered:
.L_overlay_start_0:
0x88: {  	s2 =	sld [smem:$0x3FD9]  }
0x89: {  	s3 =	sld [smem:$0x3FFE];
	_ =	sdelay $0x1  }
0x8a: {  	s1 =	srdreg.scid  }
0x8b: {  	s0 =	sand.u32 $0x1, s1  }
0x8c: {  	s17 =	sshll.u32 s0, $0xA;
	s2 =	sadd.s32 s3, s2  }
0x8d: {  	s2 =	sadd.s32 s2, s17  }
0x8e: {  	[smem:$0x3FB2] =	sst s2  }
0x8f: {  	_ = 	snop  }
0x90: {  	(tm) =	ssettm $0x1  }
0x91: {  	s18 =	sld [smem:$0x3FFB];
	_ =	sdelay $0x3  }
0x92: {  	_ =	strace s18  }
0x93: {  	s2 =	sld [smem:$0x3FFC];
	_ =	sdelay $0x3  }
0x94: {  	_ =	strace s2  }
0x95: {  	s2 =	sld [smem:$0x3FFD];
	_ =	sdelay $0x3  }
0x96: {  	_ =	strace s2  }
0x97: {  	_ =	strace $0x8FFFFFFF  }
0x98: {  	s19 =	sld [smem:$0x3FDB];
	_ =	sdelay $0x1  }
0x99: {  	s20 =	simm.s32 $_scs_section_size  }
0x9a: {  	s4 =	simm.s32 $_size__tile_overlayer_lowered;
	s5 =	simm.s32 $_tile_overlayer_lowered  }
0x9b: {  	s6 =	simm.s32 $0x1BFF;
	s21 =	sshll.u32 s5, $0x1;
	s3 =	sadd.s32 s20, s19  }
0x9c: {  	s22 =	simm.s32 $0x0;
	s4 =	sshll.u32 s4, $0x1;
	s5 =	sadd.s32 s21, s3  }
0x9d: {  	[timem:s22], [sflag:s6] =	dma.local [hbm:s5], s4  }
0x9e: {  	_ =	swait.ge [sflag:s6], s4  }
0x9f: {  	s4 =	ssub.s32 $0x0, s4;
	[sflag:s6] =	ssyncset.done $0x0  }
0xa0: {  	[sflag:s6] =	ssyncadd.s32 s4;
	_ =	sdelay $0x1  }
0xa1: {  	s23 =	simm.s32 $0x1B8B  }
0xa2: {  	_ =	swait.ge [sflag:s23], $0x1  }
0xa3: {  	[sflag:s23] =	ssyncset.done $0x0  }
0xa4: {  	[sflag:s23] =	ssyncadd.s32 $0xFFFFFFFF  }
0xa5: {  	s4 =	sld [smem:$0x0]  }
0xa6: {  	s5 =	sand.u32 $0xFFFFFFFE, s1  }
0xa7: {  	p0 =	sne.s32 s1, s5  }
0xa8: {  	s5 =	sshll.u32 @p0 s5, $0xE  }
0xa9: {  	s5 =	sadd.s32 @p0 $0x11B8D, s5;
	s6 =	sshll.u32 @p0 s4, $0x11  }
0xaa: {  	s5 =	sor.u32 @p0 s6, s5  }
0xab: {  	[sflag:s5] =	ssyncadd.remote.s32 @p0 $0x1;
	_ =	sdelay $0x1  }
0xac: {  	s5 =	simm.s32 @p0 $0x1B8D  }
0xad: {  	_ =	swait.eq @p0 [sflag:s5], $0x1  }
0xae: {  	[sflag:s5] =	ssyncadd.s32 @p0 $0xFFFFFFFF  }
0xaf: {  	s6 =	sshll.u32 @!p0 s1, $0xE  }
0xb0: {  	s6 =	sor.u32 @!p0 $0x4000, s6;
	s5 =	simm.s32 @!p0 $0x1B8D  }
0xb1: {  	s4 =	sshll.u32 @!p0 s4, $0x11;
	s6 =	sadd.s32 @!p0 $0x11B8D, s6;
	_ =	swait.eq @!p0 [sflag:s5], $0x1  }
0xb2: {  	s4 =	sor.u32 @!p0 s4, s6;
	[sflag:s5] =	ssyncadd.s32 @!p0 $0xFFFFFFFF  }
0xb3: {  	s25 =	simm.s32 $0x1B8E;
	s24 =	sld [smem:$0x3FFE];
	[sflag:s4] =	ssyncadd.remote.s32 @!p0 $0x1  }
0xb4: {  	s26 =	simm.s32 $execute0_lowered;
	[smem:$0x3FD2] =	sst s25  }
0xb5: {  	s5 =	sshll.u32 s26, $0x1;
	_ =	strace $0x80000049;
	[dreg:$0x1] =	wrdreg $0xFFFFFFFF  }
0xb6: {  	s28 =	simm.s32 $_size_execute0_lowered;
	s3 =	sadd.s32 s3, s5;
	[dreg:$0x0] =	wrdreg $0x0  }
0xb7: {  	s5 =	sshll.u32 s28, $0x1;
	[dreg:$0x2] =	wrdreg s3  }
0xb8: {  	[dreg:$0x3] =	wrdreg s5  }
0xb9: {  	[dreg:$0x4] =	wrdreg $0xC0  }
0xba: {  	_ =	task [dreg:s22], $0x5FFFF  }
0xbb: {  	[dreg:$0x1] =	wrdreg $0xFFFFFFFF  }
0xbc: {  	[dreg:$0x0] =	wrdreg $0x60  }
0xbd: {  	[dreg:$0x2] =	wrdreg s24  }
0xbe: {  	[dreg:$0x3] =	wrdreg $0x9  }
0xbf: {  	_ =	task.clear_ibuf [dreg:s22], $0x4FFFF;
	_ =	strace $0x90000049  }
0xc0: {  	s29 =	simm.s32 $0x9;
	_ =	strace $0x8000004B  }
0xc1: {  	_ =	swait.ge [sflag:s29], $0x1  }
0xc2: {  	[sflag:s29] =	ssyncadd.s32 $0xFFFFFFFF  }
0xc3: {  	_ =	strace $0x9000004B  }
0xc4: {  	_ =	sfence  }
0xc5: {  	s30 =	sld [smem:$0x0];
	_ =	sdelay $0x2  }
0xc6: {  	s31 =	sshll.u32 s1, $0xD;
	s1 =	sshrl.u32 s1, $0x2  }
0xc7: {  	s4 =	sand.u32 $0x4000, s31;
	s1 =	sadd.s32 s1, s30  }
0xc8: {  	s0 =	sor.u32 s4, s0;
	s1 =	sshll.u32 s1, $0x11  }
0xc9: {  	s0 =	sor.u32 s1, s0  }
0xca: {  	s0 =	sadd.s32 $0x8F2B, s0  }
0xcb: {  	[sflag:s0] =	ssyncadd.remote.s32 $0x1  }
0xcc: {  	_ =	sfence.sel $0xFFFF  }
0xcd: {  	[dreg:$0x0] =	wrdreg $0xFFFFFFFF;
	(pc) =	sbr.abs _section_cstart, $3  }
0xce: {  	[dreg:$0x1] =	wrdreg $0xFFFFFFFF  }
0xcf: {  	_ =	task.clear_ibuf [dreg:s22], $0x2FFFF;
	_ =	strace $0x9FFFFFFF  }
0xd0: {  	(tm) =	ssettm $0x7FFFFFFF  }
0xd1: {  	_ =	shalt  }
tec
execute0_lowered:
.L_overlay_start_1:
0x0: {  	(tag) =	ssettag $0x1  }
0x1: {  	s8 =	rddreg [dreg:$0x0]  }
0x2: {  	s0 =	rddreg [dreg:$0x1];
	_ =	strace $0x8000004A;
	s1 =	stileid.u32  }
0x3: {  	s3 =	srdreg.scid;
	s4 =	simm.s32 $0x1;
	s7 =	simm.s32 $0x1  }
0x4: {  	s9 =	simm.s32 $0x1;
	s10 =	simm.s32 $0x3;
	s13 =	simm.s32 $0x0  }
0x5: {  	s12 =	simm.s32 $0x0;
	s5 =	sand.u32 $0x1, s3;
	s6 =	sshll.u32 s1, $0x1  }
0x6: {  	s2 =	sadd.s32 $0x14E00, s8;
	s3 =	sadd.s32 $0x19E00, s8;
	s5 =	sor.u32 s6, s5  }
.Ltmp0:
0x7: {  	[sflag:s4] =	ssyncpa.u1 $0x0;
	p0 =	slt.u32 s5, $0x9;
	(pc) =	sbr.rel .LBB2_1-.Ltmp0, $4  }
0x8: {  	s6 =	simm.s32 $0x2;
	s7 =	simm.s32 @!p0 $0x0;
	p0 =	sne.s32 s5, $0x8  }
0x9: {  	[sflag:s6] =	ssyncpa.u1 $0x0;
	s5 =	smul.u32 $0xFA0, s5;
	s9 =	simm.s32 @!p0 $0x0  }
0xa: {  	s8 =	sadd.s32 $0x1EE800, s8;
	[sflag:s10] =	ssyncpa.u1 $0x0;
	s7 =	sadd.s32 s9, s7  }
0xb: {  	vm0 =	vmmov $0xffff;
	s10 =	simm.s32 $0x0;
	s11 =	smov.u32 s5;
	s9 =	sadd.s32 $0x1, s7  }
.LBB2_4:
0xc: {  	v2 =	vnsel vm1, $0x0, v2  }
0xd: {  	vm1 =	vgt.s32 v0, $0x0;
	v2 =	vmin.u32 v2, $0x270FF  }
0xe: {  	v0 =	vnsel vm1, $0x0, v0  }
0xf: {  	v0 =	vmin.u32 v0, $0x270FF  }
0x10: {  	[tilespmem:s18], [sflag:$0x1] =	stream.indirect_vreg.gather [hbm4b:s2+s10], $0x1, v1, vm0, $0x4038;
	[tilespmem:$0x3E80] =	vst v63  }
0x11: {  	(ifvalue) =	ssetifvalue $0x7FFFFFFF  }
0x12: {  	[tilespmem:s15], [sflag:$0x1] =	stream.indirect_vreg.gather [hbm4b:s2+s10], $0x1, v2, vm0, $0x4038;
	[tilespmem:$0x3E80] =	vst v63  }
0x13: {  	s29 =	sadd.s32 $0x10, s15;
	(ifvalue) =	ssetifvalue $0x7FFFFFFF  }
0x14: {  	[tilespmem:s29], [sflag:$0x1] =	stream.indirect_vreg.gather [hbm4b:s2+s10], $0x1, v0, vm0, $0x4038;
	[tilespmem:$0x3E80] =	vst v63  }
0x15: {  	_ =	swait.ge [sflag:s4], $0xFA0  }
0x16: {  	s30 =	sshrl.u32 s13, $0x3;
	[sflag:s4] =	ssyncset.done $0x0  }
0x17: {  	s31 =	sand.u32 $0x7, s13;
	s15 =	sadd.s32 s8, s30;
	[sflag:s4] =	ssyncadd.s32 $0xFFFFF060  }
0x18: {  	[hbm4b:s15+s31] =	stream.linear.scatter [tilespmem:s14], [sflag:$0x3], $0xFA0, $0x38;
	[tilespmem:$0x3E80] =	vst v63  }
.LBB2_5:
0x19: {  	s15 =	sadd.s32 $0x1F400, s11  }
0x1a: {  	p1 =	sgt.s32 s15, $0x270FF  }
0x1b: {  	s15 =	smov.u32 @p1 s5;
	p1 =	sne.s32 s12, s9  }
.Ltmp1:
0x1c: {  	p0 =	slt.u32 s12, $0x2;
	(pc) =	sbr.rel @!p1 .LBB2_6-.Ltmp1, $4  }
0x1d: {  	s14 =	simm.s32 @!p0 $0x3  }
0x1e: {  	_ =	swait.ge @!p0 [sflag:s14], $0xFA0  }
0x1f: {  	s16 =	sadd.s32 $0x1, s12;
	s13 =	smov.u32 s11;
	[sflag:s14] =	ssyncset.done @!p0 $0x0  }
0x20: {  	s12 =	smov.u32 s16;
	s11 =	smov.u32 s15;
	[sflag:s14] =	ssyncadd.s32 @!p0 $0xFFFFF060  }
.LBB2_1:
0x21: {  	p0 =	sge.u32 s12, s7  }
0x22: {  	s14 =	sxor.u32 @!p0 $0x1, s12  }
0x23: {  	s14 =	smul.u32 @!p0 $0x3E80, s14  }
0x24: {  	s31 =	sadd.s32 $0xFFFFFFFF, s12;
	s15 =	sshrl.u32 @!p0 s11, $0x3  }
0x25: {  	s16 =	sand.u32 @!p0 $0x7, s11;
	s15 =	sadd.s32 @!p0 s3, s15;
	s14 =	sshra.s32 @!p0 s14, $0x2  }
0x26: {  	[tilespmem:s14], [sflag:$0x2] =	stream.linear.gather @!p0 [hbm4b:s15+s16], $0xFA0, $0x38;
	[tilespmem:$0x3E80] =	vst v63  }
0x27: {  	p0 =	sge.u32 s31, s7  }
.Ltmp2:
0x28: {  	_ = 	snop;
	(pc) =	sbr.rel @p0 .LBB2_5-.Ltmp2, $1  }
0x29: {  	_ =	sdelay $0x3  }
0x2a: {  	s14 =	sand.u32 $0x1, s12  }
0x2b: {  	_ =	swait.ge [sflag:s6], $0xFA0;
	p0 =	seq.s32 s14, $0x1;
	s14 =	simm.s32 $0xFA0  }
0x2c: {  	[sflag:s6] =	ssyncset.done $0x0;
	s14 =	simm.s32 @!p0 $0x0  }
0x2d: {  	[sflag:s6] =	ssyncadd.s32 $0xFFFFF060;
	(ifvalue) =	ssetifvalue $0x7FFFFFFF;
	v0 =	vld.msk [tilespmem:s14+$0x0 ss:$0x1], $0xffff;
	_ =	sdelay $0x4  }
0x2e: {  	s15 =	sadd.s32 $0x10, s14;
	vm1 =	vgt.s32 v0, $0x0  }
0x2f: {  	v2 =	vld.msk [tilespmem:s15+$0x0 ss:$0x1], $0xffff;
	v1 =	vnsel vm1, $0x0, v0  }
0x30: {  	v1 =	vmin.u32 v1, $0x270FF;
	_ =	sdelay $0x2  }
0x31: {  	s17 =	simm.s32 $0x20;
	s14 =	sadd.s32 $0x1F40, s14;
	s16 =	sadd.s32 $0x10, s15  }
0x32: {  	s15 =	sadd.s32 $0x10, s14;
	s18 =	smov.u32 s14;
	v0 =	vld.msk [tilespmem:s16+$0x0 ss:$0x1], $0xffff;
	vm1 =	vgt.s32 v2, $0x0;
	(ifvalue) =	ssetifvalue $0x7FFFFFFF  }
.LBB2_3:
0x33: {  	[tilespmem:s18], [sflag:$0x1] =	stream.indirect_vreg.gather [hbm4b:s2+s10], $0x1, v1, vm0, $0x4038;
	[tilespmem:$0x3E80] =	vst v63  }
0x34: {  	s17 =	sadd.s32 $0x10, s17  }
0x35: {  	v2 =	vnsel vm1, $0x0, v2;
	p0 =	slt.u32 s17, $0xF90  }
.Ltmp3:
0x36: {  	s18 =	smov.u32 s15;
	v1 =	vmin.u32 v2, $0x270FF;
	(pc) =	sbr.rel @p0 .LBB2_3-.Ltmp3, $3  }
0x37: {  	_ =	sdelay $0x1  }
0x38: {  	s16 =	sadd.s32 $0x10, s16  }
0x39: {  	vm1 =	vgt.s32 v0, $0x0;
	s15 =	sadd.s32 $0x10, s15;
	v2 =	vmov v0;
	(ifvalue) =	ssetifvalue $0x7FFFFFFF;
	v0 =	vld.msk [tilespmem:s16+$0x0 ss:$0x1], $0xffff  }
.Ltmp4:
0x3a: {  	_ = 	snop;
	(pc) =	sbr.rel .LBB2_4-.Ltmp4, $1  }
0x3b: {  	_ =	sdelay $0x3  }
.LBB2_6:
0x3c: {  	_ =	sfence.sel $0x180000  }
0x3d: {  	s2 =	simm.s32 $0x2;
	[bflag:$0x0] =	sbarrier.arrive $0xFFFF  }
0x3e: {  	s30 =	simm.s32 $0x3;
	[sflag:s2] =	ssyncpa.u1 $0x1  }
0x3f: {  	s31 =	simm.s32 $0x1;
	[sflag:s30] =	ssyncpa.u1 $0x1  }
0x40: {  	[sflag:s31] =	ssyncpa.u1 $0x1  }
0x41: {  	p0 =	sne.s32 s1, $0x0;
	_ =	strace $0x9000004A  }
0x42: {  	s0 =	sadd.s32 @!p0 $0x100000, s0;
	[bflag:$0x2] =	sbarrier.arrive $0xFFFF  }
0x43: {  	[sflag:s0] =	ssyncadd.tile.s32 @!p0 $0x1;
	_ =	shalt  }
.Lfunc_end2:
_tile_overlayer_lowered:
.L_overlay_start_2:
0x44: {  	(tag) =	ssettag $0x2  }
0x45: {  	s0 =	rddreg [dreg:$0x0];
	s2 =	stileid.u32  }
0x46: {  	s1 =	rddreg [dreg:$0x1];
	p0 =	sne.s32 s2, $0x0  }
0x47: {  	s3 =	rddreg [dreg:$0x2];
	[bflag:$0x3] =	sbarrier.arrive $0xFFFF;
	s2 =	simm.s32 @!p0 $0x1C01  }
0x48: {  	[timem:s3], [sflag:s2] =	dma.local @!p0 [hbm:s0], s1  }
0x49: {  	s0 =	simm.s32 @!p0 $0x1  }
0x4a: {  	_ =	swait.ge @!p0 [sflag:s0], s1  }
0x4b: {  	s1 =	ssub.s32 @!p0 $0x0, s1;
	[sflag:s0] =	ssyncset.done @!p0 $0x0  }
0x4c: {  	[sflag:s0] =	ssyncadd.s32 @!p0 s1  }
0x4d: {  	[bflag:$0x3] =	sbarrier.arrive $0xFFFF  }
0x4e: {  	_ =	shalt  }

// kernel: gather_offload_async_start.2
scs
__scs_entry_jumppad:
0x0: {  	(pc) =	sbr.rel $0x88, $3  }
0x1: {  	(tag) =	ssettag $0x0;
	lr =	simm.s32 $0x1  }
0x2: {  	[smem:$0x3F8B] =	sst lr;
	_ =	strace $0xD0000000  }
0x3: {  	_ = 	snop  }
0x4: {  	_ = 	snop  }
0x5: {  	_ = 	snop  }
0x6: {  	_ = 	snop  }
0x7: {  	_ = 	snop  }
__scs_overlays_trampoline_lowered:
0x8: {  	[smem:$0x3F9A] =	sst s0  }
0x9: {  	[smem:$0x3F9B] =	sst s1  }
0xa: {  	[smem:$0x3F9C] =	sst s2  }
0xb: {  	[smem:$0x3F9D] =	sst s3  }
0xc: {  	[smem:$0x3F9E] =	sst s4  }
0xd: {  	[smem:$0x3F9F] =	sst s5  }
0xe: {  	[smem:$0x3FA0] =	sst s6  }
0xf: {  	[smem:$0x3FA1] =	sst s7  }
0x10: {  	[smem:$0x3FA2] =	sst s8  }
0x11: {  	[smem:$0x3FA3] =	sst s9;
	s0 =	simm.s32 @!p0 $0x0  }
0x12: {  	s1 =	sld [smem:$0x3F89];
	s0 =	simm.s32 @p0 $0x1  }
0x13: {  	[smem:$0x3FA4] =	sst s0;
	s0 =	simm.s32 @!p1 $0x0  }
0x14: {  	s2 =	sld [smem:$0x3F88];
	s0 =	simm.s32 @p1 $0x1  }
0x15: {  	[smem:$0x3FA5] =	sst s0;
	s0 =	simm.s32 @!p2 $0x0  }
0x16: {  	s3 =	sld [smem:$0x3FDB];
	s0 =	simm.s32 @p2 $0x1  }
0x17: {  	s4 =	simm.s32 $0x1BF5;
	[smem:$0x3FA7] =	sst s0  }
0x18: {  	s0 =	sld [smem:$0x3F8A];
	_ =	swait.ge [sflag:s4], $0x0  }
0x19: {  	s7 =	sld [smem:$0x3F8B]  }
0x1a: {  	s8 =	sadd.s32 $0xFFFFE003, lr  }
0x1b: {  	s9 =	sadd.s32 $0xFFFFFEF7, lr;
	s5 =	simm.s32 $0xFFFFFFFF;
	p2 =	slt.u32 s8, $0xFFFFF086  }
0x1c: {  	p1 =	slt.u32 s9, $0xF7A;
	s5 =	simm.s32 @!p2 $0x0  }
0x1d: {  	s5 =	simm.s32 @p1 $0x1;
	p0 =	seq.s32 s7, s2  }
0x1e: {  	s7 =	smul.u32 @!p0 $0xF7A, s2;
	p2 =	seq.s32 @!p0 s5, $0x0  }
0x1f: {  	s9 =	smul.u32 $0xF7A, s1;
	s8 =	simm.s32 @!p0 $0x1BF5;
	p2 =	por !p2, p0  }
0x20: {  	[sflag:s8] =	ssyncset.s32 @!p0 $0xFFFFF086;
	s6 =	sadd.s32 @!p0 s3, s7;
	s7 =	simm.s32 @!p0 $0x108  }
0x21: {  	s3 =	sadd.s32 s3, s9;
	s6 =	sadd.s32 @!p0 $0x88, s6;
	s7 =	simm.s32 @p2 $0x1082  }
0x22: {  	[simem:s7], [sflag:s8] =	dma.local @!p0 [hbm:s6], $0xF7A  }
0x23: {  	s9 =	sor.u32 $0xD0000000, s2;
	s6 =	simm.s32 $0x108;
	_ =	swait.ge @!p0 [sflag:s8], $0x0  }
0x24: {  	s3 =	sadd.s32 $0x88, s3;
	s6 =	simm.s32 @!p1 $0x1082;
	[sflag:s4] =	ssyncset.s32 $0xFFFFF086  }
0x25: {  	[simem:s6], [sflag:s4] =	dma.local [hbm:s3], $0xF7A  }
0x26: {  	[smem:$0x3F8B] =	sst s1;
	(tag) =	ssettag s2;
	_ =	strace s9  }
0x27: {  	s1 =	sld [smem:$0x3F9B]  }
0x28: {  	s2 =	sld [smem:$0x3F9C]  }
0x29: {  	s4 =	sld [smem:$0x3F9E]  }
0x2a: {  	p0 =	seq.s32 s5, $0x0;
	s5 =	sld [smem:$0x3F9F]  }
0x2b: {  	s6 =	sld [smem:$0x3FA0]  }
0x2c: {  	s7 =	sld [smem:$0x3FA1]  }
0x2d: {  	s3 =	simm.s32 $0x108;
	s8 =	sld [smem:$0x3FA2]  }
0x2e: {  	s3 =	simm.s32 @!p0 $0x1082;
	s9 =	sld [smem:$0x3FA3]  }
0x2f: {  	lr =	sadd.s32 s0, s3;
	s0 =	sld [smem:$0x3F9A]  }
0x30: {  	s3 =	sld [smem:$0x3F9D]  }
0x31: {  	[smem:$0x3FA6] =	sst s10  }
0x32: {  	s10 =	sld [smem:$0x3FA4];
	_ =	sdelay $0x3  }
0x33: {  	p0 =	seq.s32 s10, $0x1;
	s10 =	sld [smem:$0x3FA6];
	_ =	sdelay $0x3  }
0x34: {  	[smem:$0x3FA6] =	sst s10  }
0x35: {  	s10 =	sld [smem:$0x3FA5];
	_ =	sdelay $0x3  }
0x36: {  	p1 =	seq.s32 s10, $0x1;
	s10 =	sld [smem:$0x3FA6];
	_ =	sdelay $0x3  }
0x37: {  	[smem:$0x3FA6] =	sst s10  }
0x38: {  	s10 =	sld [smem:$0x3FA7]  }
0x39: {  	_ = 	snop;
	(pc) =	sbr.ind lr, $3  }
0x3a: {  	_ = 	snop  }
0x3b: {  	_ = 	snop  }
0x3c: {  	p2 =	seq.s32 s10, $0x1;
	s10 =	sld [smem:$0x3FA6]  }
0x3d: {  	_ =	shalt  }
0x3e: {  	_ =	shalt  }
0x3f: {  	_ =	shalt  }
0x40: {  	_ =	shalt  }
0x41: {  	_ =	shalt  }
0x42: {  	_ =	shalt  }
0x43: {  	_ =	shalt  }
0x44: {  	_ =	shalt  }
0x45: {  	_ =	shalt  }
0x46: {  	_ =	shalt  }
0x47: {  	_ =	shalt  }
0x48: {  	_ =	shalt  }
0x49: {  	_ =	shalt  }
0x4a: {  	_ =	shalt  }
0x4b: {  	_ =	shalt  }
0x4c: {  	_ =	shalt  }
0x4d: {  	_ =	shalt  }
0x4e: {  	_ =	shalt  }
0x4f: {  	_ =	shalt  }
0x50: {  	_ =	shalt  }
0x51: {  	_ =	shalt  }
0x52: {  	_ =	shalt  }
0x53: {  	_ =	shalt  }
0x54: {  	_ =	shalt  }
0x55: {  	_ =	shalt  }
0x56: {  	_ =	shalt  }
0x57: {  	_ =	shalt  }
0x58: {  	_ =	shalt  }
0x59: {  	_ =	shalt  }
0x5a: {  	_ =	shalt  }
0x5b: {  	_ =	shalt  }
0x5c: {  	_ =	shalt  }
0x5d: {  	_ =	shalt  }
0x5e: {  	_ =	shalt  }
0x5f: {  	_ =	shalt  }
0x60: {  	_ =	shalt  }
0x61: {  	_ =	shalt  }
0x62: {  	_ =	shalt  }
0x63: {  	_ =	shalt  }
0x64: {  	_ =	shalt  }
0x65: {  	_ =	shalt  }
0x66: {  	_ =	shalt  }
0x67: {  	_ =	shalt  }
0x68: {  	_ =	shalt  }
0x69: {  	_ =	shalt  }
0x6a: {  	_ =	shalt  }
0x6b: {  	_ =	shalt  }
0x6c: {  	_ =	shalt  }
0x6d: {  	_ =	shalt  }
0x6e: {  	_ =	shalt  }
0x6f: {  	_ =	shalt  }
0x70: {  	_ =	shalt  }
0x71: {  	_ =	shalt  }
0x72: {  	_ =	shalt  }
0x73: {  	_ =	shalt  }
0x74: {  	_ =	shalt  }
0x75: {  	_ =	shalt  }
0x76: {  	_ =	shalt  }
0x77: {  	_ =	shalt  }
0x78: {  	_ =	shalt  }
0x79: {  	_ =	shalt  }
0x7a: {  	_ =	shalt  }
0x7b: {  	_ =	shalt  }
0x7c: {  	_ =	shalt  }
0x7d: {  	_ =	shalt  }
0x7e: {  	_ =	shalt  }
0x7f: {  	_ =	shalt  }
0x80: {  	_ =	shalt  }
0x81: {  	_ =	shalt  }
0x82: {  	_ =	shalt  }
0x83: {  	_ =	shalt  }
0x84: {  	_ =	shalt  }
0x85: {  	_ =	shalt  }
0x86: {  	_ =	shalt  }
0x87: {  	_ =	shalt  }
.Lfunc_end0:
.L_simem_size_0:
called_computation.2_lowered:
.L_overlay_start_0:
0x88: {  	s2 =	sld [smem:$0x3FD9]  }
0x89: {  	s3 =	sld [smem:$0x3FFE];
	_ =	sdelay $0x1  }
0x8a: {  	s1 =	srdreg.scid  }
0x8b: {  	s0 =	sand.u32 $0x1, s1  }
0x8c: {  	s17 =	sshll.u32 s0, $0xA;
	s2 =	sadd.s32 s3, s2  }
0x8d: {  	s2 =	sadd.s32 s2, s17  }
0x8e: {  	[smem:$0x3FB2] =	sst s2  }
0x8f: {  	_ = 	snop  }
0x90: {  	s2 =	sld [smem:$0x3FC7];
	(tm) =	ssettm $0x1  }
0x91: {  	s18 =	sld [smem:$0x3FFB];
	_ =	sdelay $0x3  }
0x92: {  	_ =	strace s18  }
0x93: {  	s3 =	sld [smem:$0x3FFC];
	_ =	sdelay $0x3  }
0x94: {  	_ =	strace s3  }
0x95: {  	s3 =	sld [smem:$0x3FFD];
	_ =	sdelay $0x3  }
0x96: {  	_ =	strace s3  }
0x97: {  	_ =	strace $0x8FFFFFFF  }
0x98: {  	s19 =	sld [smem:$0x3FDB];
	_ =	sdelay $0x1  }
0x99: {  	s4 =	simm.s32 $_scs_section_size  }
0x9a: {  	s5 =	simm.s32 $_size__tile_overlayer_lowered;
	s6 =	simm.s32 $_tile_overlayer_lowered  }
0x9b: {  	s22 =	simm.s32 $0x1BFF;
	s21 =	sshll.u32 s6, $0x1;
	s3 =	sadd.s32 s4, s19  }
0x9c: {  	s7 =	simm.s32 $0x0;
	s20 =	sshll.u32 s5, $0x1;
	s5 =	sadd.s32 s21, s3  }
0x9d: {  	[timem:s7], [sflag:s22] =	dma.local [hbm:s5], s20  }
0x9e: {  	_ =	swait.ge [sflag:s22], s20  }
0x9f: {  	s4 =	ssub.s32 $0x0, s20;
	[sflag:s22] =	ssyncset.done $0x0  }
0xa0: {  	[sflag:s22] =	ssyncadd.s32 s4;
	_ =	sdelay $0x1  }
0xa1: {  	s23 =	simm.s32 $0x1B8B  }
0xa2: {  	_ =	swait.ge [sflag:s23], $0x1  }
0xa3: {  	[sflag:s23] =	ssyncset.done $0x0  }
0xa4: {  	s25 =	simm.s32 $0x1B8E;
	s24 =	sld [smem:$0x3FFE];
	[sflag:s23] =	ssyncadd.s32 $0xFFFFFFFF  }
0xa5: {  	s26 =	simm.s32 $execute0_lowered;
	[smem:$0x3FD2] =	sst s25  }
0xa6: {  	s5 =	sshll.u32 s26, $0x1;
	_ =	strace $0x80000052;
	[dreg:$0x1] =	wrdreg $0xFFFFFFFF  }
0xa7: {  	s28 =	simm.s32 $_size_execute0_lowered;
	s3 =	sadd.s32 s3, s5;
	[dreg:$0x0] =	wrdreg $0x0  }
0xa8: {  	s5 =	sshll.u32 s28, $0x1;
	[dreg:$0x2] =	wrdreg s3  }
0xa9: {  	[dreg:$0x3] =	wrdreg s5  }
0xaa: {  	[dreg:$0x4] =	wrdreg $0xC0  }
0xab: {  	_ =	task [dreg:s7], $0x5FFFF  }
0xac: {  	[dreg:$0x1] =	wrdreg $0xFFFFFFFF  }
0xad: {  	[dreg:$0x0] =	wrdreg $0x60  }
0xae: {  	[dreg:$0x2] =	wrdreg s2  }
0xaf: {  	[dreg:$0x3] =	wrdreg s24  }
0xb0: {  	[dreg:$0x4] =	wrdreg $0x9  }
0xb1: {  	_ =	task.clear_ibuf [dreg:s7], $0x5FFFF;
	_ =	strace $0x90000052  }
0xb2: {  	s29 =	simm.s32 $0x9;
	_ =	strace $0x80000054  }
0xb3: {  	_ =	swait.ge [sflag:s29], $0x1  }
0xb4: {  	[sflag:s29] =	ssyncadd.s32 $0xFFFFFFFF  }
0xb5: {  	_ =	strace $0x90000054  }
0xb6: {  	_ =	sfence  }
0xb7: {  	s30 =	sld [smem:$0x0];
	_ =	sdelay $0x2  }
0xb8: {  	s31 =	sshll.u32 s1, $0xD;
	s1 =	sshrl.u32 s1, $0x2  }
0xb9: {  	s3 =	sand.u32 $0x4000, s31;
	s1 =	sadd.s32 s1, s30  }
0xba: {  	s0 =	sor.u32 s3, s0;
	s1 =	sshll.u32 s1, $0x11  }
0xbb: {  	s0 =	sor.u32 s1, s0  }
0xbc: {  	s0 =	sadd.s32 $0x8F2B, s0  }
0xbd: {  	[sflag:s0] =	ssyncadd.remote.s32 $0x1  }
0xbe: {  	_ =	sfence.sel $0xFFFF  }
0xbf: {  	[dreg:$0x0] =	wrdreg $0xFFFFFFFF;
	(pc) =	sbr.abs _section_cstart, $3  }
0xc0: {  	[dreg:$0x1] =	wrdreg $0xFFFFFFFF  }
0xc1: {  	_ =	task.clear_ibuf [dreg:s7], $0x2FFFF;
	_ =	strace $0x9FFFFFFF  }
0xc2: {  	(tm) =	ssettm $0x7FFFFFFF  }
0xc3: {  	_ =	shalt  }
tec
execute0_lowered:
.L_overlay_start_1:
0x0: {  	(tag) =	ssettag $0x1  }
0x1: {  	s2 =	rddreg [dreg:$0x0]  }
0x2: {  	s8 =	rddreg [dreg:$0x1]  }
0x3: {  	s0 =	rddreg [dreg:$0x2];
	s1 =	stileid.u32  }
0x4: {  	s3 =	srdreg.scid;
	_ =	strace $0x80000053;
	s4 =	simm.s32 $0x1  }
0x5: {  	s7 =	simm.s32 $0x1;
	s9 =	simm.s32 $0x1;
	s10 =	simm.s32 $0x3  }
0x6: {  	s13 =	simm.s32 $0x0;
	s5 =	sand.u32 $0x1, s3;
	s6 =	sshll.u32 s1, $0x1  }
0x7: {  	s12 =	simm.s32 $0x0;
	s3 =	sadd.s32 $0x19E00, s8;
	s5 =	sor.u32 s6, s5  }
.Ltmp0:
0x8: {  	[sflag:s4] =	ssyncpa.u1 $0x0;
	p0 =	slt.u32 s5, $0x9;
	(pc) =	sbr.rel .LBB2_1-.Ltmp0, $4  }
0x9: {  	s6 =	simm.s32 $0x2;
	s7 =	simm.s32 @!p0 $0x0;
	p0 =	sne.s32 s5, $0x8  }
0xa: {  	[sflag:s6] =	ssyncpa.u1 $0x0;
	s5 =	smul.u32 $0xFA0, s5;
	s9 =	simm.s32 @!p0 $0x0  }
0xb: {  	s8 =	sadd.s32 $0x5400, s8;
	[sflag:s10] =	ssyncpa.u1 $0x0;
	s7 =	sadd.s32 s9, s7  }
0xc: {  	vm0 =	vmmov $0xffff;
	s10 =	simm.s32 $0x0;
	s11 =	smov.u32 s5;
	s9 =	sadd.s32 $0x1, s7  }
.LBB2_4:
0xd: {  	v2 =	vnsel vm1, $0x0, v2  }
0xe: {  	vm1 =	vgt.s32 v0, $0x0;
	v2 =	vmin.u32 v2, $0x270FF  }
0xf: {  	v0 =	vnsel vm1, $0x0, v0  }
0x10: {  	v0 =	vmin.u32 v0, $0x270FF  }
0x11: {  	[tilespmem:s18], [sflag:$0x1] =	stream.indirect_vreg.gather [hbm4b:s2+s10], $0x1, v1, vm0, $0x4038;
	[tilespmem:$0x3E80] =	vst v63  }
0x12: {  	(ifvalue) =	ssetifvalue $0x7FFFFFFF  }
0x13: {  	[tilespmem:s15], [sflag:$0x1] =	stream.indirect_vreg.gather [hbm4b:s2+s10], $0x1, v2, vm0, $0x4038;
	[tilespmem:$0x3E80] =	vst v63  }
0x14: {  	s29 =	sadd.s32 $0x10, s15;
	(ifvalue) =	ssetifvalue $0x7FFFFFFF  }
0x15: {  	[tilespmem:s29], [sflag:$0x1] =	stream.indirect_vreg.gather [hbm4b:s2+s10], $0x1, v0, vm0, $0x4038;
	[tilespmem:$0x3E80] =	vst v63  }
0x16: {  	_ =	swait.ge [sflag:s4], $0xFA0  }
0x17: {  	s30 =	sshrl.u32 s13, $0x3;
	[sflag:s4] =	ssyncset.done $0x0  }
0x18: {  	s31 =	sand.u32 $0x7, s13;
	s15 =	sadd.s32 s8, s30;
	[sflag:s4] =	ssyncadd.s32 $0xFFFFF060  }
0x19: {  	[hbm4b:s15+s31] =	stream.linear.scatter [tilespmem:s14], [sflag:$0x3], $0xFA0, $0x38;
	[tilespmem:$0x3E80] =	vst v63  }
.LBB2_5:
0x1a: {  	s15 =	sadd.s32 $0x1F400, s11  }
0x1b: {  	p1 =	sgt.s32 s15, $0x270FF  }
0x1c: {  	s15 =	smov.u32 @p1 s5;
	p1 =	sne.s32 s12, s9  }
.Ltmp1:
0x1d: {  	p0 =	slt.u32 s12, $0x2;
	(pc) =	sbr.rel @!p1 .LBB2_6-.Ltmp1, $4  }
0x1e: {  	s14 =	simm.s32 @!p0 $0x3  }
0x1f: {  	_ =	swait.ge @!p0 [sflag:s14], $0xFA0  }
0x20: {  	s16 =	sadd.s32 $0x1, s12;
	s13 =	smov.u32 s11;
	[sflag:s14] =	ssyncset.done @!p0 $0x0  }
0x21: {  	s12 =	smov.u32 s16;
	s11 =	smov.u32 s15;
	[sflag:s14] =	ssyncadd.s32 @!p0 $0xFFFFF060  }
.LBB2_1:
0x22: {  	p0 =	sge.u32 s12, s7  }
0x23: {  	s14 =	sxor.u32 @!p0 $0x1, s12  }
0x24: {  	s14 =	smul.u32 @!p0 $0x3E80, s14  }
0x25: {  	s31 =	sadd.s32 $0xFFFFFFFF, s12;
	s15 =	sshrl.u32 @!p0 s11, $0x3  }
0x26: {  	s16 =	sand.u32 @!p0 $0x7, s11;
	s15 =	sadd.s32 @!p0 s3, s15;
	s14 =	sshra.s32 @!p0 s14, $0x2  }
0x27: {  	[tilespmem:s14], [sflag:$0x2] =	stream.linear.gather @!p0 [hbm4b:s15+s16], $0xFA0, $0x38;
	[tilespmem:$0x3E80] =	vst v63  }
0x28: {  	p0 =	sge.u32 s31, s7  }
.Ltmp2:
0x29: {  	_ = 	snop;
	(pc) =	sbr.rel @p0 .LBB2_5-.Ltmp2, $1  }
0x2a: {  	_ =	sdelay $0x3  }
0x2b: {  	s14 =	sand.u32 $0x1, s12  }
0x2c: {  	_ =	swait.ge [sflag:s6], $0xFA0;
	p0 =	seq.s32 s14, $0x1;
	s14 =	simm.s32 $0xFA0  }
0x2d: {  	[sflag:s6] =	ssyncset.done $0x0;
	s14 =	simm.s32 @!p0 $0x0  }
0x2e: {  	[sflag:s6] =	ssyncadd.s32 $0xFFFFF060;
	(ifvalue) =	ssetifvalue $0x7FFFFFFF;
	v0 =	vld.msk [tilespmem:s14+$0x0 ss:$0x1], $0xffff;
	_ =	sdelay $0x4  }
0x2f: {  	s15 =	sadd.s32 $0x10, s14;
	vm1 =	vgt.s32 v0, $0x0  }
0x30: {  	v2 =	vld.msk [tilespmem:s15+$0x0 ss:$0x1], $0xffff;
	v1 =	vnsel vm1, $0x0, v0  }
0x31: {  	v1 =	vmin.u32 v1, $0x270FF;
	_ =	sdelay $0x2  }
0x32: {  	s17 =	simm.s32 $0x20;
	s14 =	sadd.s32 $0x1F40, s14;
	s16 =	sadd.s32 $0x10, s15  }
0x33: {  	s15 =	sadd.s32 $0x10, s14;
	s18 =	smov.u32 s14;
	v0 =	vld.msk [tilespmem:s16+$0x0 ss:$0x1], $0xffff;
	vm1 =	vgt.s32 v2, $0x0;
	(ifvalue) =	ssetifvalue $0x7FFFFFFF  }
.LBB2_3:
0x34: {  	[tilespmem:s18], [sflag:$0x1] =	stream.indirect_vreg.gather [hbm4b:s2+s10], $0x1, v1, vm0, $0x4038;
	[tilespmem:$0x3E80] =	vst v63  }
0x35: {  	s17 =	sadd.s32 $0x10, s17  }
0x36: {  	v2 =	vnsel vm1, $0x0, v2;
	p0 =	slt.u32 s17, $0xF90  }
.Ltmp3:
0x37: {  	s18 =	smov.u32 s15;
	v1 =	vmin.u32 v2, $0x270FF;
	(pc) =	sbr.rel @p0 .LBB2_3-.Ltmp3, $3  }
0x38: {  	_ =	sdelay $0x1  }
0x39: {  	s16 =	sadd.s32 $0x10, s16  }
0x3a: {  	vm1 =	vgt.s32 v0, $0x0;
	s15 =	sadd.s32 $0x10, s15;
	v2 =	vmov v0;
	(ifvalue) =	ssetifvalue $0x7FFFFFFF;
	v0 =	vld.msk [tilespmem:s16+$0x0 ss:$0x1], $0xffff  }
.Ltmp4:
0x3b: {  	_ = 	snop;
	(pc) =	sbr.rel .LBB2_4-.Ltmp4, $1  }
0x3c: {  	_ =	sdelay $0x3  }
.LBB2_6:
0x3d: {  	_ =	sfence.sel $0x180000  }
0x3e: {  	s2 =	simm.s32 $0x2;
	[bflag:$0x0] =	sbarrier.arrive $0xFFFF  }
0x3f: {  	s30 =	simm.s32 $0x3;
	[sflag:s2] =	ssyncpa.u1 $0x1  }
0x40: {  	s31 =	simm.s32 $0x1;
	[sflag:s30] =	ssyncpa.u1 $0x1  }
0x41: {  	[sflag:s31] =	ssyncpa.u1 $0x1  }
0x42: {  	p0 =	sne.s32 s1, $0x0;
	_ =	strace $0x90000053  }
0x43: {  	s0 =	sadd.s32 @!p0 $0x100000, s0;
	[bflag:$0x2] =	sbarrier.arrive $0xFFFF  }
0x44: {  	[sflag:s0] =	ssyncadd.tile.s32 @!p0 $0x1;
	_ =	shalt  }
.Lfunc_end2:
_tile_overlayer_lowered:
.L_overlay_start_2:
0x45: {  	(tag) =	ssettag $0x2  }
0x46: {  	s0 =	rddreg [dreg:$0x0];
	s2 =	stileid.u32  }
0x47: {  	s1 =	rddreg [dreg:$0x1];
	p0 =	sne.s32 s2, $0x0  }
0x48: {  	s3 =	rddreg [dreg:$0x2];
	[bflag:$0x3] =	sbarrier.arrive $0xFFFF;
	s2 =	simm.s32 @!p0 $0x1C01  }
0x49: {  	[timem:s3], [sflag:s2] =	dma.local @!p0 [hbm:s0], s1  }
0x4a: {  	s0 =	simm.s32 @!p0 $0x1  }
0x4b: {  	_ =	swait.ge @!p0 [sflag:s0], s1  }
0x4c: {  	s1 =	ssub.s32 @!p0 $0x0, s1;
	[sflag:s0] =	ssyncset.done @!p0 $0x0  }
0x4d: {  	[sflag:s0] =	ssyncadd.s32 @!p0 s1  }
0x4e: {  	[bflag:$0x3] =	sbarrier.arrive $0xFFFF  }
0x4f: {  	_ =	shalt  }

// kernel: gather_offload_async_start.3
scs
__scs_entry_jumppad:
0x0: {  	(pc) =	sbr.rel $0x88, $3  }
0x1: {  	(tag) =	ssettag $0x0;
	lr =	simm.s32 $0x1  }
0x2: {  	[smem:$0x3F8B] =	sst lr;
	_ =	strace $0xD0000000  }
0x3: {  	_ = 	snop  }
0x4: {  	_ = 	snop  }
0x5: {  	_ = 	snop  }
0x6: {  	_ = 	snop  }
0x7: {  	_ = 	snop  }
__scs_overlays_trampoline_lowered:
0x8: {  	[smem:$0x3F9A] =	sst s0  }
0x9: {  	[smem:$0x3F9B] =	sst s1  }
0xa: {  	[smem:$0x3F9C] =	sst s2  }
0xb: {  	[smem:$0x3F9D] =	sst s3  }
0xc: {  	[smem:$0x3F9E] =	sst s4  }
0xd: {  	[smem:$0x3F9F] =	sst s5  }
0xe: {  	[smem:$0x3FA0] =	sst s6  }
0xf: {  	[smem:$0x3FA1] =	sst s7  }
0x10: {  	[smem:$0x3FA2] =	sst s8  }
0x11: {  	[smem:$0x3FA3] =	sst s9;
	s0 =	simm.s32 @!p0 $0x0  }
0x12: {  	s1 =	sld [smem:$0x3F89];
	s0 =	simm.s32 @p0 $0x1  }
0x13: {  	[smem:$0x3FA4] =	sst s0;
	s0 =	simm.s32 @!p1 $0x0  }
0x14: {  	s2 =	sld [smem:$0x3F88];
	s0 =	simm.s32 @p1 $0x1  }
0x15: {  	[smem:$0x3FA5] =	sst s0;
	s0 =	simm.s32 @!p2 $0x0  }
0x16: {  	s3 =	sld [smem:$0x3FDB];
	s0 =	simm.s32 @p2 $0x1  }
0x17: {  	s4 =	simm.s32 $0x1BF5;
	[smem:$0x3FA7] =	sst s0  }
0x18: {  	s0 =	sld [smem:$0x3F8A];
	_ =	swait.ge [sflag:s4], $0x0  }
0x19: {  	s7 =	sld [smem:$0x3F8B]  }
0x1a: {  	s8 =	sadd.s32 $0xFFFFE003, lr  }
0x1b: {  	s9 =	sadd.s32 $0xFFFFFEF7, lr;
	s5 =	simm.s32 $0xFFFFFFFF;
	p2 =	slt.u32 s8, $0xFFFFF086  }
0x1c: {  	p1 =	slt.u32 s9, $0xF7A;
	s5 =	simm.s32 @!p2 $0x0  }
0x1d: {  	s5 =	simm.s32 @p1 $0x1;
	p0 =	seq.s32 s7, s2  }
0x1e: {  	s7 =	smul.u32 @!p0 $0xF7A, s2;
	p2 =	seq.s32 @!p0 s5, $0x0  }
0x1f: {  	s9 =	smul.u32 $0xF7A, s1;
	s8 =	simm.s32 @!p0 $0x1BF5;
	p2 =	por !p2, p0  }
0x20: {  	[sflag:s8] =	ssyncset.s32 @!p0 $0xFFFFF086;
	s6 =	sadd.s32 @!p0 s3, s7;
	s7 =	simm.s32 @!p0 $0x108  }
0x21: {  	s3 =	sadd.s32 s3, s9;
	s6 =	sadd.s32 @!p0 $0x88, s6;
	s7 =	simm.s32 @p2 $0x1082  }
0x22: {  	[simem:s7], [sflag:s8] =	dma.local @!p0 [hbm:s6], $0xF7A  }
0x23: {  	s9 =	sor.u32 $0xD0000000, s2;
	s6 =	simm.s32 $0x108;
	_ =	swait.ge @!p0 [sflag:s8], $0x0  }
0x24: {  	s3 =	sadd.s32 $0x88, s3;
	s6 =	simm.s32 @!p1 $0x1082;
	[sflag:s4] =	ssyncset.s32 $0xFFFFF086  }
0x25: {  	[simem:s6], [sflag:s4] =	dma.local [hbm:s3], $0xF7A  }
0x26: {  	[smem:$0x3F8B] =	sst s1;
	(tag) =	ssettag s2;
	_ =	strace s9  }
0x27: {  	s1 =	sld [smem:$0x3F9B]  }
0x28: {  	s2 =	sld [smem:$0x3F9C]  }
0x29: {  	s4 =	sld [smem:$0x3F9E]  }
0x2a: {  	p0 =	seq.s32 s5, $0x0;
	s5 =	sld [smem:$0x3F9F]  }
0x2b: {  	s6 =	sld [smem:$0x3FA0]  }
0x2c: {  	s7 =	sld [smem:$0x3FA1]  }
0x2d: {  	s3 =	simm.s32 $0x108;
	s8 =	sld [smem:$0x3FA2]  }
0x2e: {  	s3 =	simm.s32 @!p0 $0x1082;
	s9 =	sld [smem:$0x3FA3]  }
0x2f: {  	lr =	sadd.s32 s0, s3;
	s0 =	sld [smem:$0x3F9A]  }
0x30: {  	s3 =	sld [smem:$0x3F9D]  }
0x31: {  	[smem:$0x3FA6] =	sst s10  }
0x32: {  	s10 =	sld [smem:$0x3FA4];
	_ =	sdelay $0x3  }
0x33: {  	p0 =	seq.s32 s10, $0x1;
	s10 =	sld [smem:$0x3FA6];
	_ =	sdelay $0x3  }
0x34: {  	[smem:$0x3FA6] =	sst s10  }
0x35: {  	s10 =	sld [smem:$0x3FA5];
	_ =	sdelay $0x3  }
0x36: {  	p1 =	seq.s32 s10, $0x1;
	s10 =	sld [smem:$0x3FA6];
	_ =	sdelay $0x3  }
0x37: {  	[smem:$0x3FA6] =	sst s10  }
0x38: {  	s10 =	sld [smem:$0x3FA7]  }
0x39: {  	_ = 	snop;
	(pc) =	sbr.ind lr, $3  }
0x3a: {  	_ = 	snop  }
0x3b: {  	_ = 	snop  }
0x3c: {  	p2 =	seq.s32 s10, $0x1;
	s10 =	sld [smem:$0x3FA6]  }
0x3d: {  	_ =	shalt  }
0x3e: {  	_ =	shalt  }
0x3f: {  	_ =	shalt  }
0x40: {  	_ =	shalt  }
0x41: {  	_ =	shalt  }
0x42: {  	_ =	shalt  }
0x43: {  	_ =	shalt  }
0x44: {  	_ =	shalt  }
0x45: {  	_ =	shalt  }
0x46: {  	_ =	shalt  }
0x47: {  	_ =	shalt  }
0x48: {  	_ =	shalt  }
0x49: {  	_ =	shalt  }
0x4a: {  	_ =	shalt  }
0x4b: {  	_ =	shalt  }
0x4c: {  	_ =	shalt  }
0x4d: {  	_ =	shalt  }
0x4e: {  	_ =	shalt  }
0x4f: {  	_ =	shalt  }
0x50: {  	_ =	shalt  }
0x51: {  	_ =	shalt  }
0x52: {  	_ =	shalt  }
0x53: {  	_ =	shalt  }
0x54: {  	_ =	shalt  }
0x55: {  	_ =	shalt  }
0x56: {  	_ =	shalt  }
0x57: {  	_ =	shalt  }
0x58: {  	_ =	shalt  }
0x59: {  	_ =	shalt  }
0x5a: {  	_ =	shalt  }
0x5b: {  	_ =	shalt  }
0x5c: {  	_ =	shalt  }
0x5d: {  	_ =	shalt  }
0x5e: {  	_ =	shalt  }
0x5f: {  	_ =	shalt  }
0x60: {  	_ =	shalt  }
0x61: {  	_ =	shalt  }
0x62: {  	_ =	shalt  }
0x63: {  	_ =	shalt  }
0x64: {  	_ =	shalt  }
0x65: {  	_ =	shalt  }
0x66: {  	_ =	shalt  }
0x67: {  	_ =	shalt  }
0x68: {  	_ =	shalt  }
0x69: {  	_ =	shalt  }
0x6a: {  	_ =	shalt  }
0x6b: {  	_ =	shalt  }
0x6c: {  	_ =	shalt  }
0x6d: {  	_ =	shalt  }
0x6e: {  	_ =	shalt  }
0x6f: {  	_ =	shalt  }
0x70: {  	_ =	shalt  }
0x71: {  	_ =	shalt  }
0x72: {  	_ =	shalt  }
0x73: {  	_ =	shalt  }
0x74: {  	_ =	shalt  }
0x75: {  	_ =	shalt  }
0x76: {  	_ =	shalt  }
0x77: {  	_ =	shalt  }
0x78: {  	_ =	shalt  }
0x79: {  	_ =	shalt  }
0x7a: {  	_ =	shalt  }
0x7b: {  	_ =	shalt  }
0x7c: {  	_ =	shalt  }
0x7d: {  	_ =	shalt  }
0x7e: {  	_ =	shalt  }
0x7f: {  	_ =	shalt  }
0x80: {  	_ =	shalt  }
0x81: {  	_ =	shalt  }
0x82: {  	_ =	shalt  }
0x83: {  	_ =	shalt  }
0x84: {  	_ =	shalt  }
0x85: {  	_ =	shalt  }
0x86: {  	_ =	shalt  }
0x87: {  	_ =	shalt  }
.Lfunc_end0:
.L_simem_size_0:
called_computation.3_lowered:
.L_overlay_start_0:
0x88: {  	s2 =	sld [smem:$0x3FD9]  }
0x89: {  	s3 =	sld [smem:$0x3FFE];
	_ =	sdelay $0x1  }
0x8a: {  	s1 =	srdreg.scid  }
0x8b: {  	s0 =	sand.u32 $0x1, s1  }
0x8c: {  	s16 =	sshll.u32 s0, $0xA;
	s2 =	sadd.s32 s3, s2  }
0x8d: {  	s2 =	sadd.s32 s2, s16  }
0x8e: {  	[smem:$0x3FB2] =	sst s2  }
0x8f: {  	_ = 	snop  }
0x90: {  	(tm) =	ssettm $0x1  }
0x91: {  	s17 =	sld [smem:$0x3FFB];
	_ =	sdelay $0x3  }
0x92: {  	_ =	strace s17  }
0x93: {  	s2 =	sld [smem:$0x3FFC];
	_ =	sdelay $0x3  }
0x94: {  	_ =	strace s2  }
0x95: {  	s2 =	sld [smem:$0x3FFD];
	_ =	sdelay $0x3  }
0x96: {  	_ =	strace s2  }
0x97: {  	_ =	strace $0x8FFFFFFF  }
0x98: {  	s18 =	sld [smem:$0x3FDB];
	_ =	sdelay $0x1  }
0x99: {  	s19 =	simm.s32 $_scs_section_size  }
0x9a: {  	s4 =	simm.s32 $_size__tile_overlayer_lowered;
	s5 =	simm.s32 $_tile_overlayer_lowered  }
0x9b: {  	s22 =	simm.s32 $0x1BFF;
	s21 =	sshll.u32 s5, $0x1;
	s2 =	sadd.s32 s19, s18  }
0x9c: {  	s6 =	simm.s32 $0x0;
	s20 =	sshll.u32 s4, $0x1;
	s4 =	sadd.s32 s21, s2  }
0x9d: {  	[timem:s6], [sflag:s22] =	dma.local [hbm:s4], s20  }
0x9e: {  	_ =	swait.ge [sflag:s22], s20  }
0x9f: {  	s3 =	ssub.s32 $0x0, s20;
	[sflag:s22] =	ssyncset.done $0x0  }
0xa0: {  	[sflag:s22] =	ssyncadd.s32 s3;
	_ =	sdelay $0x1  }
0xa1: {  	s23 =	simm.s32 $0x1B8B  }
0xa2: {  	_ =	swait.ge [sflag:s23], $0x1  }
0xa3: {  	[sflag:s23] =	ssyncset.done $0x0  }
0xa4: {  	s25 =	simm.s32 $0x1B8E;
	s24 =	sld [smem:$0x3FFE];
	[sflag:s23] =	ssyncadd.s32 $0xFFFFFFFF  }
0xa5: {  	s26 =	simm.s32 $execute0_lowered;
	[smem:$0x3FD2] =	sst s25  }
0xa6: {  	s4 =	sshll.u32 s26, $0x1;
	_ =	strace $0x8000004C;
	[dreg:$0x1] =	wrdreg $0xFFFFFFFF  }
0xa7: {  	s28 =	simm.s32 $_size_execute0_lowered;
	s2 =	sadd.s32 s2, s4;
	[dreg:$0x0] =	wrdreg $0x0  }
0xa8: {  	s4 =	sshll.u32 s28, $0x1;
	[dreg:$0x2] =	wrdreg s2  }
0xa9: {  	[dreg:$0x3] =	wrdreg s4  }
0xaa: {  	[dreg:$0x4] =	wrdreg $0xC0  }
0xab: {  	_ =	task [dreg:s6], $0x5FFFF  }
0xac: {  	[dreg:$0x1] =	wrdreg $0xFFFFFFFF  }
0xad: {  	[dreg:$0x0] =	wrdreg $0x60  }
0xae: {  	[dreg:$0x2] =	wrdreg s24  }
0xaf: {  	[dreg:$0x3] =	wrdreg $0xA  }
0xb0: {  	_ =	task.clear_ibuf [dreg:s6], $0x4FFFF;
	_ =	strace $0x9000004C  }
0xb1: {  	s29 =	simm.s32 $0xA;
	_ =	strace $0x8000004E  }
0xb2: {  	_ =	swait.ge [sflag:s29], $0x1  }
0xb3: {  	[sflag:s29] =	ssyncadd.s32 $0xFFFFFFFF  }
0xb4: {  	_ =	strace $0x9000004E  }
0xb5: {  	_ =	sfence  }
0xb6: {  	s30 =	sld [smem:$0x0];
	_ =	sdelay $0x2  }
0xb7: {  	s31 =	sshll.u32 s1, $0xD;
	s1 =	sshrl.u32 s1, $0x2  }
0xb8: {  	s3 =	sand.u32 $0x4000, s31;
	s1 =	sadd.s32 s1, s30  }
0xb9: {  	s0 =	sor.u32 s3, s0;
	s1 =	sshll.u32 s1, $0x11  }
0xba: {  	s0 =	sor.u32 s1, s0  }
0xbb: {  	s0 =	sadd.s32 $0x8F2B, s0  }
0xbc: {  	[sflag:s0] =	ssyncadd.remote.s32 $0x1  }
0xbd: {  	_ =	sfence.sel $0xFFFF  }
0xbe: {  	[dreg:$0x0] =	wrdreg $0xFFFFFFFF;
	(pc) =	sbr.abs _section_cstart, $3  }
0xbf: {  	[dreg:$0x1] =	wrdreg $0xFFFFFFFF  }
0xc0: {  	_ =	task.clear_ibuf [dreg:s6], $0x2FFFF;
	_ =	strace $0x9FFFFFFF  }
0xc1: {  	(tm) =	ssettm $0x7FFFFFFF  }
tec
execute0_lowered:
.L_overlay_start_1:
0x0: {  	(tag) =	ssettag $0x1  }
0x1: {  	s8 =	rddreg [dreg:$0x0]  }
0x2: {  	s0 =	rddreg [dreg:$0x1];
	_ =	strace $0x8000004D;
	s1 =	stileid.u32  }
0x3: {  	s3 =	srdreg.scid;
	s4 =	simm.s32 $0x1;
	s7 =	simm.s32 $0x1  }
0x4: {  	s9 =	simm.s32 $0x1;
	s10 =	simm.s32 $0x3;
	s13 =	simm.s32 $0x0  }
0x5: {  	s12 =	simm.s32 $0x0;
	s5 =	sand.u32 $0x1, s3;
	s6 =	sshll.u32 s1, $0x1  }
0x6: {  	s2 =	sadd.s32 $0x83600, s8;
	s3 =	sadd.s32 $0xAE00, s8;
	s5 =	sor.u32 s6, s5  }
.Ltmp0:
0x7: {  	[sflag:s4] =	ssyncpa.u1 $0x0;
	p0 =	slt.u32 s5, $0x9;
	(pc) =	sbr.rel .LBB2_1-.Ltmp0, $4  }
0x8: {  	s6 =	simm.s32 $0x2;
	s7 =	simm.s32 @!p0 $0x0;
	p0 =	sne.s32 s5, $0x8  }
0x9: {  	[sflag:s6] =	ssyncpa.u1 $0x0;
	s5 =	smul.u32 $0xFA0, s5;
	s9 =	simm.s32 @!p0 $0x0  }
0xa: {  	s8 =	sadd.s32 $0x5E00, s8;
	[sflag:s10] =	ssyncpa.u1 $0x0;
	s7 =	sadd.s32 s9, s7  }
0xb: {  	vm0 =	vmmov $0xffff;
	s10 =	simm.s32 $0x0;
	s11 =	smov.u32 s5;
	s9 =	sadd.s32 $0x1, s7  }
.LBB2_4:
0xc: {  	v2 =	vnsel vm1, $0x0, v2  }
0xd: {  	vm1 =	vgt.s32 v0, $0x0;
	v2 =	vmin.u32 v2, $0x270FF  }
0xe: {  	v0 =	vnsel vm1, $0x0, v0  }
0xf: {  	v0 =	vmin.u32 v0, $0x270FF  }
0x10: {  	[tilespmem:s18], [sflag:$0x1] =	stream.indirect_vreg.gather [hbm4b:s2+s10], $0x1, v1, vm0, $0x4038;
	[tilespmem:$0x3E80] =	vst v63  }
0x11: {  	(ifvalue) =	ssetifvalue $0x7FFFFFFF  }
0x12: {  	[tilespmem:s15], [sflag:$0x1] =	stream.indirect_vreg.gather [hbm4b:s2+s10], $0x1, v2, vm0, $0x4038;
	[tilespmem:$0x3E80] =	vst v63  }
0x13: {  	s29 =	sadd.s32 $0x10, s15;
	(ifvalue) =	ssetifvalue $0x7FFFFFFF  }
0x14: {  	[tilespmem:s29], [sflag:$0x1] =	stream.indirect_vreg.gather [hbm4b:s2+s10], $0x1, v0, vm0, $0x4038;
	[tilespmem:$0x3E80] =	vst v63  }
0x15: {  	_ =	swait.ge [sflag:s4], $0xFA0  }
0x16: {  	s30 =	sshrl.u32 s13, $0x3;
	[sflag:s4] =	ssyncset.done $0x0  }
0x17: {  	s31 =	sand.u32 $0x7, s13;
	s15 =	sadd.s32 s8, s30;
	[sflag:s4] =	ssyncadd.s32 $0xFFFFF060  }
0x18: {  	[hbm4b:s15+s31] =	stream.linear.scatter [tilespmem:s14], [sflag:$0x3], $0xFA0, $0x38;
	[tilespmem:$0x3E80] =	vst v63  }
.LBB2_5:
0x19: {  	s15 =	sadd.s32 $0x1F400, s11  }
0x1a: {  	p1 =	sgt.s32 s15, $0x270FF  }
0x1b: {  	s15 =	smov.u32 @p1 s5;
	p1 =	sne.s32 s12, s9  }
.Ltmp1:
0x1c: {  	p0 =	slt.u32 s12, $0x2;
	(pc) =	sbr.rel @!p1 .LBB2_6-.Ltmp1, $4  }
0x1d: {  	s14 =	simm.s32 @!p0 $0x3  }
0x1e: {  	_ =	swait.ge @!p0 [sflag:s14], $0xFA0  }
0x1f: {  	s16 =	sadd.s32 $0x1, s12;
	s13 =	smov.u32 s11;
	[sflag:s14] =	ssyncset.done @!p0 $0x0  }
0x20: {  	s12 =	smov.u32 s16;
	s11 =	smov.u32 s15;
	[sflag:s14] =	ssyncadd.s32 @!p0 $0xFFFFF060  }
.LBB2_1:
0x21: {  	p0 =	sge.u32 s12, s7  }
0x22: {  	s14 =	sxor.u32 @!p0 $0x1, s12  }
0x23: {  	s14 =	smul.u32 @!p0 $0x3E80, s14  }
0x24: {  	s31 =	sadd.s32 $0xFFFFFFFF, s12;
	s15 =	sshrl.u32 @!p0 s11, $0x3  }
0x25: {  	s16 =	sand.u32 @!p0 $0x7, s11;
	s15 =	sadd.s32 @!p0 s3, s15;
	s14 =	sshra.s32 @!p0 s14, $0x2  }
0x26: {  	[tilespmem:s14], [sflag:$0x2] =	stream.linear.gather @!p0 [hbm4b:s15+s16], $0xFA0, $0x38;
	[tilespmem:$0x3E80] =	vst v63  }
0x27: {  	p0 =	sge.u32 s31, s7  }
.Ltmp2:
0x28: {  	_ = 	snop;
	(pc) =	sbr.rel @p0 .LBB2_5-.Ltmp2, $1  }
0x29: {  	_ =	sdelay $0x3  }
0x2a: {  	s14 =	sand.u32 $0x1, s12  }
0x2b: {  	_ =	swait.ge [sflag:s6], $0xFA0;
	p0 =	seq.s32 s14, $0x1;
	s14 =	simm.s32 $0xFA0  }
0x2c: {  	[sflag:s6] =	ssyncset.done $0x0;
	s14 =	simm.s32 @!p0 $0x0  }
0x2d: {  	[sflag:s6] =	ssyncadd.s32 $0xFFFFF060;
	(ifvalue) =	ssetifvalue $0x7FFFFFFF;
	v0 =	vld.msk [tilespmem:s14+$0x0 ss:$0x1], $0xffff;
	_ =	sdelay $0x4  }
0x2e: {  	s15 =	sadd.s32 $0x10, s14;
	vm1 =	vgt.s32 v0, $0x0  }
0x2f: {  	v2 =	vld.msk [tilespmem:s15+$0x0 ss:$0x1], $0xffff;
	v1 =	vnsel vm1, $0x0, v0  }
0x30: {  	v1 =	vmin.u32 v1, $0x270FF;
	_ =	sdelay $0x2  }
0x31: {  	s17 =	simm.s32 $0x20;
	s14 =	sadd.s32 $0x1F40, s14;
	s16 =	sadd.s32 $0x10, s15  }
0x32: {  	s15 =	sadd.s32 $0x10, s14;
	s18 =	smov.u32 s14;
	v0 =	vld.msk [tilespmem:s16+$0x0 ss:$0x1], $0xffff;
	vm1 =	vgt.s32 v2, $0x0;
	(ifvalue) =	ssetifvalue $0x7FFFFFFF  }
.LBB2_3:
0x33: {  	[tilespmem:s18], [sflag:$0x1] =	stream.indirect_vreg.gather [hbm4b:s2+s10], $0x1, v1, vm0, $0x4038;
	[tilespmem:$0x3E80] =	vst v63  }
0x34: {  	s17 =	sadd.s32 $0x10, s17  }
0x35: {  	v2 =	vnsel vm1, $0x0, v2;
	p0 =	slt.u32 s17, $0xF90  }
.Ltmp3:
0x36: {  	s18 =	smov.u32 s15;
	v1 =	vmin.u32 v2, $0x270FF;
	(pc) =	sbr.rel @p0 .LBB2_3-.Ltmp3, $3  }
0x37: {  	_ =	sdelay $0x1  }
0x38: {  	s16 =	sadd.s32 $0x10, s16  }
0x39: {  	vm1 =	vgt.s32 v0, $0x0;
	s15 =	sadd.s32 $0x10, s15;
	v2 =	vmov v0;
	(ifvalue) =	ssetifvalue $0x7FFFFFFF;
	v0 =	vld.msk [tilespmem:s16+$0x0 ss:$0x1], $0xffff  }
.Ltmp4:
0x3a: {  	_ = 	snop;
	(pc) =	sbr.rel .LBB2_4-.Ltmp4, $1  }
0x3b: {  	_ =	sdelay $0x3  }
.LBB2_6:
0x3c: {  	_ =	sfence.sel $0x180000  }
0x3d: {  	s2 =	simm.s32 $0x2;
	[bflag:$0x0] =	sbarrier.arrive $0xFFFF  }
0x3e: {  	s30 =	simm.s32 $0x3;
	[sflag:s2] =	ssyncpa.u1 $0x1  }
0x3f: {  	s31 =	simm.s32 $0x1;
	[sflag:s30] =	ssyncpa.u1 $0x1  }
0x40: {  	[sflag:s31] =	ssyncpa.u1 $0x1  }
0x41: {  	p0 =	sne.s32 s1, $0x0;
	_ =	strace $0x9000004D  }
0x42: {  	s0 =	sadd.s32 @!p0 $0x100000, s0;
	[bflag:$0x2] =	sbarrier.arrive $0xFFFF  }
0x43: {  	[sflag:s0] =	ssyncadd.tile.s32 @!p0 $0x1;
	_ =	shalt  }
.Lfunc_end2:
_tile_overlayer_lowered:
.L_overlay_start_2:
0x44: {  	(tag) =	ssettag $0x2  }
0x45: {  	s0 =	rddreg [dreg:$0x0];
	s2 =	stileid.u32  }
0x46: {  	s1 =	rddreg [dreg:$0x1];
	p0 =	sne.s32 s2, $0x0  }
0x47: {  	s3 =	rddreg [dreg:$0x2];
	[bflag:$0x3] =	sbarrier.arrive $0xFFFF;
	s2 =	simm.s32 @!p0 $0x1C01  }
0x48: {  	[timem:s3], [sflag:s2] =	dma.local @!p0 [hbm:s0], s1  }
0x49: {  	s0 =	simm.s32 @!p0 $0x1  }
0x4a: {  	_ =	swait.ge @!p0 [sflag:s0], s1  }
0x4b: {  	s1 =	ssub.s32 @!p0 $0x0, s1;
	[sflag:s0] =	ssyncset.done @!p0 $0x0  }
0x4c: {  	[sflag:s0] =	ssyncadd.s32 @!p0 s1  }
0x4d: {  	[bflag:$0x3] =	sbarrier.arrive $0xFFFF  }
0x4e: {  	_ =	shalt  }

// kernel: gather_offload_async_start.4
scs
__scs_entry_jumppad:
0x0: {  	(pc) =	sbr.rel $0x88, $3  }
0x1: {  	(tag) =	ssettag $0x0;
	lr =	simm.s32 $0x1  }
0x2: {  	[smem:$0x3F8B] =	sst lr;
	_ =	strace $0xD0000000  }
0x3: {  	_ = 	snop  }
0x4: {  	_ = 	snop  }
0x5: {  	_ = 	snop  }
0x6: {  	_ = 	snop  }
0x7: {  	_ = 	snop  }
__scs_overlays_trampoline_lowered:
0x8: {  	[smem:$0x3F9A] =	sst s0  }
0x9: {  	[smem:$0x3F9B] =	sst s1  }
0xa: {  	[smem:$0x3F9C] =	sst s2  }
0xb: {  	[smem:$0x3F9D] =	sst s3  }
0xc: {  	[smem:$0x3F9E] =	sst s4  }
0xd: {  	[smem:$0x3F9F] =	sst s5  }
0xe: {  	[smem:$0x3FA0] =	sst s6  }
0xf: {  	[smem:$0x3FA1] =	sst s7  }
0x10: {  	[smem:$0x3FA2] =	sst s8  }
0x11: {  	[smem:$0x3FA3] =	sst s9;
	s0 =	simm.s32 @!p0 $0x0  }
0x12: {  	s1 =	sld [smem:$0x3F89];
	s0 =	simm.s32 @p0 $0x1  }
0x13: {  	[smem:$0x3FA4] =	sst s0;
	s0 =	simm.s32 @!p1 $0x0  }
0x14: {  	s2 =	sld [smem:$0x3F88];
	s0 =	simm.s32 @p1 $0x1  }
0x15: {  	[smem:$0x3FA5] =	sst s0;
	s0 =	simm.s32 @!p2 $0x0  }
0x16: {  	s3 =	sld [smem:$0x3FDB];
	s0 =	simm.s32 @p2 $0x1  }
0x17: {  	s4 =	simm.s32 $0x1BF5;
	[smem:$0x3FA7] =	sst s0  }
0x18: {  	s0 =	sld [smem:$0x3F8A];
	_ =	swait.ge [sflag:s4], $0x0  }
0x19: {  	s7 =	sld [smem:$0x3F8B]  }
0x1a: {  	s8 =	sadd.s32 $0xFFFFE003, lr  }
0x1b: {  	s9 =	sadd.s32 $0xFFFFFEF7, lr;
	s5 =	simm.s32 $0xFFFFFFFF;
	p2 =	slt.u32 s8, $0xFFFFF086  }
0x1c: {  	p1 =	slt.u32 s9, $0xF7A;
	s5 =	simm.s32 @!p2 $0x0  }
0x1d: {  	s5 =	simm.s32 @p1 $0x1;
	p0 =	seq.s32 s7, s2  }
0x1e: {  	s7 =	smul.u32 @!p0 $0xF7A, s2;
	p2 =	seq.s32 @!p0 s5, $0x0  }
0x1f: {  	s9 =	smul.u32 $0xF7A, s1;
	s8 =	simm.s32 @!p0 $0x1BF5;
	p2 =	por !p2, p0  }
0x20: {  	[sflag:s8] =	ssyncset.s32 @!p0 $0xFFFFF086;
	s6 =	sadd.s32 @!p0 s3, s7;
	s7 =	simm.s32 @!p0 $0x108  }
0x21: {  	s3 =	sadd.s32 s3, s9;
	s6 =	sadd.s32 @!p0 $0x88, s6;
	s7 =	simm.s32 @p2 $0x1082  }
0x22: {  	[simem:s7], [sflag:s8] =	dma.local @!p0 [hbm:s6], $0xF7A  }
0x23: {  	s9 =	sor.u32 $0xD0000000, s2;
	s6 =	simm.s32 $0x108;
	_ =	swait.ge @!p0 [sflag:s8], $0x0  }
0x24: {  	s3 =	sadd.s32 $0x88, s3;
	s6 =	simm.s32 @!p1 $0x1082;
	[sflag:s4] =	ssyncset.s32 $0xFFFFF086  }
0x25: {  	[simem:s6], [sflag:s4] =	dma.local [hbm:s3], $0xF7A  }
0x26: {  	[smem:$0x3F8B] =	sst s1;
	(tag) =	ssettag s2;
	_ =	strace s9  }
0x27: {  	s1 =	sld [smem:$0x3F9B]  }
0x28: {  	s2 =	sld [smem:$0x3F9C]  }
0x29: {  	s4 =	sld [smem:$0x3F9E]  }
0x2a: {  	p0 =	seq.s32 s5, $0x0;
	s5 =	sld [smem:$0x3F9F]  }
0x2b: {  	s6 =	sld [smem:$0x3FA0]  }
0x2c: {  	s7 =	sld [smem:$0x3FA1]  }
0x2d: {  	s3 =	simm.s32 $0x108;
	s8 =	sld [smem:$0x3FA2]  }
0x2e: {  	s3 =	simm.s32 @!p0 $0x1082;
	s9 =	sld [smem:$0x3FA3]  }
0x2f: {  	lr =	sadd.s32 s0, s3;
	s0 =	sld [smem:$0x3F9A]  }
0x30: {  	s3 =	sld [smem:$0x3F9D]  }
0x31: {  	[smem:$0x3FA6] =	sst s10  }
0x32: {  	s10 =	sld [smem:$0x3FA4];
	_ =	sdelay $0x3  }
0x33: {  	p0 =	seq.s32 s10, $0x1;
	s10 =	sld [smem:$0x3FA6];
	_ =	sdelay $0x3  }
0x34: {  	[smem:$0x3FA6] =	sst s10  }
0x35: {  	s10 =	sld [smem:$0x3FA5];
	_ =	sdelay $0x3  }
0x36: {  	p1 =	seq.s32 s10, $0x1;
	s10 =	sld [smem:$0x3FA6];
	_ =	sdelay $0x3  }
0x37: {  	[smem:$0x3FA6] =	sst s10  }
0x38: {  	s10 =	sld [smem:$0x3FA7]  }
0x39: {  	_ = 	snop;
	(pc) =	sbr.ind lr, $3  }
0x3a: {  	_ = 	snop  }
0x3b: {  	_ = 	snop  }
0x3c: {  	p2 =	seq.s32 s10, $0x1;
	s10 =	sld [smem:$0x3FA6]  }
0x3d: {  	_ =	shalt  }
0x3e: {  	_ =	shalt  }
0x3f: {  	_ =	shalt  }
0x40: {  	_ =	shalt  }
0x41: {  	_ =	shalt  }
0x42: {  	_ =	shalt  }
0x43: {  	_ =	shalt  }
0x44: {  	_ =	shalt  }
0x45: {  	_ =	shalt  }
0x46: {  	_ =	shalt  }
0x47: {  	_ =	shalt  }
0x48: {  	_ =	shalt  }
0x49: {  	_ =	shalt  }
0x4a: {  	_ =	shalt  }
0x4b: {  	_ =	shalt  }
0x4c: {  	_ =	shalt  }
0x4d: {  	_ =	shalt  }
0x4e: {  	_ =	shalt  }
0x4f: {  	_ =	shalt  }
0x50: {  	_ =	shalt  }
0x51: {  	_ =	shalt  }
0x52: {  	_ =	shalt  }
0x53: {  	_ =	shalt  }
0x54: {  	_ =	shalt  }
0x55: {  	_ =	shalt  }
0x56: {  	_ =	shalt  }
0x57: {  	_ =	shalt  }
0x58: {  	_ =	shalt  }
0x59: {  	_ =	shalt  }
0x5a: {  	_ =	shalt  }
0x5b: {  	_ =	shalt  }
0x5c: {  	_ =	shalt  }
0x5d: {  	_ =	shalt  }
0x5e: {  	_ =	shalt  }
0x5f: {  	_ =	shalt  }
0x60: {  	_ =	shalt  }
0x61: {  	_ =	shalt  }
0x62: {  	_ =	shalt  }
0x63: {  	_ =	shalt  }
0x64: {  	_ =	shalt  }
0x65: {  	_ =	shalt  }
0x66: {  	_ =	shalt  }
0x67: {  	_ =	shalt  }
0x68: {  	_ =	shalt  }
0x69: {  	_ =	shalt  }
0x6a: {  	_ =	shalt  }
0x6b: {  	_ =	shalt  }
0x6c: {  	_ =	shalt  }
0x6d: {  	_ =	shalt  }
0x6e: {  	_ =	shalt  }
0x6f: {  	_ =	shalt  }
0x70: {  	_ =	shalt  }
0x71: {  	_ =	shalt  }
0x72: {  	_ =	shalt  }
0x73: {  	_ =	shalt  }
0x74: {  	_ =	shalt  }
0x75: {  	_ =	shalt  }
0x76: {  	_ =	shalt  }
0x77: {  	_ =	shalt  }
0x78: {  	_ =	shalt  }
0x79: {  	_ =	shalt  }
0x7a: {  	_ =	shalt  }
0x7b: {  	_ =	shalt  }
0x7c: {  	_ =	shalt  }
0x7d: {  	_ =	shalt  }
0x7e: {  	_ =	shalt  }
0x7f: {  	_ =	shalt  }
0x80: {  	_ =	shalt  }
0x81: {  	_ =	shalt  }
0x82: {  	_ =	shalt  }
0x83: {  	_ =	shalt  }
0x84: {  	_ =	shalt  }
0x85: {  	_ =	shalt  }
0x86: {  	_ =	shalt  }
0x87: {  	_ =	shalt  }
.Lfunc_end0:
.L_simem_size_0:
called_computation.4_lowered:
.L_overlay_start_0:
0x88: {  	s2 =	sld [smem:$0x3FD9]  }
0x89: {  	s3 =	sld [smem:$0x3FFE];
	_ =	sdelay $0x1  }
0x8a: {  	s1 =	srdreg.scid  }
0x8b: {  	s0 =	sand.u32 $0x1, s1  }
0x8c: {  	s16 =	sshll.u32 s0, $0xA;
	s2 =	sadd.s32 s3, s2  }
0x8d: {  	s2 =	sadd.s32 s2, s16  }
0x8e: {  	[smem:$0x3FB2] =	sst s2  }
0x8f: {  	_ = 	snop  }
0x90: {  	(tm) =	ssettm $0x1  }
0x91: {  	s17 =	sld [smem:$0x3FFB];
	_ =	sdelay $0x3  }
0x92: {  	_ =	strace s17  }
0x93: {  	s2 =	sld [smem:$0x3FFC];
	_ =	sdelay $0x3  }
0x94: {  	_ =	strace s2  }
0x95: {  	s2 =	sld [smem:$0x3FFD];
	_ =	sdelay $0x3  }
0x96: {  	_ =	strace s2  }
0x97: {  	_ =	strace $0x8FFFFFFF  }
0x98: {  	s18 =	sld [smem:$0x3FDB];
	_ =	sdelay $0x1  }
0x99: {  	s19 =	simm.s32 $_scs_section_size  }
0x9a: {  	s4 =	simm.s32 $_size__tile_overlayer_lowered;
	s5 =	simm.s32 $_tile_overlayer_lowered  }
0x9b: {  	s22 =	simm.s32 $0x1BFF;
	s21 =	sshll.u32 s5, $0x1;
	s2 =	sadd.s32 s19, s18  }
0x9c: {  	s6 =	simm.s32 $0x0;
	s20 =	sshll.u32 s4, $0x1;
	s4 =	sadd.s32 s21, s2  }
0x9d: {  	[timem:s6], [sflag:s22] =	dma.local [hbm:s4], s20  }
0x9e: {  	_ =	swait.ge [sflag:s22], s20  }
0x9f: {  	s3 =	ssub.s32 $0x0, s20;
	[sflag:s22] =	ssyncset.done $0x0  }
0xa0: {  	[sflag:s22] =	ssyncadd.s32 s3;
	_ =	sdelay $0x1  }
0xa1: {  	s23 =	simm.s32 $0x1B8B  }
0xa2: {  	_ =	swait.ge [sflag:s23], $0x1  }
0xa3: {  	[sflag:s23] =	ssyncset.done $0x0  }
0xa4: {  	s25 =	simm.s32 $0x1B8E;
	s24 =	sld [smem:$0x3FFE];
	[sflag:s23] =	ssyncadd.s32 $0xFFFFFFFF  }
0xa5: {  	s26 =	simm.s32 $execute0_lowered;
	[smem:$0x3FD2] =	sst s25  }
0xa6: {  	s4 =	sshll.u32 s26, $0x1;
	_ =	strace $0x80000046;
	[dreg:$0x1] =	wrdreg $0xFFFFFFFF  }
0xa7: {  	s28 =	simm.s32 $_size_execute0_lowered;
	s2 =	sadd.s32 s2, s4;
	[dreg:$0x0] =	wrdreg $0x0  }
0xa8: {  	s4 =	sshll.u32 s28, $0x1;
	[dreg:$0x2] =	wrdreg s2  }
0xa9: {  	[dreg:$0x3] =	wrdreg s4  }
0xaa: {  	[dreg:$0x4] =	wrdreg $0xC0  }
0xab: {  	_ =	task [dreg:s6], $0x5FFFF  }
0xac: {  	[dreg:$0x1] =	wrdreg $0xFFFFFFFF  }
0xad: {  	[dreg:$0x0] =	wrdreg $0x60  }
0xae: {  	[dreg:$0x2] =	wrdreg s24  }
0xaf: {  	[dreg:$0x3] =	wrdreg $0xA  }
0xb0: {  	_ =	task.clear_ibuf [dreg:s6], $0x4FFFF;
	_ =	strace $0x90000046  }
0xb1: {  	s29 =	simm.s32 $0xA;
	_ =	strace $0x80000048  }
0xb2: {  	_ =	swait.ge [sflag:s29], $0x1  }
0xb3: {  	[sflag:s29] =	ssyncadd.s32 $0xFFFFFFFF  }
0xb4: {  	_ =	strace $0x90000048  }
0xb5: {  	_ =	sfence  }
0xb6: {  	s30 =	sld [smem:$0x0];
	_ =	sdelay $0x2  }
0xb7: {  	s31 =	sshll.u32 s1, $0xD;
	s1 =	sshrl.u32 s1, $0x2  }
0xb8: {  	s3 =	sand.u32 $0x4000, s31;
	s1 =	sadd.s32 s1, s30  }
0xb9: {  	s0 =	sor.u32 s3, s0;
	s1 =	sshll.u32 s1, $0x11  }
0xba: {  	s0 =	sor.u32 s1, s0  }
0xbb: {  	s0 =	sadd.s32 $0x8F2B, s0  }
0xbc: {  	[sflag:s0] =	ssyncadd.remote.s32 $0x1  }
0xbd: {  	_ =	sfence.sel $0xFFFF  }
0xbe: {  	[dreg:$0x0] =	wrdreg $0xFFFFFFFF;
	(pc) =	sbr.abs _section_cstart, $3  }
0xbf: {  	[dreg:$0x1] =	wrdreg $0xFFFFFFFF  }
0xc0: {  	_ =	task.clear_ibuf [dreg:s6], $0x2FFFF;
	_ =	strace $0x9FFFFFFF  }
0xc1: {  	(tm) =	ssettm $0x7FFFFFFF  }
tec
execute0_lowered:
.L_overlay_start_1:
0x0: {  	(tag) =	ssettag $0x1  }
0x1: {  	s8 =	rddreg [dreg:$0x0]  }
0x2: {  	s0 =	rddreg [dreg:$0x1];
	_ =	strace $0x80000047;
	s1 =	stileid.u32  }
0x3: {  	s3 =	srdreg.scid;
	s4 =	simm.s32 $0x1;
	s7 =	simm.s32 $0x1  }
0x4: {  	s9 =	simm.s32 $0x1;
	s10 =	simm.s32 $0x3;
	s13 =	simm.s32 $0x0  }
0x5: {  	s12 =	simm.s32 $0x0;
	s5 =	sand.u32 $0x1, s3;
	s6 =	sshll.u32 s1, $0x1  }
0x6: {  	s2 =	sadd.s32 $0x5E00, s8;
	s3 =	sadd.s32 $0xAE00, s8;
	s5 =	sor.u32 s6, s5  }
.Ltmp0:
0x7: {  	[sflag:s4] =	ssyncpa.u1 $0x0;
	p0 =	slt.u32 s5, $0x9;
	(pc) =	sbr.rel .LBB2_1-.Ltmp0, $4  }
0x8: {  	s6 =	simm.s32 $0x2;
	s7 =	simm.s32 @!p0 $0x0;
	p0 =	sne.s32 s5, $0x8  }
0x9: {  	[sflag:s6] =	ssyncpa.u1 $0x0;
	s5 =	smul.u32 $0xFA0, s5;
	s9 =	simm.s32 @!p0 $0x0  }
0xa: {  	s8 =	sadd.s32 $0x1E9800, s8;
	[sflag:s10] =	ssyncpa.u1 $0x0;
	s7 =	sadd.s32 s9, s7  }
0xb: {  	vm0 =	vmmov $0xffff;
	s10 =	simm.s32 $0x0;
	s11 =	smov.u32 s5;
	s9 =	sadd.s32 $0x1, s7  }
.LBB2_4:
0xc: {  	v2 =	vnsel vm1, $0x0, v2  }
0xd: {  	vm1 =	vgt.s32 v0, $0x0;
	v2 =	vmin.u32 v2, $0x270FF  }
0xe: {  	v0 =	vnsel vm1, $0x0, v0  }
0xf: {  	v0 =	vmin.u32 v0, $0x270FF  }
0x10: {  	[tilespmem:s18], [sflag:$0x1] =	stream.indirect_vreg.gather [hbm4b:s2+s10], $0x1, v1, vm0, $0x4038;
	[tilespmem:$0x3E80] =	vst v63  }
0x11: {  	(ifvalue) =	ssetifvalue $0x7FFFFFFF  }
0x12: {  	[tilespmem:s15], [sflag:$0x1] =	stream.indirect_vreg.gather [hbm4b:s2+s10], $0x1, v2, vm0, $0x4038;
	[tilespmem:$0x3E80] =	vst v63  }
0x13: {  	s29 =	sadd.s32 $0x10, s15;
	(ifvalue) =	ssetifvalue $0x7FFFFFFF  }
0x14: {  	[tilespmem:s29], [sflag:$0x1] =	stream.indirect_vreg.gather [hbm4b:s2+s10], $0x1, v0, vm0, $0x4038;
	[tilespmem:$0x3E80] =	vst v63  }
0x15: {  	_ =	swait.ge [sflag:s4], $0xFA0  }
0x16: {  	s30 =	sshrl.u32 s13, $0x3;
	[sflag:s4] =	ssyncset.done $0x0  }
0x17: {  	s31 =	sand.u32 $0x7, s13;
	s15 =	sadd.s32 s8, s30;
	[sflag:s4] =	ssyncadd.s32 $0xFFFFF060  }
0x18: {  	[hbm4b:s15+s31] =	stream.linear.scatter [tilespmem:s14], [sflag:$0x3], $0xFA0, $0x38;
	[tilespmem:$0x3E80] =	vst v63  }
.LBB2_5:
0x19: {  	s15 =	sadd.s32 $0x1F400, s11  }
0x1a: {  	p1 =	sgt.s32 s15, $0x270FF  }
0x1b: {  	s15 =	smov.u32 @p1 s5;
	p1 =	sne.s32 s12, s9  }
.Ltmp1:
0x1c: {  	p0 =	slt.u32 s12, $0x2;
	(pc) =	sbr.rel @!p1 .LBB2_6-.Ltmp1, $4  }
0x1d: {  	s14 =	simm.s32 @!p0 $0x3  }
0x1e: {  	_ =	swait.ge @!p0 [sflag:s14], $0xFA0  }
0x1f: {  	s16 =	sadd.s32 $0x1, s12;
	s13 =	smov.u32 s11;
	[sflag:s14] =	ssyncset.done @!p0 $0x0  }
0x20: {  	s12 =	smov.u32 s16;
	s11 =	smov.u32 s15;
	[sflag:s14] =	ssyncadd.s32 @!p0 $0xFFFFF060  }
.LBB2_1:
0x21: {  	p0 =	sge.u32 s12, s7  }
0x22: {  	s14 =	sxor.u32 @!p0 $0x1, s12  }
0x23: {  	s14 =	smul.u32 @!p0 $0x3E80, s14  }
0x24: {  	s31 =	sadd.s32 $0xFFFFFFFF, s12;
	s15 =	sshrl.u32 @!p0 s11, $0x3  }
0x25: {  	s16 =	sand.u32 @!p0 $0x7, s11;
	s15 =	sadd.s32 @!p0 s3, s15;
	s14 =	sshra.s32 @!p0 s14, $0x2  }
0x26: {  	[tilespmem:s14], [sflag:$0x2] =	stream.linear.gather @!p0 [hbm4b:s15+s16], $0xFA0, $0x38;
	[tilespmem:$0x3E80] =	vst v63  }
0x27: {  	p0 =	sge.u32 s31, s7  }
.Ltmp2:
0x28: {  	_ = 	snop;
	(pc) =	sbr.rel @p0 .LBB2_5-.Ltmp2, $1  }
0x29: {  	_ =	sdelay $0x3  }
0x2a: {  	s14 =	sand.u32 $0x1, s12  }
0x2b: {  	_ =	swait.ge [sflag:s6], $0xFA0;
	p0 =	seq.s32 s14, $0x1;
	s14 =	simm.s32 $0xFA0  }
0x2c: {  	[sflag:s6] =	ssyncset.done $0x0;
	s14 =	simm.s32 @!p0 $0x0  }
0x2d: {  	[sflag:s6] =	ssyncadd.s32 $0xFFFFF060;
	(ifvalue) =	ssetifvalue $0x7FFFFFFF;
	v0 =	vld.msk [tilespmem:s14+$0x0 ss:$0x1], $0xffff;
	_ =	sdelay $0x4  }
0x2e: {  	s15 =	sadd.s32 $0x10, s14;
	vm1 =	vgt.s32 v0, $0x0  }
0x2f: {  	v2 =	vld.msk [tilespmem:s15+$0x0 ss:$0x1], $0xffff;
	v1 =	vnsel vm1, $0x0, v0  }
0x30: {  	v1 =	vmin.u32 v1, $0x270FF;
	_ =	sdelay $0x2  }
0x31: {  	s17 =	simm.s32 $0x20;
	s14 =	sadd.s32 $0x1F40, s14;
	s16 =	sadd.s32 $0x10, s15  }
0x32: {  	s15 =	sadd.s32 $0x10, s14;
	s18 =	smov.u32 s14;
	v0 =	vld.msk [tilespmem:s16+$0x0 ss:$0x1], $0xffff;
	vm1 =	vgt.s32 v2, $0x0;
	(ifvalue) =	ssetifvalue $0x7FFFFFFF  }
.LBB2_3:
0x33: {  	[tilespmem:s18], [sflag:$0x1] =	stream.indirect_vreg.gather [hbm4b:s2+s10], $0x1, v1, vm0, $0x4038;
	[tilespmem:$0x3E80] =	vst v63  }
0x34: {  	s17 =	sadd.s32 $0x10, s17  }
0x35: {  	v2 =	vnsel vm1, $0x0, v2;
	p0 =	slt.u32 s17, $0xF90  }
.Ltmp3:
0x36: {  	s18 =	smov.u32 s15;
	v1 =	vmin.u32 v2, $0x270FF;
	(pc) =	sbr.rel @p0 .LBB2_3-.Ltmp3, $3  }
0x37: {  	_ =	sdelay $0x1  }
0x38: {  	s16 =	sadd.s32 $0x10, s16  }
0x39: {  	vm1 =	vgt.s32 v0, $0x0;
	s15 =	sadd.s32 $0x10, s15;
	v2 =	vmov v0;
	(ifvalue) =	ssetifvalue $0x7FFFFFFF;
	v0 =	vld.msk [tilespmem:s16+$0x0 ss:$0x1], $0xffff  }
.Ltmp4:
0x3a: {  	_ = 	snop;
	(pc) =	sbr.rel .LBB2_4-.Ltmp4, $1  }
0x3b: {  	_ =	sdelay $0x3  }
.LBB2_6:
0x3c: {  	_ =	sfence.sel $0x180000  }
0x3d: {  	s2 =	simm.s32 $0x2;
	[bflag:$0x0] =	sbarrier.arrive $0xFFFF  }
0x3e: {  	s30 =	simm.s32 $0x3;
	[sflag:s2] =	ssyncpa.u1 $0x1  }
0x3f: {  	s31 =	simm.s32 $0x1;
	[sflag:s30] =	ssyncpa.u1 $0x1  }
0x40: {  	[sflag:s31] =	ssyncpa.u1 $0x1  }
0x41: {  	p0 =	sne.s32 s1, $0x0;
	_ =	strace $0x90000047  }
0x42: {  	s0 =	sadd.s32 @!p0 $0x100000, s0;
	[bflag:$0x2] =	sbarrier.arrive $0xFFFF  }
0x43: {  	[sflag:s0] =	ssyncadd.tile.s32 @!p0 $0x1;
	_ =	shalt  }
.Lfunc_end2:
_tile_overlayer_lowered:
.L_overlay_start_2:
0x44: {  	(tag) =	ssettag $0x2  }
0x45: {  	s0 =	rddreg [dreg:$0x0];
	s2 =	stileid.u32  }
0x46: {  	s1 =	rddreg [dreg:$0x1];
	p0 =	sne.s32 s2, $0x0  }
0x47: {  	s3 =	rddreg [dreg:$0x2];
	[bflag:$0x3] =	sbarrier.arrive $0xFFFF;
	s2 =	simm.s32 @!p0 $0x1C01  }
0x48: {  	[timem:s3], [sflag:s2] =	dma.local @!p0 [hbm:s0], s1  }
0x49: {  	s0 =	simm.s32 @!p0 $0x1  }
0x4a: {  	_ =	swait.ge @!p0 [sflag:s0], s1  }
0x4b: {  	s1 =	ssub.s32 @!p0 $0x0, s1;
	[sflag:s0] =	ssyncset.done @!p0 $0x0  }
0x4c: {  	[sflag:s0] =	ssyncadd.s32 @!p0 s1  }
0x4d: {  	[bflag:$0x3] =	sbarrier.arrive $0xFFFF  }
0x4e: {  	_ =	shalt  }

// kernel: gather_offload_async_start.5
scs
__scs_entry_jumppad:
0x0: {  	(pc) =	sbr.rel $0x88, $3  }
0x1: {  	(tag) =	ssettag $0x0;
	lr =	simm.s32 $0x1  }
0x2: {  	[smem:$0x3F8B] =	sst lr;
	_ =	strace $0xD0000000  }
0x3: {  	_ = 	snop  }
0x4: {  	_ = 	snop  }
0x5: {  	_ = 	snop  }
0x6: {  	_ = 	snop  }
0x7: {  	_ = 	snop  }
__scs_overlays_trampoline_lowered:
0x8: {  	[smem:$0x3F9A] =	sst s0  }
0x9: {  	[smem:$0x3F9B] =	sst s1  }
0xa: {  	[smem:$0x3F9C] =	sst s2  }
0xb: {  	[smem:$0x3F9D] =	sst s3  }
0xc: {  	[smem:$0x3F9E] =	sst s4  }
0xd: {  	[smem:$0x3F9F] =	sst s5  }
0xe: {  	[smem:$0x3FA0] =	sst s6  }
0xf: {  	[smem:$0x3FA1] =	sst s7  }
0x10: {  	[smem:$0x3FA2] =	sst s8  }
0x11: {  	[smem:$0x3FA3] =	sst s9;
	s0 =	simm.s32 @!p0 $0x0  }
0x12: {  	s1 =	sld [smem:$0x3F89];
	s0 =	simm.s32 @p0 $0x1  }
0x13: {  	[smem:$0x3FA4] =	sst s0;
	s0 =	simm.s32 @!p1 $0x0  }
0x14: {  	s2 =	sld [smem:$0x3F88];
	s0 =	simm.s32 @p1 $0x1  }
0x15: {  	[smem:$0x3FA5] =	sst s0;
	s0 =	simm.s32 @!p2 $0x0  }
0x16: {  	s3 =	sld [smem:$0x3FDB];
	s0 =	simm.s32 @p2 $0x1  }
0x17: {  	s4 =	simm.s32 $0x1BF5;
	[smem:$0x3FA7] =	sst s0  }
0x18: {  	s0 =	sld [smem:$0x3F8A];
	_ =	swait.ge [sflag:s4], $0x0  }
0x19: {  	s7 =	sld [smem:$0x3F8B]  }
0x1a: {  	s8 =	sadd.s32 $0xFFFFE003, lr  }
0x1b: {  	s9 =	sadd.s32 $0xFFFFFEF7, lr;
	s5 =	simm.s32 $0xFFFFFFFF;
	p2 =	slt.u32 s8, $0xFFFFF086  }
0x1c: {  	p1 =	slt.u32 s9, $0xF7A;
	s5 =	simm.s32 @!p2 $0x0  }
0x1d: {  	s5 =	simm.s32 @p1 $0x1;
	p0 =	seq.s32 s7, s2  }
0x1e: {  	s7 =	smul.u32 @!p0 $0xF7A, s2;
	p2 =	seq.s32 @!p0 s5, $0x0  }
0x1f: {  	s9 =	smul.u32 $0xF7A, s1;
	s8 =	simm.s32 @!p0 $0x1BF5;
	p2 =	por !p2, p0  }
0x20: {  	[sflag:s8] =	ssyncset.s32 @!p0 $0xFFFFF086;
	s6 =	sadd.s32 @!p0 s3, s7;
	s7 =	simm.s32 @!p0 $0x108  }
0x21: {  	s3 =	sadd.s32 s3, s9;
	s6 =	sadd.s32 @!p0 $0x88, s6;
	s7 =	simm.s32 @p2 $0x1082  }
0x22: {  	[simem:s7], [sflag:s8] =	dma.local @!p0 [hbm:s6], $0xF7A  }
0x23: {  	s9 =	sor.u32 $0xD0000000, s2;
	s6 =	simm.s32 $0x108;
	_ =	swait.ge @!p0 [sflag:s8], $0x0  }
0x24: {  	s3 =	sadd.s32 $0x88, s3;
	s6 =	simm.s32 @!p1 $0x1082;
	[sflag:s4] =	ssyncset.s32 $0xFFFFF086  }
0x25: {  	[simem:s6], [sflag:s4] =	dma.local [hbm:s3], $0xF7A  }
0x26: {  	[smem:$0x3F8B] =	sst s1;
	(tag) =	ssettag s2;
	_ =	strace s9  }
0x27: {  	s1 =	sld [smem:$0x3F9B]  }
0x28: {  	s2 =	sld [smem:$0x3F9C]  }
0x29: {  	s4 =	sld [smem:$0x3F9E]  }
0x2a: {  	p0 =	seq.s32 s5, $0x0;
	s5 =	sld [smem:$0x3F9F]  }
0x2b: {  	s6 =	sld [smem:$0x3FA0]  }
0x2c: {  	s7 =	sld [smem:$0x3FA1]  }
0x2d: {  	s3 =	simm.s32 $0x108;
	s8 =	sld [smem:$0x3FA2]  }
0x2e: {  	s3 =	simm.s32 @!p0 $0x1082;
	s9 =	sld [smem:$0x3FA3]  }
0x2f: {  	lr =	sadd.s32 s0, s3;
	s0 =	sld [smem:$0x3F9A]  }
0x30: {  	s3 =	sld [smem:$0x3F9D]  }
0x31: {  	[smem:$0x3FA6] =	sst s10  }
0x32: {  	s10 =	sld [smem:$0x3FA4];
	_ =	sdelay $0x3  }
0x33: {  	p0 =	seq.s32 s10, $0x1;
	s10 =	sld [smem:$0x3FA6];
	_ =	sdelay $0x3  }
0x34: {  	[smem:$0x3FA6] =	sst s10  }
0x35: {  	s10 =	sld [smem:$0x3FA5];
	_ =	sdelay $0x3  }
0x36: {  	p1 =	seq.s32 s10, $0x1;
	s10 =	sld [smem:$0x3FA6];
	_ =	sdelay $0x3  }
0x37: {  	[smem:$0x3FA6] =	sst s10  }
0x38: {  	s10 =	sld [smem:$0x3FA7]  }
0x39: {  	_ = 	snop;
	(pc) =	sbr.ind lr, $3  }
0x3a: {  	_ = 	snop  }
0x3b: {  	_ = 	snop  }
0x3c: {  	p2 =	seq.s32 s10, $0x1;
	s10 =	sld [smem:$0x3FA6]  }
0x3d: {  	_ =	shalt  }
0x3e: {  	_ =	shalt  }
0x3f: {  	_ =	shalt  }
0x40: {  	_ =	shalt  }
0x41: {  	_ =	shalt  }
0x42: {  	_ =	shalt  }
0x43: {  	_ =	shalt  }
0x44: {  	_ =	shalt  }
0x45: {  	_ =	shalt  }
0x46: {  	_ =	shalt  }
0x47: {  	_ =	shalt  }
0x48: {  	_ =	shalt  }
0x49: {  	_ =	shalt  }
0x4a: {  	_ =	shalt  }
0x4b: {  	_ =	shalt  }
0x4c: {  	_ =	shalt  }
0x4d: {  	_ =	shalt  }
0x4e: {  	_ =	shalt  }
0x4f: {  	_ =	shalt  }
0x50: {  	_ =	shalt  }
0x51: {  	_ =	shalt  }
0x52: {  	_ =	shalt  }
0x53: {  	_ =	shalt  }
0x54: {  	_ =	shalt  }
0x55: {  	_ =	shalt  }
0x56: {  	_ =	shalt  }
0x57: {  	_ =	shalt  }
0x58: {  	_ =	shalt  }
0x59: {  	_ =	shalt  }
0x5a: {  	_ =	shalt  }
0x5b: {  	_ =	shalt  }
0x5c: {  	_ =	shalt  }
0x5d: {  	_ =	shalt  }
0x5e: {  	_ =	shalt  }
0x5f: {  	_ =	shalt  }
0x60: {  	_ =	shalt  }
0x61: {  	_ =	shalt  }
0x62: {  	_ =	shalt  }
0x63: {  	_ =	shalt  }
0x64: {  	_ =	shalt  }
0x65: {  	_ =	shalt  }
0x66: {  	_ =	shalt  }
0x67: {  	_ =	shalt  }
0x68: {  	_ =	shalt  }
0x69: {  	_ =	shalt  }
0x6a: {  	_ =	shalt  }
0x6b: {  	_ =	shalt  }
0x6c: {  	_ =	shalt  }
0x6d: {  	_ =	shalt  }
0x6e: {  	_ =	shalt  }
0x6f: {  	_ =	shalt  }
0x70: {  	_ =	shalt  }
0x71: {  	_ =	shalt  }
0x72: {  	_ =	shalt  }
0x73: {  	_ =	shalt  }
0x74: {  	_ =	shalt  }
0x75: {  	_ =	shalt  }
0x76: {  	_ =	shalt  }
0x77: {  	_ =	shalt  }
0x78: {  	_ =	shalt  }
0x79: {  	_ =	shalt  }
0x7a: {  	_ =	shalt  }
0x7b: {  	_ =	shalt  }
0x7c: {  	_ =	shalt  }
0x7d: {  	_ =	shalt  }
0x7e: {  	_ =	shalt  }
0x7f: {  	_ =	shalt  }
0x80: {  	_ =	shalt  }
0x81: {  	_ =	shalt  }
0x82: {  	_ =	shalt  }
0x83: {  	_ =	shalt  }
0x84: {  	_ =	shalt  }
0x85: {  	_ =	shalt  }
0x86: {  	_ =	shalt  }
0x87: {  	_ =	shalt  }
.Lfunc_end0:
.L_simem_size_0:
called_computation.5_lowered:
.L_overlay_start_0:
0x88: {  	s2 =	sld [smem:$0x3FD9]  }
0x89: {  	s3 =	sld [smem:$0x3FFE];
	_ =	sdelay $0x1  }
0x8a: {  	s1 =	srdreg.scid  }
0x8b: {  	s0 =	sand.u32 $0x1, s1  }
0x8c: {  	s17 =	sshll.u32 s0, $0xA;
	s2 =	sadd.s32 s3, s2  }
0x8d: {  	s2 =	sadd.s32 s2, s17  }
0x8e: {  	[smem:$0x3FB2] =	sst s2  }
0x8f: {  	_ = 	snop  }
0x90: {  	s18 =	sld [smem:$0x3FC3];
	(tm) =	ssettm $0x1  }
0x91: {  	s19 =	sld [smem:$0x3FFB];
	_ =	sdelay $0x3  }
0x92: {  	_ =	strace s19  }
0x93: {  	s2 =	sld [smem:$0x3FFC];
	_ =	sdelay $0x3  }
0x94: {  	_ =	strace s2  }
0x95: {  	s2 =	sld [smem:$0x3FFD];
	_ =	sdelay $0x3  }
0x96: {  	_ =	strace s2  }
0x97: {  	_ =	strace $0x8FFFFFFF  }
0x98: {  	s20 =	sld [smem:$0x3FDB];
	_ =	sdelay $0x1  }
0x99: {  	s4 =	simm.s32 $_scs_section_size  }
0x9a: {  	s5 =	simm.s32 $_size__tile_overlayer_lowered;
	s6 =	simm.s32 $_tile_overlayer_lowered  }
0x9b: {  	s7 =	simm.s32 $0x1BFF;
	s21 =	sshll.u32 s6, $0x1;
	s4 =	sadd.s32 s4, s20  }
0x9c: {  	s22 =	simm.s32 $0x0;
	s5 =	sshll.u32 s5, $0x1;
	s6 =	sadd.s32 s21, s4  }
0x9d: {  	[timem:s22], [sflag:s7] =	dma.local [hbm:s6], s5  }
0x9e: {  	_ =	swait.ge [sflag:s7], s5  }
0x9f: {  	s5 =	ssub.s32 $0x0, s5;
	[sflag:s7] =	ssyncset.done $0x0  }
0xa0: {  	[sflag:s7] =	ssyncadd.s32 s5;
	_ =	sdelay $0x1  }
0xa1: {  	s23 =	simm.s32 $0x1B8B  }
0xa2: {  	_ =	swait.ge [sflag:s23], $0x1  }
0xa3: {  	[sflag:s23] =	ssyncset.done $0x0  }
0xa4: {  	[sflag:s23] =	ssyncadd.s32 $0xFFFFFFFF  }
0xa5: {  	s5 =	sld [smem:$0x0]  }
0xa6: {  	s6 =	sand.u32 $0xFFFFFFFE, s1  }
0xa7: {  	p0 =	sne.s32 s1, s6  }
0xa8: {  	s6 =	sshll.u32 @p0 s6, $0xE  }
0xa9: {  	s6 =	sadd.s32 @p0 $0x11B8D, s6;
	s7 =	sshll.u32 @p0 s5, $0x11  }
0xaa: {  	s6 =	sor.u32 @p0 s7, s6  }
0xab: {  	[sflag:s6] =	ssyncadd.remote.s32 @p0 $0x1;
	_ =	sdelay $0x1  }
0xac: {  	s6 =	simm.s32 @p0 $0x1B8D  }
0xad: {  	_ =	swait.eq @p0 [sflag:s6], $0x1  }
0xae: {  	[sflag:s6] =	ssyncadd.s32 @p0 $0xFFFFFFFF  }
0xaf: {  	s7 =	sshll.u32 @!p0 s1, $0xE  }
0xb0: {  	s7 =	sor.u32 @!p0 $0x4000, s7;
	s6 =	simm.s32 @!p0 $0x1B8D  }
0xb1: {  	s5 =	sshll.u32 @!p0 s5, $0x11;
	s7 =	sadd.s32 @!p0 $0x11B8D, s7;
	_ =	swait.eq @!p0 [sflag:s6], $0x1  }
0xb2: {  	s5 =	sor.u32 @!p0 s5, s7;
	[sflag:s6] =	ssyncadd.s32 @!p0 $0xFFFFFFFF  }
0xb3: {  	s25 =	simm.s32 $0x1B8E;
	s24 =	sld [smem:$0x3FFE];
	[sflag:s5] =	ssyncadd.remote.s32 @!p0 $0x1  }
0xb4: {  	s26 =	simm.s32 $execute0_lowered;
	[smem:$0x3FD2] =	sst s25  }
0xb5: {  	s6 =	sshll.u32 s26, $0x1;
	_ =	strace $0x80000055;
	[dreg:$0x1] =	wrdreg $0xFFFFFFFF  }
0xb6: {  	s28 =	simm.s32 $_size_execute0_lowered;
	s4 =	sadd.s32 s4, s6;
	[dreg:$0x0] =	wrdreg $0x0  }
0xb7: {  	s6 =	sshll.u32 s28, $0x1;
	[dreg:$0x2] =	wrdreg s4  }
0xb8: {  	[dreg:$0x3] =	wrdreg s6  }
0xb9: {  	[dreg:$0x4] =	wrdreg $0xC0  }
0xba: {  	_ =	task [dreg:s22], $0x5FFFF  }
0xbb: {  	[dreg:$0x1] =	wrdreg $0xFFFFFFFF  }
0xbc: {  	[dreg:$0x0] =	wrdreg $0x60  }
0xbd: {  	[dreg:$0x2] =	wrdreg s18  }
0xbe: {  	[dreg:$0x3] =	wrdreg s24  }
0xbf: {  	[dreg:$0x4] =	wrdreg $0xA  }
0xc0: {  	_ =	task.clear_ibuf [dreg:s22], $0x5FFFF;
	_ =	strace $0x90000055  }
0xc1: {  	s29 =	simm.s32 $0xA;
	_ =	strace $0x80000057  }
0xc2: {  	_ =	swait.ge [sflag:s29], $0x1  }
0xc3: {  	[sflag:s29] =	ssyncadd.s32 $0xFFFFFFFF  }
0xc4: {  	_ =	strace $0x90000057  }
0xc5: {  	_ =	sfence  }
0xc6: {  	s30 =	sld [smem:$0x0];
	_ =	sdelay $0x2  }
0xc7: {  	s31 =	sshll.u32 s1, $0xD;
	s1 =	sshrl.u32 s1, $0x2  }
0xc8: {  	s4 =	sand.u32 $0x4000, s31;
	s1 =	sadd.s32 s1, s30  }
0xc9: {  	s0 =	sor.u32 s4, s0;
	s1 =	sshll.u32 s1, $0x11  }
0xca: {  	s0 =	sor.u32 s1, s0  }
0xcb: {  	s0 =	sadd.s32 $0x8F2B, s0  }
0xcc: {  	[sflag:s0] =	ssyncadd.remote.s32 $0x1  }
0xcd: {  	_ =	sfence.sel $0xFFFF  }
0xce: {  	[dreg:$0x0] =	wrdreg $0xFFFFFFFF;
	(pc) =	sbr.abs _section_cstart, $3  }
0xcf: {  	[dreg:$0x1] =	wrdreg $0xFFFFFFFF  }
0xd0: {  	_ =	task.clear_ibuf [dreg:s22], $0x2FFFF;
	_ =	strace $0x9FFFFFFF  }
0xd1: {  	(tm) =	ssettm $0x7FFFFFFF  }
tec
execute0_lowered:
.L_overlay_start_1:
0x0: {  	(tag) =	ssettag $0x1  }
0x1: {  	s2 =	rddreg [dreg:$0x0]  }
0x2: {  	s8 =	rddreg [dreg:$0x1]  }
0x3: {  	s0 =	rddreg [dreg:$0x2];
	s1 =	stileid.u32  }
0x4: {  	s3 =	srdreg.scid;
	_ =	strace $0x80000056;
	s4 =	simm.s32 $0x1  }
0x5: {  	s7 =	simm.s32 $0x1;
	s9 =	simm.s32 $0x1;
	s10 =	simm.s32 $0x3  }
0x6: {  	s13 =	simm.s32 $0x0;
	s5 =	sand.u32 $0x1, s3;
	s6 =	sshll.u32 s1, $0x1  }
0x7: {  	s12 =	simm.s32 $0x0;
	s3 =	sadd.s32 $0xAE00, s8;
	s5 =	sor.u32 s6, s5  }
.Ltmp0:
0x8: {  	[sflag:s4] =	ssyncpa.u1 $0x0;
	p0 =	slt.u32 s5, $0x9;
	(pc) =	sbr.rel .LBB2_1-.Ltmp0, $4  }
0x9: {  	s6 =	simm.s32 $0x2;
	s7 =	simm.s32 @!p0 $0x0;
	p0 =	sne.s32 s5, $0x8  }
0xa: {  	[sflag:s6] =	ssyncpa.u1 $0x0;
	s5 =	smul.u32 $0xFA0, s5;
	s9 =	simm.s32 @!p0 $0x0  }
0xb: {  	s8 =	sadd.s32 $0xFE00, s8;
	[sflag:s10] =	ssyncpa.u1 $0x0;
	s7 =	sadd.s32 s9, s7  }
0xc: {  	vm0 =	vmmov $0xffff;
	s10 =	simm.s32 $0x0;
	s11 =	smov.u32 s5;
	s9 =	sadd.s32 $0x1, s7  }
.LBB2_4:
0xd: {  	v2 =	vnsel vm1, $0x0, v2  }
0xe: {  	vm1 =	vgt.s32 v0, $0x0;
	v2 =	vmin.u32 v2, $0x270FF  }
0xf: {  	v0 =	vnsel vm1, $0x0, v0  }
0x10: {  	v0 =	vmin.u32 v0, $0x270FF  }
0x11: {  	[tilespmem:s18], [sflag:$0x1] =	stream.indirect_vreg.gather [hbm4b:s2+s10], $0x1, v1, vm0, $0x4038;
	[tilespmem:$0x3E80] =	vst v63  }
0x12: {  	(ifvalue) =	ssetifvalue $0x7FFFFFFF  }
0x13: {  	[tilespmem:s15], [sflag:$0x1] =	stream.indirect_vreg.gather [hbm4b:s2+s10], $0x1, v2, vm0, $0x4038;
	[tilespmem:$0x3E80] =	vst v63  }
0x14: {  	s29 =	sadd.s32 $0x10, s15;
	(ifvalue) =	ssetifvalue $0x7FFFFFFF  }
0x15: {  	[tilespmem:s29], [sflag:$0x1] =	stream.indirect_vreg.gather [hbm4b:s2+s10], $0x1, v0, vm0, $0x4038;
	[tilespmem:$0x3E80] =	vst v63  }
0x16: {  	_ =	swait.ge [sflag:s4], $0xFA0  }
0x17: {  	s30 =	sshrl.u32 s13, $0x3;
	[sflag:s4] =	ssyncset.done $0x0  }
0x18: {  	s31 =	sand.u32 $0x7, s13;
	s15 =	sadd.s32 s8, s30;
	[sflag:s4] =	ssyncadd.s32 $0xFFFFF060  }
0x19: {  	[hbm4b:s15+s31] =	stream.linear.scatter [tilespmem:s14], [sflag:$0x3], $0xFA0, $0x38;
	[tilespmem:$0x3E80] =	vst v63  }
.LBB2_5:
0x1a: {  	s15 =	sadd.s32 $0x1F400, s11  }
0x1b: {  	p1 =	sgt.s32 s15, $0x270FF  }
0x1c: {  	s15 =	smov.u32 @p1 s5;
	p1 =	sne.s32 s12, s9  }
.Ltmp1:
0x1d: {  	p0 =	slt.u32 s12, $0x2;
	(pc) =	sbr.rel @!p1 .LBB2_6-.Ltmp1, $4  }
0x1e: {  	s14 =	simm.s32 @!p0 $0x3  }
0x1f: {  	_ =	swait.ge @!p0 [sflag:s14], $0xFA0  }
0x20: {  	s16 =	sadd.s32 $0x1, s12;
	s13 =	smov.u32 s11;
	[sflag:s14] =	ssyncset.done @!p0 $0x0  }
0x21: {  	s12 =	smov.u32 s16;
	s11 =	smov.u32 s15;
	[sflag:s14] =	ssyncadd.s32 @!p0 $0xFFFFF060  }
.LBB2_1:
0x22: {  	p0 =	sge.u32 s12, s7  }
0x23: {  	s14 =	sxor.u32 @!p0 $0x1, s12  }
0x24: {  	s14 =	smul.u32 @!p0 $0x3E80, s14  }
0x25: {  	s31 =	sadd.s32 $0xFFFFFFFF, s12;
	s15 =	sshrl.u32 @!p0 s11, $0x3  }
0x26: {  	s16 =	sand.u32 @!p0 $0x7, s11;
	s15 =	sadd.s32 @!p0 s3, s15;
	s14 =	sshra.s32 @!p0 s14, $0x2  }
0x27: {  	[tilespmem:s14], [sflag:$0x2] =	stream.linear.gather @!p0 [hbm4b:s15+s16], $0xFA0, $0x38;
	[tilespmem:$0x3E80] =	vst v63  }
0x28: {  	p0 =	sge.u32 s31, s7  }
.Ltmp2:
0x29: {  	_ = 	snop;
	(pc) =	sbr.rel @p0 .LBB2_5-.Ltmp2, $1  }
0x2a: {  	_ =	sdelay $0x3  }
0x2b: {  	s14 =	sand.u32 $0x1, s12  }
0x2c: {  	_ =	swait.ge [sflag:s6], $0xFA0;
	p0 =	seq.s32 s14, $0x1;
	s14 =	simm.s32 $0xFA0  }
0x2d: {  	[sflag:s6] =	ssyncset.done $0x0;
	s14 =	simm.s32 @!p0 $0x0  }
0x2e: {  	[sflag:s6] =	ssyncadd.s32 $0xFFFFF060;
	(ifvalue) =	ssetifvalue $0x7FFFFFFF;
	v0 =	vld.msk [tilespmem:s14+$0x0 ss:$0x1], $0xffff;
	_ =	sdelay $0x4  }
0x2f: {  	s15 =	sadd.s32 $0x10, s14;
	vm1 =	vgt.s32 v0, $0x0  }
0x30: {  	v2 =	vld.msk [tilespmem:s15+$0x0 ss:$0x1], $0xffff;
	v1 =	vnsel vm1, $0x0, v0  }
0x31: {  	v1 =	vmin.u32 v1, $0x270FF;
	_ =	sdelay $0x2  }
0x32: {  	s17 =	simm.s32 $0x20;
	s14 =	sadd.s32 $0x1F40, s14;
	s16 =	sadd.s32 $0x10, s15  }
0x33: {  	s15 =	sadd.s32 $0x10, s14;
	s18 =	smov.u32 s14;
	v0 =	vld.msk [tilespmem:s16+$0x0 ss:$0x1], $0xffff;
	vm1 =	vgt.s32 v2, $0x0;
	(ifvalue) =	ssetifvalue $0x7FFFFFFF  }
.LBB2_3:
0x34: {  	[tilespmem:s18], [sflag:$0x1] =	stream.indirect_vreg.gather [hbm4b:s2+s10], $0x1, v1, vm0, $0x4038;
	[tilespmem:$0x3E80] =	vst v63  }
0x35: {  	s17 =	sadd.s32 $0x10, s17  }
0x36: {  	v2 =	vnsel vm1, $0x0, v2;
	p0 =	slt.u32 s17, $0xF90  }
.Ltmp3:
0x37: {  	s18 =	smov.u32 s15;
	v1 =	vmin.u32 v2, $0x270FF;
	(pc) =	sbr.rel @p0 .LBB2_3-.Ltmp3, $3  }
0x38: {  	_ =	sdelay $0x1  }
0x39: {  	s16 =	sadd.s32 $0x10, s16  }
0x3a: {  	vm1 =	vgt.s32 v0, $0x0;
	s15 =	sadd.s32 $0x10, s15;
	v2 =	vmov v0;
	(ifvalue) =	ssetifvalue $0x7FFFFFFF;
	v0 =	vld.msk [tilespmem:s16+$0x0 ss:$0x1], $0xffff  }
.Ltmp4:
0x3b: {  	_ = 	snop;
	(pc) =	sbr.rel .LBB2_4-.Ltmp4, $1  }
0x3c: {  	_ =	sdelay $0x3  }
.LBB2_6:
0x3d: {  	_ =	sfence.sel $0x180000  }
0x3e: {  	s2 =	simm.s32 $0x2;
	[bflag:$0x0] =	sbarrier.arrive $0xFFFF  }
0x3f: {  	s30 =	simm.s32 $0x3;
	[sflag:s2] =	ssyncpa.u1 $0x1  }
0x40: {  	s31 =	simm.s32 $0x1;
	[sflag:s30] =	ssyncpa.u1 $0x1  }
0x41: {  	[sflag:s31] =	ssyncpa.u1 $0x1  }
0x42: {  	p0 =	sne.s32 s1, $0x0;
	_ =	strace $0x90000056  }
0x43: {  	s0 =	sadd.s32 @!p0 $0x100000, s0;
	[bflag:$0x2] =	sbarrier.arrive $0xFFFF  }
0x44: {  	[sflag:s0] =	ssyncadd.tile.s32 @!p0 $0x1;
	_ =	shalt  }
.Lfunc_end2:
_tile_overlayer_lowered:
.L_overlay_start_2:
0x45: {  	(tag) =	ssettag $0x2  }
0x46: {  	s0 =	rddreg [dreg:$0x0];
	s2 =	stileid.u32  }
0x47: {  	s1 =	rddreg [dreg:$0x1];
	p0 =	sne.s32 s2, $0x0  }
0x48: {  	s3 =	rddreg [dreg:$0x2];
	[bflag:$0x3] =	sbarrier.arrive $0xFFFF;
	s2 =	simm.s32 @!p0 $0x1C01  }
0x49: {  	[timem:s3], [sflag:s2] =	dma.local @!p0 [hbm:s0], s1  }
0x4a: {  	s0 =	simm.s32 @!p0 $0x1  }
0x4b: {  	_ =	swait.ge @!p0 [sflag:s0], s1  }
0x4c: {  	s1 =	ssub.s32 @!p0 $0x0, s1;
	[sflag:s0] =	ssyncset.done @!p0 $0x0  }
0x4d: {  	[sflag:s0] =	ssyncadd.s32 @!p0 s1  }
0x4e: {  	[bflag:$0x3] =	sbarrier.arrive $0xFFFF  }
0x4f: {  	_ =	shalt  }

// kernel: gather_offload_async_start
scs
__scs_entry_jumppad:
0x0: {  	(pc) =	sbr.rel $0x88, $3  }
0x1: {  	(tag) =	ssettag $0x0;
	lr =	simm.s32 $0x1  }
0x2: {  	[smem:$0x3F8B] =	sst lr;
	_ =	strace $0xD0000000  }
0x3: {  	_ = 	snop  }
0x4: {  	_ = 	snop  }
0x5: {  	_ = 	snop  }
0x6: {  	_ = 	snop  }
0x7: {  	_ = 	snop  }
__scs_overlays_trampoline_lowered:
0x8: {  	[smem:$0x3F9A] =	sst s0  }
0x9: {  	[smem:$0x3F9B] =	sst s1  }
0xa: {  	[smem:$0x3F9C] =	sst s2  }
0xb: {  	[smem:$0x3F9D] =	sst s3  }
0xc: {  	[smem:$0x3F9E] =	sst s4  }
0xd: {  	[smem:$0x3F9F] =	sst s5  }
0xe: {  	[smem:$0x3FA0] =	sst s6  }
0xf: {  	[smem:$0x3FA1] =	sst s7  }
0x10: {  	[smem:$0x3FA2] =	sst s8  }
0x11: {  	[smem:$0x3FA3] =	sst s9;
	s0 =	simm.s32 @!p0 $0x0  }
0x12: {  	s1 =	sld [smem:$0x3F89];
	s0 =	simm.s32 @p0 $0x1  }
0x13: {  	[smem:$0x3FA4] =	sst s0;
	s0 =	simm.s32 @!p1 $0x0  }
0x14: {  	s2 =	sld [smem:$0x3F88];
	s0 =	simm.s32 @p1 $0x1  }
0x15: {  	[smem:$0x3FA5] =	sst s0;
	s0 =	simm.s32 @!p2 $0x0  }
0x16: {  	s3 =	sld [smem:$0x3FDB];
	s0 =	simm.s32 @p2 $0x1  }
0x17: {  	s4 =	simm.s32 $0x1BF5;
	[smem:$0x3FA7] =	sst s0  }
0x18: {  	s0 =	sld [smem:$0x3F8A];
	_ =	swait.ge [sflag:s4], $0x0  }
0x19: {  	s7 =	sld [smem:$0x3F8B]  }
0x1a: {  	s8 =	sadd.s32 $0xFFFFE003, lr  }
0x1b: {  	s9 =	sadd.s32 $0xFFFFFEF7, lr;
	s5 =	simm.s32 $0xFFFFFFFF;
	p2 =	slt.u32 s8, $0xFFFFF086  }
0x1c: {  	p1 =	slt.u32 s9, $0xF7A;
	s5 =	simm.s32 @!p2 $0x0  }
0x1d: {  	s5 =	simm.s32 @p1 $0x1;
	p0 =	seq.s32 s7, s2  }
0x1e: {  	s7 =	smul.u32 @!p0 $0xF7A, s2;
	p2 =	seq.s32 @!p0 s5, $0x0  }
0x1f: {  	s9 =	smul.u32 $0xF7A, s1;
	s8 =	simm.s32 @!p0 $0x1BF5;
	p2 =	por !p2, p0  }
0x20: {  	[sflag:s8] =	ssyncset.s32 @!p0 $0xFFFFF086;
	s6 =	sadd.s32 @!p0 s3, s7;
	s7 =	simm.s32 @!p0 $0x108  }
0x21: {  	s3 =	sadd.s32 s3, s9;
	s6 =	sadd.s32 @!p0 $0x88, s6;
	s7 =	simm.s32 @p2 $0x1082  }
0x22: {  	[simem:s7], [sflag:s8] =	dma.local @!p0 [hbm:s6], $0xF7A  }
0x23: {  	s9 =	sor.u32 $0xD0000000, s2;
	s6 =	simm.s32 $0x108;
	_ =	swait.ge @!p0 [sflag:s8], $0x0  }
0x24: {  	s3 =	sadd.s32 $0x88, s3;
	s6 =	simm.s32 @!p1 $0x1082;
	[sflag:s4] =	ssyncset.s32 $0xFFFFF086  }
0x25: {  	[simem:s6], [sflag:s4] =	dma.local [hbm:s3], $0xF7A  }
0x26: {  	[smem:$0x3F8B] =	sst s1;
	(tag) =	ssettag s2;
	_ =	strace s9  }
0x27: {  	s1 =	sld [smem:$0x3F9B]  }
0x28: {  	s2 =	sld [smem:$0x3F9C]  }
0x29: {  	s4 =	sld [smem:$0x3F9E]  }
0x2a: {  	p0 =	seq.s32 s5, $0x0;
	s5 =	sld [smem:$0x3F9F]  }
0x2b: {  	s6 =	sld [smem:$0x3FA0]  }
0x2c: {  	s7 =	sld [smem:$0x3FA1]  }
0x2d: {  	s3 =	simm.s32 $0x108;
	s8 =	sld [smem:$0x3FA2]  }
0x2e: {  	s3 =	simm.s32 @!p0 $0x1082;
	s9 =	sld [smem:$0x3FA3]  }
0x2f: {  	lr =	sadd.s32 s0, s3;
	s0 =	sld [smem:$0x3F9A]  }
0x30: {  	s3 =	sld [smem:$0x3F9D]  }
0x31: {  	[smem:$0x3FA6] =	sst s10  }
0x32: {  	s10 =	sld [smem:$0x3FA4];
	_ =	sdelay $0x3  }
0x33: {  	p0 =	seq.s32 s10, $0x1;
	s10 =	sld [smem:$0x3FA6];
	_ =	sdelay $0x3  }
0x34: {  	[smem:$0x3FA6] =	sst s10  }
0x35: {  	s10 =	sld [smem:$0x3FA5];
	_ =	sdelay $0x3  }
0x36: {  	p1 =	seq.s32 s10, $0x1;
	s10 =	sld [smem:$0x3FA6];
	_ =	sdelay $0x3  }
0x37: {  	[smem:$0x3FA6] =	sst s10  }
0x38: {  	s10 =	sld [smem:$0x3FA7]  }
0x39: {  	_ = 	snop;
	(pc) =	sbr.ind lr, $3  }
0x3a: {  	_ = 	snop  }
0x3b: {  	_ = 	snop  }
0x3c: {  	p2 =	seq.s32 s10, $0x1;
	s10 =	sld [smem:$0x3FA6]  }
0x3d: {  	_ =	shalt  }
0x3e: {  	_ =	shalt  }
0x3f: {  	_ =	shalt  }
0x40: {  	_ =	shalt  }
0x41: {  	_ =	shalt  }
0x42: {  	_ =	shalt  }
0x43: {  	_ =	shalt  }
0x44: {  	_ =	shalt  }
0x45: {  	_ =	shalt  }
0x46: {  	_ =	shalt  }
0x47: {  	_ =	shalt  }
0x48: {  	_ =	shalt  }
0x49: {  	_ =	shalt  }
0x4a: {  	_ =	shalt  }
0x4b: {  	_ =	shalt  }
0x4c: {  	_ =	shalt  }
0x4d: {  	_ =	shalt  }
0x4e: {  	_ =	shalt  }
0x4f: {  	_ =	shalt  }
0x50: {  	_ =	shalt  }
0x51: {  	_ =	shalt  }
0x52: {  	_ =	shalt  }
0x53: {  	_ =	shalt  }
0x54: {  	_ =	shalt  }
0x55: {  	_ =	shalt  }
0x56: {  	_ =	shalt  }
0x57: {  	_ =	shalt  }
0x58: {  	_ =	shalt  }
0x59: {  	_ =	shalt  }
0x5a: {  	_ =	shalt  }
0x5b: {  	_ =	shalt  }
0x5c: {  	_ =	shalt  }
0x5d: {  	_ =	shalt  }
0x5e: {  	_ =	shalt  }
0x5f: {  	_ =	shalt  }
0x60: {  	_ =	shalt  }
0x61: {  	_ =	shalt  }
0x62: {  	_ =	shalt  }
0x63: {  	_ =	shalt  }
0x64: {  	_ =	shalt  }
0x65: {  	_ =	shalt  }
0x66: {  	_ =	shalt  }
0x67: {  	_ =	shalt  }
0x68: {  	_ =	shalt  }
0x69: {  	_ =	shalt  }
0x6a: {  	_ =	shalt  }
0x6b: {  	_ =	shalt  }
0x6c: {  	_ =	shalt  }
0x6d: {  	_ =	shalt  }
0x6e: {  	_ =	shalt  }
0x6f: {  	_ =	shalt  }
0x70: {  	_ =	shalt  }
0x71: {  	_ =	shalt  }
0x72: {  	_ =	shalt  }
0x73: {  	_ =	shalt  }
0x74: {  	_ =	shalt  }
0x75: {  	_ =	shalt  }
0x76: {  	_ =	shalt  }
0x77: {  	_ =	shalt  }
0x78: {  	_ =	shalt  }
0x79: {  	_ =	shalt  }
0x7a: {  	_ =	shalt  }
0x7b: {  	_ =	shalt  }
0x7c: {  	_ =	shalt  }
0x7d: {  	_ =	shalt  }
0x7e: {  	_ =	shalt  }
0x7f: {  	_ =	shalt  }
0x80: {  	_ =	shalt  }
0x81: {  	_ =	shalt  }
0x82: {  	_ =	shalt  }
0x83: {  	_ =	shalt  }
0x84: {  	_ =	shalt  }
0x85: {  	_ =	shalt  }
0x86: {  	_ =	shalt  }
0x87: {  	_ =	shalt  }
.Lfunc_end0:
.L_simem_size_0:
called_computation_lowered:
.L_overlay_start_0:
0x88: {  	s2 =	sld [smem:$0x3FD9]  }
0x89: {  	s3 =	sld [smem:$0x3FFE];
	_ =	sdelay $0x1  }
0x8a: {  	s1 =	srdreg.scid  }
0x8b: {  	s0 =	sand.u32 $0x1, s1  }
0x8c: {  	s17 =	sshll.u32 s0, $0xA;
	s2 =	sadd.s32 s3, s2  }
0x8d: {  	s2 =	sadd.s32 s2, s17  }
0x8e: {  	[smem:$0x3FB2] =	sst s2  }
0x8f: {  	_ = 	snop  }
0x90: {  	(tm) =	ssettm $0x1  }
0x91: {  	s18 =	sld [smem:$0x3FFB];
	_ =	sdelay $0x3  }
0x92: {  	_ =	strace s18  }
0x93: {  	s2 =	sld [smem:$0x3FFC];
	_ =	sdelay $0x3  }
0x94: {  	_ =	strace s2  }
0x95: {  	s2 =	sld [smem:$0x3FFD];
	_ =	sdelay $0x3  }
0x96: {  	_ =	strace s2  }
0x97: {  	_ =	strace $0x8FFFFFFF  }
0x98: {  	s19 =	sld [smem:$0x3FDB];
	_ =	sdelay $0x1  }
0x99: {  	s20 =	simm.s32 $_scs_section_size  }
0x9a: {  	s4 =	simm.s32 $_size__tile_overlayer_lowered;
	s5 =	simm.s32 $_tile_overlayer_lowered  }
0x9b: {  	s6 =	simm.s32 $0x1BFF;
	s21 =	sshll.u32 s5, $0x1;
	s3 =	sadd.s32 s20, s19  }
0x9c: {  	s22 =	simm.s32 $0x0;
	s4 =	sshll.u32 s4, $0x1;
	s5 =	sadd.s32 s21, s3  }
0x9d: {  	[timem:s22], [sflag:s6] =	dma.local [hbm:s5], s4  }
0x9e: {  	_ =	swait.ge [sflag:s6], s4  }
0x9f: {  	s4 =	ssub.s32 $0x0, s4;
	[sflag:s6] =	ssyncset.done $0x0  }
0xa0: {  	[sflag:s6] =	ssyncadd.s32 s4;
	_ =	sdelay $0x1  }
0xa1: {  	s23 =	simm.s32 $0x1B8B  }
0xa2: {  	_ =	swait.ge [sflag:s23], $0x1  }
0xa3: {  	[sflag:s23] =	ssyncset.done $0x0  }
0xa4: {  	[sflag:s23] =	ssyncadd.s32 $0xFFFFFFFF  }
0xa5: {  	s4 =	sld [smem:$0x0]  }
0xa6: {  	s5 =	sand.u32 $0xFFFFFFFE, s1  }
0xa7: {  	p0 =	sne.s32 s1, s5  }
0xa8: {  	s5 =	sshll.u32 @p0 s5, $0xE  }
0xa9: {  	s5 =	sadd.s32 @p0 $0x11B8D, s5;
	s6 =	sshll.u32 @p0 s4, $0x11  }
0xaa: {  	s5 =	sor.u32 @p0 s6, s5  }
0xab: {  	[sflag:s5] =	ssyncadd.remote.s32 @p0 $0x1;
	_ =	sdelay $0x1  }
0xac: {  	s5 =	simm.s32 @p0 $0x1B8D  }
0xad: {  	_ =	swait.eq @p0 [sflag:s5], $0x1  }
0xae: {  	[sflag:s5] =	ssyncadd.s32 @p0 $0xFFFFFFFF  }
0xaf: {  	s6 =	sshll.u32 @!p0 s1, $0xE  }
0xb0: {  	s6 =	sor.u32 @!p0 $0x4000, s6;
	s5 =	simm.s32 @!p0 $0x1B8D  }
0xb1: {  	s4 =	sshll.u32 @!p0 s4, $0x11;
	s6 =	sadd.s32 @!p0 $0x11B8D, s6;
	_ =	swait.eq @!p0 [sflag:s5], $0x1  }
0xb2: {  	s4 =	sor.u32 @!p0 s4, s6;
	[sflag:s5] =	ssyncadd.s32 @!p0 $0xFFFFFFFF  }
0xb3: {  	s25 =	simm.s32 $0x1B8E;
	s24 =	sld [smem:$0x3FFE];
	[sflag:s4] =	ssyncadd.remote.s32 @!p0 $0x1  }
0xb4: {  	s26 =	simm.s32 $execute0_lowered;
	[smem:$0x3FD2] =	sst s25  }
0xb5: {  	s5 =	sshll.u32 s26, $0x1;
	_ =	strace $0x8000004F;
	[dreg:$0x1] =	wrdreg $0xFFFFFFFF  }
0xb6: {  	s28 =	simm.s32 $_size_execute0_lowered;
	s3 =	sadd.s32 s3, s5;
	[dreg:$0x0] =	wrdreg $0x0  }
0xb7: {  	s5 =	sshll.u32 s28, $0x1;
	[dreg:$0x2] =	wrdreg s3  }
0xb8: {  	[dreg:$0x3] =	wrdreg s5  }
0xb9: {  	[dreg:$0x4] =	wrdreg $0xC0  }
0xba: {  	_ =	task [dreg:s22], $0x5FFFF  }
0xbb: {  	[dreg:$0x1] =	wrdreg $0xFFFFFFFF  }
0xbc: {  	[dreg:$0x0] =	wrdreg $0x60  }
0xbd: {  	[dreg:$0x2] =	wrdreg s24  }
0xbe: {  	[dreg:$0x3] =	wrdreg $0x9  }
0xbf: {  	_ =	task.clear_ibuf [dreg:s22], $0x4FFFF;
	_ =	strace $0x9000004F  }
0xc0: {  	s29 =	simm.s32 $0x9;
	_ =	strace $0x80000051  }
0xc1: {  	_ =	swait.ge [sflag:s29], $0x1  }
0xc2: {  	[sflag:s29] =	ssyncadd.s32 $0xFFFFFFFF  }
0xc3: {  	_ =	strace $0x90000051  }
0xc4: {  	_ =	sfence  }
0xc5: {  	s30 =	sld [smem:$0x0];
	_ =	sdelay $0x2  }
0xc6: {  	s31 =	sshll.u32 s1, $0xD;
	s1 =	sshrl.u32 s1, $0x2  }
0xc7: {  	s4 =	sand.u32 $0x4000, s31;
	s1 =	sadd.s32 s1, s30  }
0xc8: {  	s0 =	sor.u32 s4, s0;
	s1 =	sshll.u32 s1, $0x11  }
0xc9: {  	s0 =	sor.u32 s1, s0  }
0xca: {  	s0 =	sadd.s32 $0x8F2B, s0  }
0xcb: {  	[sflag:s0] =	ssyncadd.remote.s32 $0x1  }
0xcc: {  	_ =	sfence.sel $0xFFFF  }
0xcd: {  	[dreg:$0x0] =	wrdreg $0xFFFFFFFF;
	(pc) =	sbr.abs _section_cstart, $3  }
0xce: {  	[dreg:$0x1] =	wrdreg $0xFFFFFFFF  }
0xcf: {  	_ =	task.clear_ibuf [dreg:s22], $0x2FFFF;
	_ =	strace $0x9FFFFFFF  }
0xd0: {  	(tm) =	ssettm $0x7FFFFFFF  }
0xd1: {  	_ =	shalt  }
tec
execute0_lowered:
.L_overlay_start_1:
0x0: {  	(tag) =	ssettag $0x1  }
0x1: {  	s8 =	rddreg [dreg:$0x0]  }
0x2: {  	s0 =	rddreg [dreg:$0x1];
	_ =	strace $0x80000050;
	s1 =	stileid.u32  }
0x3: {  	s3 =	srdreg.scid;
	s4 =	simm.s32 $0x1;
	s7 =	simm.s32 $0x1  }
0x4: {  	s9 =	simm.s32 $0x1;
	s10 =	simm.s32 $0x3;
	s13 =	simm.s32 $0x0  }
0x5: {  	s12 =	simm.s32 $0x0;
	s5 =	sand.u32 $0x1, s3;
	s6 =	sshll.u32 s1, $0x1  }
0x6: {  	s2 =	sadd.s32 $0xFE00, s8;
	s3 =	sadd.s32 $0x19E00, s8;
	s5 =	sor.u32 s6, s5  }
.Ltmp0:
0x7: {  	[sflag:s4] =	ssyncpa.u1 $0x0;
	p0 =	slt.u32 s5, $0x9;
	(pc) =	sbr.rel .LBB2_1-.Ltmp0, $4  }
0x8: {  	s6 =	simm.s32 $0x2;
	s7 =	simm.s32 @!p0 $0x0;
	p0 =	sne.s32 s5, $0x8  }
0x9: {  	[sflag:s6] =	ssyncpa.u1 $0x0;
	s5 =	smul.u32 $0xFA0, s5;
	s9 =	simm.s32 @!p0 $0x0  }
0xa: {  	s8 =	sadd.s32 $0x14E00, s8;
	[sflag:s10] =	ssyncpa.u1 $0x0;
	s7 =	sadd.s32 s9, s7  }
0xb: {  	vm0 =	vmmov $0xffff;
	s10 =	simm.s32 $0x0;
	s11 =	smov.u32 s5;
	s9 =	sadd.s32 $0x1, s7  }
.LBB2_4:
0xc: {  	v2 =	vnsel vm1, $0x0, v2  }
0xd: {  	vm1 =	vgt.s32 v0, $0x0;
	v2 =	vmin.u32 v2, $0x270FF  }
0xe: {  	v0 =	vnsel vm1, $0x0, v0  }
0xf: {  	v0 =	vmin.u32 v0, $0x270FF  }
0x10: {  	[tilespmem:s18], [sflag:$0x1] =	stream.indirect_vreg.gather [hbm4b:s2+s10], $0x1, v1, vm0, $0x4038;
	[tilespmem:$0x3E80] =	vst v63  }
0x11: {  	(ifvalue) =	ssetifvalue $0x7FFFFFFF  }
0x12: {  	[tilespmem:s15], [sflag:$0x1] =	stream.indirect_vreg.gather [hbm4b:s2+s10], $0x1, v2, vm0, $0x4038;
	[tilespmem:$0x3E80] =	vst v63  }
0x13: {  	s29 =	sadd.s32 $0x10, s15;
	(ifvalue) =	ssetifvalue $0x7FFFFFFF  }
0x14: {  	[tilespmem:s29], [sflag:$0x1] =	stream.indirect_vreg.gather [hbm4b:s2+s10], $0x1, v0, vm0, $0x4038;
	[tilespmem:$0x3E80] =	vst v63  }
0x15: {  	_ =	swait.ge [sflag:s4], $0xFA0  }
0x16: {  	s30 =	sshrl.u32 s13, $0x3;
	[sflag:s4] =	ssyncset.done $0x0  }
0x17: {  	s31 =	sand.u32 $0x7, s13;
	s15 =	sadd.s32 s8, s30;
	[sflag:s4] =	ssyncadd.s32 $0xFFFFF060  }
0x18: {  	[hbm4b:s15+s31] =	stream.linear.scatter [tilespmem:s14], [sflag:$0x3], $0xFA0, $0x38;
	[tilespmem:$0x3E80] =	vst v63  }
.LBB2_5:
0x19: {  	s15 =	sadd.s32 $0x1F400, s11  }
0x1a: {  	p1 =	sgt.s32 s15, $0x270FF  }
0x1b: {  	s15 =	smov.u32 @p1 s5;
	p1 =	sne.s32 s12, s9  }
.Ltmp1:
0x1c: {  	p0 =	slt.u32 s12, $0x2;
	(pc) =	sbr.rel @!p1 .LBB2_6-.Ltmp1, $4  }
0x1d: {  	s14 =	simm.s32 @!p0 $0x3  }
0x1e: {  	_ =	swait.ge @!p0 [sflag:s14], $0xFA0  }
0x1f: {  	s16 =	sadd.s32 $0x1, s12;
	s13 =	smov.u32 s11;
	[sflag:s14] =	ssyncset.done @!p0 $0x0  }
0x20: {  	s12 =	smov.u32 s16;
	s11 =	smov.u32 s15;
	[sflag:s14] =	ssyncadd.s32 @!p0 $0xFFFFF060  }
.LBB2_1:
0x21: {  	p0 =	sge.u32 s12, s7  }
0x22: {  	s14 =	sxor.u32 @!p0 $0x1, s12  }
0x23: {  	s14 =	smul.u32 @!p0 $0x3E80, s14  }
0x24: {  	s31 =	sadd.s32 $0xFFFFFFFF, s12;
	s15 =	sshrl.u32 @!p0 s11, $0x3  }
0x25: {  	s16 =	sand.u32 @!p0 $0x7, s11;
	s15 =	sadd.s32 @!p0 s3, s15;
	s14 =	sshra.s32 @!p0 s14, $0x2  }
0x26: {  	[tilespmem:s14], [sflag:$0x2] =	stream.linear.gather @!p0 [hbm4b:s15+s16], $0xFA0, $0x38;
	[tilespmem:$0x3E80] =	vst v63  }
0x27: {  	p0 =	sge.u32 s31, s7  }
.Ltmp2:
0x28: {  	_ = 	snop;
	(pc) =	sbr.rel @p0 .LBB2_5-.Ltmp2, $1  }
0x29: {  	_ =	sdelay $0x3  }
0x2a: {  	s14 =	sand.u32 $0x1, s12  }
0x2b: {  	_ =	swait.ge [sflag:s6], $0xFA0;
	p0 =	seq.s32 s14, $0x1;
	s14 =	simm.s32 $0xFA0  }
0x2c: {  	[sflag:s6] =	ssyncset.done $0x0;
	s14 =	simm.s32 @!p0 $0x0  }
0x2d: {  	[sflag:s6] =	ssyncadd.s32 $0xFFFFF060;
	(ifvalue) =	ssetifvalue $0x7FFFFFFF;
	v0 =	vld.msk [tilespmem:s14+$0x0 ss:$0x1], $0xffff;
	_ =	sdelay $0x4  }
0x2e: {  	s15 =	sadd.s32 $0x10, s14;
	vm1 =	vgt.s32 v0, $0x0  }
0x2f: {  	v2 =	vld.msk [tilespmem:s15+$0x0 ss:$0x1], $0xffff;
	v1 =	vnsel vm1, $0x0, v0  }
0x30: {  	v1 =	vmin.u32 v1, $0x270FF;
	_ =	sdelay $0x2  }
0x31: {  	s17 =	simm.s32 $0x20;
	s14 =	sadd.s32 $0x1F40, s14;
	s16 =	sadd.s32 $0x10, s15  }
0x32: {  	s15 =	sadd.s32 $0x10, s14;
	s18 =	smov.u32 s14;
	v0 =	vld.msk [tilespmem:s16+$0x0 ss:$0x1], $0xffff;
	vm1 =	vgt.s32 v2, $0x0;
	(ifvalue) =	ssetifvalue $0x7FFFFFFF  }
.LBB2_3:
0x33: {  	[tilespmem:s18], [sflag:$0x1] =	stream.indirect_vreg.gather [hbm4b:s2+s10], $0x1, v1, vm0, $0x4038;
	[tilespmem:$0x3E80] =	vst v63  }
0x34: {  	s17 =	sadd.s32 $0x10, s17  }
0x35: {  	v2 =	vnsel vm1, $0x0, v2;
	p0 =	slt.u32 s17, $0xF90  }
.Ltmp3:
0x36: {  	s18 =	smov.u32 s15;
	v1 =	vmin.u32 v2, $0x270FF;
	(pc) =	sbr.rel @p0 .LBB2_3-.Ltmp3, $3  }
0x37: {  	_ =	sdelay $0x1  }
0x38: {  	s16 =	sadd.s32 $0x10, s16  }
0x39: {  	vm1 =	vgt.s32 v0, $0x0;
	s15 =	sadd.s32 $0x10, s15;
	v2 =	vmov v0;
	(ifvalue) =	ssetifvalue $0x7FFFFFFF;
	v0 =	vld.msk [tilespmem:s16+$0x0 ss:$0x1], $0xffff  }
.Ltmp4:
0x3a: {  	_ = 	snop;
	(pc) =	sbr.rel .LBB2_4-.Ltmp4, $1  }
0x3b: {  	_ =	sdelay $0x3  }
.LBB2_6:
0x3c: {  	_ =	sfence.sel $0x180000  }
0x3d: {  	s2 =	simm.s32 $0x2;
	[bflag:$0x0] =	sbarrier.arrive $0xFFFF  }
0x3e: {  	s30 =	simm.s32 $0x3;
	[sflag:s2] =	ssyncpa.u1 $0x1  }
0x3f: {  	s31 =	simm.s32 $0x1;
	[sflag:s30] =	ssyncpa.u1 $0x1  }
0x40: {  	[sflag:s31] =	ssyncpa.u1 $0x1  }
0x41: {  	p0 =	sne.s32 s1, $0x0;
	_ =	strace $0x90000050  }
0x42: {  	s0 =	sadd.s32 @!p0 $0x100000, s0;
	[bflag:$0x2] =	sbarrier.arrive $0xFFFF  }
0x43: {  	[sflag:s0] =	ssyncadd.tile.s32 @!p0 $0x1;
	_ =	shalt  }
.Lfunc_end2:
_tile_overlayer_lowered:
.L_overlay_start_2:
0x44: {  	(tag) =	ssettag $0x2  }
0x45: {  	s0 =	rddreg [dreg:$0x0];
	s2 =	stileid.u32  }
0x46: {  	s1 =	rddreg [dreg:$0x1];
	p0 =	sne.s32 s2, $0x0  }
0x47: {  	s3 =	rddreg [dreg:$0x2];
	[bflag:$0x3] =	sbarrier.arrive $0xFFFF;
	s2 =	simm.s32 @!p0 $0x1C01  }
0x48: {  	[timem:s3], [sflag:s2] =	dma.local @!p0 [hbm:s0], s1  }
0x49: {  	s0 =	simm.s32 @!p0 $0x1  }
0x4a: {  	_ =	swait.ge @!p0 [sflag:s0], s1  }
0x4b: {  	s1 =	ssub.s32 @!p0 $0x0, s1;
	[sflag:s0] =	ssyncset.done @!p0 $0x0  }
0x4c: {  	[sflag:s0] =	ssyncadd.s32 @!p0 s1  }
0x4d: {  	[bflag:$0x3] =	sbarrier.arrive $0xFFFF  }
0x4e: {  	_ =	shalt  }

</sc_bundles>
